<compile_context>
chip_gen: v7x
topology: tpu7x:2x2x1
jax: 0.10.2.dev20260603
libtpu: 0.0.44.dev20260713+nightly
codegen_flags: <defaults>
</compile_context>

<pallas_src>
import functools

import jax
import jax.numpy as jnp
from jax import lax
from jax.experimental import pallas as pl
from jax.experimental.pallas import tpu as pltpu
from jax.experimental.pallas import tpu_sc as plsc

N = 1000000
D = 64
DP = 128
B = 16384
K = 10

NC = 2
NS = 16
NW = NC * NS
EPW = B // NW
C = 128
NCHUNK = EPW // C
LANES = 16
GROUPS = C // LANES

TBLK = 8192
HBLK = TBLK // 2
NBLK = (N + TBLK - 1) // TBLK
NROW = NBLK * TBLK


def _tc_transpose(tt):
  def body(in_ref, o_ref):
    x = in_ref[...]
    x2 = jnp.concatenate([x[:, :HBLK], x[:, HBLK:]], axis=0)
    r = lax.broadcasted_iota(jnp.int32, (DP, DP), 0)
    cc = lax.broadcasted_iota(jnp.int32, (DP, DP), 1)
    eye = jnp.where(r == cc, 1.0, 0.0).astype(jnp.float32)
    o_ref[...] = lax.dot_general(x2, eye, (((0,), (0,)), ((), ())),
                                 preferred_element_type=jnp.float32)

  return pl.pallas_call(
      body,
      grid=(NBLK,),
      in_specs=[pl.BlockSpec((D, TBLK), lambda i: (0, i))],
      out_specs=pl.BlockSpec((HBLK, DP), lambda i: (i, 0)),
      out_shape=jax.ShapeDtypeStruct((NROW // 2, DP), jnp.float32),
      compiler_params=pltpu.CompilerParams(fuse_transposed_lhs_in_matmul=True),
  )(tt)


def _sc_scores(target_p, context_p, src, dst, negs_flat):
  mesh = plsc.VectorSubcoreMesh(core_axis_name="c", subcore_axis_name="s")

  @functools.partial(
      pl.kernel,
      out_type=(
          jax.ShapeDtypeStruct((B,), jnp.float32),
          jax.ShapeDtypeStruct((B * K,), jnp.float32),
      ),
      mesh=mesh,
      scratch_types=[
          pltpu.VMEM((C,), jnp.int32),
          pltpu.VMEM((C,), jnp.int32),
          pltpu.VMEM((K * C,), jnp.int32),
          pltpu.VMEM((C, D), jnp.float32),
          pltpu.VMEM((C, D), jnp.float32),
          pltpu.VMEM((K * C, D), jnp.float32),
          pltpu.VMEM((C,), jnp.float32),
          pltpu.VMEM((K * C,), jnp.float32),
          pltpu.SemaphoreType.DMA,
      ],
      compiler_params=pltpu.CompilerParams(
          needs_layout_passes=False, use_tc_tiling_on_sc=False),
  )
  def k(target_hbm, context_hbm, src_hbm, dst_hbm, negs_hbm,
        pos_out, neg_out, idx_src, idx_dst, idx_neg,
        src_rows, dst_rows, neg_rows, pos_buf, neg_buf, sem):
    wid = lax.axis_index("s") * NC + lax.axis_index("c")
    iota16 = lax.iota(jnp.int32, LANES)

    def to_row(n):
      return (n & ~(TBLK - 1)) + ((n & (HBLK - 1)) << 1) + ((n >> 12) & 1)

    for c in range(NCHUNK):
      base = wid * EPW + c * C
      pltpu.sync_copy(src_hbm.at[pl.ds(base, C)], idx_src)
      pltpu.sync_copy(dst_hbm.at[pl.ds(base, C)], idx_dst)
      pltpu.sync_copy(negs_hbm.at[pl.ds(base * K, K * C)], idx_neg)

      def perm_body(i, carry):
        sl = pl.ds(i * LANES, LANES)
        idx_src[sl] = to_row(idx_src[sl])
        idx_dst[sl] = to_row(idx_dst[sl])
        return carry

      lax.fori_loop(0, C // LANES, perm_body, None)

      def nperm_body(i, carry):
        sl = pl.ds(i * LANES, LANES)
        idx_neg[sl] = to_row(idx_neg[sl])
        return carry

      lax.fori_loop(0, K * C // LANES, nperm_body, None)

      copies = [
          pltpu.async_copy(target_hbm.at[idx_src], src_rows, sem),
          pltpu.async_copy(context_hbm.at[idx_dst], dst_rows, sem),
      ]
      for j in range(K * C // 128):
        copies.append(
            pltpu.async_copy(context_hbm.at[idx_neg.at[pl.ds(j * 128, 128)]],
                             neg_rows.at[pl.ds(j * 128, 128)], sem))
      for h in copies:
        h.wait()

      def group_body(g, carry):
        def edge_body(i, accs):
          e = g * LANES + i
          lanemask = iota16 == i
          s = [src_rows[e, pl.ds(j * LANES, LANES)] for j in range(D // LANES)]
          dv = [dst_rows[e, pl.ds(j * LANES, LANES)] for j in range(D // LANES)]
          p = s[0] * dv[0]
          for j in range(1, D // LANES):
            p = p + s[j] * dv[j]
          new = [jnp.where(lanemask, jnp.sum(p), accs[0])]
          for kk in range(K):
            r = e * K + kk
            q = s[0] * neg_rows[r, pl.ds(0, LANES)]
            for j in range(1, D // LANES):
              q = q + s[j] * neg_rows[r, pl.ds(j * LANES, LANES)]
            new.append(jnp.where(lanemask, jnp.sum(q), accs[kk + 1]))
          return tuple(new)

        zero = jnp.zeros((LANES,), jnp.float32)
        accs = lax.fori_loop(0, LANES, edge_body, (zero,) * (K + 1))
        pos_buf[pl.ds(g * LANES, LANES)] = accs[0]
        for kk in range(K):
          neg_buf[pl.ds(kk * C + g * LANES, LANES)] = accs[kk + 1]
        return carry

      lax.fori_loop(0, GROUPS, group_body, None)

      pltpu.sync_copy(pos_buf, pos_out.at[pl.ds(base, C)])
      pltpu.sync_copy(neg_buf, neg_out.at[pl.ds(base * K, K * C)])

  return k(target_p, context_p, src, dst, negs_flat)


def _tc_loss(pos, neg):
  def body(pos_ref, neg_ref, o_ref):
    p = pos_ref[...]
    n = neg_ref[...]
    pos_loss = -jnp.mean(jnp.log(jax.nn.sigmoid(p) + 1e-15))
    neg_loss = -jnp.mean(jnp.log(jax.nn.sigmoid(-n) + 1e-15))
    o_ref[0, 0] = pos_loss + neg_loss

  out = pl.pallas_call(
      body,
      out_shape=jax.ShapeDtypeStruct((1, 1), jnp.float32),
      out_specs=pl.BlockSpec(memory_space=pltpu.SMEM),
  )(pos, neg)
  return out[0, 0]


@jax.jit
def kernel(src, dst, negs, target, context):
  src = src.astype(jnp.int32)
  dst = dst.astype(jnp.int32)
  negs_flat = negs.astype(jnp.int32).reshape(B * K)
  target_p = _tc_transpose(target.T).reshape(NROW, D)
  context_p = _tc_transpose(context.T).reshape(NROW, D)
  pos, neg = _sc_scores(target_p, context_p, src, dst, negs_flat)
  return _tc_loss(pos.reshape(B // 128, 128), neg.reshape(B * K // 128, 128))

# --- scband reference (transcript-rebuilt; emitter-appended) ---
"""Pipeline reference for scband-linemodel-31671088841201 (READ-ONLY COPY).

The authoritative reference and input builder live on the scoring server;
editing this copy changes nothing except your own understanding.
"""

import jax, jax.numpy as jnp
import numpy as np

N = 1000000
D = 64
B = 16384
K = 10

def setup_inputs(seed: int = 0) -> dict:
    key = jax.random.key(seed)
    k1, k2, k3, k4, k5 = jax.random.split(key, 5)
    src = jax.random.randint(k1, (B,), 0, N)
    dst = jax.random.randint(k2, (B,), 0, N)
    negs = jax.random.randint(k3, (B, K), 0, N)
    # xavier_uniform init: bound = sqrt(6 / (fan_in + fan_out))
    bound = (6.0 / (N + D)) ** 0.5
    target = jax.random.uniform(k4, (N, D), dtype=jnp.float32, minval=-bound, maxval=bound)
    context = jax.random.uniform(k5, (N, D), dtype=jnp.float32, minval=-bound, maxval=bound)
    return {"src": src, "dst": dst, "negs": negs, "target": target, "context": context}

def reference(src, dst, negs, target, context):
    # mode == 'second': src uses target table, dst/negs use context table
    v_src = jnp.take(target, src, axis=0)          # [B, D]
    v_dst = jnp.take(context, dst, axis=0)         # [B, D]
    v_neg = jnp.take(context, negs, axis=0)        # [B, K, D]
    pos_score = jnp.sum(v_src * v_dst, axis=1)     # [B]
    pos_loss = -jnp.mean(jnp.log(jax.nn.sigmoid(pos_score) + 1e-15))
    neg_score = jnp.einsum('bd,bkd->bk', v_src, v_neg)  # [B, K]
    neg_loss = -jnp.mean(jnp.log(jax.nn.sigmoid(-neg_score) + 1e-15))
    return pos_loss + neg_loss

if __name__ == "__main__":
    import jax
    _d = setup_inputs()
    print(jax.jit(kernel)(*tuple(_d.values())))

</pallas_src>

<mosaic_0001>
#map = affine_map<(d0, d1) -> (0, 0)>
#map1 = affine_map<(d0, d1) -> (0)>
module attributes {stable_mosaic.version = 14 : i64} {
  func.func @k(%arg0: i32, %arg1: i32, %arg2: memref<1007616x64xf32, #tpu.memory_space<hbm>>, %arg3: memref<1007616x64xf32, #tpu.memory_space<hbm>>, %arg4: memref<16384xi32, #tpu.memory_space<hbm>>, %arg5: memref<16384xi32, #tpu.memory_space<hbm>>, %arg6: memref<163840xi32, #tpu.memory_space<hbm>>, %arg7: memref<16384xf32, #tpu.memory_space<hbm>>, %arg8: memref<163840xf32, #tpu.memory_space<hbm>>, %arg9: memref<128xi32, #tpu.memory_space<vmem>>, %arg10: memref<128xi32, #tpu.memory_space<vmem>>, %arg11: memref<1280xi32, #tpu.memory_space<vmem>>, %arg12: memref<128x64xf32, #tpu.memory_space<vmem>>, %arg13: memref<128x64xf32, #tpu.memory_space<vmem>>, %arg14: memref<1280x64xf32, #tpu.memory_space<vmem>>, %arg15: memref<128xf32, #tpu.memory_space<vmem>>, %arg16: memref<1280xf32, #tpu.memory_space<vmem>>, %arg17: memref<!tpu.dma_semaphore, #tpu.memory_space<semaphore_mem>>) attributes {dimension_semantics = [#tpu.dimension_semantics<core_parallel>, #tpu.dimension_semantics<subcore_parallel>], iteration_bounds = array<i64: 2, 16>, scalar_prefetch = 0 : i64, scratch_operands = 9 : i64, tpu.core_type = #tpu.core_type<sc_vector_subcore>, window_params = [{transform_indices = #map}, {transform_indices = #map}, {transform_indices = #map1}, {transform_indices = #map1}, {transform_indices = #map1}, {transform_indices = #map1}, {transform_indices = #map1}]} {
    %mul3A = arith.constant 2 : i32
    %mul3A_0 = arith.muli %arg1, %mul3A : i32
    %add3A = arith.addi %mul3A_0, %arg0 : i32
    %iota3A = tpu.iota {dimensions = array<i32: 0>} : vector<16xi32>
    %mul3A_1 = arith.constant 512 : i32
    %mul3A_2 = arith.muli %add3A, %mul3A_1 : i32
    %add3A_3 = arith.constant 0 : i32
    %add3A_4 = arith.addi %mul3A_2, %add3A_3 : i32
    "tpu.region"() ({
      %run_scoped3A = tpu.sem_alloc : memref<!tpu.dma_semaphore, #tpu.memory_space<semaphore_mem>>
      %dma_start3A_778 = tpu.memref_slice %arg4[%add3A_4] : memref<16384xi32, #tpu.memory_space<hbm>> -> memref<128xi32, #tpu.memory_space<hbm>>
      %dma_start3A_779 = tpu.memref_slice %arg4[%add3A_4] : memref<16384xi32, #tpu.memory_space<hbm>> -> memref<128xi32, #tpu.memory_space<hbm>>
      tpu.enqueue_dma source(%dma_start3A_779 : memref<128xi32, #tpu.memory_space<hbm>>) target(%arg9 : memref<128xi32, #tpu.memory_space<vmem>>) target_semaphore(%run_scoped3A : memref<!tpu.dma_semaphore, #tpu.memory_space<semaphore_mem>>)
      %dma_wait3A_780 = tpu.memref_slice %arg4[%add3A_4] : memref<16384xi32, #tpu.memory_space<hbm>> -> memref<128xi32, #tpu.memory_space<hbm>>
      %dma_wait3A_781 = tpu.memref_slice %arg4[%add3A_4] : memref<16384xi32, #tpu.memory_space<hbm>> -> memref<128xi32, #tpu.memory_space<hbm>>
      tpu.wait_dma2 semaphore(%run_scoped3A : memref<!tpu.dma_semaphore, #tpu.memory_space<semaphore_mem>>) src(%dma_wait3A_781 : memref<128xi32, #tpu.memory_space<hbm>>) dst(%arg9 : memref<128xi32, #tpu.memory_space<vmem>>)
      tpu.yield
    }) : () -> ()
    "tpu.region"() ({
      %run_scoped3A = tpu.sem_alloc : memref<!tpu.dma_semaphore, #tpu.memory_space<semaphore_mem>>
      %dma_start3A_778 = tpu.memref_slice %arg5[%add3A_4] : memref<16384xi32, #tpu.memory_space<hbm>> -> memref<128xi32, #tpu.memory_space<hbm>>
      %dma_start3A_779 = tpu.memref_slice %arg5[%add3A_4] : memref<16384xi32, #tpu.memory_space<hbm>> -> memref<128xi32, #tpu.memory_space<hbm>>
      tpu.enqueue_dma source(%dma_start3A_779 : memref<128xi32, #tpu.memory_space<hbm>>) target(%arg10 : memref<128xi32, #tpu.memory_space<vmem>>) target_semaphore(%run_scoped3A : memref<!tpu.dma_semaphore, #tpu.memory_space<semaphore_mem>>)
      %dma_wait3A_780 = tpu.memref_slice %arg5[%add3A_4] : memref<16384xi32, #tpu.memory_space<hbm>> -> memref<128xi32, #tpu.memory_space<hbm>>
      %dma_wait3A_781 = tpu.memref_slice %arg5[%add3A_4] : memref<16384xi32, #tpu.memory_space<hbm>> -> memref<128xi32, #tpu.memory_space<hbm>>
      tpu.wait_dma2 semaphore(%run_scoped3A : memref<!tpu.dma_semaphore, #tpu.memory_space<semaphore_mem>>) src(%dma_wait3A_781 : memref<128xi32, #tpu.memory_space<hbm>>) dst(%arg10 : memref<128xi32, #tpu.memory_space<vmem>>)
      tpu.yield
    }) : () -> ()
    %mul3A_5 = arith.constant 10 : i32
    %mul3A_6 = arith.muli %add3A_4, %mul3A_5 : i32
    "tpu.region"() ({
      %run_scoped3A = tpu.sem_alloc : memref<!tpu.dma_semaphore, #tpu.memory_space<semaphore_mem>>
      %dma_start3A_778 = tpu.memref_slice %arg6[%mul3A_6] : memref<163840xi32, #tpu.memory_space<hbm>> -> memref<1280xi32, #tpu.memory_space<hbm>>
      %dma_start3A_779 = tpu.memref_slice %arg6[%mul3A_6] : memref<163840xi32, #tpu.memory_space<hbm>> -> memref<1280xi32, #tpu.memory_space<hbm>>
      tpu.enqueue_dma source(%dma_start3A_779 : memref<1280xi32, #tpu.memory_space<hbm>>) target(%arg11 : memref<1280xi32, #tpu.memory_space<vmem>>) target_semaphore(%run_scoped3A : memref<!tpu.dma_semaphore, #tpu.memory_space<semaphore_mem>>)
      %dma_wait3A_780 = tpu.memref_slice %arg6[%mul3A_6] : memref<163840xi32, #tpu.memory_space<hbm>> -> memref<1280xi32, #tpu.memory_space<hbm>>
      %dma_wait3A_781 = tpu.memref_slice %arg6[%mul3A_6] : memref<163840xi32, #tpu.memory_space<hbm>> -> memref<1280xi32, #tpu.memory_space<hbm>>
      tpu.wait_dma2 semaphore(%run_scoped3A : memref<!tpu.dma_semaphore, #tpu.memory_space<semaphore_mem>>) src(%dma_wait3A_781 : memref<1280xi32, #tpu.memory_space<hbm>>) dst(%arg11 : memref<1280xi32, #tpu.memory_space<vmem>>)
      tpu.yield
    }) : () -> ()
    %scan3A = arith.constant 0 : i32
    %scan3A_7 = arith.constant 8 : i32
    %scan3A_8 = arith.addi %scan3A, %scan3A_7 : i32
    %scan3A_9 = arith.constant 1 : i32
    scf.for %scan3A_778 = %scan3A to %scan3A_8 step %scan3A_9  : i32 {
      %mul3A_779 = arith.constant 16 : i32
      %mul3A_780 = arith.muli %scan3A_778, %mul3A_779 : i32
      %get3A = arith.index_cast %mul3A_780 : i32 to index
      %get3A_781 = tpu.vector_load %arg9[%get3A] {strides = array<i32>} : memref<128xi32, #tpu.memory_space<vmem>>, vector<16xi32>,
      %and3A = arith.constant -8192 : i32
      %and3A_782 = vector.broadcast %and3A : i32 to vector<16xi32>
      %and3A_783 = arith.andi %get3A_781, %and3A_782 : vector<16xi32>
      %and3A_784 = arith.constant 4095 : i32
      %and3A_785 = vector.broadcast %and3A_784 : i32 to vector<16xi32>
      %and3A_786 = arith.andi %get3A_781, %and3A_785 : vector<16xi32>
      %shift_left3A = arith.constant 1 : i32
      %shift_left3A_787 = vector.broadcast %shift_left3A : i32 to vector<16xi32>
      %shift_left3A_788 = arith.shli %and3A_786, %shift_left3A_787 : vector<16xi32>
      %add3A_789 = arith.addi %and3A_783, %shift_left3A_788 : vector<16xi32>
      %shift_right_arithmetic3A = arith.constant 12 : i32
      %shift_right_arithmetic3A_790 = vector.broadcast %shift_right_arithmetic3A : i32 to vector<16xi32>
      %shift_right_arithmetic3A_791 = arith.shrsi %get3A_781, %shift_right_arithmetic3A_790 : vector<16xi32>
      %and3A_792 = arith.constant 1 : i32
      %and3A_793 = vector.broadcast %and3A_792 : i32 to vector<16xi32>
      %and3A_794 = arith.andi %shift_right_arithmetic3A_791, %and3A_793 : vector<16xi32>
      %add3A_795 = arith.addi %add3A_789, %and3A_794 : vector<16xi32>
      %swap3A = arith.index_cast %mul3A_780 : i32 to index
      %swap3A_796 = tpu.vector_load %arg9[%swap3A] {strides = array<i32>} : memref<128xi32, #tpu.memory_space<vmem>>, vector<16xi32>,
      tpu.vector_store %arg9[%swap3A], %add3A_795 {strides = array<i32>} : memref<128xi32, #tpu.memory_space<vmem>>, vector<16xi32>,
      %get3A_797 = arith.index_cast %mul3A_780 : i32 to index
      %get3A_798 = tpu.vector_load %arg10[%get3A_797] {strides = array<i32>} : memref<128xi32, #tpu.memory_space<vmem>>, vector<16xi32>,
      %and3A_799 = arith.constant -8192 : i32
      %and3A_800 = vector.broadcast %and3A_799 : i32 to vector<16xi32>
      %and3A_801 = arith.andi %get3A_798, %and3A_800 : vector<16xi32>
      %and3A_802 = arith.constant 4095 : i32
      %and3A_803 = vector.broadcast %and3A_802 : i32 to vector<16xi32>
      %and3A_804 = arith.andi %get3A_798, %and3A_803 : vector<16xi32>
      %shift_left3A_805 = arith.constant 1 : i32
      %shift_left3A_806 = vector.broadcast %shift_left3A_805 : i32 to vector<16xi32>
      %shift_left3A_807 = arith.shli %and3A_804, %shift_left3A_806 : vector<16xi32>
      %add3A_808 = arith.addi %and3A_801, %shift_left3A_807 : vector<16xi32>
      %shift_right_arithmetic3A_809 = arith.constant 12 : i32
      %shift_right_arithmetic3A_810 = vector.broadcast %shift_right_arithmetic3A_809 : i32 to vector<16xi32>
      %shift_right_arithmetic3A_811 = arith.shrsi %get3A_798, %shift_right_arithmetic3A_810 : vector<16xi32>
      %and3A_812 = arith.constant 1 : i32
      %and3A_813 = vector.broadcast %and3A_812 : i32 to vector<16xi32>
      %and3A_814 = arith.andi %shift_right_arithmetic3A_811, %and3A_813 : vector<16xi32>
      %add3A_815 = arith.addi %add3A_808, %and3A_814 : vector<16xi32>
      %swap3A_816 = arith.index_cast %mul3A_780 : i32 to index
      %swap3A_817 = tpu.vector_load %arg10[%swap3A_816] {strides = array<i32>} : memref<128xi32, #tpu.memory_space<vmem>>, vector<16xi32>,
      tpu.vector_store %arg10[%swap3A_816], %add3A_815 {strides = array<i32>} : memref<128xi32, #tpu.memory_space<vmem>>, vector<16xi32>,
    }
    %scan3A_10 = arith.constant 8 : i32
    %scan3A_11 = arith.constant 0 : i32
    %scan3A_12 = arith.constant 80 : i32
    %scan3A_13 = arith.addi %scan3A_11, %scan3A_12 : i32
    %scan3A_14 = arith.constant 1 : i32
    scf.for %scan3A_778 = %scan3A_11 to %scan3A_13 step %scan3A_14  : i32 {
      %mul3A_779 = arith.constant 16 : i32
      %mul3A_780 = arith.muli %scan3A_778, %mul3A_779 : i32
      %get3A = arith.index_cast %mul3A_780 : i32 to index
      %get3A_781 = tpu.vector_load %arg11[%get3A] {strides = array<i32>} : memref<1280xi32, #tpu.memory_space<vmem>>, vector<16xi32>,
      %and3A = arith.constant -8192 : i32
      %and3A_782 = vector.broadcast %and3A : i32 to vector<16xi32>
      %and3A_783 = arith.andi %get3A_781, %and3A_782 : vector<16xi32>
      %and3A_784 = arith.constant 4095 : i32
      %and3A_785 = vector.broadcast %and3A_784 : i32 to vector<16xi32>
      %and3A_786 = arith.andi %get3A_781, %and3A_785 : vector<16xi32>
      %shift_left3A = arith.constant 1 : i32
      %shift_left3A_787 = vector.broadcast %shift_left3A : i32 to vector<16xi32>
      %shift_left3A_788 = arith.shli %and3A_786, %shift_left3A_787 : vector<16xi32>
      %add3A_789 = arith.addi %and3A_783, %shift_left3A_788 : vector<16xi32>
      %shift_right_arithmetic3A = arith.constant 12 : i32
      %shift_right_arithmetic3A_790 = vector.broadcast %shift_right_arithmetic3A : i32 to vector<16xi32>
      %shift_right_arithmetic3A_791 = arith.shrsi %get3A_781, %shift_right_arithmetic3A_790 : vector<16xi32>
      %and3A_792 = arith.constant 1 : i32
      %and3A_793 = vector.broadcast %and3A_792 : i32 to vector<16xi32>
      %and3A_794 = arith.andi %shift_right_arithmetic3A_791, %and3A_793 : vector<16xi32>
      %add3A_795 = arith.addi %add3A_789, %and3A_794 : vector<16xi32>
      %swap3A = arith.index_cast %mul3A_780 : i32 to index
      %swap3A_796 = tpu.vector_load %arg11[%swap3A] {strides = array<i32>} : memref<1280xi32, #tpu.memory_space<vmem>>, vector<16xi32>,
      tpu.vector_store %arg11[%swap3A], %add3A_795 {strides = array<i32>} : memref<1280xi32, #tpu.memory_space<vmem>>, vector<16xi32>,
    }
    %scan3A_15 = arith.constant 80 : i32
    %dma_start3A = arith.constant 0 : i32
    %dma_start3A_16 = arith.constant 0 : i32
    %dma_start3A_17 = tpu.memref_slice %arg2[%dma_start3A, %dma_start3A_16] : memref<1007616x64xf32, #tpu.memory_space<hbm>> -> memref<1007616x64xf32, #tpu.memory_space<hbm>>
    tpu.enqueue_indirect_dma source(%dma_start3A_17 : memref<1007616x64xf32, #tpu.memory_space<hbm>>) target(%arg12 : memref<128x64xf32, #tpu.memory_space<vmem>>) offsets(%arg9 : memref<128xi32, #tpu.memory_space<vmem>>) semaphore(%arg17 : memref<!tpu.dma_semaphore, #tpu.memory_space<semaphore_mem>>)
    %dma_start3A_18 = arith.constant 0 : i32
    %dma_start3A_19 = arith.constant 0 : i32
    %dma_start3A_20 = tpu.memref_slice %arg3[%dma_start3A_18, %dma_start3A_19] : memref<1007616x64xf32, #tpu.memory_space<hbm>> -> memref<1007616x64xf32, #tpu.memory_space<hbm>>
    tpu.enqueue_indirect_dma source(%dma_start3A_20 : memref<1007616x64xf32, #tpu.memory_space<hbm>>) target(%arg13 : memref<128x64xf32, #tpu.memory_space<vmem>>) offsets(%arg10 : memref<128xi32, #tpu.memory_space<vmem>>) semaphore(%arg17 : memref<!tpu.dma_semaphore, #tpu.memory_space<semaphore_mem>>)
    %dma_start3A_21 = arith.constant 0 : i32
    %dma_start3A_22 = arith.constant 0 : i32
    %dma_start3A_23 = tpu.memref_slice %arg14[%dma_start3A_21, %dma_start3A_22] : memref<1280x64xf32, #tpu.memory_space<vmem>> -> memref<128x64xf32, #tpu.memory_space<vmem>>
    %dma_start3A_24 = arith.constant 0 : i32
    %dma_start3A_25 = tpu.memref_slice %arg11[%dma_start3A_24] : memref<1280xi32, #tpu.memory_space<vmem>> -> memref<128xi32, #tpu.memory_space<vmem>>
    %dma_start3A_26 = arith.constant 0 : i32
    %dma_start3A_27 = arith.constant 0 : i32
    %dma_start3A_28 = tpu.memref_slice %arg3[%dma_start3A_26, %dma_start3A_27] : memref<1007616x64xf32, #tpu.memory_space<hbm>> -> memref<1007616x64xf32, #tpu.memory_space<hbm>>
    tpu.enqueue_indirect_dma source(%dma_start3A_28 : memref<1007616x64xf32, #tpu.memory_space<hbm>>) target(%dma_start3A_23 : memref<128x64xf32, #tpu.memory_space<vmem>>) offsets(%dma_start3A_25 : memref<128xi32, #tpu.memory_space<vmem>>) semaphore(%arg17 : memref<!tpu.dma_semaphore, #tpu.memory_space<semaphore_mem>>)
    %dma_start3A_29 = arith.constant 128 : i32
    %dma_start3A_30 = arith.constant 0 : i32
    %dma_start3A_31 = tpu.memref_slice %arg14[%dma_start3A_29, %dma_start3A_30] : memref<1280x64xf32, #tpu.memory_space<vmem>> -> memref<128x64xf32, #tpu.memory_space<vmem>>
    %dma_start3A_32 = arith.constant 128 : i32
    %dma_start3A_33 = tpu.memref_slice %arg11[%dma_start3A_32] : memref<1280xi32, #tpu.memory_space<vmem>> -> memref<128xi32, #tpu.memory_space<vmem>>
    %dma_start3A_34 = arith.constant 0 : i32
    %dma_start3A_35 = arith.constant 0 : i32
    %dma_start3A_36 = tpu.memref_slice %arg3[%dma_start3A_34, %dma_start3A_35] : memref<1007616x64xf32, #tpu.memory_space<hbm>> -> memref<1007616x64xf32, #tpu.memory_space<hbm>>
    tpu.enqueue_indirect_dma source(%dma_start3A_36 : memref<1007616x64xf32, #tpu.memory_space<hbm>>) target(%dma_start3A_31 : memref<128x64xf32, #tpu.memory_space<vmem>>) offsets(%dma_start3A_33 : memref<128xi32, #tpu.memory_space<vmem>>) semaphore(%arg17 : memref<!tpu.dma_semaphore, #tpu.memory_space<semaphore_mem>>)
    %dma_start3A_37 = arith.constant 256 : i32
    %dma_start3A_38 = arith.constant 0 : i32
    %dma_start3A_39 = tpu.memref_slice %arg14[%dma_start3A_37, %dma_start3A_38] : memref<1280x64xf32, #tpu.memory_space<vmem>> -> memref<128x64xf32, #tpu.memory_space<vmem>>
    %dma_start3A_40 = arith.constant 256 : i32
    %dma_start3A_41 = tpu.memref_slice %arg11[%dma_start3A_40] : memref<1280xi32, #tpu.memory_space<vmem>> -> memref<128xi32, #tpu.memory_space<vmem>>
    %dma_start3A_42 = arith.constant 0 : i32
    %dma_start3A_43 = arith.constant 0 : i32
    %dma_start3A_44 = tpu.memref_slice %arg3[%dma_start3A_42, %dma_start3A_43] : memref<1007616x64xf32, #tpu.memory_space<hbm>> -> memref<1007616x64xf32, #tpu.memory_space<hbm>>
    tpu.enqueue_indirect_dma source(%dma_start3A_44 : memref<1007616x64xf32, #tpu.memory_space<hbm>>) target(%dma_start3A_39 : memref<128x64xf32, #tpu.memory_space<vmem>>) offsets(%dma_start3A_41 : memref<128xi32, #tpu.memory_space<vmem>>) semaphore(%arg17 : memref<!tpu.dma_semaphore, #tpu.memory_space<semaphore_mem>>)
    %dma_start3A_45 = arith.constant 384 : i32
    %dma_start3A_46 = arith.constant 0 : i32
    %dma_start3A_47 = tpu.memref_slice %arg14[%dma_start3A_45, %dma_start3A_46] : memref<1280x64xf32, #tpu.memory_space<vmem>> -> memref<128x64xf32, #tpu.memory_space<vmem>>
    %dma_start3A_48 = arith.constant 384 : i32
    %dma_start3A_49 = tpu.memref_slice %arg11[%dma_start3A_48] : memref<1280xi32, #tpu.memory_space<vmem>> -> memref<128xi32, #tpu.memory_space<vmem>>
    %dma_start3A_50 = arith.constant 0 : i32
    %dma_start3A_51 = arith.constant 0 : i32
    %dma_start3A_52 = tpu.memref_slice %arg3[%dma_start3A_50, %dma_start3A_51] : memref<1007616x64xf32, #tpu.memory_space<hbm>> -> memref<1007616x64xf32, #tpu.memory_space<hbm>>
    tpu.enqueue_indirect_dma source(%dma_start3A_52 : memref<1007616x64xf32, #tpu.memory_space<hbm>>) target(%dma_start3A_47 : memref<128x64xf32, #tpu.memory_space<vmem>>) offsets(%dma_start3A_49 : memref<128xi32, #tpu.memory_space<vmem>>) semaphore(%arg17 : memref<!tpu.dma_semaphore, #tpu.memory_space<semaphore_mem>>)
    %dma_start3A_53 = arith.constant 512 : i32
    %dma_start3A_54 = arith.constant 0 : i32
    %dma_start3A_55 = tpu.memref_slice %arg14[%dma_start3A_53, %dma_start3A_54] : memref<1280x64xf32, #tpu.memory_space<vmem>> -> memref<128x64xf32, #tpu.memory_space<vmem>>
    %dma_start3A_56 = arith.constant 512 : i32
    %dma_start3A_57 = tpu.memref_slice %arg11[%dma_start3A_56] : memref<1280xi32, #tpu.memory_space<vmem>> -> memref<128xi32, #tpu.memory_space<vmem>>
    %dma_start3A_58 = arith.constant 0 : i32
    %dma_start3A_59 = arith.constant 0 : i32
    %dma_start3A_60 = tpu.memref_slice %arg3[%dma_start3A_58, %dma_start3A_59] : memref<1007616x64xf32, #tpu.memory_space<hbm>> -> memref<1007616x64xf32, #tpu.memory_space<hbm>>
    tpu.enqueue_indirect_dma source(%dma_start3A_60 : memref<1007616x64xf32, #tpu.memory_space<hbm>>) target(%dma_start3A_55 : memref<128x64xf32, #tpu.memory_space<vmem>>) offsets(%dma_start3A_57 : memref<128xi32, #tpu.memory_space<vmem>>) semaphore(%arg17 : memref<!tpu.dma_semaphore, #tpu.memory_space<semaphore_mem>>)
    %dma_start3A_61 = arith.constant 640 : i32
    %dma_start3A_62 = arith.constant 0 : i32
    %dma_start3A_63 = tpu.memref_slice %arg14[%dma_start3A_61, %dma_start3A_62] : memref<1280x64xf32, #tpu.memory_space<vmem>> -> memref<128x64xf32, #tpu.memory_space<vmem>>
    %dma_start3A_64 = arith.constant 640 : i32
    %dma_start3A_65 = tpu.memref_slice %arg11[%dma_start3A_64] : memref<1280xi32, #tpu.memory_space<vmem>> -> memref<128xi32, #tpu.memory_space<vmem>>
    %dma_start3A_66 = arith.constant 0 : i32
    %dma_start3A_67 = arith.constant 0 : i32
    %dma_start3A_68 = tpu.memref_slice %arg3[%dma_start3A_66, %dma_start3A_67] : memref<1007616x64xf32, #tpu.memory_space<hbm>> -> memref<1007616x64xf32, #tpu.memory_space<hbm>>
    tpu.enqueue_indirect_dma source(%dma_start3A_68 : memref<1007616x64xf32, #tpu.memory_space<hbm>>) target(%dma_start3A_63 : memref<128x64xf32, #tpu.memory_space<vmem>>) offsets(%dma_start3A_65 : memref<128xi32, #tpu.memory_space<vmem>>) semaphore(%arg17 : memref<!tpu.dma_semaphore, #tpu.memory_space<semaphore_mem>>)
    %dma_start3A_69 = arith.constant 768 : i32
    %dma_start3A_70 = arith.constant 0 : i32
    %dma_start3A_71 = tpu.memref_slice %arg14[%dma_start3A_69, %dma_start3A_70] : memref<1280x64xf32, #tpu.memory_space<vmem>> -> memref<128x64xf32, #tpu.memory_space<vmem>>
    %dma_start3A_72 = arith.constant 768 : i32
    %dma_start3A_73 = tpu.memref_slice %arg11[%dma_start3A_72] : memref<1280xi32, #tpu.memory_space<vmem>> -> memref<128xi32, #tpu.memory_space<vmem>>
    %dma_start3A_74 = arith.constant 0 : i32
    %dma_start3A_75 = arith.constant 0 : i32
    %dma_start3A_76 = tpu.memref_slice %arg3[%dma_start3A_74, %dma_start3A_75] : memref<1007616x64xf32, #tpu.memory_space<hbm>> -> memref<1007616x64xf32, #tpu.memory_space<hbm>>
    tpu.enqueue_indirect_dma source(%dma_start3A_76 : memref<1007616x64xf32, #tpu.memory_space<hbm>>) target(%dma_start3A_71 : memref<128x64xf32, #tpu.memory_space<vmem>>) offsets(%dma_start3A_73 : memref<128xi32, #tpu.memory_space<vmem>>) semaphore(%arg17 : memref<!tpu.dma_semaphore, #tpu.memory_space<semaphore_mem>>)
    %dma_start3A_77 = arith.constant 896 : i32
    %dma_start3A_78 = arith.constant 0 : i32
    %dma_start3A_79 = tpu.memref_slice %arg14[%dma_start3A_77, %dma_start3A_78] : memref<1280x64xf32, #tpu.memory_space<vmem>> -> memref<128x64xf32, #tpu.memory_space<vmem>>
    %dma_start3A_80 = arith.constant 896 : i32
    %dma_start3A_81 = tpu.memref_slice %arg11[%dma_start3A_80] : memref<1280xi32, #tpu.memory_space<vmem>> -> memref<128xi32, #tpu.memory_space<vmem>>
    %dma_start3A_82 = arith.constant 0 : i32
    %dma_start3A_83 = arith.constant 0 : i32
    %dma_start3A_84 = tpu.memref_slice %arg3[%dma_start3A_82, %dma_start3A_83] : memref<1007616x64xf32, #tpu.memory_space<hbm>> -> memref<1007616x64xf32, #tpu.memory_space<hbm>>
    tpu.enqueue_indirect_dma source(%dma_start3A_84 : memref<1007616x64xf32, #tpu.memory_space<hbm>>) target(%dma_start3A_79 : memref<128x64xf32, #tpu.memory_space<vmem>>) offsets(%dma_start3A_81 : memref<128xi32, #tpu.memory_space<vmem>>) semaphore(%arg17 : memref<!tpu.dma_semaphore, #tpu.memory_space<semaphore_mem>>)
    %dma_start3A_85 = arith.constant 1024 : i32
    %dma_start3A_86 = arith.constant 0 : i32
    %dma_start3A_87 = tpu.memref_slice %arg14[%dma_start3A_85, %dma_start3A_86] : memref<1280x64xf32, #tpu.memory_space<vmem>> -> memref<128x64xf32, #tpu.memory_space<vmem>>
    %dma_start3A_88 = arith.constant 1024 : i32
    %dma_start3A_89 = tpu.memref_slice %arg11[%dma_start3A_88] : memref<1280xi32, #tpu.memory_space<vmem>> -> memref<128xi32, #tpu.memory_space<vmem>>
    %dma_start3A_90 = arith.constant 0 : i32
    %dma_start3A_91 = arith.constant 0 : i32
    %dma_start3A_92 = tpu.memref_slice %arg3[%dma_start3A_90, %dma_start3A_91] : memref<1007616x64xf32, #tpu.memory_space<hbm>> -> memref<1007616x64xf32, #tpu.memory_space<hbm>>
    tpu.enqueue_indirect_dma source(%dma_start3A_92 : memref<1007616x64xf32, #tpu.memory_space<hbm>>) target(%dma_start3A_87 : memref<128x64xf32, #tpu.memory_space<vmem>>) offsets(%dma_start3A_89 : memref<128xi32, #tpu.memory_space<vmem>>) semaphore(%arg17 : memref<!tpu.dma_semaphore, #tpu.memory_space<semaphore_mem>>)
    %dma_start3A_93 = arith.constant 1152 : i32
    %dma_start3A_94 = arith.constant 0 : i32
    %dma_start3A_95 = tpu.memref_slice %arg14[%dma_start3A_93, %dma_start3A_94] : memref<1280x64xf32, #tpu.memory_space<vmem>> -> memref<128x64xf32, #tpu.memory_space<vmem>>
    %dma_start3A_96 = arith.constant 1152 : i32
    %dma_start3A_97 = tpu.memref_slice %arg11[%dma_start3A_96] : memref<1280xi32, #tpu.memory_space<vmem>> -> memref<128xi32, #tpu.memory_space<vmem>>
    %dma_start3A_98 = arith.constant 0 : i32
    %dma_start3A_99 = arith.constant 0 : i32
    %dma_start3A_100 = tpu.memref_slice %arg3[%dma_start3A_98, %dma_start3A_99] : memref<1007616x64xf32, #tpu.memory_space<hbm>> -> memref<1007616x64xf32, #tpu.memory_space<hbm>>
    tpu.enqueue_indirect_dma source(%dma_start3A_100 : memref<1007616x64xf32, #tpu.memory_space<hbm>>) target(%dma_start3A_95 : memref<128x64xf32, #tpu.memory_space<vmem>>) offsets(%dma_start3A_97 : memref<128xi32, #tpu.memory_space<vmem>>) semaphore(%arg17 : memref<!tpu.dma_semaphore, #tpu.memory_space<semaphore_mem>>)
    %dma_wait3A = arith.constant 0 : i32
    %dma_wait3A_101 = arith.constant 0 : i32
    %dma_wait3A_102 = tpu.memref_slice %arg2[%dma_wait3A, %dma_wait3A_101] : memref<1007616x64xf32, #tpu.memory_space<hbm>> -> memref<1007616x64xf32, #tpu.memory_space<hbm>>
    tpu.wait_indirect_dma semaphore(%arg17 : memref<!tpu.dma_semaphore, #tpu.memory_space<semaphore_mem>>) src(%dma_wait3A_102 : memref<1007616x64xf32, #tpu.memory_space<hbm>>) dst(%arg12 : memref<128x64xf32, #tpu.memory_space<vmem>>)
    %dma_wait3A_103 = arith.constant 0 : i32
    %dma_wait3A_104 = arith.constant 0 : i32
    %dma_wait3A_105 = tpu.memref_slice %arg3[%dma_wait3A_103, %dma_wait3A_104] : memref<1007616x64xf32, #tpu.memory_space<hbm>> -> memref<1007616x64xf32, #tpu.memory_space<hbm>>
    tpu.wait_indirect_dma semaphore(%arg17 : memref<!tpu.dma_semaphore, #tpu.memory_space<semaphore_mem>>) src(%dma_wait3A_105 : memref<1007616x64xf32, #tpu.memory_space<hbm>>) dst(%arg13 : memref<128x64xf32, #tpu.memory_space<vmem>>)
    %dma_wait3A_106 = arith.constant 0 : i32
    %dma_wait3A_107 = arith.constant 0 : i32
    %dma_wait3A_108 = tpu.memref_slice %arg14[%dma_wait3A_106, %dma_wait3A_107] : memref<1280x64xf32, #tpu.memory_space<vmem>> -> memref<128x64xf32, #tpu.memory_space<vmem>>
    %dma_wait3A_109 = arith.constant 0 : i32
    %dma_wait3A_110 = tpu.memref_slice %arg11[%dma_wait3A_109] : memref<1280xi32, #tpu.memory_space<vmem>> -> memref<128xi32, #tpu.memory_space<vmem>>
    %dma_wait3A_111 = arith.constant 0 : i32
    %dma_wait3A_112 = arith.constant 0 : i32
    %dma_wait3A_113 = tpu.memref_slice %arg3[%dma_wait3A_111, %dma_wait3A_112] : memref<1007616x64xf32, #tpu.memory_space<hbm>> -> memref<1007616x64xf32, #tpu.memory_space<hbm>>
    tpu.wait_indirect_dma semaphore(%arg17 : memref<!tpu.dma_semaphore, #tpu.memory_space<semaphore_mem>>) src(%dma_wait3A_113 : memref<1007616x64xf32, #tpu.memory_space<hbm>>) dst(%dma_wait3A_108 : memref<128x64xf32, #tpu.memory_space<vmem>>)
    %dma_wait3A_114 = arith.constant 128 : i32
    %dma_wait3A_115 = arith.constant 0 : i32
    %dma_wait3A_116 = tpu.memref_slice %arg14[%dma_wait3A_114, %dma_wait3A_115] : memref<1280x64xf32, #tpu.memory_space<vmem>> -> memref<128x64xf32, #tpu.memory_space<vmem>>
    %dma_wait3A_117 = arith.constant 128 : i32
    %dma_wait3A_118 = tpu.memref_slice %arg11[%dma_wait3A_117] : memref<1280xi32, #tpu.memory_space<vmem>> -> memref<128xi32, #tpu.memory_space<vmem>>
    %dma_wait3A_119 = arith.constant 0 : i32
    %dma_wait3A_120 = arith.constant 0 : i32
    %dma_wait3A_121 = tpu.memref_slice %arg3[%dma_wait3A_119, %dma_wait3A_120] : memref<1007616x64xf32, #tpu.memory_space<hbm>> -> memref<1007616x64xf32, #tpu.memory_space<hbm>>
    tpu.wait_indirect_dma semaphore(%arg17 : memref<!tpu.dma_semaphore, #tpu.memory_space<semaphore_mem>>) src(%dma_wait3A_121 : memref<1007616x64xf32, #tpu.memory_space<hbm>>) dst(%dma_wait3A_116 : memref<128x64xf32, #tpu.memory_space<vmem>>)
    %dma_wait3A_122 = arith.constant 256 : i32
    %dma_wait3A_123 = arith.constant 0 : i32
    %dma_wait3A_124 = tpu.memref_slice %arg14[%dma_wait3A_122, %dma_wait3A_123] : memref<1280x64xf32, #tpu.memory_space<vmem>> -> memref<128x64xf32, #tpu.memory_space<vmem>>
    %dma_wait3A_125 = arith.constant 256 : i32
    %dma_wait3A_126 = tpu.memref_slice %arg11[%dma_wait3A_125] : memref<1280xi32, #tpu.memory_space<vmem>> -> memref<128xi32, #tpu.memory_space<vmem>>
    %dma_wait3A_127 = arith.constant 0 : i32
    %dma_wait3A_128 = arith.constant 0 : i32
    %dma_wait3A_129 = tpu.memref_slice %arg3[%dma_wait3A_127, %dma_wait3A_128] : memref<1007616x64xf32, #tpu.memory_space<hbm>> -> memref<1007616x64xf32, #tpu.memory_space<hbm>>
    tpu.wait_indirect_dma semaphore(%arg17 : memref<!tpu.dma_semaphore, #tpu.memory_space<semaphore_mem>>) src(%dma_wait3A_129 : memref<1007616x64xf32, #tpu.memory_space<hbm>>) dst(%dma_wait3A_124 : memref<128x64xf32, #tpu.memory_space<vmem>>)
    %dma_wait3A_130 = arith.constant 384 : i32
    %dma_wait3A_131 = arith.constant 0 : i32
    %dma_wait3A_132 = tpu.memref_slice %arg14[%dma_wait3A_130, %dma_wait3A_131] : memref<1280x64xf32, #tpu.memory_space<vmem>> -> memref<128x64xf32, #tpu.memory_space<vmem>>
    %dma_wait3A_133 = arith.constant 384 : i32
    %dma_wait3A_134 = tpu.memref_slice %arg11[%dma_wait3A_133] : memref<1280xi32, #tpu.memory_space<vmem>> -> memref<128xi32, #tpu.memory_space<vmem>>
    %dma_wait3A_135 = arith.constant 0 : i32
    %dma_wait3A_136 = arith.constant 0 : i32
    %dma_wait3A_137 = tpu.memref_slice %arg3[%dma_wait3A_135, %dma_wait3A_136] : memref<1007616x64xf32, #tpu.memory_space<hbm>> -> memref<1007616x64xf32, #tpu.memory_space<hbm>>
    tpu.wait_indirect_dma semaphore(%arg17 : memref<!tpu.dma_semaphore, #tpu.memory_space<semaphore_mem>>) src(%dma_wait3A_137 : memref<1007616x64xf32, #tpu.memory_space<hbm>>) dst(%dma_wait3A_132 : memref<128x64xf32, #tpu.memory_space<vmem>>)
    %dma_wait3A_138 = arith.constant 512 : i32
    %dma_wait3A_139 = arith.constant 0 : i32
    %dma_wait3A_140 = tpu.memref_slice %arg14[%dma_wait3A_138, %dma_wait3A_139] : memref<1280x64xf32, #tpu.memory_space<vmem>> -> memref<128x64xf32, #tpu.memory_space<vmem>>
    %dma_wait3A_141 = arith.constant 512 : i32
    %dma_wait3A_142 = tpu.memref_slice %arg11[%dma_wait3A_141] : memref<1280xi32, #tpu.memory_space<vmem>> -> memref<128xi32, #tpu.memory_space<vmem>>
    %dma_wait3A_143 = arith.constant 0 : i32
    %dma_wait3A_144 = arith.constant 0 : i32
    %dma_wait3A_145 = tpu.memref_slice %arg3[%dma_wait3A_143, %dma_wait3A_144] : memref<1007616x64xf32, #tpu.memory_space<hbm>> -> memref<1007616x64xf32, #tpu.memory_space<hbm>>
    tpu.wait_indirect_dma semaphore(%arg17 : memref<!tpu.dma_semaphore, #tpu.memory_space<semaphore_mem>>) src(%dma_wait3A_145 : memref<1007616x64xf32, #tpu.memory_space<hbm>>) dst(%dma_wait3A_140 : memref<128x64xf32, #tpu.memory_space<vmem>>)
    %dma_wait3A_146 = arith.constant 640 : i32
    %dma_wait3A_147 = arith.constant 0 : i32
    %dma_wait3A_148 = tpu.memref_slice %arg14[%dma_wait3A_146, %dma_wait3A_147] : memref<1280x64xf32, #tpu.memory_space<vmem>> -> memref<128x64xf32, #tpu.memory_space<vmem>>
    %dma_wait3A_149 = arith.constant 640 : i32
    %dma_wait3A_150 = tpu.memref_slice %arg11[%dma_wait3A_149] : memref<1280xi32, #tpu.memory_space<vmem>> -> memref<128xi32, #tpu.memory_space<vmem>>
    %dma_wait3A_151 = arith.constant 0 : i32
    %dma_wait3A_152 = arith.constant 0 : i32
    %dma_wait3A_153 = tpu.memref_slice %arg3[%dma_wait3A_151, %dma_wait3A_152] : memref<1007616x64xf32, #tpu.memory_space<hbm>> -> memref<1007616x64xf32, #tpu.memory_space<hbm>>
    tpu.wait_indirect_dma semaphore(%arg17 : memref<!tpu.dma_semaphore, #tpu.memory_space<semaphore_mem>>) src(%dma_wait3A_153 : memref<1007616x64xf32, #tpu.memory_space<hbm>>) dst(%dma_wait3A_148 : memref<128x64xf32, #tpu.memory_space<vmem>>)
    %dma_wait3A_154 = arith.constant 768 : i32
    %dma_wait3A_155 = arith.constant 0 : i32
    %dma_wait3A_156 = tpu.memref_slice %arg14[%dma_wait3A_154, %dma_wait3A_155] : memref<1280x64xf32, #tpu.memory_space<vmem>> -> memref<128x64xf32, #tpu.memory_space<vmem>>
    %dma_wait3A_157 = arith.constant 768 : i32
    %dma_wait3A_158 = tpu.memref_slice %arg11[%dma_wait3A_157] : memref<1280xi32, #tpu.memory_space<vmem>> -> memref<128xi32, #tpu.memory_space<vmem>>
    %dma_wait3A_159 = arith.constant 0 : i32
    %dma_wait3A_160 = arith.constant 0 : i32
    %dma_wait3A_161 = tpu.memref_slice %arg3[%dma_wait3A_159, %dma_wait3A_160] : memref<1007616x64xf32, #tpu.memory_space<hbm>> -> memref<1007616x64xf32, #tpu.memory_space<hbm>>
    tpu.wait_indirect_dma semaphore(%arg17 : memref<!tpu.dma_semaphore, #tpu.memory_space<semaphore_mem>>) src(%dma_wait3A_161 : memref<1007616x64xf32, #tpu.memory_space<hbm>>) dst(%dma_wait3A_156 : memref<128x64xf32, #tpu.memory_space<vmem>>)
    %dma_wait3A_162 = arith.constant 896 : i32
    %dma_wait3A_163 = arith.constant 0 : i32
    %dma_wait3A_164 = tpu.memref_slice %arg14[%dma_wait3A_162, %dma_wait3A_163] : memref<1280x64xf32, #tpu.memory_space<vmem>> -> memref<128x64xf32, #tpu.memory_space<vmem>>
    %dma_wait3A_165 = arith.constant 896 : i32
    %dma_wait3A_166 = tpu.memref_slice %arg11[%dma_wait3A_165] : memref<1280xi32, #tpu.memory_space<vmem>> -> memref<128xi32, #tpu.memory_space<vmem>>
    %dma_wait3A_167 = arith.constant 0 : i32
    %dma_wait3A_168 = arith.constant 0 : i32
    %dma_wait3A_169 = tpu.memref_slice %arg3[%dma_wait3A_167, %dma_wait3A_168] : memref<1007616x64xf32, #tpu.memory_space<hbm>> -> memref<1007616x64xf32, #tpu.memory_space<hbm>>
    tpu.wait_indirect_dma semaphore(%arg17 : memref<!tpu.dma_semaphore, #tpu.memory_space<semaphore_mem>>) src(%dma_wait3A_169 : memref<1007616x64xf32, #tpu.memory_space<hbm>>) dst(%dma_wait3A_164 : memref<128x64xf32, #tpu.memory_space<vmem>>)
    %dma_wait3A_170 = arith.constant 1024 : i32
    %dma_wait3A_171 = arith.constant 0 : i32
    %dma_wait3A_172 = tpu.memref_slice %arg14[%dma_wait3A_170, %dma_wait3A_171] : memref<1280x64xf32, #tpu.memory_space<vmem>> -> memref<128x64xf32, #tpu.memory_space<vmem>>
    %dma_wait3A_173 = arith.constant 1024 : i32
    %dma_wait3A_174 = tpu.memref_slice %arg11[%dma_wait3A_173] : memref<1280xi32, #tpu.memory_space<vmem>> -> memref<128xi32, #tpu.memory_space<vmem>>
    %dma_wait3A_175 = arith.constant 0 : i32
    %dma_wait3A_176 = arith.constant 0 : i32
    %dma_wait3A_177 = tpu.memref_slice %arg3[%dma_wait3A_175, %dma_wait3A_176] : memref<1007616x64xf32, #tpu.memory_space<hbm>> -> memref<1007616x64xf32, #tpu.memory_space<hbm>>
    tpu.wait_indirect_dma semaphore(%arg17 : memref<!tpu.dma_semaphore, #tpu.memory_space<semaphore_mem>>) src(%dma_wait3A_177 : memref<1007616x64xf32, #tpu.memory_space<hbm>>) dst(%dma_wait3A_172 : memref<128x64xf32, #tpu.memory_space<vmem>>)
    %dma_wait3A_178 = arith.constant 1152 : i32
    %dma_wait3A_179 = arith.constant 0 : i32
    %dma_wait3A_180 = tpu.memref_slice %arg14[%dma_wait3A_178, %dma_wait3A_179] : memref<1280x64xf32, #tpu.memory_space<vmem>> -> memref<128x64xf32, #tpu.memory_space<vmem>>
    %dma_wait3A_181 = arith.constant 1152 : i32
    %dma_wait3A_182 = tpu.memref_slice %arg11[%dma_wait3A_181] : memref<1280xi32, #tpu.memory_space<vmem>> -> memref<128xi32, #tpu.memory_space<vmem>>
    %dma_wait3A_183 = arith.constant 0 : i32
    %dma_wait3A_184 = arith.constant 0 : i32
    %dma_wait3A_185 = tpu.memref_slice %arg3[%dma_wait3A_183, %dma_wait3A_184] : memref<1007616x64xf32, #tpu.memory_space<hbm>> -> memref<1007616x64xf32, #tpu.memory_space<hbm>>
    tpu.wait_indirect_dma semaphore(%arg17 : memref<!tpu.dma_semaphore, #tpu.memory_space<semaphore_mem>>) src(%dma_wait3A_185 : memref<1007616x64xf32, #tpu.memory_space<hbm>>) dst(%dma_wait3A_180 : memref<128x64xf32, #tpu.memory_space<vmem>>)
    %scan3A_186 = arith.constant 0 : i32
    %scan3A_187 = arith.constant 8 : i32
    %scan3A_188 = arith.addi %scan3A_186, %scan3A_187 : i32
    %scan3A_189 = arith.constant 1 : i32
    scf.for %scan3A_778 = %scan3A_186 to %scan3A_188 step %scan3A_189  : i32 {
      %broadcast_in_dim3A = arith.constant 0.000000e+00 : f32
      %broadcast_in_dim3A_779 = vector.broadcast %broadcast_in_dim3A : f32 to vector<16xf32>
      %scan3A_780 = arith.constant 0 : i32
      %scan3A_781 = arith.constant 16 : i32
      %scan3A_782 = arith.addi %scan3A_780, %scan3A_781 : i32
      %scan3A_783 = arith.constant 1 : i32
      %scan3A_784:11 = scf.for %scan3A_849 = %scan3A_780 to %scan3A_782 step %scan3A_783 iter_args(%scan3A_850 = %broadcast_in_dim3A_779, %scan3A_851 = %broadcast_in_dim3A_779, %scan3A_852 = %broadcast_in_dim3A_779, %scan3A_853 = %broadcast_in_dim3A_779, %scan3A_854 = %broadcast_in_dim3A_779, %scan3A_855 = %broadcast_in_dim3A_779, %scan3A_856 = %broadcast_in_dim3A_779, %scan3A_857 = %broadcast_in_dim3A_779, %scan3A_858 = %broadcast_in_dim3A_779, %scan3A_859 = %broadcast_in_dim3A_779, %scan3A_860 = %broadcast_in_dim3A_779) -> (vector<16xf32>, vector<16xf32>, vector<16xf32>, vector<16xf32>, vector<16xf32>, vector<16xf32>, vector<16xf32>, vector<16xf32>, vector<16xf32>, vector<16xf32>, vector<16xf32>)  : i32 {
        %mul3A_861 = arith.constant 16 : i32
        %mul3A_862 = arith.muli %scan3A_778, %mul3A_861 : i32
        %add3A_863 = arith.addi %mul3A_862, %scan3A_849 : i32
        %eq3A = vector.broadcast %scan3A_849 : i32 to vector<16xi32>
        %eq3A_864 = arith.cmpi eq, %iota3A, %eq3A : vector<16xi32>
        %get3A = arith.index_cast %add3A_863 : i32 to index
        %get3A_865 = arith.constant 0 : index
        %get3A_866 = tpu.vector_load %arg12[%get3A, %get3A_865] {strides = array<i32>} : memref<128x64xf32, #tpu.memory_space<vmem>>, vector<16xf32>,
        %get3A_867 = arith.index_cast %add3A_863 : i32 to index
        %get3A_868 = arith.constant 16 : index
        %get3A_869 = tpu.vector_load %arg12[%get3A_867, %get3A_868] {strides = array<i32>} : memref<128x64xf32, #tpu.memory_space<vmem>>, vector<16xf32>,
        %get3A_870 = arith.index_cast %add3A_863 : i32 to index
        %get3A_871 = arith.constant 32 : index
        %get3A_872 = tpu.vector_load %arg12[%get3A_870, %get3A_871] {strides = array<i32>} : memref<128x64xf32, #tpu.memory_space<vmem>>, vector<16xf32>,
        %get3A_873 = arith.index_cast %add3A_863 : i32 to index
        %get3A_874 = arith.constant 48 : index
        %get3A_875 = tpu.vector_load %arg12[%get3A_873, %get3A_874] {strides = array<i32>} : memref<128x64xf32, #tpu.memory_space<vmem>>, vector<16xf32>,
        %get3A_876 = arith.index_cast %add3A_863 : i32 to index
        %get3A_877 = arith.constant 0 : index
        %get3A_878 = tpu.vector_load %arg13[%get3A_876, %get3A_877] {strides = array<i32>} : memref<128x64xf32, #tpu.memory_space<vmem>>, vector<16xf32>,
        %get3A_879 = arith.index_cast %add3A_863 : i32 to index
        %get3A_880 = arith.constant 16 : index
        %get3A_881 = tpu.vector_load %arg13[%get3A_879, %get3A_880] {strides = array<i32>} : memref<128x64xf32, #tpu.memory_space<vmem>>, vector<16xf32>,
        %get3A_882 = arith.index_cast %add3A_863 : i32 to index
        %get3A_883 = arith.constant 32 : index
        %get3A_884 = tpu.vector_load %arg13[%get3A_882, %get3A_883] {strides = array<i32>} : memref<128x64xf32, #tpu.memory_space<vmem>>, vector<16xf32>,
        %get3A_885 = arith.index_cast %add3A_863 : i32 to index
        %get3A_886 = arith.constant 48 : index
        %get3A_887 = tpu.vector_load %arg13[%get3A_885, %get3A_886] {strides = array<i32>} : memref<128x64xf32, #tpu.memory_space<vmem>>, vector<16xf32>,
        %mul3A_888 = arith.mulf %get3A_866, %get3A_878 : vector<16xf32>
        %mul3A_889 = arith.mulf %get3A_869, %get3A_881 : vector<16xf32>
        %add3A_890 = arith.addf %mul3A_888, %mul3A_889 : vector<16xf32>
        %mul3A_891 = arith.mulf %get3A_872, %get3A_884 : vector<16xf32>
        %add3A_892 = arith.addf %add3A_890, %mul3A_891 : vector<16xf32>
        %mul3A_893 = arith.mulf %get3A_875, %get3A_887 : vector<16xf32>
        %add3A_894 = arith.addf %add3A_892, %mul3A_893 : vector<16xf32>
        %reduce_sum3A = arith.constant true
        %reduce_sum3A_895 = vector.broadcast %reduce_sum3A : i1 to vector<16xi1>
        %reduce_sum3A_896 = tpu.scan <sum>, %add3A_894 masked %reduce_sum3A_895 : vector<16xf32>, vector<16xi1> -> vector<16xf32>
        %reduce_sum3A_897 = vector.extract %reduce_sum3A_896[15] : f32 from vector<16xf32>
        %broadcast_in_dim3A_898 = vector.broadcast %reduce_sum3A_897 : f32 to vector<16xf32>
        %select_n3A = arith.select %eq3A_864, %broadcast_in_dim3A_898, %scan3A_850 : vector<16xi1>, vector<16xf32>
        %mul3A_899 = arith.constant 10 : i32
        %mul3A_900 = arith.muli %add3A_863, %mul3A_899 : i32
        %add3A_901 = arith.constant 0 : i32
        %add3A_902 = arith.addi %mul3A_900, %add3A_901 : i32
        %get3A_903 = arith.index_cast %add3A_902 : i32 to index
        %get3A_904 = arith.constant 0 : index
        %get3A_905 = tpu.vector_load %arg14[%get3A_903, %get3A_904] {strides = array<i32>} : memref<1280x64xf32, #tpu.memory_space<vmem>>, vector<16xf32>,
        %mul3A_906 = arith.mulf %get3A_866, %get3A_905 : vector<16xf32>
        %get3A_907 = arith.index_cast %add3A_902 : i32 to index
        %get3A_908 = arith.constant 16 : index
        %get3A_909 = tpu.vector_load %arg14[%get3A_907, %get3A_908] {strides = array<i32>} : memref<1280x64xf32, #tpu.memory_space<vmem>>, vector<16xf32>,
        %mul3A_910 = arith.mulf %get3A_869, %get3A_909 : vector<16xf32>
        %add3A_911 = arith.addf %mul3A_906, %mul3A_910 : vector<16xf32>
        %get3A_912 = arith.index_cast %add3A_902 : i32 to index
        %get3A_913 = arith.constant 32 : index
        %get3A_914 = tpu.vector_load %arg14[%get3A_912, %get3A_913] {strides = array<i32>} : memref<1280x64xf32, #tpu.memory_space<vmem>>, vector<16xf32>,
        %mul3A_915 = arith.mulf %get3A_872, %get3A_914 : vector<16xf32>
        %add3A_916 = arith.addf %add3A_911, %mul3A_915 : vector<16xf32>
        %get3A_917 = arith.index_cast %add3A_902 : i32 to index
        %get3A_918 = arith.constant 48 : index
        %get3A_919 = tpu.vector_load %arg14[%get3A_917, %get3A_918] {strides = array<i32>} : memref<1280x64xf32, #tpu.memory_space<vmem>>, vector<16xf32>,
        %mul3A_920 = arith.mulf %get3A_875, %get3A_919 : vector<16xf32>
        %add3A_921 = arith.addf %add3A_916, %mul3A_920 : vector<16xf32>
        %reduce_sum3A_922 = arith.constant true
        %reduce_sum3A_923 = vector.broadcast %reduce_sum3A_922 : i1 to vector<16xi1>
        %reduce_sum3A_924 = tpu.scan <sum>, %add3A_921 masked %reduce_sum3A_923 : vector<16xf32>, vector<16xi1> -> vector<16xf32>
        %reduce_sum3A_925 = vector.extract %reduce_sum3A_924[15] : f32 from vector<16xf32>
        %broadcast_in_dim3A_926 = vector.broadcast %reduce_sum3A_925 : f32 to vector<16xf32>
        %select_n3A_927 = arith.select %eq3A_864, %broadcast_in_dim3A_926, %scan3A_851 : vector<16xi1>, vector<16xf32>
        %mul3A_928 = arith.constant 10 : i32
        %mul3A_929 = arith.muli %add3A_863, %mul3A_928 : i32
        %add3A_930 = arith.constant 1 : i32
        %add3A_931 = arith.addi %mul3A_929, %add3A_930 : i32
        %get3A_932 = arith.index_cast %add3A_931 : i32 to index
        %get3A_933 = arith.constant 0 : index
        %get3A_934 = tpu.vector_load %arg14[%get3A_932, %get3A_933] {strides = array<i32>} : memref<1280x64xf32, #tpu.memory_space<vmem>>, vector<16xf32>,
        %mul3A_935 = arith.mulf %get3A_866, %get3A_934 : vector<16xf32>
        %get3A_936 = arith.index_cast %add3A_931 : i32 to index
        %get3A_937 = arith.constant 16 : index
        %get3A_938 = tpu.vector_load %arg14[%get3A_936, %get3A_937] {strides = array<i32>} : memref<1280x64xf32, #tpu.memory_space<vmem>>, vector<16xf32>,
        %mul3A_939 = arith.mulf %get3A_869, %get3A_938 : vector<16xf32>
        %add3A_940 = arith.addf %mul3A_935, %mul3A_939 : vector<16xf32>
        %get3A_941 = arith.index_cast %add3A_931 : i32 to index
        %get3A_942 = arith.constant 32 : index
        %get3A_943 = tpu.vector_load %arg14[%get3A_941, %get3A_942] {strides = array<i32>} : memref<1280x64xf32, #tpu.memory_space<vmem>>, vector<16xf32>,
        %mul3A_944 = arith.mulf %get3A_872, %get3A_943 : vector<16xf32>
        %add3A_945 = arith.addf %add3A_940, %mul3A_944 : vector<16xf32>
        %get3A_946 = arith.index_cast %add3A_931 : i32 to index
        %get3A_947 = arith.constant 48 : index
        %get3A_948 = tpu.vector_load %arg14[%get3A_946, %get3A_947] {strides = array<i32>} : memref<1280x64xf32, #tpu.memory_space<vmem>>, vector<16xf32>,
        %mul3A_949 = arith.mulf %get3A_875, %get3A_948 : vector<16xf32>
        %add3A_950 = arith.addf %add3A_945, %mul3A_949 : vector<16xf32>
        %reduce_sum3A_951 = arith.constant true
        %reduce_sum3A_952 = vector.broadcast %reduce_sum3A_951 : i1 to vector<16xi1>
        %reduce_sum3A_953 = tpu.scan <sum>, %add3A_950 masked %reduce_sum3A_952 : vector<16xf32>, vector<16xi1> -> vector<16xf32>
        %reduce_sum3A_954 = vector.extract %reduce_sum3A_953[15] : f32 from vector<16xf32>
        %broadcast_in_dim3A_955 = vector.broadcast %reduce_sum3A_954 : f32 to vector<16xf32>
        %select_n3A_956 = arith.select %eq3A_864, %broadcast_in_dim3A_955, %scan3A_852 : vector<16xi1>, vector<16xf32>
        %mul3A_957 = arith.constant 10 : i32
        %mul3A_958 = arith.muli %add3A_863, %mul3A_957 : i32
        %add3A_959 = arith.constant 2 : i32
        %add3A_960 = arith.addi %mul3A_958, %add3A_959 : i32
        %get3A_961 = arith.index_cast %add3A_960 : i32 to index
        %get3A_962 = arith.constant 0 : index
        %get3A_963 = tpu.vector_load %arg14[%get3A_961, %get3A_962] {strides = array<i32>} : memref<1280x64xf32, #tpu.memory_space<vmem>>, vector<16xf32>,
        %mul3A_964 = arith.mulf %get3A_866, %get3A_963 : vector<16xf32>
        %get3A_965 = arith.index_cast %add3A_960 : i32 to index
        %get3A_966 = arith.constant 16 : index
        %get3A_967 = tpu.vector_load %arg14[%get3A_965, %get3A_966] {strides = array<i32>} : memref<1280x64xf32, #tpu.memory_space<vmem>>, vector<16xf32>,
        %mul3A_968 = arith.mulf %get3A_869, %get3A_967 : vector<16xf32>
        %add3A_969 = arith.addf %mul3A_964, %mul3A_968 : vector<16xf32>
        %get3A_970 = arith.index_cast %add3A_960 : i32 to index
        %get3A_971 = arith.constant 32 : index
        %get3A_972 = tpu.vector_load %arg14[%get3A_970, %get3A_971] {strides = array<i32>} : memref<1280x64xf32, #tpu.memory_space<vmem>>, vector<16xf32>,
        %mul3A_973 = arith.mulf %get3A_872, %get3A_972 : vector<16xf32>
        %add3A_974 = arith.addf %add3A_969, %mul3A_973 : vector<16xf32>
        %get3A_975 = arith.index_cast %add3A_960 : i32 to index
        %get3A_976 = arith.constant 48 : index
        %get3A_977 = tpu.vector_load %arg14[%get3A_975, %get3A_976] {strides = array<i32>} : memref<1280x64xf32, #tpu.memory_space<vmem>>, vector<16xf32>,
        %mul3A_978 = arith.mulf %get3A_875, %get3A_977 : vector<16xf32>
        %add3A_979 = arith.addf %add3A_974, %mul3A_978 : vector<16xf32>
        %reduce_sum3A_980 = arith.constant true
        %reduce_sum3A_981 = vector.broadcast %reduce_sum3A_980 : i1 to vector<16xi1>
        %reduce_sum3A_982 = tpu.scan <sum>, %add3A_979 masked %reduce_sum3A_981 : vector<16xf32>, vector<16xi1> -> vector<16xf32>
        %reduce_sum3A_983 = vector.extract %reduce_sum3A_982[15] : f32 from vector<16xf32>
        %broadcast_in_dim3A_984 = vector.broadcast %reduce_sum3A_983 : f32 to vector<16xf32>
        %select_n3A_985 = arith.select %eq3A_864, %broadcast_in_dim3A_984, %scan3A_853 : vector<16xi1>, vector<16xf32>
        %mul3A_986 = arith.constant 10 : i32
        %mul3A_987 = arith.muli %add3A_863, %mul3A_986 : i32
        %add3A_988 = arith.constant 3 : i32
        %add3A_989 = arith.addi %mul3A_987, %add3A_988 : i32
        %get3A_990 = arith.index_cast %add3A_989 : i32 to index
        %get3A_991 = arith.constant 0 : index
        %get3A_992 = tpu.vector_load %arg14[%get3A_990, %get3A_991] {strides = array<i32>} : memref<1280x64xf32, #tpu.memory_space<vmem>>, vector<16xf32>,
        %mul3A_993 = arith.mulf %get3A_866, %get3A_992 : vector<16xf32>
        %get3A_994 = arith.index_cast %add3A_989 : i32 to index
        %get3A_995 = arith.constant 16 : index
        %get3A_996 = tpu.vector_load %arg14[%get3A_994, %get3A_995] {strides = array<i32>} : memref<1280x64xf32, #tpu.memory_space<vmem>>, vector<16xf32>,
        %mul3A_997 = arith.mulf %get3A_869, %get3A_996 : vector<16xf32>
        %add3A_998 = arith.addf %mul3A_993, %mul3A_997 : vector<16xf32>
        %get3A_999 = arith.index_cast %add3A_989 : i32 to index
        %get3A_1000 = arith.constant 32 : index
        %get3A_1001 = tpu.vector_load %arg14[%get3A_999, %get3A_1000] {strides = array<i32>} : memref<1280x64xf32, #tpu.memory_space<vmem>>, vector<16xf32>,
        %mul3A_1002 = arith.mulf %get3A_872, %get3A_1001 : vector<16xf32>
        %add3A_1003 = arith.addf %add3A_998, %mul3A_1002 : vector<16xf32>
        %get3A_1004 = arith.index_cast %add3A_989 : i32 to index
        %get3A_1005 = arith.constant 48 : index
        %get3A_1006 = tpu.vector_load %arg14[%get3A_1004, %get3A_1005] {strides = array<i32>} : memref<1280x64xf32, #tpu.memory_space<vmem>>, vector<16xf32>,
        %mul3A_1007 = arith.mulf %get3A_875, %get3A_1006 : vector<16xf32>
        %add3A_1008 = arith.addf %add3A_1003, %mul3A_1007 : vector<16xf32>
        %reduce_sum3A_1009 = arith.constant true
        %reduce_sum3A_1010 = vector.broadcast %reduce_sum3A_1009 : i1 to vector<16xi1>
        %reduce_sum3A_1011 = tpu.scan <sum>, %add3A_1008 masked %reduce_sum3A_1010 : vector<16xf32>, vector<16xi1> -> vector<16xf32>
        %reduce_sum3A_1012 = vector.extract %reduce_sum3A_1011[15] : f32 from vector<16xf32>
        %broadcast_in_dim3A_1013 = vector.broadcast %reduce_sum3A_1012 : f32 to vector<16xf32>
        %select_n3A_1014 = arith.select %eq3A_864, %broadcast_in_dim3A_1013, %scan3A_854 : vector<16xi1>, vector<16xf32>
        %mul3A_1015 = arith.constant 10 : i32
        %mul3A_1016 = arith.muli %add3A_863, %mul3A_1015 : i32
        %add3A_1017 = arith.constant 4 : i32
        %add3A_1018 = arith.addi %mul3A_1016, %add3A_1017 : i32
        %get3A_1019 = arith.index_cast %add3A_1018 : i32 to index
        %get3A_1020 = arith.constant 0 : index
        %get3A_1021 = tpu.vector_load %arg14[%get3A_1019, %get3A_1020] {strides = array<i32>} : memref<1280x64xf32, #tpu.memory_space<vmem>>, vector<16xf32>,
        %mul3A_1022 = arith.mulf %get3A_866, %get3A_1021 : vector<16xf32>
        %get3A_1023 = arith.index_cast %add3A_1018 : i32 to index
        %get3A_1024 = arith.constant 16 : index
        %get3A_1025 = tpu.vector_load %arg14[%get3A_1023, %get3A_1024] {strides = array<i32>} : memref<1280x64xf32, #tpu.memory_space<vmem>>, vector<16xf32>,
        %mul3A_1026 = arith.mulf %get3A_869, %get3A_1025 : vector<16xf32>
        %add3A_1027 = arith.addf %mul3A_1022, %mul3A_1026 : vector<16xf32>
        %get3A_1028 = arith.index_cast %add3A_1018 : i32 to index
        %get3A_1029 = arith.constant 32 : index
        %get3A_1030 = tpu.vector_load %arg14[%get3A_1028, %get3A_1029] {strides = array<i32>} : memref<1280x64xf32, #tpu.memory_space<vmem>>, vector<16xf32>,
        %mul3A_1031 = arith.mulf %get3A_872, %get3A_1030 : vector<16xf32>
        %add3A_1032 = arith.addf %add3A_1027, %mul3A_1031 : vector<16xf32>
        %get3A_1033 = arith.index_cast %add3A_1018 : i32 to index
        %get3A_1034 = arith.constant 48 : index
        %get3A_1035 = tpu.vector_load %arg14[%get3A_1033, %get3A_1034] {strides = array<i32>} : memref<1280x64xf32, #tpu.memory_space<vmem>>, vector<16xf32>,
        %mul3A_1036 = arith.mulf %get3A_875, %get3A_1035 : vector<16xf32>
        %add3A_1037 = arith.addf %add3A_1032, %mul3A_1036 : vector<16xf32>
        %reduce_sum3A_1038 = arith.constant true
        %reduce_sum3A_1039 = vector.broadcast %reduce_sum3A_1038 : i1 to vector<16xi1>
        %reduce_sum3A_1040 = tpu.scan <sum>, %add3A_1037 masked %reduce_sum3A_1039 : vector<16xf32>, vector<16xi1> -> vector<16xf32>
        %reduce_sum3A_1041 = vector.extract %reduce_sum3A_1040[15] : f32 from vector<16xf32>
        %broadcast_in_dim3A_1042 = vector.broadcast %reduce_sum3A_1041 : f32 to vector<16xf32>
        %select_n3A_1043 = arith.select %eq3A_864, %broadcast_in_dim3A_1042, %scan3A_855 : vector<16xi1>, vector<16xf32>
        %mul3A_1044 = arith.constant 10 : i32
        %mul3A_1045 = arith.muli %add3A_863, %mul3A_1044 : i32
        %add3A_1046 = arith.constant 5 : i32
        %add3A_1047 = arith.addi %mul3A_1045, %add3A_1046 : i32
        %get3A_1048 = arith.index_cast %add3A_1047 : i32 to index
        %get3A_1049 = arith.constant 0 : index
        %get3A_1050 = tpu.vector_load %arg14[%get3A_1048, %get3A_1049] {strides = array<i32>} : memref<1280x64xf32, #tpu.memory_space<vmem>>, vector<16xf32>,
        %mul3A_1051 = arith.mulf %get3A_866, %get3A_1050 : vector<16xf32>
        %get3A_1052 = arith.index_cast %add3A_1047 : i32 to index
        %get3A_1053 = arith.constant 16 : index
        %get3A_1054 = tpu.vector_load %arg14[%get3A_1052, %get3A_1053] {strides = array<i32>} : memref<1280x64xf32, #tpu.memory_space<vmem>>, vector<16xf32>,
        %mul3A_1055 = arith.mulf %get3A_869, %get3A_1054 : vector<16xf32>
        %add3A_1056 = arith.addf %mul3A_1051, %mul3A_1055 : vector<16xf32>
        %get3A_1057 = arith.index_cast %add3A_1047 : i32 to index
        %get3A_1058 = arith.constant 32 : index
        %get3A_1059 = tpu.vector_load %arg14[%get3A_1057, %get3A_1058] {strides = array<i32>} : memref<1280x64xf32, #tpu.memory_space<vmem>>, vector<16xf32>,
        %mul3A_1060 = arith.mulf %get3A_872, %get3A_1059 : vector<16xf32>
        %add3A_1061 = arith.addf %add3A_1056, %mul3A_1060 : vector<16xf32>
        %get3A_1062 = arith.index_cast %add3A_1047 : i32 to index
        %get3A_1063 = arith.constant 48 : index
        %get3A_1064 = tpu.vector_load %arg14[%get3A_1062, %get3A_1063] {strides = array<i32>} : memref<1280x64xf32, #tpu.memory_space<vmem>>, vector<16xf32>,
        %mul3A_1065 = arith.mulf %get3A_875, %get3A_1064 : vector<16xf32>
        %add3A_1066 = arith.addf %add3A_1061, %mul3A_1065 : vector<16xf32>
        %reduce_sum3A_1067 = arith.constant true
        %reduce_sum3A_1068 = vector.broadcast %reduce_sum3A_1067 : i1 to vector<16xi1>
        %reduce_sum3A_1069 = tpu.scan <sum>, %add3A_1066 masked %reduce_sum3A_1068 : vector<16xf32>, vector<16xi1> -> vector<16xf32>
        %reduce_sum3A_1070 = vector.extract %reduce_sum3A_1069[15] : f32 from vector<16xf32>
        %broadcast_in_dim3A_1071 = vector.broadcast %reduce_sum3A_1070 : f32 to vector<16xf32>
        %select_n3A_1072 = arith.select %eq3A_864, %broadcast_in_dim3A_1071, %scan3A_856 : vector<16xi1>, vector<16xf32>
        %mul3A_1073 = arith.constant 10 : i32
        %mul3A_1074 = arith.muli %add3A_863, %mul3A_1073 : i32
        %add3A_1075 = arith.constant 6 : i32
        %add3A_1076 = arith.addi %mul3A_1074, %add3A_1075 : i32
        %get3A_1077 = arith.index_cast %add3A_1076 : i32 to index
        %get3A_1078 = arith.constant 0 : index
        %get3A_1079 = tpu.vector_load %arg14[%get3A_1077, %get3A_1078] {strides = array<i32>} : memref<1280x64xf32, #tpu.memory_space<vmem>>, vector<16xf32>,
        %mul3A_1080 = arith.mulf %get3A_866, %get3A_1079 : vector<16xf32>
        %get3A_1081 = arith.index_cast %add3A_1076 : i32 to index
        %get3A_1082 = arith.constant 16 : index
        %get3A_1083 = tpu.vector_load %arg14[%get3A_1081, %get3A_1082] {strides = array<i32>} : memref<1280x64xf32, #tpu.memory_space<vmem>>, vector<16xf32>,
        %mul3A_1084 = arith.mulf %get3A_869, %get3A_1083 : vector<16xf32>
        %add3A_1085 = arith.addf %mul3A_1080, %mul3A_1084 : vector<16xf32>
        %get3A_1086 = arith.index_cast %add3A_1076 : i32 to index
        %get3A_1087 = arith.constant 32 : index
        %get3A_1088 = tpu.vector_load %arg14[%get3A_1086, %get3A_1087] {strides = array<i32>} : memref<1280x64xf32, #tpu.memory_space<vmem>>, vector<16xf32>,
        %mul3A_1089 = arith.mulf %get3A_872, %get3A_1088 : vector<16xf32>
        %add3A_1090 = arith.addf %add3A_1085, %mul3A_1089 : vector<16xf32>
        %get3A_1091 = arith.index_cast %add3A_1076 : i32 to index
        %get3A_1092 = arith.constant 48 : index
        %get3A_1093 = tpu.vector_load %arg14[%get3A_1091, %get3A_1092] {strides = array<i32>} : memref<1280x64xf32, #tpu.memory_space<vmem>>, vector<16xf32>,
        %mul3A_1094 = arith.mulf %get3A_875, %get3A_1093 : vector<16xf32>
        %add3A_1095 = arith.addf %add3A_1090, %mul3A_1094 : vector<16xf32>
        %reduce_sum3A_1096 = arith.constant true
        %reduce_sum3A_1097 = vector.broadcast %reduce_sum3A_1096 : i1 to vector<16xi1>
        %reduce_sum3A_1098 = tpu.scan <sum>, %add3A_1095 masked %reduce_sum3A_1097 : vector<16xf32>, vector<16xi1> -> vector<16xf32>
        %reduce_sum3A_1099 = vector.extract %reduce_sum3A_1098[15] : f32 from vector<16xf32>
        %broadcast_in_dim3A_1100 = vector.broadcast %reduce_sum3A_1099 : f32 to vector<16xf32>
        %select_n3A_1101 = arith.select %eq3A_864, %broadcast_in_dim3A_1100, %scan3A_857 : vector<16xi1>, vector<16xf32>
        %mul3A_1102 = arith.constant 10 : i32
        %mul3A_1103 = arith.muli %add3A_863, %mul3A_1102 : i32
        %add3A_1104 = arith.constant 7 : i32
        %add3A_1105 = arith.addi %mul3A_1103, %add3A_1104 : i32
        %get3A_1106 = arith.index_cast %add3A_1105 : i32 to index
        %get3A_1107 = arith.constant 0 : index
        %get3A_1108 = tpu.vector_load %arg14[%get3A_1106, %get3A_1107] {strides = array<i32>} : memref<1280x64xf32, #tpu.memory_space<vmem>>, vector<16xf32>,
        %mul3A_1109 = arith.mulf %get3A_866, %get3A_1108 : vector<16xf32>
        %get3A_1110 = arith.index_cast %add3A_1105 : i32 to index
        %get3A_1111 = arith.constant 16 : index
        %get3A_1112 = tpu.vector_load %arg14[%get3A_1110, %get3A_1111] {strides = array<i32>} : memref<1280x64xf32, #tpu.memory_space<vmem>>, vector<16xf32>,
        %mul3A_1113 = arith.mulf %get3A_869, %get3A_1112 : vector<16xf32>
        %add3A_1114 = arith.addf %mul3A_1109, %mul3A_1113 : vector<16xf32>
        %get3A_1115 = arith.index_cast %add3A_1105 : i32 to index
        %get3A_1116 = arith.constant 32 : index
        %get3A_1117 = tpu.vector_load %arg14[%get3A_1115, %get3A_1116] {strides = array<i32>} : memref<1280x64xf32, #tpu.memory_space<vmem>>, vector<16xf32>,
        %mul3A_1118 = arith.mulf %get3A_872, %get3A_1117 : vector<16xf32>
        %add3A_1119 = arith.addf %add3A_1114, %mul3A_1118 : vector<16xf32>
        %get3A_1120 = arith.index_cast %add3A_1105 : i32 to index
        %get3A_1121 = arith.constant 48 : index
        %get3A_1122 = tpu.vector_load %arg14[%get3A_1120, %get3A_1121] {strides = array<i32>} : memref<1280x64xf32, #tpu.memory_space<vmem>>, vector<16xf32>,
        %mul3A_1123 = arith.mulf %get3A_875, %get3A_1122 : vector<16xf32>
        %add3A_1124 = arith.addf %add3A_1119, %mul3A_1123 : vector<16xf32>
        %reduce_sum3A_1125 = arith.constant true
        %reduce_sum3A_1126 = vector.broadcast %reduce_sum3A_1125 : i1 to vector<16xi1>
        %reduce_sum3A_1127 = tpu.scan <sum>, %add3A_1124 masked %reduce_sum3A_1126 : vector<16xf32>, vector<16xi1> -> vector<16xf32>
        %reduce_sum3A_1128 = vector.extract %reduce_sum3A_1127[15] : f32 from vector<16xf32>
        %broadcast_in_dim3A_1129 = vector.broadcast %reduce_sum3A_1128 : f32 to vector<16xf32>
        %select_n3A_1130 = arith.select %eq3A_864, %broadcast_in_dim3A_1129, %scan3A_858 : vector<16xi1>, vector<16xf32>
        %mul3A_1131 = arith.constant 10 : i32
        %mul3A_1132 = arith.muli %add3A_863, %mul3A_1131 : i32
        %add3A_1133 = arith.constant 8 : i32
        %add3A_1134 = arith.addi %mul3A_1132, %add3A_1133 : i32
        %get3A_1135 = arith.index_cast %add3A_1134 : i32 to index
        %get3A_1136 = arith.constant 0 : index
        %get3A_1137 = tpu.vector_load %arg14[%get3A_1135, %get3A_1136] {strides = array<i32>} : memref<1280x64xf32, #tpu.memory_space<vmem>>, vector<16xf32>,
        %mul3A_1138 = arith.mulf %get3A_866, %get3A_1137 : vector<16xf32>
        %get3A_1139 = arith.index_cast %add3A_1134 : i32 to index
        %get3A_1140 = arith.constant 16 : index
        %get3A_1141 = tpu.vector_load %arg14[%get3A_1139, %get3A_1140] {strides = array<i32>} : memref<1280x64xf32, #tpu.memory_space<vmem>>, vector<16xf32>,
        %mul3A_1142 = arith.mulf %get3A_869, %get3A_1141 : vector<16xf32>
        %add3A_1143 = arith.addf %mul3A_1138, %mul3A_1142 : vector<16xf32>
        %get3A_1144 = arith.index_cast %add3A_1134 : i32 to index
        %get3A_1145 = arith.constant 32 : index
        %get3A_1146 = tpu.vector_load %arg14[%get3A_1144, %get3A_1145] {strides = array<i32>} : memref<1280x64xf32, #tpu.memory_space<vmem>>, vector<16xf32>,
        %mul3A_1147 = arith.mulf %get3A_872, %get3A_1146 : vector<16xf32>
        %add3A_1148 = arith.addf %add3A_1143, %mul3A_1147 : vector<16xf32>
        %get3A_1149 = arith.index_cast %add3A_1134 : i32 to index
        %get3A_1150 = arith.constant 48 : index
        %get3A_1151 = tpu.vector_load %arg14[%get3A_1149, %get3A_1150] {strides = array<i32>} : memref<1280x64xf32, #tpu.memory_space<vmem>>, vector<16xf32>,
        %mul3A_1152 = arith.mulf %get3A_875, %get3A_1151 : vector<16xf32>
        %add3A_1153 = arith.addf %add3A_1148, %mul3A_1152 : vector<16xf32>
        %reduce_sum3A_1154 = arith.constant true
        %reduce_sum3A_1155 = vector.broadcast %reduce_sum3A_1154 : i1 to vector<16xi1>
        %reduce_sum3A_1156 = tpu.scan <sum>, %add3A_1153 masked %reduce_sum3A_1155 : vector<16xf32>, vector<16xi1> -> vector<16xf32>
        %reduce_sum3A_1157 = vector.extract %reduce_sum3A_1156[15] : f32 from vector<16xf32>
        %broadcast_in_dim3A_1158 = vector.broadcast %reduce_sum3A_1157 : f32 to vector<16xf32>
        %select_n3A_1159 = arith.select %eq3A_864, %broadcast_in_dim3A_1158, %scan3A_859 : vector<16xi1>, vector<16xf32>
        %mul3A_1160 = arith.constant 10 : i32
        %mul3A_1161 = arith.muli %add3A_863, %mul3A_1160 : i32
        %add3A_1162 = arith.constant 9 : i32
        %add3A_1163 = arith.addi %mul3A_1161, %add3A_1162 : i32
        %get3A_1164 = arith.index_cast %add3A_1163 : i32 to index
        %get3A_1165 = arith.constant 0 : index
        %get3A_1166 = tpu.vector_load %arg14[%get3A_1164, %get3A_1165] {strides = array<i32>} : memref<1280x64xf32, #tpu.memory_space<vmem>>, vector<16xf32>,
        %mul3A_1167 = arith.mulf %get3A_866, %get3A_1166 : vector<16xf32>
        %get3A_1168 = arith.index_cast %add3A_1163 : i32 to index
        %get3A_1169 = arith.constant 16 : index
        %get3A_1170 = tpu.vector_load %arg14[%get3A_1168, %get3A_1169] {strides = array<i32>} : memref<1280x64xf32, #tpu.memory_space<vmem>>, vector<16xf32>,
        %mul3A_1171 = arith.mulf %get3A_869, %get3A_1170 : vector<16xf32>
        %add3A_1172 = arith.addf %mul3A_1167, %mul3A_1171 : vector<16xf32>
        %get3A_1173 = arith.index_cast %add3A_1163 : i32 to index
        %get3A_1174 = arith.constant 32 : index
        %get3A_1175 = tpu.vector_load %arg14[%get3A_1173, %get3A_1174] {strides = array<i32>} : memref<1280x64xf32, #tpu.memory_space<vmem>>, vector<16xf32>,
        %mul3A_1176 = arith.mulf %get3A_872, %get3A_1175 : vector<16xf32>
        %add3A_1177 = arith.addf %add3A_1172, %mul3A_1176 : vector<16xf32>
        %get3A_1178 = arith.index_cast %add3A_1163 : i32 to index
        %get3A_1179 = arith.constant 48 : index
        %get3A_1180 = tpu.vector_load %arg14[%get3A_1178, %get3A_1179] {strides = array<i32>} : memref<1280x64xf32, #tpu.memory_space<vmem>>, vector<16xf32>,
        %mul3A_1181 = arith.mulf %get3A_875, %get3A_1180 : vector<16xf32>
        %add3A_1182 = arith.addf %add3A_1177, %mul3A_1181 : vector<16xf32>
        %reduce_sum3A_1183 = arith.constant true
        %reduce_sum3A_1184 = vector.broadcast %reduce_sum3A_1183 : i1 to vector<16xi1>
        %reduce_sum3A_1185 = tpu.scan <sum>, %add3A_1182 masked %reduce_sum3A_1184 : vector<16xf32>, vector<16xi1> -> vector<16xf32>
        %reduce_sum3A_1186 = vector.extract %reduce_sum3A_1185[15] : f32 from vector<16xf32>
        %broadcast_in_dim3A_1187 = vector.broadcast %reduce_sum3A_1186 : f32 to vector<16xf32>
        %select_n3A_1188 = arith.select %eq3A_864, %broadcast_in_dim3A_1187, %scan3A_860 : vector<16xi1>, vector<16xf32>
        scf.yield %select_n3A, %select_n3A_927, %select_n3A_956, %select_n3A_985, %select_n3A_1014, %select_n3A_1043, %select_n3A_1072, %select_n3A_1101, %select_n3A_1130, %select_n3A_1159, %select_n3A_1188 : vector<16xf32>, vector<16xf32>, vector<16xf32>, vector<16xf32>, vector<16xf32>, vector<16xf32>, vector<16xf32>, vector<16xf32>, vector<16xf32>, vector<16xf32>, vector<16xf32>
      }
      %scan3A_785 = arith.constant 16 : i32
      %mul3A_786 = arith.constant 16 : i32
      %mul3A_787 = arith.muli %scan3A_778, %mul3A_786 : i32
      %swap3A = arith.index_cast %mul3A_787 : i32 to index
      %swap3A_788 = tpu.vector_load %arg15[%swap3A] {strides = array<i32>} : memref<128xf32, #tpu.memory_space<vmem>>, vector<16xf32>,
      tpu.vector_store %arg15[%swap3A], %scan3A_784#0 {strides = array<i32>} : memref<128xf32, #tpu.memory_space<vmem>>, vector<16xf32>,
      %mul3A_789 = arith.constant 16 : i32
      %mul3A_790 = arith.muli %scan3A_778, %mul3A_789 : i32
      %add3A_791 = arith.constant 0 : i32
      %add3A_792 = arith.addi %add3A_791, %mul3A_790 : i32
      %swap3A_793 = arith.index_cast %add3A_792 : i32 to index
      %swap3A_794 = tpu.vector_load %arg16[%swap3A_793] {strides = array<i32>} : memref<1280xf32, #tpu.memory_space<vmem>>, vector<16xf32>,
      tpu.vector_store %arg16[%swap3A_793], %scan3A_784#1 {strides = array<i32>} : memref<1280xf32, #tpu.memory_space<vmem>>, vector<16xf32>,
      %mul3A_795 = arith.constant 16 : i32
      %mul3A_796 = arith.muli %scan3A_778, %mul3A_795 : i32
      %add3A_797 = arith.constant 128 : i32
      %add3A_798 = arith.addi %add3A_797, %mul3A_796 : i32
      %swap3A_799 = arith.index_cast %add3A_798 : i32 to index
      %swap3A_800 = tpu.vector_load %arg16[%swap3A_799] {strides = array<i32>} : memref<1280xf32, #tpu.memory_space<vmem>>, vector<16xf32>,
      tpu.vector_store %arg16[%swap3A_799], %scan3A_784#2 {strides = array<i32>} : memref<1280xf32, #tpu.memory_space<vmem>>, vector<16xf32>,
      %mul3A_801 = arith.constant 16 : i32
      %mul3A_802 = arith.muli %scan3A_778, %mul3A_801 : i32
      %add3A_803 = arith.constant 256 : i32
      %add3A_804 = arith.addi %add3A_803, %mul3A_802 : i32
      %swap3A_805 = arith.index_cast %add3A_804 : i32 to index
      %swap3A_806 = tpu.vector_load %arg16[%swap3A_805] {strides = array<i32>} : memref<1280xf32, #tpu.memory_space<vmem>>, vector<16xf32>,
      tpu.vector_store %arg16[%swap3A_805], %scan3A_784#3 {strides = array<i32>} : memref<1280xf32, #tpu.memory_space<vmem>>, vector<16xf32>,
      %mul3A_807 = arith.constant 16 : i32
      %mul3A_808 = arith.muli %scan3A_778, %mul3A_807 : i32
      %add3A_809 = arith.constant 384 : i32
      %add3A_810 = arith.addi %add3A_809, %mul3A_808 : i32
      %swap3A_811 = arith.index_cast %add3A_810 : i32 to index
      %swap3A_812 = tpu.vector_load %arg16[%swap3A_811] {strides = array<i32>} : memref<1280xf32, #tpu.memory_space<vmem>>, vector<16xf32>,
      tpu.vector_store %arg16[%swap3A_811], %scan3A_784#4 {strides = array<i32>} : memref<1280xf32, #tpu.memory_space<vmem>>, vector<16xf32>,
      %mul3A_813 = arith.constant 16 : i32
      %mul3A_814 = arith.muli %scan3A_778, %mul3A_813 : i32
      %add3A_815 = arith.constant 512 : i32
      %add3A_816 = arith.addi %add3A_815, %mul3A_814 : i32
      %swap3A_817 = arith.index_cast %add3A_816 : i32 to index
      %swap3A_818 = tpu.vector_load %arg16[%swap3A_817] {strides = array<i32>} : memref<1280xf32, #tpu.memory_space<vmem>>, vector<16xf32>,
      tpu.vector_store %arg16[%swap3A_817], %scan3A_784#5 {strides = array<i32>} : memref<1280xf32, #tpu.memory_space<vmem>>, vector<16xf32>,
      %mul3A_819 = arith.constant 16 : i32
      %mul3A_820 = arith.muli %scan3A_778, %mul3A_819 : i32
      %add3A_821 = arith.constant 640 : i32
      %add3A_822 = arith.addi %add3A_821, %mul3A_820 : i32
      %swap3A_823 = arith.index_cast %add3A_822 : i32 to index
      %swap3A_824 = tpu.vector_load %arg16[%swap3A_823] {strides = array<i32>} : memref<1280xf32, #tpu.memory_space<vmem>>, vector<16xf32>,
      tpu.vector_store %arg16[%swap3A_823], %scan3A_784#6 {strides = array<i32>} : memref<1280xf32, #tpu.memory_space<vmem>>, vector<16xf32>,
      %mul3A_825 = arith.constant 16 : i32
      %mul3A_826 = arith.muli %scan3A_778, %mul3A_825 : i32
      %add3A_827 = arith.constant 768 : i32
      %add3A_828 = arith.addi %add3A_827, %mul3A_826 : i32
      %swap3A_829 = arith.index_cast %add3A_828 : i32 to index
      %swap3A_830 = tpu.vector_load %arg16[%swap3A_829] {strides = array<i32>} : memref<1280xf32, #tpu.memory_space<vmem>>, vector<16xf32>,
      tpu.vector_store %arg16[%swap3A_829], %scan3A_784#7 {strides = array<i32>} : memref<1280xf32, #tpu.memory_space<vmem>>, vector<16xf32>,
      %mul3A_831 = arith.constant 16 : i32
      %mul3A_832 = arith.muli %scan3A_778, %mul3A_831 : i32
      %add3A_833 = arith.constant 896 : i32
      %add3A_834 = arith.addi %add3A_833, %mul3A_832 : i32
      %swap3A_835 = arith.index_cast %add3A_834 : i32 to index
      %swap3A_836 = tpu.vector_load %arg16[%swap3A_835] {strides = array<i32>} : memref<1280xf32, #tpu.memory_space<vmem>>, vector<16xf32>,
      tpu.vector_store %arg16[%swap3A_835], %scan3A_784#8 {strides = array<i32>} : memref<1280xf32, #tpu.memory_space<vmem>>, vector<16xf32>,
      %mul3A_837 = arith.constant 16 : i32
      %mul3A_838 = arith.muli %scan3A_778, %mul3A_837 : i32
      %add3A_839 = arith.constant 1024 : i32
      %add3A_840 = arith.addi %add3A_839, %mul3A_838 : i32
      %swap3A_841 = arith.index_cast %add3A_840 : i32 to index
      %swap3A_842 = tpu.vector_load %arg16[%swap3A_841] {strides = array<i32>} : memref<1280xf32, #tpu.memory_space<vmem>>, vector<16xf32>,
      tpu.vector_store %arg16[%swap3A_841], %scan3A_784#9 {strides = array<i32>} : memref<1280xf32, #tpu.memory_space<vmem>>, vector<16xf32>,
      %mul3A_843 = arith.constant 16 : i32
      %mul3A_844 = arith.muli %scan3A_778, %mul3A_843 : i32
      %add3A_845 = arith.constant 1152 : i32
      %add3A_846 = arith.addi %add3A_845, %mul3A_844 : i32
      %swap3A_847 = arith.index_cast %add3A_846 : i32 to index
      %swap3A_848 = tpu.vector_load %arg16[%swap3A_847] {strides = array<i32>} : memref<1280xf32, #tpu.memory_space<vmem>>, vector<16xf32>,
      tpu.vector_store %arg16[%swap3A_847], %scan3A_784#10 {strides = array<i32>} : memref<1280xf32, #tpu.memory_space<vmem>>, vector<16xf32>,
    }
    %scan3A_190 = arith.constant 8 : i32
    "tpu.region"() ({
      %run_scoped3A = tpu.sem_alloc : memref<!tpu.dma_semaphore, #tpu.memory_space<semaphore_mem>>
      %dma_start3A_778 = tpu.memref_slice %arg7[%add3A_4] : memref<16384xf32, #tpu.memory_space<hbm>> -> memref<128xf32, #tpu.memory_space<hbm>>
      %dma_start3A_779 = tpu.memref_slice %arg7[%add3A_4] : memref<16384xf32, #tpu.memory_space<hbm>> -> memref<128xf32, #tpu.memory_space<hbm>>
      tpu.enqueue_dma source(%arg15 : memref<128xf32, #tpu.memory_space<vmem>>) target(%dma_start3A_779 : memref<128xf32, #tpu.memory_space<hbm>>) target_semaphore(%run_scoped3A : memref<!tpu.dma_semaphore, #tpu.memory_space<semaphore_mem>>)
      %dma_wait3A_780 = tpu.memref_slice %arg7[%add3A_4] : memref<16384xf32, #tpu.memory_space<hbm>> -> memref<128xf32, #tpu.memory_space<hbm>>
      %dma_wait3A_781 = tpu.memref_slice %arg7[%add3A_4] : memref<16384xf32, #tpu.memory_space<hbm>> -> memref<128xf32, #tpu.memory_space<hbm>>
      tpu.wait_dma2 semaphore(%run_scoped3A : memref<!tpu.dma_semaphore, #tpu.memory_space<semaphore_mem>>) src(%arg15 : memref<128xf32, #tpu.memory_space<vmem>>) dst(%dma_wait3A_781 : memref<128xf32, #tpu.memory_space<hbm>>)
      tpu.yield
    }) : () -> ()
    %mul3A_191 = arith.constant 10 : i32
    %mul3A_192 = arith.muli %add3A_4, %mul3A_191 : i32
    "tpu.region"() ({
      %run_scoped3A = tpu.sem_alloc : memref<!tpu.dma_semaphore, #tpu.memory_space<semaphore_mem>>
      %dma_start3A_778 = tpu.memref_slice %arg8[%mul3A_192] : memref<163840xf32, #tpu.memory_space<hbm>> -> memref<1280xf32, #tpu.memory_space<hbm>>
      %dma_start3A_779 = tpu.memref_slice %arg8[%mul3A_192] : memref<163840xf32, #tpu.memory_space<hbm>> -> memref<1280xf32, #tpu.memory_space<hbm>>
      tpu.enqueue_dma source(%arg16 : memref<1280xf32, #tpu.memory_space<vmem>>) target(%dma_start3A_779 : memref<1280xf32, #tpu.memory_space<hbm>>) target_semaphore(%run_scoped3A : memref<!tpu.dma_semaphore, #tpu.memory_space<semaphore_mem>>)
      %dma_wait3A_780 = tpu.memref_slice %arg8[%mul3A_192] : memref<163840xf32, #tpu.memory_space<hbm>> -> memref<1280xf32, #tpu.memory_space<hbm>>
      %dma_wait3A_781 = tpu.memref_slice %arg8[%mul3A_192] : memref<163840xf32, #tpu.memory_space<hbm>> -> memref<1280xf32, #tpu.memory_space<hbm>>
      tpu.wait_dma2 semaphore(%run_scoped3A : memref<!tpu.dma_semaphore, #tpu.memory_space<semaphore_mem>>) src(%arg16 : memref<1280xf32, #tpu.memory_space<vmem>>) dst(%dma_wait3A_781 : memref<1280xf32, #tpu.memory_space<hbm>>)
      tpu.yield
    }) : () -> ()
    %mul3A_193 = arith.constant 512 : i32
    %mul3A_194 = arith.muli %add3A, %mul3A_193 : i32
    %add3A_195 = arith.constant 128 : i32
    %add3A_196 = arith.addi %mul3A_194, %add3A_195 : i32
    "tpu.region"() ({
      %run_scoped3A = tpu.sem_alloc : memref<!tpu.dma_semaphore, #tpu.memory_space<semaphore_mem>>
      %dma_start3A_778 = tpu.memref_slice %arg4[%add3A_196] : memref<16384xi32, #tpu.memory_space<hbm>> -> memref<128xi32, #tpu.memory_space<hbm>>
      %dma_start3A_779 = tpu.memref_slice %arg4[%add3A_196] : memref<16384xi32, #tpu.memory_space<hbm>> -> memref<128xi32, #tpu.memory_space<hbm>>
      tpu.enqueue_dma source(%dma_start3A_779 : memref<128xi32, #tpu.memory_space<hbm>>) target(%arg9 : memref<128xi32, #tpu.memory_space<vmem>>) target_semaphore(%run_scoped3A : memref<!tpu.dma_semaphore, #tpu.memory_space<semaphore_mem>>)
      %dma_wait3A_780 = tpu.memref_slice %arg4[%add3A_196] : memref<16384xi32, #tpu.memory_space<hbm>> -> memref<128xi32, #tpu.memory_space<hbm>>
      %dma_wait3A_781 = tpu.memref_slice %arg4[%add3A_196] : memref<16384xi32, #tpu.memory_space<hbm>> -> memref<128xi32, #tpu.memory_space<hbm>>
      tpu.wait_dma2 semaphore(%run_scoped3A : memref<!tpu.dma_semaphore, #tpu.memory_space<semaphore_mem>>) src(%dma_wait3A_781 : memref<128xi32, #tpu.memory_space<hbm>>) dst(%arg9 : memref<128xi32, #tpu.memory_space<vmem>>)
      tpu.yield
    }) : () -> ()
    "tpu.region"() ({
      %run_scoped3A = tpu.sem_alloc : memref<!tpu.dma_semaphore, #tpu.memory_space<semaphore_mem>>
      %dma_start3A_778 = tpu.memref_slice %arg5[%add3A_196] : memref<16384xi32, #tpu.memory_space<hbm>> -> memref<128xi32, #tpu.memory_space<hbm>>
      %dma_start3A_779 = tpu.memref_slice %arg5[%add3A_196] : memref<16384xi32, #tpu.memory_space<hbm>> -> memref<128xi32, #tpu.memory_space<hbm>>
      tpu.enqueue_dma source(%dma_start3A_779 : memref<128xi32, #tpu.memory_space<hbm>>) target(%arg10 : memref<128xi32, #tpu.memory_space<vmem>>) target_semaphore(%run_scoped3A : memref<!tpu.dma_semaphore, #tpu.memory_space<semaphore_mem>>)
      %dma_wait3A_780 = tpu.memref_slice %arg5[%add3A_196] : memref<16384xi32, #tpu.memory_space<hbm>> -> memref<128xi32, #tpu.memory_space<hbm>>
      %dma_wait3A_781 = tpu.memref_slice %arg5[%add3A_196] : memref<16384xi32, #tpu.memory_space<hbm>> -> memref<128xi32, #tpu.memory_space<hbm>>
      tpu.wait_dma2 semaphore(%run_scoped3A : memref<!tpu.dma_semaphore, #tpu.memory_space<semaphore_mem>>) src(%dma_wait3A_781 : memref<128xi32, #tpu.memory_space<hbm>>) dst(%arg10 : memref<128xi32, #tpu.memory_space<vmem>>)
      tpu.yield
    }) : () -> ()
    %mul3A_197 = arith.constant 10 : i32
    %mul3A_198 = arith.muli %add3A_196, %mul3A_197 : i32
    "tpu.region"() ({
      %run_scoped3A = tpu.sem_alloc : memref<!tpu.dma_semaphore, #tpu.memory_space<semaphore_mem>>
      %dma_start3A_778 = tpu.memref_slice %arg6[%mul3A_198] : memref<163840xi32, #tpu.memory_space<hbm>> -> memref<1280xi32, #tpu.memory_space<hbm>>
      %dma_start3A_779 = tpu.memref_slice %arg6[%mul3A_198] : memref<163840xi32, #tpu.memory_space<hbm>> -> memref<1280xi32, #tpu.memory_space<hbm>>
      tpu.enqueue_dma source(%dma_start3A_779 : memref<1280xi32, #tpu.memory_space<hbm>>) target(%arg11 : memref<1280xi32, #tpu.memory_space<vmem>>) target_semaphore(%run_scoped3A : memref<!tpu.dma_semaphore, #tpu.memory_space<semaphore_mem>>)
      %dma_wait3A_780 = tpu.memref_slice %arg6[%mul3A_198] : memref<163840xi32, #tpu.memory_space<hbm>> -> memref<1280xi32, #tpu.memory_space<hbm>>
      %dma_wait3A_781 = tpu.memref_slice %arg6[%mul3A_198] : memref<163840xi32, #tpu.memory_space<hbm>> -> memref<1280xi32, #tpu.memory_space<hbm>>
      tpu.wait_dma2 semaphore(%run_scoped3A : memref<!tpu.dma_semaphore, #tpu.memory_space<semaphore_mem>>) src(%dma_wait3A_781 : memref<1280xi32, #tpu.memory_space<hbm>>) dst(%arg11 : memref<1280xi32, #tpu.memory_space<vmem>>)
      tpu.yield
    }) : () -> ()
    %scan3A_199 = arith.constant 0 : i32
    %scan3A_200 = arith.constant 8 : i32
    %scan3A_201 = arith.addi %scan3A_199, %scan3A_200 : i32
    %scan3A_202 = arith.constant 1 : i32
    scf.for %scan3A_778 = %scan3A_199 to %scan3A_201 step %scan3A_202  : i32 {
      %mul3A_779 = arith.constant 16 : i32
      %mul3A_780 = arith.muli %scan3A_778, %mul3A_779 : i32
      %get3A = arith.index_cast %mul3A_780 : i32 to index
      %get3A_781 = tpu.vector_load %arg9[%get3A] {strides = array<i32>} : memref<128xi32, #tpu.memory_space<vmem>>, vector<16xi32>,
      %and3A = arith.constant -8192 : i32
      %and3A_782 = vector.broadcast %and3A : i32 to vector<16xi32>
      %and3A_783 = arith.andi %get3A_781, %and3A_782 : vector<16xi32>
      %and3A_784 = arith.constant 4095 : i32
      %and3A_785 = vector.broadcast %and3A_784 : i32 to vector<16xi32>
      %and3A_786 = arith.andi %get3A_781, %and3A_785 : vector<16xi32>
      %shift_left3A = arith.constant 1 : i32
      %shift_left3A_787 = vector.broadcast %shift_left3A : i32 to vector<16xi32>
      %shift_left3A_788 = arith.shli %and3A_786, %shift_left3A_787 : vector<16xi32>
      %add3A_789 = arith.addi %and3A_783, %shift_left3A_788 : vector<16xi32>
      %shift_right_arithmetic3A = arith.constant 12 : i32
      %shift_right_arithmetic3A_790 = vector.broadcast %shift_right_arithmetic3A : i32 to vector<16xi32>
      %shift_right_arithmetic3A_791 = arith.shrsi %get3A_781, %shift_right_arithmetic3A_790 : vector<16xi32>
      %and3A_792 = arith.constant 1 : i32
      %and3A_793 = vector.broadcast %and3A_792 : i32 to vector<16xi32>
      %and3A_794 = arith.andi %shift_right_arithmetic3A_791, %and3A_793 : vector<16xi32>
      %add3A_795 = arith.addi %add3A_789, %and3A_794 : vector<16xi32>
      %swap3A = arith.index_cast %mul3A_780 : i32 to index
      %swap3A_796 = tpu.vector_load %arg9[%swap3A] {strides = array<i32>} : memref<128xi32, #tpu.memory_space<vmem>>, vector<16xi32>,
      tpu.vector_store %arg9[%swap3A], %add3A_795 {strides = array<i32>} : memref<128xi32, #tpu.memory_space<vmem>>, vector<16xi32>,
      %get3A_797 = arith.index_cast %mul3A_780 : i32 to index
      %get3A_798 = tpu.vector_load %arg10[%get3A_797] {strides = array<i32>} : memref<128xi32, #tpu.memory_space<vmem>>, vector<16xi32>,
      %and3A_799 = arith.constant -8192 : i32
      %and3A_800 = vector.broadcast %and3A_799 : i32 to vector<16xi32>
      %and3A_801 = arith.andi %get3A_798, %and3A_800 : vector<16xi32>
      %and3A_802 = arith.constant 4095 : i32
      %and3A_803 = vector.broadcast %and3A_802 : i32 to vector<16xi32>
      %and3A_804 = arith.andi %get3A_798, %and3A_803 : vector<16xi32>
      %shift_left3A_805 = arith.constant 1 : i32
      %shift_left3A_806 = vector.broadcast %shift_left3A_805 : i32 to vector<16xi32>
      %shift_left3A_807 = arith.shli %and3A_804, %shift_left3A_806 : vector<16xi32>
      %add3A_808 = arith.addi %and3A_801, %shift_left3A_807 : vector<16xi32>
      %shift_right_arithmetic3A_809 = arith.constant 12 : i32
      %shift_right_arithmetic3A_810 = vector.broadcast %shift_right_arithmetic3A_809 : i32 to vector<16xi32>
      %shift_right_arithmetic3A_811 = arith.shrsi %get3A_798, %shift_right_arithmetic3A_810 : vector<16xi32>
      %and3A_812 = arith.constant 1 : i32
      %and3A_813 = vector.broadcast %and3A_812 : i32 to vector<16xi32>
      %and3A_814 = arith.andi %shift_right_arithmetic3A_811, %and3A_813 : vector<16xi32>
      %add3A_815 = arith.addi %add3A_808, %and3A_814 : vector<16xi32>
      %swap3A_816 = arith.index_cast %mul3A_780 : i32 to index
      %swap3A_817 = tpu.vector_load %arg10[%swap3A_816] {strides = array<i32>} : memref<128xi32, #tpu.memory_space<vmem>>, vector<16xi32>,
      tpu.vector_store %arg10[%swap3A_816], %add3A_815 {strides = array<i32>} : memref<128xi32, #tpu.memory_space<vmem>>, vector<16xi32>,
    }
    %scan3A_203 = arith.constant 8 : i32
    %scan3A_204 = arith.constant 0 : i32
    %scan3A_205 = arith.constant 80 : i32
    %scan3A_206 = arith.addi %scan3A_204, %scan3A_205 : i32
    %scan3A_207 = arith.constant 1 : i32
    scf.for %scan3A_778 = %scan3A_204 to %scan3A_206 step %scan3A_207  : i32 {
      %mul3A_779 = arith.constant 16 : i32
      %mul3A_780 = arith.muli %scan3A_778, %mul3A_779 : i32
      %get3A = arith.index_cast %mul3A_780 : i32 to index
      %get3A_781 = tpu.vector_load %arg11[%get3A] {strides = array<i32>} : memref<1280xi32, #tpu.memory_space<vmem>>, vector<16xi32>,
      %and3A = arith.constant -8192 : i32
      %and3A_782 = vector.broadcast %and3A : i32 to vector<16xi32>
      %and3A_783 = arith.andi %get3A_781, %and3A_782 : vector<16xi32>
      %and3A_784 = arith.constant 4095 : i32
      %and3A_785 = vector.broadcast %and3A_784 : i32 to vector<16xi32>
      %and3A_786 = arith.andi %get3A_781, %and3A_785 : vector<16xi32>
      %shift_left3A = arith.constant 1 : i32
      %shift_left3A_787 = vector.broadcast %shift_left3A : i32 to vector<16xi32>
      %shift_left3A_788 = arith.shli %and3A_786, %shift_left3A_787 : vector<16xi32>
      %add3A_789 = arith.addi %and3A_783, %shift_left3A_788 : vector<16xi32>
      %shift_right_arithmetic3A = arith.constant 12 : i32
      %shift_right_arithmetic3A_790 = vector.broadcast %shift_right_arithmetic3A : i32 to vector<16xi32>
      %shift_right_arithmetic3A_791 = arith.shrsi %get3A_781, %shift_right_arithmetic3A_790 : vector<16xi32>
      %and3A_792 = arith.constant 1 : i32
      %and3A_793 = vector.broadcast %and3A_792 : i32 to vector<16xi32>
      %and3A_794 = arith.andi %shift_right_arithmetic3A_791, %and3A_793 : vector<16xi32>
      %add3A_795 = arith.addi %add3A_789, %and3A_794 : vector<16xi32>
      %swap3A = arith.index_cast %mul3A_780 : i32 to index
      %swap3A_796 = tpu.vector_load %arg11[%swap3A] {strides = array<i32>} : memref<1280xi32, #tpu.memory_space<vmem>>, vector<16xi32>,
      tpu.vector_store %arg11[%swap3A], %add3A_795 {strides = array<i32>} : memref<1280xi32, #tpu.memory_space<vmem>>, vector<16xi32>,
    }
    %scan3A_208 = arith.constant 80 : i32
    %dma_start3A_209 = arith.constant 0 : i32
    %dma_start3A_210 = arith.constant 0 : i32
    %dma_start3A_211 = tpu.memref_slice %arg2[%dma_start3A_209, %dma_start3A_210] : memref<1007616x64xf32, #tpu.memory_space<hbm>> -> memref<1007616x64xf32, #tpu.memory_space<hbm>>
    tpu.enqueue_indirect_dma source(%dma_start3A_211 : memref<1007616x64xf32, #tpu.memory_space<hbm>>) target(%arg12 : memref<128x64xf32, #tpu.memory_space<vmem>>) offsets(%arg9 : memref<128xi32, #tpu.memory_space<vmem>>) semaphore(%arg17 : memref<!tpu.dma_semaphore, #tpu.memory_space<semaphore_mem>>)
    %dma_start3A_212 = arith.constant 0 : i32
    %dma_start3A_213 = arith.constant 0 : i32
    %dma_start3A_214 = tpu.memref_slice %arg3[%dma_start3A_212, %dma_start3A_213] : memref<1007616x64xf32, #tpu.memory_space<hbm>> -> memref<1007616x64xf32, #tpu.memory_space<hbm>>
    tpu.enqueue_indirect_dma source(%dma_start3A_214 : memref<1007616x64xf32, #tpu.memory_space<hbm>>) target(%arg13 : memref<128x64xf32, #tpu.memory_space<vmem>>) offsets(%arg10 : memref<128xi32, #tpu.memory_space<vmem>>) semaphore(%arg17 : memref<!tpu.dma_semaphore, #tpu.memory_space<semaphore_mem>>)
    %dma_start3A_215 = arith.constant 0 : i32
    %dma_start3A_216 = arith.constant 0 : i32
    %dma_start3A_217 = tpu.memref_slice %arg14[%dma_start3A_215, %dma_start3A_216] : memref<1280x64xf32, #tpu.memory_space<vmem>> -> memref<128x64xf32, #tpu.memory_space<vmem>>
    %dma_start3A_218 = arith.constant 0 : i32
    %dma_start3A_219 = tpu.memref_slice %arg11[%dma_start3A_218] : memref<1280xi32, #tpu.memory_space<vmem>> -> memref<128xi32, #tpu.memory_space<vmem>>
    %dma_start3A_220 = arith.constant 0 : i32
    %dma_start3A_221 = arith.constant 0 : i32
    %dma_start3A_222 = tpu.memref_slice %arg3[%dma_start3A_220, %dma_start3A_221] : memref<1007616x64xf32, #tpu.memory_space<hbm>> -> memref<1007616x64xf32, #tpu.memory_space<hbm>>
    tpu.enqueue_indirect_dma source(%dma_start3A_222 : memref<1007616x64xf32, #tpu.memory_space<hbm>>) target(%dma_start3A_217 : memref<128x64xf32, #tpu.memory_space<vmem>>) offsets(%dma_start3A_219 : memref<128xi32, #tpu.memory_space<vmem>>) semaphore(%arg17 : memref<!tpu.dma_semaphore, #tpu.memory_space<semaphore_mem>>)
    %dma_start3A_223 = arith.constant 128 : i32
    %dma_start3A_224 = arith.constant 0 : i32
    %dma_start3A_225 = tpu.memref_slice %arg14[%dma_start3A_223, %dma_start3A_224] : memref<1280x64xf32, #tpu.memory_space<vmem>> -> memref<128x64xf32, #tpu.memory_space<vmem>>
    %dma_start3A_226 = arith.constant 128 : i32
    %dma_start3A_227 = tpu.memref_slice %arg11[%dma_start3A_226] : memref<1280xi32, #tpu.memory_space<vmem>> -> memref<128xi32, #tpu.memory_space<vmem>>
    %dma_start3A_228 = arith.constant 0 : i32
    %dma_start3A_229 = arith.constant 0 : i32
    %dma_start3A_230 = tpu.memref_slice %arg3[%dma_start3A_228, %dma_start3A_229] : memref<1007616x64xf32, #tpu.memory_space<hbm>> -> memref<1007616x64xf32, #tpu.memory_space<hbm>>
    tpu.enqueue_indirect_dma source(%dma_start3A_230 : memref<1007616x64xf32, #tpu.memory_space<hbm>>) target(%dma_start3A_225 : memref<128x64xf32, #tpu.memory_space<vmem>>) offsets(%dma_start3A_227 : memref<128xi32, #tpu.memory_space<vmem>>) semaphore(%arg17 : memref<!tpu.dma_semaphore, #tpu.memory_space<semaphore_mem>>)
    %dma_start3A_231 = arith.constant 256 : i32
    %dma_start3A_232 = arith.constant 0 : i32
    %dma_start3A_233 = tpu.memref_slice %arg14[%dma_start3A_231, %dma_start3A_232] : memref<1280x64xf32, #tpu.memory_space<vmem>> -> memref<128x64xf32, #tpu.memory_space<vmem>>
    %dma_start3A_234 = arith.constant 256 : i32
    %dma_start3A_235 = tpu.memref_slice %arg11[%dma_start3A_234] : memref<1280xi32, #tpu.memory_space<vmem>> -> memref<128xi32, #tpu.memory_space<vmem>>
    %dma_start3A_236 = arith.constant 0 : i32
    %dma_start3A_237 = arith.constant 0 : i32
    %dma_start3A_238 = tpu.memref_slice %arg3[%dma_start3A_236, %dma_start3A_237] : memref<1007616x64xf32, #tpu.memory_space<hbm>> -> memref<1007616x64xf32, #tpu.memory_space<hbm>>
    tpu.enqueue_indirect_dma source(%dma_start3A_238 : memref<1007616x64xf32, #tpu.memory_space<hbm>>) target(%dma_start3A_233 : memref<128x64xf32, #tpu.memory_space<vmem>>) offsets(%dma_start3A_235 : memref<128xi32, #tpu.memory_space<vmem>>) semaphore(%arg17 : memref<!tpu.dma_semaphore, #tpu.memory_space<semaphore_mem>>)
    %dma_start3A_239 = arith.constant 384 : i32
    %dma_start3A_240 = arith.constant 0 : i32
    %dma_start3A_241 = tpu.memref_slice %arg14[%dma_start3A_239, %dma_start3A_240] : memref<1280x64xf32, #tpu.memory_space<vmem>> -> memref<128x64xf32, #tpu.memory_space<vmem>>
    %dma_start3A_242 = arith.constant 384 : i32
    %dma_start3A_243 = tpu.memref_slice %arg11[%dma_start3A_242] : memref<1280xi32, #tpu.memory_space<vmem>> -> memref<128xi32, #tpu.memory_space<vmem>>
    %dma_start3A_244 = arith.constant 0 : i32
    %dma_start3A_245 = arith.constant 0 : i32
    %dma_start3A_246 = tpu.memref_slice %arg3[%dma_start3A_244, %dma_start3A_245] : memref<1007616x64xf32, #tpu.memory_space<hbm>> -> memref<1007616x64xf32, #tpu.memory_space<hbm>>
    tpu.enqueue_indirect_dma source(%dma_start3A_246 : memref<1007616x64xf32, #tpu.memory_space<hbm>>) target(%dma_start3A_241 : memref<128x64xf32, #tpu.memory_space<vmem>>) offsets(%dma_start3A_243 : memref<128xi32, #tpu.memory_space<vmem>>) semaphore(%arg17 : memref<!tpu.dma_semaphore, #tpu.memory_space<semaphore_mem>>)
    %dma_start3A_247 = arith.constant 512 : i32
    %dma_start3A_248 = arith.constant 0 : i32
    %dma_start3A_249 = tpu.memref_slice %arg14[%dma_start3A_247, %dma_start3A_248] : memref<1280x64xf32, #tpu.memory_space<vmem>> -> memref<128x64xf32, #tpu.memory_space<vmem>>
    %dma_start3A_250 = arith.constant 512 : i32
    %dma_start3A_251 = tpu.memref_slice %arg11[%dma_start3A_250] : memref<1280xi32, #tpu.memory_space<vmem>> -> memref<128xi32, #tpu.memory_space<vmem>>
    %dma_start3A_252 = arith.constant 0 : i32
    %dma_start3A_253 = arith.constant 0 : i32
    %dma_start3A_254 = tpu.memref_slice %arg3[%dma_start3A_252, %dma_start3A_253] : memref<1007616x64xf32, #tpu.memory_space<hbm>> -> memref<1007616x64xf32, #tpu.memory_space<hbm>>
    tpu.enqueue_indirect_dma source(%dma_start3A_254 : memref<1007616x64xf32, #tpu.memory_space<hbm>>) target(%dma_start3A_249 : memref<128x64xf32, #tpu.memory_space<vmem>>) offsets(%dma_start3A_251 : memref<128xi32, #tpu.memory_space<vmem>>) semaphore(%arg17 : memref<!tpu.dma_semaphore, #tpu.memory_space<semaphore_mem>>)
    %dma_start3A_255 = arith.constant 640 : i32
    %dma_start3A_256 = arith.constant 0 : i32
    %dma_start3A_257 = tpu.memref_slice %arg14[%dma_start3A_255, %dma_start3A_256] : memref<1280x64xf32, #tpu.memory_space<vmem>> -> memref<128x64xf32, #tpu.memory_space<vmem>>
    %dma_start3A_258 = arith.constant 640 : i32
    %dma_start3A_259 = tpu.memref_slice %arg11[%dma_start3A_258] : memref<1280xi32, #tpu.memory_space<vmem>> -> memref<128xi32, #tpu.memory_space<vmem>>
    %dma_start3A_260 = arith.constant 0 : i32
    %dma_start3A_261 = arith.constant 0 : i32
    %dma_start3A_262 = tpu.memref_slice %arg3[%dma_start3A_260, %dma_start3A_261] : memref<1007616x64xf32, #tpu.memory_space<hbm>> -> memref<1007616x64xf32, #tpu.memory_space<hbm>>
    tpu.enqueue_indirect_dma source(%dma_start3A_262 : memref<1007616x64xf32, #tpu.memory_space<hbm>>) target(%dma_start3A_257 : memref<128x64xf32, #tpu.memory_space<vmem>>) offsets(%dma_start3A_259 : memref<128xi32, #tpu.memory_space<vmem>>) semaphore(%arg17 : memref<!tpu.dma_semaphore, #tpu.memory_space<semaphore_mem>>)
    %dma_start3A_263 = arith.constant 768 : i32
    %dma_start3A_264 = arith.constant 0 : i32
    %dma_start3A_265 = tpu.memref_slice %arg14[%dma_start3A_263, %dma_start3A_264] : memref<1280x64xf32, #tpu.memory_space<vmem>> -> memref<128x64xf32, #tpu.memory_space<vmem>>
    %dma_start3A_266 = arith.constant 768 : i32
    %dma_start3A_267 = tpu.memref_slice %arg11[%dma_start3A_266] : memref<1280xi32, #tpu.memory_space<vmem>> -> memref<128xi32, #tpu.memory_space<vmem>>
    %dma_start3A_268 = arith.constant 0 : i32
    %dma_start3A_269 = arith.constant 0 : i32
    %dma_start3A_270 = tpu.memref_slice %arg3[%dma_start3A_268, %dma_start3A_269] : memref<1007616x64xf32, #tpu.memory_space<hbm>> -> memref<1007616x64xf32, #tpu.memory_space<hbm>>
    tpu.enqueue_indirect_dma source(%dma_start3A_270 : memref<1007616x64xf32, #tpu.memory_space<hbm>>) target(%dma_start3A_265 : memref<128x64xf32, #tpu.memory_space<vmem>>) offsets(%dma_start3A_267 : memref<128xi32, #tpu.memory_space<vmem>>) semaphore(%arg17 : memref<!tpu.dma_semaphore, #tpu.memory_space<semaphore_mem>>)
    %dma_start3A_271 = arith.constant 896 : i32
    %dma_start3A_272 = arith.constant 0 : i32
    %dma_start3A_273 = tpu.memref_slice %arg14[%dma_start3A_271, %dma_start3A_272] : memref<1280x64xf32, #tpu.memory_space<vmem>> -> memref<128x64xf32, #tpu.memory_space<vmem>>
    %dma_start3A_274 = arith.constant 896 : i32
    %dma_start3A_275 = tpu.memref_slice %arg11[%dma_start3A_274] : memref<1280xi32, #tpu.memory_space<vmem>> -> memref<128xi32, #tpu.memory_space<vmem>>
    %dma_start3A_276 = arith.constant 0 : i32
    %dma_start3A_277 = arith.constant 0 : i32
    %dma_start3A_278 = tpu.memref_slice %arg3[%dma_start3A_276, %dma_start3A_277] : memref<1007616x64xf32, #tpu.memory_space<hbm>> -> memref<1007616x64xf32, #tpu.memory_space<hbm>>
    tpu.enqueue_indirect_dma source(%dma_start3A_278 : memref<1007616x64xf32, #tpu.memory_space<hbm>>) target(%dma_start3A_273 : memref<128x64xf32, #tpu.memory_space<vmem>>) offsets(%dma_start3A_275 : memref<128xi32, #tpu.memory_space<vmem>>) semaphore(%arg17 : memref<!tpu.dma_semaphore, #tpu.memory_space<semaphore_mem>>)
    %dma_start3A_279 = arith.constant 1024 : i32
    %dma_start3A_280 = arith.constant 0 : i32
    %dma_start3A_281 = tpu.memref_slice %arg14[%dma_start3A_279, %dma_start3A_280] : memref<1280x64xf32, #tpu.memory_space<vmem>> -> memref<128x64xf32, #tpu.memory_space<vmem>>
    %dma_start3A_282 = arith.constant 1024 : i32
    %dma_start3A_283 = tpu.memref_slice %arg11[%dma_start3A_282] : memref<1280xi32, #tpu.memory_space<vmem>> -> memref<128xi32, #tpu.memory_space<vmem>>
    %dma_start3A_284 = arith.constant 0 : i32
    %dma_start3A_285 = arith.constant 0 : i32
    %dma_start3A_286 = tpu.memref_slice %arg3[%dma_start3A_284, %dma_start3A_285] : memref<1007616x64xf32, #tpu.memory_space<hbm>> -> memref<1007616x64xf32, #tpu.memory_space<hbm>>
    tpu.enqueue_indirect_dma source(%dma_start3A_286 : memref<1007616x64xf32, #tpu.memory_space<hbm>>) target(%dma_start3A_281 : memref<128x64xf32, #tpu.memory_space<vmem>>) offsets(%dma_start3A_283 : memref<128xi32, #tpu.memory_space<vmem>>) semaphore(%arg17 : memref<!tpu.dma_semaphore, #tpu.memory_space<semaphore_mem>>)
    %dma_start3A_287 = arith.constant 1152 : i32
    %dma_start3A_288 = arith.constant 0 : i32
    %dma_start3A_289 = tpu.memref_slice %arg14[%dma_start3A_287, %dma_start3A_288] : memref<1280x64xf32, #tpu.memory_space<vmem>> -> memref<128x64xf32, #tpu.memory_space<vmem>>
    %dma_start3A_290 = arith.constant 1152 : i32
    %dma_start3A_291 = tpu.memref_slice %arg11[%dma_start3A_290] : memref<1280xi32, #tpu.memory_space<vmem>> -> memref<128xi32, #tpu.memory_space<vmem>>
    %dma_start3A_292 = arith.constant 0 : i32
    %dma_start3A_293 = arith.constant 0 : i32
    %dma_start3A_294 = tpu.memref_slice %arg3[%dma_start3A_292, %dma_start3A_293] : memref<1007616x64xf32, #tpu.memory_space<hbm>> -> memref<1007616x64xf32, #tpu.memory_space<hbm>>
    tpu.enqueue_indirect_dma source(%dma_start3A_294 : memref<1007616x64xf32, #tpu.memory_space<hbm>>) target(%dma_start3A_289 : memref<128x64xf32, #tpu.memory_space<vmem>>) offsets(%dma_start3A_291 : memref<128xi32, #tpu.memory_space<vmem>>) semaphore(%arg17 : memref<!tpu.dma_semaphore, #tpu.memory_space<semaphore_mem>>)
    %dma_wait3A_295 = arith.constant 0 : i32
    %dma_wait3A_296 = arith.constant 0 : i32
    %dma_wait3A_297 = tpu.memref_slice %arg2[%dma_wait3A_295, %dma_wait3A_296] : memref<1007616x64xf32, #tpu.memory_space<hbm>> -> memref<1007616x64xf32, #tpu.memory_space<hbm>>
    tpu.wait_indirect_dma semaphore(%arg17 : memref<!tpu.dma_semaphore, #tpu.memory_space<semaphore_mem>>) src(%dma_wait3A_297 : memref<1007616x64xf32, #tpu.memory_space<hbm>>) dst(%arg12 : memref<128x64xf32, #tpu.memory_space<vmem>>)
    %dma_wait3A_298 = arith.constant 0 : i32
    %dma_wait3A_299 = arith.constant 0 : i32
    %dma_wait3A_300 = tpu.memref_slice %arg3[%dma_wait3A_298, %dma_wait3A_299] : memref<1007616x64xf32, #tpu.memory_space<hbm>> -> memref<1007616x64xf32, #tpu.memory_space<hbm>>
    tpu.wait_indirect_dma semaphore(%arg17 : memref<!tpu.dma_semaphore, #tpu.memory_space<semaphore_mem>>) src(%dma_wait3A_300 : memref<1007616x64xf32, #tpu.memory_space<hbm>>) dst(%arg13 : memref<128x64xf32, #tpu.memory_space<vmem>>)
    %dma_wait3A_301 = arith.constant 0 : i32
    %dma_wait3A_302 = arith.constant 0 : i32
    %dma_wait3A_303 = tpu.memref_slice %arg14[%dma_wait3A_301, %dma_wait3A_302] : memref<1280x64xf32, #tpu.memory_space<vmem>> -> memref<128x64xf32, #tpu.memory_space<vmem>>
    %dma_wait3A_304 = arith.constant 0 : i32
    %dma_wait3A_305 = tpu.memref_slice %arg11[%dma_wait3A_304] : memref<1280xi32, #tpu.memory_space<vmem>> -> memref<128xi32, #tpu.memory_space<vmem>>
    %dma_wait3A_306 = arith.constant 0 : i32
    %dma_wait3A_307 = arith.constant 0 : i32
    %dma_wait3A_308 = tpu.memref_slice %arg3[%dma_wait3A_306, %dma_wait3A_307] : memref<1007616x64xf32, #tpu.memory_space<hbm>> -> memref<1007616x64xf32, #tpu.memory_space<hbm>>
    tpu.wait_indirect_dma semaphore(%arg17 : memref<!tpu.dma_semaphore, #tpu.memory_space<semaphore_mem>>) src(%dma_wait3A_308 : memref<1007616x64xf32, #tpu.memory_space<hbm>>) dst(%dma_wait3A_303 : memref<128x64xf32, #tpu.memory_space<vmem>>)
    %dma_wait3A_309 = arith.constant 128 : i32
    %dma_wait3A_310 = arith.constant 0 : i32
    %dma_wait3A_311 = tpu.memref_slice %arg14[%dma_wait3A_309, %dma_wait3A_310] : memref<1280x64xf32, #tpu.memory_space<vmem>> -> memref<128x64xf32, #tpu.memory_space<vmem>>
    %dma_wait3A_312 = arith.constant 128 : i32
    %dma_wait3A_313 = tpu.memref_slice %arg11[%dma_wait3A_312] : memref<1280xi32, #tpu.memory_space<vmem>> -> memref<128xi32, #tpu.memory_space<vmem>>
    %dma_wait3A_314 = arith.constant 0 : i32
    %dma_wait3A_315 = arith.constant 0 : i32
    %dma_wait3A_316 = tpu.memref_slice %arg3[%dma_wait3A_314, %dma_wait3A_315] : memref<1007616x64xf32, #tpu.memory_space<hbm>> -> memref<1007616x64xf32, #tpu.memory_space<hbm>>
    tpu.wait_indirect_dma semaphore(%arg17 : memref<!tpu.dma_semaphore, #tpu.memory_space<semaphore_mem>>) src(%dma_wait3A_316 : memref<1007616x64xf32, #tpu.memory_space<hbm>>) dst(%dma_wait3A_311 : memref<128x64xf32, #tpu.memory_space<vmem>>)
    %dma_wait3A_317 = arith.constant 256 : i32
    %dma_wait3A_318 = arith.constant 0 : i32
    %dma_wait3A_319 = tpu.memref_slice %arg14[%dma_wait3A_317, %dma_wait3A_318] : memref<1280x64xf32, #tpu.memory_space<vmem>> -> memref<128x64xf32, #tpu.memory_space<vmem>>
    %dma_wait3A_320 = arith.constant 256 : i32
    %dma_wait3A_321 = tpu.memref_slice %arg11[%dma_wait3A_320] : memref<1280xi32, #tpu.memory_space<vmem>> -> memref<128xi32, #tpu.memory_space<vmem>>
    %dma_wait3A_322 = arith.constant 0 : i32
    %dma_wait3A_323 = arith.constant 0 : i32
    %dma_wait3A_324 = tpu.memref_slice %arg3[%dma_wait3A_322, %dma_wait3A_323] : memref<1007616x64xf32, #tpu.memory_space<hbm>> -> memref<1007616x64xf32, #tpu.memory_space<hbm>>
    tpu.wait_indirect_dma semaphore(%arg17 : memref<!tpu.dma_semaphore, #tpu.memory_space<semaphore_mem>>) src(%dma_wait3A_324 : memref<1007616x64xf32, #tpu.memory_space<hbm>>) dst(%dma_wait3A_319 : memref<128x64xf32, #tpu.memory_space<vmem>>)
    %dma_wait3A_325 = arith.constant 384 : i32
    %dma_wait3A_326 = arith.constant 0 : i32
    %dma_wait3A_327 = tpu.memref_slice %arg14[%dma_wait3A_325, %dma_wait3A_326] : memref<1280x64xf32, #tpu.memory_space<vmem>> -> memref<128x64xf32, #tpu.memory_space<vmem>>
    %dma_wait3A_328 = arith.constant 384 : i32
    %dma_wait3A_329 = tpu.memref_slice %arg11[%dma_wait3A_328] : memref<1280xi32, #tpu.memory_space<vmem>> -> memref<128xi32, #tpu.memory_space<vmem>>
    %dma_wait3A_330 = arith.constant 0 : i32
    %dma_wait3A_331 = arith.constant 0 : i32
    %dma_wait3A_332 = tpu.memref_slice %arg3[%dma_wait3A_330, %dma_wait3A_331] : memref<1007616x64xf32, #tpu.memory_space<hbm>> -> memref<1007616x64xf32, #tpu.memory_space<hbm>>
    tpu.wait_indirect_dma semaphore(%arg17 : memref<!tpu.dma_semaphore, #tpu.memory_space<semaphore_mem>>) src(%dma_wait3A_332 : memref<1007616x64xf32, #tpu.memory_space<hbm>>) dst(%dma_wait3A_327 : memref<128x64xf32, #tpu.memory_space<vmem>>)
    %dma_wait3A_333 = arith.constant 512 : i32
    %dma_wait3A_334 = arith.constant 0 : i32
    %dma_wait3A_335 = tpu.memref_slice %arg14[%dma_wait3A_333, %dma_wait3A_334] : memref<1280x64xf32, #tpu.memory_space<vmem>> -> memref<128x64xf32, #tpu.memory_space<vmem>>
    %dma_wait3A_336 = arith.constant 512 : i32
    %dma_wait3A_337 = tpu.memref_slice %arg11[%dma_wait3A_336] : memref<1280xi32, #tpu.memory_space<vmem>> -> memref<128xi32, #tpu.memory_space<vmem>>
    %dma_wait3A_338 = arith.constant 0 : i32
    %dma_wait3A_339 = arith.constant 0 : i32
    %dma_wait3A_340 = tpu.memref_slice %arg3[%dma_wait3A_338, %dma_wait3A_339] : memref<1007616x64xf32, #tpu.memory_space<hbm>> -> memref<1007616x64xf32, #tpu.memory_space<hbm>>
    tpu.wait_indirect_dma semaphore(%arg17 : memref<!tpu.dma_semaphore, #tpu.memory_space<semaphore_mem>>) src(%dma_wait3A_340 : memref<1007616x64xf32, #tpu.memory_space<hbm>>) dst(%dma_wait3A_335 : memref<128x64xf32, #tpu.memory_space<vmem>>)
    %dma_wait3A_341 = arith.constant 640 : i32
    %dma_wait3A_342 = arith.constant 0 : i32
    %dma_wait3A_343 = tpu.memref_slice %arg14[%dma_wait3A_341, %dma_wait3A_342] : memref<1280x64xf32, #tpu.memory_space<vmem>> -> memref<128x64xf32, #tpu.memory_space<vmem>>
    %dma_wait3A_344 = arith.constant 640 : i32
    %dma_wait3A_345 = tpu.memref_slice %arg11[%dma_wait3A_344] : memref<1280xi32, #tpu.memory_space<vmem>> -> memref<128xi32, #tpu.memory_space<vmem>>
    %dma_wait3A_346 = arith.constant 0 : i32
    %dma_wait3A_347 = arith.constant 0 : i32
    %dma_wait3A_348 = tpu.memref_slice %arg3[%dma_wait3A_346, %dma_wait3A_347] : memref<1007616x64xf32, #tpu.memory_space<hbm>> -> memref<1007616x64xf32, #tpu.memory_space<hbm>>
    tpu.wait_indirect_dma semaphore(%arg17 : memref<!tpu.dma_semaphore, #tpu.memory_space<semaphore_mem>>) src(%dma_wait3A_348 : memref<1007616x64xf32, #tpu.memory_space<hbm>>) dst(%dma_wait3A_343 : memref<128x64xf32, #tpu.memory_space<vmem>>)
    %dma_wait3A_349 = arith.constant 768 : i32
    %dma_wait3A_350 = arith.constant 0 : i32
    %dma_wait3A_351 = tpu.memref_slice %arg14[%dma_wait3A_349, %dma_wait3A_350] : memref<1280x64xf32, #tpu.memory_space<vmem>> -> memref<128x64xf32, #tpu.memory_space<vmem>>
    %dma_wait3A_352 = arith.constant 768 : i32
    %dma_wait3A_353 = tpu.memref_slice %arg11[%dma_wait3A_352] : memref<1280xi32, #tpu.memory_space<vmem>> -> memref<128xi32, #tpu.memory_space<vmem>>
    %dma_wait3A_354 = arith.constant 0 : i32
    %dma_wait3A_355 = arith.constant 0 : i32
    %dma_wait3A_356 = tpu.memref_slice %arg3[%dma_wait3A_354, %dma_wait3A_355] : memref<1007616x64xf32, #tpu.memory_space<hbm>> -> memref<1007616x64xf32, #tpu.memory_space<hbm>>
    tpu.wait_indirect_dma semaphore(%arg17 : memref<!tpu.dma_semaphore, #tpu.memory_space<semaphore_mem>>) src(%dma_wait3A_356 : memref<1007616x64xf32, #tpu.memory_space<hbm>>) dst(%dma_wait3A_351 : memref<128x64xf32, #tpu.memory_space<vmem>>)
    %dma_wait3A_357 = arith.constant 896 : i32
    %dma_wait3A_358 = arith.constant 0 : i32
    %dma_wait3A_359 = tpu.memref_slice %arg14[%dma_wait3A_357, %dma_wait3A_358] : memref<1280x64xf32, #tpu.memory_space<vmem>> -> memref<128x64xf32, #tpu.memory_space<vmem>>
    %dma_wait3A_360 = arith.constant 896 : i32
    %dma_wait3A_361 = tpu.memref_slice %arg11[%dma_wait3A_360] : memref<1280xi32, #tpu.memory_space<vmem>> -> memref<128xi32, #tpu.memory_space<vmem>>
    %dma_wait3A_362 = arith.constant 0 : i32
    %dma_wait3A_363 = arith.constant 0 : i32
    %dma_wait3A_364 = tpu.memref_slice %arg3[%dma_wait3A_362, %dma_wait3A_363] : memref<1007616x64xf32, #tpu.memory_space<hbm>> -> memref<1007616x64xf32, #tpu.memory_space<hbm>>
    tpu.wait_indirect_dma semaphore(%arg17 : memref<!tpu.dma_semaphore, #tpu.memory_space<semaphore_mem>>) src(%dma_wait3A_364 : memref<1007616x64xf32, #tpu.memory_space<hbm>>) dst(%dma_wait3A_359 : memref<128x64xf32, #tpu.memory_space<vmem>>)
    %dma_wait3A_365 = arith.constant 1024 : i32
    %dma_wait3A_366 = arith.constant 0 : i32
    %dma_wait3A_367 = tpu.memref_slice %arg14[%dma_wait3A_365, %dma_wait3A_366] : memref<1280x64xf32, #tpu.memory_space<vmem>> -> memref<128x64xf32, #tpu.memory_space<vmem>>
    %dma_wait3A_368 = arith.constant 1024 : i32
    %dma_wait3A_369 = tpu.memref_slice %arg11[%dma_wait3A_368] : memref<1280xi32, #tpu.memory_space<vmem>> -> memref<128xi32, #tpu.memory_space<vmem>>
    %dma_wait3A_370 = arith.constant 0 : i32
    %dma_wait3A_371 = arith.constant 0 : i32
    %dma_wait3A_372 = tpu.memref_slice %arg3[%dma_wait3A_370, %dma_wait3A_371] : memref<1007616x64xf32, #tpu.memory_space<hbm>> -> memref<1007616x64xf32, #tpu.memory_space<hbm>>
    tpu.wait_indirect_dma semaphore(%arg17 : memref<!tpu.dma_semaphore, #tpu.memory_space<semaphore_mem>>) src(%dma_wait3A_372 : memref<1007616x64xf32, #tpu.memory_space<hbm>>) dst(%dma_wait3A_367 : memref<128x64xf32, #tpu.memory_space<vmem>>)
    %dma_wait3A_373 = arith.constant 1152 : i32
    %dma_wait3A_374 = arith.constant 0 : i32
    %dma_wait3A_375 = tpu.memref_slice %arg14[%dma_wait3A_373, %dma_wait3A_374] : memref<1280x64xf32, #tpu.memory_space<vmem>> -> memref<128x64xf32, #tpu.memory_space<vmem>>
    %dma_wait3A_376 = arith.constant 1152 : i32
    %dma_wait3A_377 = tpu.memref_slice %arg11[%dma_wait3A_376] : memref<1280xi32, #tpu.memory_space<vmem>> -> memref<128xi32, #tpu.memory_space<vmem>>
    %dma_wait3A_378 = arith.constant 0 : i32
    %dma_wait3A_379 = arith.constant 0 : i32
    %dma_wait3A_380 = tpu.memref_slice %arg3[%dma_wait3A_378, %dma_wait3A_379] : memref<1007616x64xf32, #tpu.memory_space<hbm>> -> memref<1007616x64xf32, #tpu.memory_space<hbm>>
    tpu.wait_indirect_dma semaphore(%arg17 : memref<!tpu.dma_semaphore, #tpu.memory_space<semaphore_mem>>) src(%dma_wait3A_380 : memref<1007616x64xf32, #tpu.memory_space<hbm>>) dst(%dma_wait3A_375 : memref<128x64xf32, #tpu.memory_space<vmem>>)
    %scan3A_381 = arith.constant 0 : i32
    %scan3A_382 = arith.constant 8 : i32
    %scan3A_383 = arith.addi %scan3A_381, %scan3A_382 : i32
    %scan3A_384 = arith.constant 1 : i32
    scf.for %scan3A_778 = %scan3A_381 to %scan3A_383 step %scan3A_384  : i32 {
      %broadcast_in_dim3A = arith.constant 0.000000e+00 : f32
      %broadcast_in_dim3A_779 = vector.broadcast %broadcast_in_dim3A : f32 to vector<16xf32>
      %scan3A_780 = arith.constant 0 : i32
      %scan3A_781 = arith.constant 16 : i32
      %scan3A_782 = arith.addi %scan3A_780, %scan3A_781 : i32
      %scan3A_783 = arith.constant 1 : i32
      %scan3A_784:11 = scf.for %scan3A_849 = %scan3A_780 to %scan3A_782 step %scan3A_783 iter_args(%scan3A_850 = %broadcast_in_dim3A_779, %scan3A_851 = %broadcast_in_dim3A_779, %scan3A_852 = %broadcast_in_dim3A_779, %scan3A_853 = %broadcast_in_dim3A_779, %scan3A_854 = %broadcast_in_dim3A_779, %scan3A_855 = %broadcast_in_dim3A_779, %scan3A_856 = %broadcast_in_dim3A_779, %scan3A_857 = %broadcast_in_dim3A_779, %scan3A_858 = %broadcast_in_dim3A_779, %scan3A_859 = %broadcast_in_dim3A_779, %scan3A_860 = %broadcast_in_dim3A_779) -> (vector<16xf32>, vector<16xf32>, vector<16xf32>, vector<16xf32>, vector<16xf32>, vector<16xf32>, vector<16xf32>, vector<16xf32>, vector<16xf32>, vector<16xf32>, vector<16xf32>)  : i32 {
        %mul3A_861 = arith.constant 16 : i32
        %mul3A_862 = arith.muli %scan3A_778, %mul3A_861 : i32
        %add3A_863 = arith.addi %mul3A_862, %scan3A_849 : i32
        %eq3A = vector.broadcast %scan3A_849 : i32 to vector<16xi32>
        %eq3A_864 = arith.cmpi eq, %iota3A, %eq3A : vector<16xi32>
        %get3A = arith.index_cast %add3A_863 : i32 to index
        %get3A_865 = arith.constant 0 : index
        %get3A_866 = tpu.vector_load %arg12[%get3A, %get3A_865] {strides = array<i32>} : memref<128x64xf32, #tpu.memory_space<vmem>>, vector<16xf32>,
        %get3A_867 = arith.index_cast %add3A_863 : i32 to index
        %get3A_868 = arith.constant 16 : index
        %get3A_869 = tpu.vector_load %arg12[%get3A_867, %get3A_868] {strides = array<i32>} : memref<128x64xf32, #tpu.memory_space<vmem>>, vector<16xf32>,
        %get3A_870 = arith.index_cast %add3A_863 : i32 to index
        %get3A_871 = arith.constant 32 : index
        %get3A_872 = tpu.vector_load %arg12[%get3A_870, %get3A_871] {strides = array<i32>} : memref<128x64xf32, #tpu.memory_space<vmem>>, vector<16xf32>,
        %get3A_873 = arith.index_cast %add3A_863 : i32 to index
        %get3A_874 = arith.constant 48 : index
        %get3A_875 = tpu.vector_load %arg12[%get3A_873, %get3A_874] {strides = array<i32>} : memref<128x64xf32, #tpu.memory_space<vmem>>, vector<16xf32>,
        %get3A_876 = arith.index_cast %add3A_863 : i32 to index
        %get3A_877 = arith.constant 0 : index
        %get3A_878 = tpu.vector_load %arg13[%get3A_876, %get3A_877] {strides = array<i32>} : memref<128x64xf32, #tpu.memory_space<vmem>>, vector<16xf32>,
        %get3A_879 = arith.index_cast %add3A_863 : i32 to index
        %get3A_880 = arith.constant 16 : index
        %get3A_881 = tpu.vector_load %arg13[%get3A_879, %get3A_880] {strides = array<i32>} : memref<128x64xf32, #tpu.memory_space<vmem>>, vector<16xf32>,
        %get3A_882 = arith.index_cast %add3A_863 : i32 to index
        %get3A_883 = arith.constant 32 : index
        %get3A_884 = tpu.vector_load %arg13[%get3A_882, %get3A_883] {strides = array<i32>} : memref<128x64xf32, #tpu.memory_space<vmem>>, vector<16xf32>,
        %get3A_885 = arith.index_cast %add3A_863 : i32 to index
        %get3A_886 = arith.constant 48 : index
        %get3A_887 = tpu.vector_load %arg13[%get3A_885, %get3A_886] {strides = array<i32>} : memref<128x64xf32, #tpu.memory_space<vmem>>, vector<16xf32>,
        %mul3A_888 = arith.mulf %get3A_866, %get3A_878 : vector<16xf32>
        %mul3A_889 = arith.mulf %get3A_869, %get3A_881 : vector<16xf32>
        %add3A_890 = arith.addf %mul3A_888, %mul3A_889 : vector<16xf32>
        %mul3A_891 = arith.mulf %get3A_872, %get3A_884 : vector<16xf32>
        %add3A_892 = arith.addf %add3A_890, %mul3A_891 : vector<16xf32>
        %mul3A_893 = arith.mulf %get3A_875, %get3A_887 : vector<16xf32>
        %add3A_894 = arith.addf %add3A_892, %mul3A_893 : vector<16xf32>
        %reduce_sum3A = arith.constant true
        %reduce_sum3A_895 = vector.broadcast %reduce_sum3A : i1 to vector<16xi1>
        %reduce_sum3A_896 = tpu.scan <sum>, %add3A_894 masked %reduce_sum3A_895 : vector<16xf32>, vector<16xi1> -> vector<16xf32>
        %reduce_sum3A_897 = vector.extract %reduce_sum3A_896[15] : f32 from vector<16xf32>
        %broadcast_in_dim3A_898 = vector.broadcast %reduce_sum3A_897 : f32 to vector<16xf32>
        %select_n3A = arith.select %eq3A_864, %broadcast_in_dim3A_898, %scan3A_850 : vector<16xi1>, vector<16xf32>
        %mul3A_899 = arith.constant 10 : i32
        %mul3A_900 = arith.muli %add3A_863, %mul3A_899 : i32
        %add3A_901 = arith.constant 0 : i32
        %add3A_902 = arith.addi %mul3A_900, %add3A_901 : i32
        %get3A_903 = arith.index_cast %add3A_902 : i32 to index
        %get3A_904 = arith.constant 0 : index
        %get3A_905 = tpu.vector_load %arg14[%get3A_903, %get3A_904] {strides = array<i32>} : memref<1280x64xf32, #tpu.memory_space<vmem>>, vector<16xf32>,
        %mul3A_906 = arith.mulf %get3A_866, %get3A_905 : vector<16xf32>
        %get3A_907 = arith.index_cast %add3A_902 : i32 to index
        %get3A_908 = arith.constant 16 : index
        %get3A_909 = tpu.vector_load %arg14[%get3A_907, %get3A_908] {strides = array<i32>} : memref<1280x64xf32, #tpu.memory_space<vmem>>, vector<16xf32>,
        %mul3A_910 = arith.mulf %get3A_869, %get3A_909 : vector<16xf32>
        %add3A_911 = arith.addf %mul3A_906, %mul3A_910 : vector<16xf32>
        %get3A_912 = arith.index_cast %add3A_902 : i32 to index
        %get3A_913 = arith.constant 32 : index
        %get3A_914 = tpu.vector_load %arg14[%get3A_912, %get3A_913] {strides = array<i32>} : memref<1280x64xf32, #tpu.memory_space<vmem>>, vector<16xf32>,
        %mul3A_915 = arith.mulf %get3A_872, %get3A_914 : vector<16xf32>
        %add3A_916 = arith.addf %add3A_911, %mul3A_915 : vector<16xf32>
        %get3A_917 = arith.index_cast %add3A_902 : i32 to index
        %get3A_918 = arith.constant 48 : index
        %get3A_919 = tpu.vector_load %arg14[%get3A_917, %get3A_918] {strides = array<i32>} : memref<1280x64xf32, #tpu.memory_space<vmem>>, vector<16xf32>,
        %mul3A_920 = arith.mulf %get3A_875, %get3A_919 : vector<16xf32>
        %add3A_921 = arith.addf %add3A_916, %mul3A_920 : vector<16xf32>
        %reduce_sum3A_922 = arith.constant true
        %reduce_sum3A_923 = vector.broadcast %reduce_sum3A_922 : i1 to vector<16xi1>
        %reduce_sum3A_924 = tpu.scan <sum>, %add3A_921 masked %reduce_sum3A_923 : vector<16xf32>, vector<16xi1> -> vector<16xf32>
        %reduce_sum3A_925 = vector.extract %reduce_sum3A_924[15] : f32 from vector<16xf32>
        %broadcast_in_dim3A_926 = vector.broadcast %reduce_sum3A_925 : f32 to vector<16xf32>
        %select_n3A_927 = arith.select %eq3A_864, %broadcast_in_dim3A_926, %scan3A_851 : vector<16xi1>, vector<16xf32>
        %mul3A_928 = arith.constant 10 : i32
        %mul3A_929 = arith.muli %add3A_863, %mul3A_928 : i32
        %add3A_930 = arith.constant 1 : i32
        %add3A_931 = arith.addi %mul3A_929, %add3A_930 : i32
        %get3A_932 = arith.index_cast %add3A_931 : i32 to index
        %get3A_933 = arith.constant 0 : index
        %get3A_934 = tpu.vector_load %arg14[%get3A_932, %get3A_933] {strides = array<i32>} : memref<1280x64xf32, #tpu.memory_space<vmem>>, vector<16xf32>,
        %mul3A_935 = arith.mulf %get3A_866, %get3A_934 : vector<16xf32>
        %get3A_936 = arith.index_cast %add3A_931 : i32 to index
        %get3A_937 = arith.constant 16 : index
        %get3A_938 = tpu.vector_load %arg14[%get3A_936, %get3A_937] {strides = array<i32>} : memref<1280x64xf32, #tpu.memory_space<vmem>>, vector<16xf32>,
        %mul3A_939 = arith.mulf %get3A_869, %get3A_938 : vector<16xf32>
        %add3A_940 = arith.addf %mul3A_935, %mul3A_939 : vector<16xf32>
        %get3A_941 = arith.index_cast %add3A_931 : i32 to index
        %get3A_942 = arith.constant 32 : index
        %get3A_943 = tpu.vector_load %arg14[%get3A_941, %get3A_942] {strides = array<i32>} : memref<1280x64xf32, #tpu.memory_space<vmem>>, vector<16xf32>,
        %mul3A_944 = arith.mulf %get3A_872, %get3A_943 : vector<16xf32>
        %add3A_945 = arith.addf %add3A_940, %mul3A_944 : vector<16xf32>
        %get3A_946 = arith.index_cast %add3A_931 : i32 to index
        %get3A_947 = arith.constant 48 : index
        %get3A_948 = tpu.vector_load %arg14[%get3A_946, %get3A_947] {strides = array<i32>} : memref<1280x64xf32, #tpu.memory_space<vmem>>, vector<16xf32>,
        %mul3A_949 = arith.mulf %get3A_875, %get3A_948 : vector<16xf32>
        %add3A_950 = arith.addf %add3A_945, %mul3A_949 : vector<16xf32>
        %reduce_sum3A_951 = arith.constant true
        %reduce_sum3A_952 = vector.broadcast %reduce_sum3A_951 : i1 to vector<16xi1>
        %reduce_sum3A_953 = tpu.scan <sum>, %add3A_950 masked %reduce_sum3A_952 : vector<16xf32>, vector<16xi1> -> vector<16xf32>
        %reduce_sum3A_954 = vector.extract %reduce_sum3A_953[15] : f32 from vector<16xf32>
        %broadcast_in_dim3A_955 = vector.broadcast %reduce_sum3A_954 : f32 to vector<16xf32>
        %select_n3A_956 = arith.select %eq3A_864, %broadcast_in_dim3A_955, %scan3A_852 : vector<16xi1>, vector<16xf32>
        %mul3A_957 = arith.constant 10 : i32
        %mul3A_958 = arith.muli %add3A_863, %mul3A_957 : i32
        %add3A_959 = arith.constant 2 : i32
        %add3A_960 = arith.addi %mul3A_958, %add3A_959 : i32
        %get3A_961 = arith.index_cast %add3A_960 : i32 to index
        %get3A_962 = arith.constant 0 : index
        %get3A_963 = tpu.vector_load %arg14[%get3A_961, %get3A_962] {strides = array<i32>} : memref<1280x64xf32, #tpu.memory_space<vmem>>, vector<16xf32>,
        %mul3A_964 = arith.mulf %get3A_866, %get3A_963 : vector<16xf32>
        %get3A_965 = arith.index_cast %add3A_960 : i32 to index
        %get3A_966 = arith.constant 16 : index
        %get3A_967 = tpu.vector_load %arg14[%get3A_965, %get3A_966] {strides = array<i32>} : memref<1280x64xf32, #tpu.memory_space<vmem>>, vector<16xf32>,
        %mul3A_968 = arith.mulf %get3A_869, %get3A_967 : vector<16xf32>
        %add3A_969 = arith.addf %mul3A_964, %mul3A_968 : vector<16xf32>
        %get3A_970 = arith.index_cast %add3A_960 : i32 to index
        %get3A_971 = arith.constant 32 : index
        %get3A_972 = tpu.vector_load %arg14[%get3A_970, %get3A_971] {strides = array<i32>} : memref<1280x64xf32, #tpu.memory_space<vmem>>, vector<16xf32>,
        %mul3A_973 = arith.mulf %get3A_872, %get3A_972 : vector<16xf32>
        %add3A_974 = arith.addf %add3A_969, %mul3A_973 : vector<16xf32>
        %get3A_975 = arith.index_cast %add3A_960 : i32 to index
        %get3A_976 = arith.constant 48 : index
        %get3A_977 = tpu.vector_load %arg14[%get3A_975, %get3A_976] {strides = array<i32>} : memref<1280x64xf32, #tpu.memory_space<vmem>>, vector<16xf32>,
        %mul3A_978 = arith.mulf %get3A_875, %get3A_977 : vector<16xf32>
        %add3A_979 = arith.addf %add3A_974, %mul3A_978 : vector<16xf32>
        %reduce_sum3A_980 = arith.constant true
        %reduce_sum3A_981 = vector.broadcast %reduce_sum3A_980 : i1 to vector<16xi1>
        %reduce_sum3A_982 = tpu.scan <sum>, %add3A_979 masked %reduce_sum3A_981 : vector<16xf32>, vector<16xi1> -> vector<16xf32>
        %reduce_sum3A_983 = vector.extract %reduce_sum3A_982[15] : f32 from vector<16xf32>
        %broadcast_in_dim3A_984 = vector.broadcast %reduce_sum3A_983 : f32 to vector<16xf32>
        %select_n3A_985 = arith.select %eq3A_864, %broadcast_in_dim3A_984, %scan3A_853 : vector<16xi1>, vector<16xf32>
        %mul3A_986 = arith.constant 10 : i32
        %mul3A_987 = arith.muli %add3A_863, %mul3A_986 : i32
        %add3A_988 = arith.constant 3 : i32
        %add3A_989 = arith.addi %mul3A_987, %add3A_988 : i32
        %get3A_990 = arith.index_cast %add3A_989 : i32 to index
        %get3A_991 = arith.constant 0 : index
        %get3A_992 = tpu.vector_load %arg14[%get3A_990, %get3A_991] {strides = array<i32>} : memref<1280x64xf32, #tpu.memory_space<vmem>>, vector<16xf32>,
        %mul3A_993 = arith.mulf %get3A_866, %get3A_992 : vector<16xf32>
        %get3A_994 = arith.index_cast %add3A_989 : i32 to index
        %get3A_995 = arith.constant 16 : index
        %get3A_996 = tpu.vector_load %arg14[%get3A_994, %get3A_995] {strides = array<i32>} : memref<1280x64xf32, #tpu.memory_space<vmem>>, vector<16xf32>,
        %mul3A_997 = arith.mulf %get3A_869, %get3A_996 : vector<16xf32>
        %add3A_998 = arith.addf %mul3A_993, %mul3A_997 : vector<16xf32>
        %get3A_999 = arith.index_cast %add3A_989 : i32 to index
        %get3A_1000 = arith.constant 32 : index
        %get3A_1001 = tpu.vector_load %arg14[%get3A_999, %get3A_1000] {strides = array<i32>} : memref<1280x64xf32, #tpu.memory_space<vmem>>, vector<16xf32>,
        %mul3A_1002 = arith.mulf %get3A_872, %get3A_1001 : vector<16xf32>
        %add3A_1003 = arith.addf %add3A_998, %mul3A_1002 : vector<16xf32>
        %get3A_1004 = arith.index_cast %add3A_989 : i32 to index
        %get3A_1005 = arith.constant 48 : index
        %get3A_1006 = tpu.vector_load %arg14[%get3A_1004, %get3A_1005] {strides = array<i32>} : memref<1280x64xf32, #tpu.memory_space<vmem>>, vector<16xf32>,
        %mul3A_1007 = arith.mulf %get3A_875, %get3A_1006 : vector<16xf32>
        %add3A_1008 = arith.addf %add3A_1003, %mul3A_1007 : vector<16xf32>
        %reduce_sum3A_1009 = arith.constant true
        %reduce_sum3A_1010 = vector.broadcast %reduce_sum3A_1009 : i1 to vector<16xi1>
        %reduce_sum3A_1011 = tpu.scan <sum>, %add3A_1008 masked %reduce_sum3A_1010 : vector<16xf32>, vector<16xi1> -> vector<16xf32>
        %reduce_sum3A_1012 = vector.extract %reduce_sum3A_1011[15] : f32 from vector<16xf32>
        %broadcast_in_dim3A_1013 = vector.broadcast %reduce_sum3A_1012 : f32 to vector<16xf32>
        %select_n3A_1014 = arith.select %eq3A_864, %broadcast_in_dim3A_1013, %scan3A_854 : vector<16xi1>, vector<16xf32>
        %mul3A_1015 = arith.constant 10 : i32
        %mul3A_1016 = arith.muli %add3A_863, %mul3A_1015 : i32
        %add3A_1017 = arith.constant 4 : i32
        %add3A_1018 = arith.addi %mul3A_1016, %add3A_1017 : i32
        %get3A_1019 = arith.index_cast %add3A_1018 : i32 to index
        %get3A_1020 = arith.constant 0 : index
        %get3A_1021 = tpu.vector_load %arg14[%get3A_1019, %get3A_1020] {strides = array<i32>} : memref<1280x64xf32, #tpu.memory_space<vmem>>, vector<16xf32>,
        %mul3A_1022 = arith.mulf %get3A_866, %get3A_1021 : vector<16xf32>
        %get3A_1023 = arith.index_cast %add3A_1018 : i32 to index
        %get3A_1024 = arith.constant 16 : index
        %get3A_1025 = tpu.vector_load %arg14[%get3A_1023, %get3A_1024] {strides = array<i32>} : memref<1280x64xf32, #tpu.memory_space<vmem>>, vector<16xf32>,
        %mul3A_1026 = arith.mulf %get3A_869, %get3A_1025 : vector<16xf32>
        %add3A_1027 = arith.addf %mul3A_1022, %mul3A_1026 : vector<16xf32>
        %get3A_1028 = arith.index_cast %add3A_1018 : i32 to index
        %get3A_1029 = arith.constant 32 : index
        %get3A_1030 = tpu.vector_load %arg14[%get3A_1028, %get3A_1029] {strides = array<i32>} : memref<1280x64xf32, #tpu.memory_space<vmem>>, vector<16xf32>,
        %mul3A_1031 = arith.mulf %get3A_872, %get3A_1030 : vector<16xf32>
        %add3A_1032 = arith.addf %add3A_1027, %mul3A_1031 : vector<16xf32>
        %get3A_1033 = arith.index_cast %add3A_1018 : i32 to index
        %get3A_1034 = arith.constant 48 : index
        %get3A_1035 = tpu.vector_load %arg14[%get3A_1033, %get3A_1034] {strides = array<i32>} : memref<1280x64xf32, #tpu.memory_space<vmem>>, vector<16xf32>,
        %mul3A_1036 = arith.mulf %get3A_875, %get3A_1035 : vector<16xf32>
        %add3A_1037 = arith.addf %add3A_1032, %mul3A_1036 : vector<16xf32>
        %reduce_sum3A_1038 = arith.constant true
        %reduce_sum3A_1039 = vector.broadcast %reduce_sum3A_1038 : i1 to vector<16xi1>
        %reduce_sum3A_1040 = tpu.scan <sum>, %add3A_1037 masked %reduce_sum3A_1039 : vector<16xf32>, vector<16xi1> -> vector<16xf32>
        %reduce_sum3A_1041 = vector.extract %reduce_sum3A_1040[15] : f32 from vector<16xf32>
        %broadcast_in_dim3A_1042 = vector.broadcast %reduce_sum3A_1041 : f32 to vector<16xf32>
        %select_n3A_1043 = arith.select %eq3A_864, %broadcast_in_dim3A_1042, %scan3A_855 : vector<16xi1>, vector<16xf32>
        %mul3A_1044 = arith.constant 10 : i32
        %mul3A_1045 = arith.muli %add3A_863, %mul3A_1044 : i32
        %add3A_1046 = arith.constant 5 : i32
        %add3A_1047 = arith.addi %mul3A_1045, %add3A_1046 : i32
        %get3A_1048 = arith.index_cast %add3A_1047 : i32 to index
        %get3A_1049 = arith.constant 0 : index
        %get3A_1050 = tpu.vector_load %arg14[%get3A_1048, %get3A_1049] {strides = array<i32>} : memref<1280x64xf32, #tpu.memory_space<vmem>>, vector<16xf32>,
        %mul3A_1051 = arith.mulf %get3A_866, %get3A_1050 : vector<16xf32>
        %get3A_1052 = arith.index_cast %add3A_1047 : i32 to index
        %get3A_1053 = arith.constant 16 : index
        %get3A_1054 = tpu.vector_load %arg14[%get3A_1052, %get3A_1053] {strides = array<i32>} : memref<1280x64xf32, #tpu.memory_space<vmem>>, vector<16xf32>,
        %mul3A_1055 = arith.mulf %get3A_869, %get3A_1054 : vector<16xf32>
        %add3A_1056 = arith.addf %mul3A_1051, %mul3A_1055 : vector<16xf32>
        %get3A_1057 = arith.index_cast %add3A_1047 : i32 to index
        %get3A_1058 = arith.constant 32 : index
        %get3A_1059 = tpu.vector_load %arg14[%get3A_1057, %get3A_1058] {strides = array<i32>} : memref<1280x64xf32, #tpu.memory_space<vmem>>, vector<16xf32>,
        %mul3A_1060 = arith.mulf %get3A_872, %get3A_1059 : vector<16xf32>
        %add3A_1061 = arith.addf %add3A_1056, %mul3A_1060 : vector<16xf32>
        %get3A_1062 = arith.index_cast %add3A_1047 : i32 to index
        %get3A_1063 = arith.constant 48 : index
        %get3A_1064 = tpu.vector_load %arg14[%get3A_1062, %get3A_1063] {strides = array<i32>} : memref<1280x64xf32, #tpu.memory_space<vmem>>, vector<16xf32>,
        %mul3A_1065 = arith.mulf %get3A_875, %get3A_1064 : vector<16xf32>
        %add3A_1066 = arith.addf %add3A_1061, %mul3A_1065 : vector<16xf32>
        %reduce_sum3A_1067 = arith.constant true
        %reduce_sum3A_1068 = vector.broadcast %reduce_sum3A_1067 : i1 to vector<16xi1>
        %reduce_sum3A_1069 = tpu.scan <sum>, %add3A_1066 masked %reduce_sum3A_1068 : vector<16xf32>, vector<16xi1> -> vector<16xf32>
        %reduce_sum3A_1070 = vector.extract %reduce_sum3A_1069[15] : f32 from vector<16xf32>
        %broadcast_in_dim3A_1071 = vector.broadcast %reduce_sum3A_1070 : f32 to vector<16xf32>
        %select_n3A_1072 = arith.select %eq3A_864, %broadcast_in_dim3A_1071, %scan3A_856 : vector<16xi1>, vector<16xf32>
        %mul3A_1073 = arith.constant 10 : i32
        %mul3A_1074 = arith.muli %add3A_863, %mul3A_1073 : i32
        %add3A_1075 = arith.constant 6 : i32
        %add3A_1076 = arith.addi %mul3A_1074, %add3A_1075 : i32
        %get3A_1077 = arith.index_cast %add3A_1076 : i32 to index
        %get3A_1078 = arith.constant 0 : index
        %get3A_1079 = tpu.vector_load %arg14[%get3A_1077, %get3A_1078] {strides = array<i32>} : memref<1280x64xf32, #tpu.memory_space<vmem>>, vector<16xf32>,
        %mul3A_1080 = arith.mulf %get3A_866, %get3A_1079 : vector<16xf32>
        %get3A_1081 = arith.index_cast %add3A_1076 : i32 to index
        %get3A_1082 = arith.constant 16 : index
        %get3A_1083 = tpu.vector_load %arg14[%get3A_1081, %get3A_1082] {strides = array<i32>} : memref<1280x64xf32, #tpu.memory_space<vmem>>, vector<16xf32>,
        %mul3A_1084 = arith.mulf %get3A_869, %get3A_1083 : vector<16xf32>
        %add3A_1085 = arith.addf %mul3A_1080, %mul3A_1084 : vector<16xf32>
        %get3A_1086 = arith.index_cast %add3A_1076 : i32 to index
        %get3A_1087 = arith.constant 32 : index
        %get3A_1088 = tpu.vector_load %arg14[%get3A_1086, %get3A_1087] {strides = array<i32>} : memref<1280x64xf32, #tpu.memory_space<vmem>>, vector<16xf32>,
        %mul3A_1089 = arith.mulf %get3A_872, %get3A_1088 : vector<16xf32>
        %add3A_1090 = arith.addf %add3A_1085, %mul3A_1089 : vector<16xf32>
        %get3A_1091 = arith.index_cast %add3A_1076 : i32 to index
        %get3A_1092 = arith.constant 48 : index
        %get3A_1093 = tpu.vector_load %arg14[%get3A_1091, %get3A_1092] {strides = array<i32>} : memref<1280x64xf32, #tpu.memory_space<vmem>>, vector<16xf32>,
        %mul3A_1094 = arith.mulf %get3A_875, %get3A_1093 : vector<16xf32>
        %add3A_1095 = arith.addf %add3A_1090, %mul3A_1094 : vector<16xf32>
        %reduce_sum3A_1096 = arith.constant true
        %reduce_sum3A_1097 = vector.broadcast %reduce_sum3A_1096 : i1 to vector<16xi1>
        %reduce_sum3A_1098 = tpu.scan <sum>, %add3A_1095 masked %reduce_sum3A_1097 : vector<16xf32>, vector<16xi1> -> vector<16xf32>
        %reduce_sum3A_1099 = vector.extract %reduce_sum3A_1098[15] : f32 from vector<16xf32>
        %broadcast_in_dim3A_1100 = vector.broadcast %reduce_sum3A_1099 : f32 to vector<16xf32>
        %select_n3A_1101 = arith.select %eq3A_864, %broadcast_in_dim3A_1100, %scan3A_857 : vector<16xi1>, vector<16xf32>
        %mul3A_1102 = arith.constant 10 : i32
        %mul3A_1103 = arith.muli %add3A_863, %mul3A_1102 : i32
        %add3A_1104 = arith.constant 7 : i32
        %add3A_1105 = arith.addi %mul3A_1103, %add3A_1104 : i32
        %get3A_1106 = arith.index_cast %add3A_1105 : i32 to index
        %get3A_1107 = arith.constant 0 : index
        %get3A_1108 = tpu.vector_load %arg14[%get3A_1106, %get3A_1107] {strides = array<i32>} : memref<1280x64xf32, #tpu.memory_space<vmem>>, vector<16xf32>,
        %mul3A_1109 = arith.mulf %get3A_866, %get3A_1108 : vector<16xf32>
        %get3A_1110 = arith.index_cast %add3A_1105 : i32 to index
        %get3A_1111 = arith.constant 16 : index
        %get3A_1112 = tpu.vector_load %arg14[%get3A_1110, %get3A_1111] {strides = array<i32>} : memref<1280x64xf32, #tpu.memory_space<vmem>>, vector<16xf32>,
        %mul3A_1113 = arith.mulf %get3A_869, %get3A_1112 : vector<16xf32>
        %add3A_1114 = arith.addf %mul3A_1109, %mul3A_1113 : vector<16xf32>
        %get3A_1115 = arith.index_cast %add3A_1105 : i32 to index
        %get3A_1116 = arith.constant 32 : index
        %get3A_1117 = tpu.vector_load %arg14[%get3A_1115, %get3A_1116] {strides = array<i32>} : memref<1280x64xf32, #tpu.memory_space<vmem>>, vector<16xf32>,
        %mul3A_1118 = arith.mulf %get3A_872, %get3A_1117 : vector<16xf32>
        %add3A_1119 = arith.addf %add3A_1114, %mul3A_1118 : vector<16xf32>
        %get3A_1120 = arith.index_cast %add3A_1105 : i32 to index
        %get3A_1121 = arith.constant 48 : index
        %get3A_1122 = tpu.vector_load %arg14[%get3A_1120, %get3A_1121] {strides = array<i32>} : memref<1280x64xf32, #tpu.memory_space<vmem>>, vector<16xf32>,
        %mul3A_1123 = arith.mulf %get3A_875, %get3A_1122 : vector<16xf32>
        %add3A_1124 = arith.addf %add3A_1119, %mul3A_1123 : vector<16xf32>
        %reduce_sum3A_1125 = arith.constant true
        %reduce_sum3A_1126 = vector.broadcast %reduce_sum3A_1125 : i1 to vector<16xi1>
        %reduce_sum3A_1127 = tpu.scan <sum>, %add3A_1124 masked %reduce_sum3A_1126 : vector<16xf32>, vector<16xi1> -> vector<16xf32>
        %reduce_sum3A_1128 = vector.extract %reduce_sum3A_1127[15] : f32 from vector<16xf32>
        %broadcast_in_dim3A_1129 = vector.broadcast %reduce_sum3A_1128 : f32 to vector<16xf32>
        %select_n3A_1130 = arith.select %eq3A_864, %broadcast_in_dim3A_1129, %scan3A_858 : vector<16xi1>, vector<16xf32>
        %mul3A_1131 = arith.constant 10 : i32
        %mul3A_1132 = arith.muli %add3A_863, %mul3A_1131 : i32
        %add3A_1133 = arith.constant 8 : i32
        %add3A_1134 = arith.addi %mul3A_1132, %add3A_1133 : i32
        %get3A_1135 = arith.index_cast %add3A_1134 : i32 to index
        %get3A_1136 = arith.constant 0 : index
        %get3A_1137 = tpu.vector_load %arg14[%get3A_1135, %get3A_1136] {strides = array<i32>} : memref<1280x64xf32, #tpu.memory_space<vmem>>, vector<16xf32>,
        %mul3A_1138 = arith.mulf %get3A_866, %get3A_1137 : vector<16xf32>
        %get3A_1139 = arith.index_cast %add3A_1134 : i32 to index
        %get3A_1140 = arith.constant 16 : index
        %get3A_1141 = tpu.vector_load %arg14[%get3A_1139, %get3A_1140] {strides = array<i32>} : memref<1280x64xf32, #tpu.memory_space<vmem>>, vector<16xf32>,
        %mul3A_1142 = arith.mulf %get3A_869, %get3A_1141 : vector<16xf32>
        %add3A_1143 = arith.addf %mul3A_1138, %mul3A_1142 : vector<16xf32>
        %get3A_1144 = arith.index_cast %add3A_1134 : i32 to index
        %get3A_1145 = arith.constant 32 : index
        %get3A_1146 = tpu.vector_load %arg14[%get3A_1144, %get3A_1145] {strides = array<i32>} : memref<1280x64xf32, #tpu.memory_space<vmem>>, vector<16xf32>,
        %mul3A_1147 = arith.mulf %get3A_872, %get3A_1146 : vector<16xf32>
        %add3A_1148 = arith.addf %add3A_1143, %mul3A_1147 : vector<16xf32>
        %get3A_1149 = arith.index_cast %add3A_1134 : i32 to index
        %get3A_1150 = arith.constant 48 : index
        %get3A_1151 = tpu.vector_load %arg14[%get3A_1149, %get3A_1150] {strides = array<i32>} : memref<1280x64xf32, #tpu.memory_space<vmem>>, vector<16xf32>,
        %mul3A_1152 = arith.mulf %get3A_875, %get3A_1151 : vector<16xf32>
        %add3A_1153 = arith.addf %add3A_1148, %mul3A_1152 : vector<16xf32>
        %reduce_sum3A_1154 = arith.constant true
        %reduce_sum3A_1155 = vector.broadcast %reduce_sum3A_1154 : i1 to vector<16xi1>
        %reduce_sum3A_1156 = tpu.scan <sum>, %add3A_1153 masked %reduce_sum3A_1155 : vector<16xf32>, vector<16xi1> -> vector<16xf32>
        %reduce_sum3A_1157 = vector.extract %reduce_sum3A_1156[15] : f32 from vector<16xf32>
        %broadcast_in_dim3A_1158 = vector.broadcast %reduce_sum3A_1157 : f32 to vector<16xf32>
        %select_n3A_1159 = arith.select %eq3A_864, %broadcast_in_dim3A_1158, %scan3A_859 : vector<16xi1>, vector<16xf32>
        %mul3A_1160 = arith.constant 10 : i32
        %mul3A_1161 = arith.muli %add3A_863, %mul3A_1160 : i32
        %add3A_1162 = arith.constant 9 : i32
        %add3A_1163 = arith.addi %mul3A_1161, %add3A_1162 : i32
        %get3A_1164 = arith.index_cast %add3A_1163 : i32 to index
        %get3A_1165 = arith.constant 0 : index
        %get3A_1166 = tpu.vector_load %arg14[%get3A_1164, %get3A_1165] {strides = array<i32>} : memref<1280x64xf32, #tpu.memory_space<vmem>>, vector<16xf32>,
        %mul3A_1167 = arith.mulf %get3A_866, %get3A_1166 : vector<16xf32>
        %get3A_1168 = arith.index_cast %add3A_1163 : i32 to index
        %get3A_1169 = arith.constant 16 : index
        %get3A_1170 = tpu.vector_load %arg14[%get3A_1168, %get3A_1169] {strides = array<i32>} : memref<1280x64xf32, #tpu.memory_space<vmem>>, vector<16xf32>,
        %mul3A_1171 = arith.mulf %get3A_869, %get3A_1170 : vector<16xf32>
        %add3A_1172 = arith.addf %mul3A_1167, %mul3A_1171 : vector<16xf32>
        %get3A_1173 = arith.index_cast %add3A_1163 : i32 to index
        %get3A_1174 = arith.constant 32 : index
        %get3A_1175 = tpu.vector_load %arg14[%get3A_1173, %get3A_1174] {strides = array<i32>} : memref<1280x64xf32, #tpu.memory_space<vmem>>, vector<16xf32>,
        %mul3A_1176 = arith.mulf %get3A_872, %get3A_1175 : vector<16xf32>
        %add3A_1177 = arith.addf %add3A_1172, %mul3A_1176 : vector<16xf32>
        %get3A_1178 = arith.index_cast %add3A_1163 : i32 to index
        %get3A_1179 = arith.constant 48 : index
        %get3A_1180 = tpu.vector_load %arg14[%get3A_1178, %get3A_1179] {strides = array<i32>} : memref<1280x64xf32, #tpu.memory_space<vmem>>, vector<16xf32>,
        %mul3A_1181 = arith.mulf %get3A_875, %get3A_1180 : vector<16xf32>
        %add3A_1182 = arith.addf %add3A_1177, %mul3A_1181 : vector<16xf32>
        %reduce_sum3A_1183 = arith.constant true
        %reduce_sum3A_1184 = vector.broadcast %reduce_sum3A_1183 : i1 to vector<16xi1>
        %reduce_sum3A_1185 = tpu.scan <sum>, %add3A_1182 masked %reduce_sum3A_1184 : vector<16xf32>, vector<16xi1> -> vector<16xf32>
        %reduce_sum3A_1186 = vector.extract %reduce_sum3A_1185[15] : f32 from vector<16xf32>
        %broadcast_in_dim3A_1187 = vector.broadcast %reduce_sum3A_1186 : f32 to vector<16xf32>
        %select_n3A_1188 = arith.select %eq3A_864, %broadcast_in_dim3A_1187, %scan3A_860 : vector<16xi1>, vector<16xf32>
        scf.yield %select_n3A, %select_n3A_927, %select_n3A_956, %select_n3A_985, %select_n3A_1014, %select_n3A_1043, %select_n3A_1072, %select_n3A_1101, %select_n3A_1130, %select_n3A_1159, %select_n3A_1188 : vector<16xf32>, vector<16xf32>, vector<16xf32>, vector<16xf32>, vector<16xf32>, vector<16xf32>, vector<16xf32>, vector<16xf32>, vector<16xf32>, vector<16xf32>, vector<16xf32>
      }
      %scan3A_785 = arith.constant 16 : i32
      %mul3A_786 = arith.constant 16 : i32
      %mul3A_787 = arith.muli %scan3A_778, %mul3A_786 : i32
      %swap3A = arith.index_cast %mul3A_787 : i32 to index
      %swap3A_788 = tpu.vector_load %arg15[%swap3A] {strides = array<i32>} : memref<128xf32, #tpu.memory_space<vmem>>, vector<16xf32>,
      tpu.vector_store %arg15[%swap3A], %scan3A_784#0 {strides = array<i32>} : memref<128xf32, #tpu.memory_space<vmem>>, vector<16xf32>,
      %mul3A_789 = arith.constant 16 : i32
      %mul3A_790 = arith.muli %scan3A_778, %mul3A_789 : i32
      %add3A_791 = arith.constant 0 : i32
      %add3A_792 = arith.addi %add3A_791, %mul3A_790 : i32
      %swap3A_793 = arith.index_cast %add3A_792 : i32 to index
      %swap3A_794 = tpu.vector_load %arg16[%swap3A_793] {strides = array<i32>} : memref<1280xf32, #tpu.memory_space<vmem>>, vector<16xf32>,
      tpu.vector_store %arg16[%swap3A_793], %scan3A_784#1 {strides = array<i32>} : memref<1280xf32, #tpu.memory_space<vmem>>, vector<16xf32>,
      %mul3A_795 = arith.constant 16 : i32
      %mul3A_796 = arith.muli %scan3A_778, %mul3A_795 : i32
      %add3A_797 = arith.constant 128 : i32
      %add3A_798 = arith.addi %add3A_797, %mul3A_796 : i32
      %swap3A_799 = arith.index_cast %add3A_798 : i32 to index
      %swap3A_800 = tpu.vector_load %arg16[%swap3A_799] {strides = array<i32>} : memref<1280xf32, #tpu.memory_space<vmem>>, vector<16xf32>,
      tpu.vector_store %arg16[%swap3A_799], %scan3A_784#2 {strides = array<i32>} : memref<1280xf32, #tpu.memory_space<vmem>>, vector<16xf32>,
      %mul3A_801 = arith.constant 16 : i32
      %mul3A_802 = arith.muli %scan3A_778, %mul3A_801 : i32
      %add3A_803 = arith.constant 256 : i32
      %add3A_804 = arith.addi %add3A_803, %mul3A_802 : i32
      %swap3A_805 = arith.index_cast %add3A_804 : i32 to index
      %swap3A_806 = tpu.vector_load %arg16[%swap3A_805] {strides = array<i32>} : memref<1280xf32, #tpu.memory_space<vmem>>, vector<16xf32>,
      tpu.vector_store %arg16[%swap3A_805], %scan3A_784#3 {strides = array<i32>} : memref<1280xf32, #tpu.memory_space<vmem>>, vector<16xf32>,
      %mul3A_807 = arith.constant 16 : i32
      %mul3A_808 = arith.muli %scan3A_778, %mul3A_807 : i32
      %add3A_809 = arith.constant 384 : i32
      %add3A_810 = arith.addi %add3A_809, %mul3A_808 : i32
      %swap3A_811 = arith.index_cast %add3A_810 : i32 to index
      %swap3A_812 = tpu.vector_load %arg16[%swap3A_811] {strides = array<i32>} : memref<1280xf32, #tpu.memory_space<vmem>>, vector<16xf32>,
      tpu.vector_store %arg16[%swap3A_811], %scan3A_784#4 {strides = array<i32>} : memref<1280xf32, #tpu.memory_space<vmem>>, vector<16xf32>,
      %mul3A_813 = arith.constant 16 : i32
      %mul3A_814 = arith.muli %scan3A_778, %mul3A_813 : i32
      %add3A_815 = arith.constant 512 : i32
      %add3A_816 = arith.addi %add3A_815, %mul3A_814 : i32
      %swap3A_817 = arith.index_cast %add3A_816 : i32 to index
      %swap3A_818 = tpu.vector_load %arg16[%swap3A_817] {strides = array<i32>} : memref<1280xf32, #tpu.memory_space<vmem>>, vector<16xf32>,
      tpu.vector_store %arg16[%swap3A_817], %scan3A_784#5 {strides = array<i32>} : memref<1280xf32, #tpu.memory_space<vmem>>, vector<16xf32>,
      %mul3A_819 = arith.constant 16 : i32
      %mul3A_820 = arith.muli %scan3A_778, %mul3A_819 : i32
      %add3A_821 = arith.constant 640 : i32
      %add3A_822 = arith.addi %add3A_821, %mul3A_820 : i32
      %swap3A_823 = arith.index_cast %add3A_822 : i32 to index
      %swap3A_824 = tpu.vector_load %arg16[%swap3A_823] {strides = array<i32>} : memref<1280xf32, #tpu.memory_space<vmem>>, vector<16xf32>,
      tpu.vector_store %arg16[%swap3A_823], %scan3A_784#6 {strides = array<i32>} : memref<1280xf32, #tpu.memory_space<vmem>>, vector<16xf32>,
      %mul3A_825 = arith.constant 16 : i32
      %mul3A_826 = arith.muli %scan3A_778, %mul3A_825 : i32
      %add3A_827 = arith.constant 768 : i32
      %add3A_828 = arith.addi %add3A_827, %mul3A_826 : i32
      %swap3A_829 = arith.index_cast %add3A_828 : i32 to index
      %swap3A_830 = tpu.vector_load %arg16[%swap3A_829] {strides = array<i32>} : memref<1280xf32, #tpu.memory_space<vmem>>, vector<16xf32>,
      tpu.vector_store %arg16[%swap3A_829], %scan3A_784#7 {strides = array<i32>} : memref<1280xf32, #tpu.memory_space<vmem>>, vector<16xf32>,
      %mul3A_831 = arith.constant 16 : i32
      %mul3A_832 = arith.muli %scan3A_778, %mul3A_831 : i32
      %add3A_833 = arith.constant 896 : i32
      %add3A_834 = arith.addi %add3A_833, %mul3A_832 : i32
      %swap3A_835 = arith.index_cast %add3A_834 : i32 to index
      %swap3A_836 = tpu.vector_load %arg16[%swap3A_835] {strides = array<i32>} : memref<1280xf32, #tpu.memory_space<vmem>>, vector<16xf32>,
      tpu.vector_store %arg16[%swap3A_835], %scan3A_784#8 {strides = array<i32>} : memref<1280xf32, #tpu.memory_space<vmem>>, vector<16xf32>,
      %mul3A_837 = arith.constant 16 : i32
      %mul3A_838 = arith.muli %scan3A_778, %mul3A_837 : i32
      %add3A_839 = arith.constant 1024 : i32
      %add3A_840 = arith.addi %add3A_839, %mul3A_838 : i32
      %swap3A_841 = arith.index_cast %add3A_840 : i32 to index
      %swap3A_842 = tpu.vector_load %arg16[%swap3A_841] {strides = array<i32>} : memref<1280xf32, #tpu.memory_space<vmem>>, vector<16xf32>,
      tpu.vector_store %arg16[%swap3A_841], %scan3A_784#9 {strides = array<i32>} : memref<1280xf32, #tpu.memory_space<vmem>>, vector<16xf32>,
      %mul3A_843 = arith.constant 16 : i32
      %mul3A_844 = arith.muli %scan3A_778, %mul3A_843 : i32
      %add3A_845 = arith.constant 1152 : i32
      %add3A_846 = arith.addi %add3A_845, %mul3A_844 : i32
      %swap3A_847 = arith.index_cast %add3A_846 : i32 to index
      %swap3A_848 = tpu.vector_load %arg16[%swap3A_847] {strides = array<i32>} : memref<1280xf32, #tpu.memory_space<vmem>>, vector<16xf32>,
      tpu.vector_store %arg16[%swap3A_847], %scan3A_784#10 {strides = array<i32>} : memref<1280xf32, #tpu.memory_space<vmem>>, vector<16xf32>,
    }
    %scan3A_385 = arith.constant 8 : i32
    "tpu.region"() ({
      %run_scoped3A = tpu.sem_alloc : memref<!tpu.dma_semaphore, #tpu.memory_space<semaphore_mem>>
      %dma_start3A_778 = tpu.memref_slice %arg7[%add3A_196] : memref<16384xf32, #tpu.memory_space<hbm>> -> memref<128xf32, #tpu.memory_space<hbm>>
      %dma_start3A_779 = tpu.memref_slice %arg7[%add3A_196] : memref<16384xf32, #tpu.memory_space<hbm>> -> memref<128xf32, #tpu.memory_space<hbm>>
      tpu.enqueue_dma source(%arg15 : memref<128xf32, #tpu.memory_space<vmem>>) target(%dma_start3A_779 : memref<128xf32, #tpu.memory_space<hbm>>) target_semaphore(%run_scoped3A : memref<!tpu.dma_semaphore, #tpu.memory_space<semaphore_mem>>)
      %dma_wait3A_780 = tpu.memref_slice %arg7[%add3A_196] : memref<16384xf32, #tpu.memory_space<hbm>> -> memref<128xf32, #tpu.memory_space<hbm>>
      %dma_wait3A_781 = tpu.memref_slice %arg7[%add3A_196] : memref<16384xf32, #tpu.memory_space<hbm>> -> memref<128xf32, #tpu.memory_space<hbm>>
      tpu.wait_dma2 semaphore(%run_scoped3A : memref<!tpu.dma_semaphore, #tpu.memory_space<semaphore_mem>>) src(%arg15 : memref<128xf32, #tpu.memory_space<vmem>>) dst(%dma_wait3A_781 : memref<128xf32, #tpu.memory_space<hbm>>)
      tpu.yield
    }) : () -> ()
    %mul3A_386 = arith.constant 10 : i32
    %mul3A_387 = arith.muli %add3A_196, %mul3A_386 : i32
    "tpu.region"() ({
      %run_scoped3A = tpu.sem_alloc : memref<!tpu.dma_semaphore, #tpu.memory_space<semaphore_mem>>
      %dma_start3A_778 = tpu.memref_slice %arg8[%mul3A_387] : memref<163840xf32, #tpu.memory_space<hbm>> -> memref<1280xf32, #tpu.memory_space<hbm>>
      %dma_start3A_779 = tpu.memref_slice %arg8[%mul3A_387] : memref<163840xf32, #tpu.memory_space<hbm>> -> memref<1280xf32, #tpu.memory_space<hbm>>
      tpu.enqueue_dma source(%arg16 : memref<1280xf32, #tpu.memory_space<vmem>>) target(%dma_start3A_779 : memref<1280xf32, #tpu.memory_space<hbm>>) target_semaphore(%run_scoped3A : memref<!tpu.dma_semaphore, #tpu.memory_space<semaphore_mem>>)
      %dma_wait3A_780 = tpu.memref_slice %arg8[%mul3A_387] : memref<163840xf32, #tpu.memory_space<hbm>> -> memref<1280xf32, #tpu.memory_space<hbm>>
      %dma_wait3A_781 = tpu.memref_slice %arg8[%mul3A_387] : memref<163840xf32, #tpu.memory_space<hbm>> -> memref<1280xf32, #tpu.memory_space<hbm>>
      tpu.wait_dma2 semaphore(%run_scoped3A : memref<!tpu.dma_semaphore, #tpu.memory_space<semaphore_mem>>) src(%arg16 : memref<1280xf32, #tpu.memory_space<vmem>>) dst(%dma_wait3A_781 : memref<1280xf32, #tpu.memory_space<hbm>>)
      tpu.yield
    }) : () -> ()
    %mul3A_388 = arith.constant 512 : i32
    %mul3A_389 = arith.muli %add3A, %mul3A_388 : i32
    %add3A_390 = arith.constant 256 : i32
    %add3A_391 = arith.addi %mul3A_389, %add3A_390 : i32
    "tpu.region"() ({
      %run_scoped3A = tpu.sem_alloc : memref<!tpu.dma_semaphore, #tpu.memory_space<semaphore_mem>>
      %dma_start3A_778 = tpu.memref_slice %arg4[%add3A_391] : memref<16384xi32, #tpu.memory_space<hbm>> -> memref<128xi32, #tpu.memory_space<hbm>>
      %dma_start3A_779 = tpu.memref_slice %arg4[%add3A_391] : memref<16384xi32, #tpu.memory_space<hbm>> -> memref<128xi32, #tpu.memory_space<hbm>>
      tpu.enqueue_dma source(%dma_start3A_779 : memref<128xi32, #tpu.memory_space<hbm>>) target(%arg9 : memref<128xi32, #tpu.memory_space<vmem>>) target_semaphore(%run_scoped3A : memref<!tpu.dma_semaphore, #tpu.memory_space<semaphore_mem>>)
      %dma_wait3A_780 = tpu.memref_slice %arg4[%add3A_391] : memref<16384xi32, #tpu.memory_space<hbm>> -> memref<128xi32, #tpu.memory_space<hbm>>
      %dma_wait3A_781 = tpu.memref_slice %arg4[%add3A_391] : memref<16384xi32, #tpu.memory_space<hbm>> -> memref<128xi32, #tpu.memory_space<hbm>>
      tpu.wait_dma2 semaphore(%run_scoped3A : memref<!tpu.dma_semaphore, #tpu.memory_space<semaphore_mem>>) src(%dma_wait3A_781 : memref<128xi32, #tpu.memory_space<hbm>>) dst(%arg9 : memref<128xi32, #tpu.memory_space<vmem>>)
      tpu.yield
    }) : () -> ()
    "tpu.region"() ({
      %run_scoped3A = tpu.sem_alloc : memref<!tpu.dma_semaphore, #tpu.memory_space<semaphore_mem>>
      %dma_start3A_778 = tpu.memref_slice %arg5[%add3A_391] : memref<16384xi32, #tpu.memory_space<hbm>> -> memref<128xi32, #tpu.memory_space<hbm>>
      %dma_start3A_779 = tpu.memref_slice %arg5[%add3A_391] : memref<16384xi32, #tpu.memory_space<hbm>> -> memref<128xi32, #tpu.memory_space<hbm>>
      tpu.enqueue_dma source(%dma_start3A_779 : memref<128xi32, #tpu.memory_space<hbm>>) target(%arg10 : memref<128xi32, #tpu.memory_space<vmem>>) target_semaphore(%run_scoped3A : memref<!tpu.dma_semaphore, #tpu.memory_space<semaphore_mem>>)
      %dma_wait3A_780 = tpu.memref_slice %arg5[%add3A_391] : memref<16384xi32, #tpu.memory_space<hbm>> -> memref<128xi32, #tpu.memory_space<hbm>>
      %dma_wait3A_781 = tpu.memref_slice %arg5[%add3A_391] : memref<16384xi32, #tpu.memory_space<hbm>> -> memref<128xi32, #tpu.memory_space<hbm>>
      tpu.wait_dma2 semaphore(%run_scoped3A : memref<!tpu.dma_semaphore, #tpu.memory_space<semaphore_mem>>) src(%dma_wait3A_781 : memref<128xi32, #tpu.memory_space<hbm>>) dst(%arg10 : memref<128xi32, #tpu.memory_space<vmem>>)
      tpu.yield
    }) : () -> ()
    %mul3A_392 = arith.constant 10 : i32
    %mul3A_393 = arith.muli %add3A_391, %mul3A_392 : i32
    "tpu.region"() ({
      %run_scoped3A = tpu.sem_alloc : memref<!tpu.dma_semaphore, #tpu.memory_space<semaphore_mem>>
      %dma_start3A_778 = tpu.memref_slice %arg6[%mul3A_393] : memref<163840xi32, #tpu.memory_space<hbm>> -> memref<1280xi32, #tpu.memory_space<hbm>>
      %dma_start3A_779 = tpu.memref_slice %arg6[%mul3A_393] : memref<163840xi32, #tpu.memory_space<hbm>> -> memref<1280xi32, #tpu.memory_space<hbm>>
      tpu.enqueue_dma source(%dma_start3A_779 : memref<1280xi32, #tpu.memory_space<hbm>>) target(%arg11 : memref<1280xi32, #tpu.memory_space<vmem>>) target_semaphore(%run_scoped3A : memref<!tpu.dma_semaphore, #tpu.memory_space<semaphore_mem>>)
      %dma_wait3A_780 = tpu.memref_slice %arg6[%mul3A_393] : memref<163840xi32, #tpu.memory_space<hbm>> -> memref<1280xi32, #tpu.memory_space<hbm>>
      %dma_wait3A_781 = tpu.memref_slice %arg6[%mul3A_393] : memref<163840xi32, #tpu.memory_space<hbm>> -> memref<1280xi32, #tpu.memory_space<hbm>>
      tpu.wait_dma2 semaphore(%run_scoped3A : memref<!tpu.dma_semaphore, #tpu.memory_space<semaphore_mem>>) src(%dma_wait3A_781 : memref<1280xi32, #tpu.memory_space<hbm>>) dst(%arg11 : memref<1280xi32, #tpu.memory_space<vmem>>)
      tpu.yield
    }) : () -> ()
    %scan3A_394 = arith.constant 0 : i32
    %scan3A_395 = arith.constant 8 : i32
    %scan3A_396 = arith.addi %scan3A_394, %scan3A_395 : i32
    %scan3A_397 = arith.constant 1 : i32
    scf.for %scan3A_778 = %scan3A_394 to %scan3A_396 step %scan3A_397  : i32 {
      %mul3A_779 = arith.constant 16 : i32
      %mul3A_780 = arith.muli %scan3A_778, %mul3A_779 : i32
      %get3A = arith.index_cast %mul3A_780 : i32 to index
      %get3A_781 = tpu.vector_load %arg9[%get3A] {strides = array<i32>} : memref<128xi32, #tpu.memory_space<vmem>>, vector<16xi32>,
      %and3A = arith.constant -8192 : i32
      %and3A_782 = vector.broadcast %and3A : i32 to vector<16xi32>
      %and3A_783 = arith.andi %get3A_781, %and3A_782 : vector<16xi32>
      %and3A_784 = arith.constant 4095 : i32
      %and3A_785 = vector.broadcast %and3A_784 : i32 to vector<16xi32>
      %and3A_786 = arith.andi %get3A_781, %and3A_785 : vector<16xi32>
      %shift_left3A = arith.constant 1 : i32
      %shift_left3A_787 = vector.broadcast %shift_left3A : i32 to vector<16xi32>
      %shift_left3A_788 = arith.shli %and3A_786, %shift_left3A_787 : vector<16xi32>
      %add3A_789 = arith.addi %and3A_783, %shift_left3A_788 : vector<16xi32>
      %shift_right_arithmetic3A = arith.constant 12 : i32
      %shift_right_arithmetic3A_790 = vector.broadcast %shift_right_arithmetic3A : i32 to vector<16xi32>
      %shift_right_arithmetic3A_791 = arith.shrsi %get3A_781, %shift_right_arithmetic3A_790 : vector<16xi32>
      %and3A_792 = arith.constant 1 : i32
      %and3A_793 = vector.broadcast %and3A_792 : i32 to vector<16xi32>
      %and3A_794 = arith.andi %shift_right_arithmetic3A_791, %and3A_793 : vector<16xi32>
      %add3A_795 = arith.addi %add3A_789, %and3A_794 : vector<16xi32>
      %swap3A = arith.index_cast %mul3A_780 : i32 to index
      %swap3A_796 = tpu.vector_load %arg9[%swap3A] {strides = array<i32>} : memref<128xi32, #tpu.memory_space<vmem>>, vector<16xi32>,
      tpu.vector_store %arg9[%swap3A], %add3A_795 {strides = array<i32>} : memref<128xi32, #tpu.memory_space<vmem>>, vector<16xi32>,
      %get3A_797 = arith.index_cast %mul3A_780 : i32 to index
      %get3A_798 = tpu.vector_load %arg10[%get3A_797] {strides = array<i32>} : memref<128xi32, #tpu.memory_space<vmem>>, vector<16xi32>,
      %and3A_799 = arith.constant -8192 : i32
      %and3A_800 = vector.broadcast %and3A_799 : i32 to vector<16xi32>
      %and3A_801 = arith.andi %get3A_798, %and3A_800 : vector<16xi32>
      %and3A_802 = arith.constant 4095 : i32
      %and3A_803 = vector.broadcast %and3A_802 : i32 to vector<16xi32>
      %and3A_804 = arith.andi %get3A_798, %and3A_803 : vector<16xi32>
      %shift_left3A_805 = arith.constant 1 : i32
      %shift_left3A_806 = vector.broadcast %shift_left3A_805 : i32 to vector<16xi32>
      %shift_left3A_807 = arith.shli %and3A_804, %shift_left3A_806 : vector<16xi32>
      %add3A_808 = arith.addi %and3A_801, %shift_left3A_807 : vector<16xi32>
      %shift_right_arithmetic3A_809 = arith.constant 12 : i32
      %shift_right_arithmetic3A_810 = vector.broadcast %shift_right_arithmetic3A_809 : i32 to vector<16xi32>
      %shift_right_arithmetic3A_811 = arith.shrsi %get3A_798, %shift_right_arithmetic3A_810 : vector<16xi32>
      %and3A_812 = arith.constant 1 : i32
      %and3A_813 = vector.broadcast %and3A_812 : i32 to vector<16xi32>
      %and3A_814 = arith.andi %shift_right_arithmetic3A_811, %and3A_813 : vector<16xi32>
      %add3A_815 = arith.addi %add3A_808, %and3A_814 : vector<16xi32>
      %swap3A_816 = arith.index_cast %mul3A_780 : i32 to index
      %swap3A_817 = tpu.vector_load %arg10[%swap3A_816] {strides = array<i32>} : memref<128xi32, #tpu.memory_space<vmem>>, vector<16xi32>,
      tpu.vector_store %arg10[%swap3A_816], %add3A_815 {strides = array<i32>} : memref<128xi32, #tpu.memory_space<vmem>>, vector<16xi32>,
    }
    %scan3A_398 = arith.constant 8 : i32
    %scan3A_399 = arith.constant 0 : i32
    %scan3A_400 = arith.constant 80 : i32
    %scan3A_401 = arith.addi %scan3A_399, %scan3A_400 : i32
    %scan3A_402 = arith.constant 1 : i32
    scf.for %scan3A_778 = %scan3A_399 to %scan3A_401 step %scan3A_402  : i32 {
      %mul3A_779 = arith.constant 16 : i32
      %mul3A_780 = arith.muli %scan3A_778, %mul3A_779 : i32
      %get3A = arith.index_cast %mul3A_780 : i32 to index
      %get3A_781 = tpu.vector_load %arg11[%get3A] {strides = array<i32>} : memref<1280xi32, #tpu.memory_space<vmem>>, vector<16xi32>,
      %and3A = arith.constant -8192 : i32
      %and3A_782 = vector.broadcast %and3A : i32 to vector<16xi32>
      %and3A_783 = arith.andi %get3A_781, %and3A_782 : vector<16xi32>
      %and3A_784 = arith.constant 4095 : i32
      %and3A_785 = vector.broadcast %and3A_784 : i32 to vector<16xi32>
      %and3A_786 = arith.andi %get3A_781, %and3A_785 : vector<16xi32>
      %shift_left3A = arith.constant 1 : i32
      %shift_left3A_787 = vector.broadcast %shift_left3A : i32 to vector<16xi32>
      %shift_left3A_788 = arith.shli %and3A_786, %shift_left3A_787 : vector<16xi32>
      %add3A_789 = arith.addi %and3A_783, %shift_left3A_788 : vector<16xi32>
      %shift_right_arithmetic3A = arith.constant 12 : i32
      %shift_right_arithmetic3A_790 = vector.broadcast %shift_right_arithmetic3A : i32 to vector<16xi32>
      %shift_right_arithmetic3A_791 = arith.shrsi %get3A_781, %shift_right_arithmetic3A_790 : vector<16xi32>
      %and3A_792 = arith.constant 1 : i32
      %and3A_793 = vector.broadcast %and3A_792 : i32 to vector<16xi32>
      %and3A_794 = arith.andi %shift_right_arithmetic3A_791, %and3A_793 : vector<16xi32>
      %add3A_795 = arith.addi %add3A_789, %and3A_794 : vector<16xi32>
      %swap3A = arith.index_cast %mul3A_780 : i32 to index
      %swap3A_796 = tpu.vector_load %arg11[%swap3A] {strides = array<i32>} : memref<1280xi32, #tpu.memory_space<vmem>>, vector<16xi32>,
      tpu.vector_store %arg11[%swap3A], %add3A_795 {strides = array<i32>} : memref<1280xi32, #tpu.memory_space<vmem>>, vector<16xi32>,
    }
    %scan3A_403 = arith.constant 80 : i32
    %dma_start3A_404 = arith.constant 0 : i32
    %dma_start3A_405 = arith.constant 0 : i32
    %dma_start3A_406 = tpu.memref_slice %arg2[%dma_start3A_404, %dma_start3A_405] : memref<1007616x64xf32, #tpu.memory_space<hbm>> -> memref<1007616x64xf32, #tpu.memory_space<hbm>>
    tpu.enqueue_indirect_dma source(%dma_start3A_406 : memref<1007616x64xf32, #tpu.memory_space<hbm>>) target(%arg12 : memref<128x64xf32, #tpu.memory_space<vmem>>) offsets(%arg9 : memref<128xi32, #tpu.memory_space<vmem>>) semaphore(%arg17 : memref<!tpu.dma_semaphore, #tpu.memory_space<semaphore_mem>>)
    %dma_start3A_407 = arith.constant 0 : i32
    %dma_start3A_408 = arith.constant 0 : i32
    %dma_start3A_409 = tpu.memref_slice %arg3[%dma_start3A_407, %dma_start3A_408] : memref<1007616x64xf32, #tpu.memory_space<hbm>> -> memref<1007616x64xf32, #tpu.memory_space<hbm>>
    tpu.enqueue_indirect_dma source(%dma_start3A_409 : memref<1007616x64xf32, #tpu.memory_space<hbm>>) target(%arg13 : memref<128x64xf32, #tpu.memory_space<vmem>>) offsets(%arg10 : memref<128xi32, #tpu.memory_space<vmem>>) semaphore(%arg17 : memref<!tpu.dma_semaphore, #tpu.memory_space<semaphore_mem>>)
    %dma_start3A_410 = arith.constant 0 : i32
    %dma_start3A_411 = arith.constant 0 : i32
    %dma_start3A_412 = tpu.memref_slice %arg14[%dma_start3A_410, %dma_start3A_411] : memref<1280x64xf32, #tpu.memory_space<vmem>> -> memref<128x64xf32, #tpu.memory_space<vmem>>
    %dma_start3A_413 = arith.constant 0 : i32
    %dma_start3A_414 = tpu.memref_slice %arg11[%dma_start3A_413] : memref<1280xi32, #tpu.memory_space<vmem>> -> memref<128xi32, #tpu.memory_space<vmem>>
    %dma_start3A_415 = arith.constant 0 : i32
    %dma_start3A_416 = arith.constant 0 : i32
    %dma_start3A_417 = tpu.memref_slice %arg3[%dma_start3A_415, %dma_start3A_416] : memref<1007616x64xf32, #tpu.memory_space<hbm>> -> memref<1007616x64xf32, #tpu.memory_space<hbm>>
    tpu.enqueue_indirect_dma source(%dma_start3A_417 : memref<1007616x64xf32, #tpu.memory_space<hbm>>) target(%dma_start3A_412 : memref<128x64xf32, #tpu.memory_space<vmem>>) offsets(%dma_start3A_414 : memref<128xi32, #tpu.memory_space<vmem>>) semaphore(%arg17 : memref<!tpu.dma_semaphore, #tpu.memory_space<semaphore_mem>>)
    %dma_start3A_418 = arith.constant 128 : i32
    %dma_start3A_419 = arith.constant 0 : i32
    %dma_start3A_420 = tpu.memref_slice %arg14[%dma_start3A_418, %dma_start3A_419] : memref<1280x64xf32, #tpu.memory_space<vmem>> -> memref<128x64xf32, #tpu.memory_space<vmem>>
    %dma_start3A_421 = arith.constant 128 : i32
    %dma_start3A_422 = tpu.memref_slice %arg11[%dma_start3A_421] : memref<1280xi32, #tpu.memory_space<vmem>> -> memref<128xi32, #tpu.memory_space<vmem>>
    %dma_start3A_423 = arith.constant 0 : i32
    %dma_start3A_424 = arith.constant 0 : i32
    %dma_start3A_425 = tpu.memref_slice %arg3[%dma_start3A_423, %dma_start3A_424] : memref<1007616x64xf32, #tpu.memory_space<hbm>> -> memref<1007616x64xf32, #tpu.memory_space<hbm>>
    tpu.enqueue_indirect_dma source(%dma_start3A_425 : memref<1007616x64xf32, #tpu.memory_space<hbm>>) target(%dma_start3A_420 : memref<128x64xf32, #tpu.memory_space<vmem>>) offsets(%dma_start3A_422 : memref<128xi32, #tpu.memory_space<vmem>>) semaphore(%arg17 : memref<!tpu.dma_semaphore, #tpu.memory_space<semaphore_mem>>)
    %dma_start3A_426 = arith.constant 256 : i32
    %dma_start3A_427 = arith.constant 0 : i32
    %dma_start3A_428 = tpu.memref_slice %arg14[%dma_start3A_426, %dma_start3A_427] : memref<1280x64xf32, #tpu.memory_space<vmem>> -> memref<128x64xf32, #tpu.memory_space<vmem>>
    %dma_start3A_429 = arith.constant 256 : i32
    %dma_start3A_430 = tpu.memref_slice %arg11[%dma_start3A_429] : memref<1280xi32, #tpu.memory_space<vmem>> -> memref<128xi32, #tpu.memory_space<vmem>>
    %dma_start3A_431 = arith.constant 0 : i32
    %dma_start3A_432 = arith.constant 0 : i32
    %dma_start3A_433 = tpu.memref_slice %arg3[%dma_start3A_431, %dma_start3A_432] : memref<1007616x64xf32, #tpu.memory_space<hbm>> -> memref<1007616x64xf32, #tpu.memory_space<hbm>>
    tpu.enqueue_indirect_dma source(%dma_start3A_433 : memref<1007616x64xf32, #tpu.memory_space<hbm>>) target(%dma_start3A_428 : memref<128x64xf32, #tpu.memory_space<vmem>>) offsets(%dma_start3A_430 : memref<128xi32, #tpu.memory_space<vmem>>) semaphore(%arg17 : memref<!tpu.dma_semaphore, #tpu.memory_space<semaphore_mem>>)
    %dma_start3A_434 = arith.constant 384 : i32
    %dma_start3A_435 = arith.constant 0 : i32
    %dma_start3A_436 = tpu.memref_slice %arg14[%dma_start3A_434, %dma_start3A_435] : memref<1280x64xf32, #tpu.memory_space<vmem>> -> memref<128x64xf32, #tpu.memory_space<vmem>>
    %dma_start3A_437 = arith.constant 384 : i32
    %dma_start3A_438 = tpu.memref_slice %arg11[%dma_start3A_437] : memref<1280xi32, #tpu.memory_space<vmem>> -> memref<128xi32, #tpu.memory_space<vmem>>
    %dma_start3A_439 = arith.constant 0 : i32
    %dma_start3A_440 = arith.constant 0 : i32
    %dma_start3A_441 = tpu.memref_slice %arg3[%dma_start3A_439, %dma_start3A_440] : memref<1007616x64xf32, #tpu.memory_space<hbm>> -> memref<1007616x64xf32, #tpu.memory_space<hbm>>
    tpu.enqueue_indirect_dma source(%dma_start3A_441 : memref<1007616x64xf32, #tpu.memory_space<hbm>>) target(%dma_start3A_436 : memref<128x64xf32, #tpu.memory_space<vmem>>) offsets(%dma_start3A_438 : memref<128xi32, #tpu.memory_space<vmem>>) semaphore(%arg17 : memref<!tpu.dma_semaphore, #tpu.memory_space<semaphore_mem>>)
    %dma_start3A_442 = arith.constant 512 : i32
    %dma_start3A_443 = arith.constant 0 : i32
    %dma_start3A_444 = tpu.memref_slice %arg14[%dma_start3A_442, %dma_start3A_443] : memref<1280x64xf32, #tpu.memory_space<vmem>> -> memref<128x64xf32, #tpu.memory_space<vmem>>
    %dma_start3A_445 = arith.constant 512 : i32
    %dma_start3A_446 = tpu.memref_slice %arg11[%dma_start3A_445] : memref<1280xi32, #tpu.memory_space<vmem>> -> memref<128xi32, #tpu.memory_space<vmem>>
    %dma_start3A_447 = arith.constant 0 : i32
    %dma_start3A_448 = arith.constant 0 : i32
    %dma_start3A_449 = tpu.memref_slice %arg3[%dma_start3A_447, %dma_start3A_448] : memref<1007616x64xf32, #tpu.memory_space<hbm>> -> memref<1007616x64xf32, #tpu.memory_space<hbm>>
    tpu.enqueue_indirect_dma source(%dma_start3A_449 : memref<1007616x64xf32, #tpu.memory_space<hbm>>) target(%dma_start3A_444 : memref<128x64xf32, #tpu.memory_space<vmem>>) offsets(%dma_start3A_446 : memref<128xi32, #tpu.memory_space<vmem>>) semaphore(%arg17 : memref<!tpu.dma_semaphore, #tpu.memory_space<semaphore_mem>>)
    %dma_start3A_450 = arith.constant 640 : i32
    %dma_start3A_451 = arith.constant 0 : i32
    %dma_start3A_452 = tpu.memref_slice %arg14[%dma_start3A_450, %dma_start3A_451] : memref<1280x64xf32, #tpu.memory_space<vmem>> -> memref<128x64xf32, #tpu.memory_space<vmem>>
    %dma_start3A_453 = arith.constant 640 : i32
    %dma_start3A_454 = tpu.memref_slice %arg11[%dma_start3A_453] : memref<1280xi32, #tpu.memory_space<vmem>> -> memref<128xi32, #tpu.memory_space<vmem>>
    %dma_start3A_455 = arith.constant 0 : i32
    %dma_start3A_456 = arith.constant 0 : i32
    %dma_start3A_457 = tpu.memref_slice %arg3[%dma_start3A_455, %dma_start3A_456] : memref<1007616x64xf32, #tpu.memory_space<hbm>> -> memref<1007616x64xf32, #tpu.memory_space<hbm>>
    tpu.enqueue_indirect_dma source(%dma_start3A_457 : memref<1007616x64xf32, #tpu.memory_space<hbm>>) target(%dma_start3A_452 : memref<128x64xf32, #tpu.memory_space<vmem>>) offsets(%dma_start3A_454 : memref<128xi32, #tpu.memory_space<vmem>>) semaphore(%arg17 : memref<!tpu.dma_semaphore, #tpu.memory_space<semaphore_mem>>)
    %dma_start3A_458 = arith.constant 768 : i32
    %dma_start3A_459 = arith.constant 0 : i32
    %dma_start3A_460 = tpu.memref_slice %arg14[%dma_start3A_458, %dma_start3A_459] : memref<1280x64xf32, #tpu.memory_space<vmem>> -> memref<128x64xf32, #tpu.memory_space<vmem>>
    %dma_start3A_461 = arith.constant 768 : i32
    %dma_start3A_462 = tpu.memref_slice %arg11[%dma_start3A_461] : memref<1280xi32, #tpu.memory_space<vmem>> -> memref<128xi32, #tpu.memory_space<vmem>>
    %dma_start3A_463 = arith.constant 0 : i32
    %dma_start3A_464 = arith.constant 0 : i32
    %dma_start3A_465 = tpu.memref_slice %arg3[%dma_start3A_463, %dma_start3A_464] : memref<1007616x64xf32, #tpu.memory_space<hbm>> -> memref<1007616x64xf32, #tpu.memory_space<hbm>>
    tpu.enqueue_indirect_dma source(%dma_start3A_465 : memref<1007616x64xf32, #tpu.memory_space<hbm>>) target(%dma_start3A_460 : memref<128x64xf32, #tpu.memory_space<vmem>>) offsets(%dma_start3A_462 : memref<128xi32, #tpu.memory_space<vmem>>) semaphore(%arg17 : memref<!tpu.dma_semaphore, #tpu.memory_space<semaphore_mem>>)
    %dma_start3A_466 = arith.constant 896 : i32
    %dma_start3A_467 = arith.constant 0 : i32
    %dma_start3A_468 = tpu.memref_slice %arg14[%dma_start3A_466, %dma_start3A_467] : memref<1280x64xf32, #tpu.memory_space<vmem>> -> memref<128x64xf32, #tpu.memory_space<vmem>>
    %dma_start3A_469 = arith.constant 896 : i32
    %dma_start3A_470 = tpu.memref_slice %arg11[%dma_start3A_469] : memref<1280xi32, #tpu.memory_space<vmem>> -> memref<128xi32, #tpu.memory_space<vmem>>
    %dma_start3A_471 = arith.constant 0 : i32
    %dma_start3A_472 = arith.constant 0 : i32
    %dma_start3A_473 = tpu.memref_slice %arg3[%dma_start3A_471, %dma_start3A_472] : memref<1007616x64xf32, #tpu.memory_space<hbm>> -> memref<1007616x64xf32, #tpu.memory_space<hbm>>
    tpu.enqueue_indirect_dma source(%dma_start3A_473 : memref<1007616x64xf32, #tpu.memory_space<hbm>>) target(%dma_start3A_468 : memref<128x64xf32, #tpu.memory_space<vmem>>) offsets(%dma_start3A_470 : memref<128xi32, #tpu.memory_space<vmem>>) semaphore(%arg17 : memref<!tpu.dma_semaphore, #tpu.memory_space<semaphore_mem>>)
    %dma_start3A_474 = arith.constant 1024 : i32
    %dma_start3A_475 = arith.constant 0 : i32
    %dma_start3A_476 = tpu.memref_slice %arg14[%dma_start3A_474, %dma_start3A_475] : memref<1280x64xf32, #tpu.memory_space<vmem>> -> memref<128x64xf32, #tpu.memory_space<vmem>>
    %dma_start3A_477 = arith.constant 1024 : i32
    %dma_start3A_478 = tpu.memref_slice %arg11[%dma_start3A_477] : memref<1280xi32, #tpu.memory_space<vmem>> -> memref<128xi32, #tpu.memory_space<vmem>>
    %dma_start3A_479 = arith.constant 0 : i32
    %dma_start3A_480 = arith.constant 0 : i32
    %dma_start3A_481 = tpu.memref_slice %arg3[%dma_start3A_479, %dma_start3A_480] : memref<1007616x64xf32, #tpu.memory_space<hbm>> -> memref<1007616x64xf32, #tpu.memory_space<hbm>>
    tpu.enqueue_indirect_dma source(%dma_start3A_481 : memref<1007616x64xf32, #tpu.memory_space<hbm>>) target(%dma_start3A_476 : memref<128x64xf32, #tpu.memory_space<vmem>>) offsets(%dma_start3A_478 : memref<128xi32, #tpu.memory_space<vmem>>) semaphore(%arg17 : memref<!tpu.dma_semaphore, #tpu.memory_space<semaphore_mem>>)
    %dma_start3A_482 = arith.constant 1152 : i32
    %dma_start3A_483 = arith.constant 0 : i32
    %dma_start3A_484 = tpu.memref_slice %arg14[%dma_start3A_482, %dma_start3A_483] : memref<1280x64xf32, #tpu.memory_space<vmem>> -> memref<128x64xf32, #tpu.memory_space<vmem>>
    %dma_start3A_485 = arith.constant 1152 : i32
    %dma_start3A_486 = tpu.memref_slice %arg11[%dma_start3A_485] : memref<1280xi32, #tpu.memory_space<vmem>> -> memref<128xi32, #tpu.memory_space<vmem>>
    %dma_start3A_487 = arith.constant 0 : i32
    %dma_start3A_488 = arith.constant 0 : i32
    %dma_start3A_489 = tpu.memref_slice %arg3[%dma_start3A_487, %dma_start3A_488] : memref<1007616x64xf32, #tpu.memory_space<hbm>> -> memref<1007616x64xf32, #tpu.memory_space<hbm>>
    tpu.enqueue_indirect_dma source(%dma_start3A_489 : memref<1007616x64xf32, #tpu.memory_space<hbm>>) target(%dma_start3A_484 : memref<128x64xf32, #tpu.memory_space<vmem>>) offsets(%dma_start3A_486 : memref<128xi32, #tpu.memory_space<vmem>>) semaphore(%arg17 : memref<!tpu.dma_semaphore, #tpu.memory_space<semaphore_mem>>)
    %dma_wait3A_490 = arith.constant 0 : i32
    %dma_wait3A_491 = arith.constant 0 : i32
    %dma_wait3A_492 = tpu.memref_slice %arg2[%dma_wait3A_490, %dma_wait3A_491] : memref<1007616x64xf32, #tpu.memory_space<hbm>> -> memref<1007616x64xf32, #tpu.memory_space<hbm>>
    tpu.wait_indirect_dma semaphore(%arg17 : memref<!tpu.dma_semaphore, #tpu.memory_space<semaphore_mem>>) src(%dma_wait3A_492 : memref<1007616x64xf32, #tpu.memory_space<hbm>>) dst(%arg12 : memref<128x64xf32, #tpu.memory_space<vmem>>)
    %dma_wait3A_493 = arith.constant 0 : i32
    %dma_wait3A_494 = arith.constant 0 : i32
    %dma_wait3A_495 = tpu.memref_slice %arg3[%dma_wait3A_493, %dma_wait3A_494] : memref<1007616x64xf32, #tpu.memory_space<hbm>> -> memref<1007616x64xf32, #tpu.memory_space<hbm>>
    tpu.wait_indirect_dma semaphore(%arg17 : memref<!tpu.dma_semaphore, #tpu.memory_space<semaphore_mem>>) src(%dma_wait3A_495 : memref<1007616x64xf32, #tpu.memory_space<hbm>>) dst(%arg13 : memref<128x64xf32, #tpu.memory_space<vmem>>)
    %dma_wait3A_496 = arith.constant 0 : i32
    %dma_wait3A_497 = arith.constant 0 : i32
    %dma_wait3A_498 = tpu.memref_slice %arg14[%dma_wait3A_496, %dma_wait3A_497] : memref<1280x64xf32, #tpu.memory_space<vmem>> -> memref<128x64xf32, #tpu.memory_space<vmem>>
    %dma_wait3A_499 = arith.constant 0 : i32
    %dma_wait3A_500 = tpu.memref_slice %arg11[%dma_wait3A_499] : memref<1280xi32, #tpu.memory_space<vmem>> -> memref<128xi32, #tpu.memory_space<vmem>>
    %dma_wait3A_501 = arith.constant 0 : i32
    %dma_wait3A_502 = arith.constant 0 : i32
    %dma_wait3A_503 = tpu.memref_slice %arg3[%dma_wait3A_501, %dma_wait3A_502] : memref<1007616x64xf32, #tpu.memory_space<hbm>> -> memref<1007616x64xf32, #tpu.memory_space<hbm>>
    tpu.wait_indirect_dma semaphore(%arg17 : memref<!tpu.dma_semaphore, #tpu.memory_space<semaphore_mem>>) src(%dma_wait3A_503 : memref<1007616x64xf32, #tpu.memory_space<hbm>>) dst(%dma_wait3A_498 : memref<128x64xf32, #tpu.memory_space<vmem>>)
    %dma_wait3A_504 = arith.constant 128 : i32
    %dma_wait3A_505 = arith.constant 0 : i32
    %dma_wait3A_506 = tpu.memref_slice %arg14[%dma_wait3A_504, %dma_wait3A_505] : memref<1280x64xf32, #tpu.memory_space<vmem>> -> memref<128x64xf32, #tpu.memory_space<vmem>>
    %dma_wait3A_507 = arith.constant 128 : i32
    %dma_wait3A_508 = tpu.memref_slice %arg11[%dma_wait3A_507] : memref<1280xi32, #tpu.memory_space<vmem>> -> memref<128xi32, #tpu.memory_space<vmem>>
    %dma_wait3A_509 = arith.constant 0 : i32
    %dma_wait3A_510 = arith.constant 0 : i32
    %dma_wait3A_511 = tpu.memref_slice %arg3[%dma_wait3A_509, %dma_wait3A_510] : memref<1007616x64xf32, #tpu.memory_space<hbm>> -> memref<1007616x64xf32, #tpu.memory_space<hbm>>
    tpu.wait_indirect_dma semaphore(%arg17 : memref<!tpu.dma_semaphore, #tpu.memory_space<semaphore_mem>>) src(%dma_wait3A_511 : memref<1007616x64xf32, #tpu.memory_space<hbm>>) dst(%dma_wait3A_506 : memref<128x64xf32, #tpu.memory_space<vmem>>)
    %dma_wait3A_512 = arith.constant 256 : i32
    %dma_wait3A_513 = arith.constant 0 : i32
    %dma_wait3A_514 = tpu.memref_slice %arg14[%dma_wait3A_512, %dma_wait3A_513] : memref<1280x64xf32, #tpu.memory_space<vmem>> -> memref<128x64xf32, #tpu.memory_space<vmem>>
    %dma_wait3A_515 = arith.constant 256 : i32
    %dma_wait3A_516 = tpu.memref_slice %arg11[%dma_wait3A_515] : memref<1280xi32, #tpu.memory_space<vmem>> -> memref<128xi32, #tpu.memory_space<vmem>>
    %dma_wait3A_517 = arith.constant 0 : i32
    %dma_wait3A_518 = arith.constant 0 : i32
    %dma_wait3A_519 = tpu.memref_slice %arg3[%dma_wait3A_517, %dma_wait3A_518] : memref<1007616x64xf32, #tpu.memory_space<hbm>> -> memref<1007616x64xf32, #tpu.memory_space<hbm>>
    tpu.wait_indirect_dma semaphore(%arg17 : memref<!tpu.dma_semaphore, #tpu.memory_space<semaphore_mem>>) src(%dma_wait3A_519 : memref<1007616x64xf32, #tpu.memory_space<hbm>>) dst(%dma_wait3A_514 : memref<128x64xf32, #tpu.memory_space<vmem>>)
    %dma_wait3A_520 = arith.constant 384 : i32
    %dma_wait3A_521 = arith.constant 0 : i32
    %dma_wait3A_522 = tpu.memref_slice %arg14[%dma_wait3A_520, %dma_wait3A_521] : memref<1280x64xf32, #tpu.memory_space<vmem>> -> memref<128x64xf32, #tpu.memory_space<vmem>>
    %dma_wait3A_523 = arith.constant 384 : i32
    %dma_wait3A_524 = tpu.memref_slice %arg11[%dma_wait3A_523] : memref<1280xi32, #tpu.memory_space<vmem>> -> memref<128xi32, #tpu.memory_space<vmem>>
    %dma_wait3A_525 = arith.constant 0 : i32
    %dma_wait3A_526 = arith.constant 0 : i32
    %dma_wait3A_527 = tpu.memref_slice %arg3[%dma_wait3A_525, %dma_wait3A_526] : memref<1007616x64xf32, #tpu.memory_space<hbm>> -> memref<1007616x64xf32, #tpu.memory_space<hbm>>
    tpu.wait_indirect_dma semaphore(%arg17 : memref<!tpu.dma_semaphore, #tpu.memory_space<semaphore_mem>>) src(%dma_wait3A_527 : memref<1007616x64xf32, #tpu.memory_space<hbm>>) dst(%dma_wait3A_522 : memref<128x64xf32, #tpu.memory_space<vmem>>)
    %dma_wait3A_528 = arith.constant 512 : i32
    %dma_wait3A_529 = arith.constant 0 : i32
    %dma_wait3A_530 = tpu.memref_slice %arg14[%dma_wait3A_528, %dma_wait3A_529] : memref<1280x64xf32, #tpu.memory_space<vmem>> -> memref<128x64xf32, #tpu.memory_space<vmem>>
    %dma_wait3A_531 = arith.constant 512 : i32
    %dma_wait3A_532 = tpu.memref_slice %arg11[%dma_wait3A_531] : memref<1280xi32, #tpu.memory_space<vmem>> -> memref<128xi32, #tpu.memory_space<vmem>>
    %dma_wait3A_533 = arith.constant 0 : i32
    %dma_wait3A_534 = arith.constant 0 : i32
    %dma_wait3A_535 = tpu.memref_slice %arg3[%dma_wait3A_533, %dma_wait3A_534] : memref<1007616x64xf32, #tpu.memory_space<hbm>> -> memref<1007616x64xf32, #tpu.memory_space<hbm>>
    tpu.wait_indirect_dma semaphore(%arg17 : memref<!tpu.dma_semaphore, #tpu.memory_space<semaphore_mem>>) src(%dma_wait3A_535 : memref<1007616x64xf32, #tpu.memory_space<hbm>>) dst(%dma_wait3A_530 : memref<128x64xf32, #tpu.memory_space<vmem>>)
    %dma_wait3A_536 = arith.constant 640 : i32
    %dma_wait3A_537 = arith.constant 0 : i32
    %dma_wait3A_538 = tpu.memref_slice %arg14[%dma_wait3A_536, %dma_wait3A_537] : memref<1280x64xf32, #tpu.memory_space<vmem>> -> memref<128x64xf32, #tpu.memory_space<vmem>>
    %dma_wait3A_539 = arith.constant 640 : i32
    %dma_wait3A_540 = tpu.memref_slice %arg11[%dma_wait3A_539] : memref<1280xi32, #tpu.memory_space<vmem>> -> memref<128xi32, #tpu.memory_space<vmem>>
    %dma_wait3A_541 = arith.constant 0 : i32
    %dma_wait3A_542 = arith.constant 0 : i32
    %dma_wait3A_543 = tpu.memref_slice %arg3[%dma_wait3A_541, %dma_wait3A_542] : memref<1007616x64xf32, #tpu.memory_space<hbm>> -> memref<1007616x64xf32, #tpu.memory_space<hbm>>
    tpu.wait_indirect_dma semaphore(%arg17 : memref<!tpu.dma_semaphore, #tpu.memory_space<semaphore_mem>>) src(%dma_wait3A_543 : memref<1007616x64xf32, #tpu.memory_space<hbm>>) dst(%dma_wait3A_538 : memref<128x64xf32, #tpu.memory_space<vmem>>)
    %dma_wait3A_544 = arith.constant 768 : i32
    %dma_wait3A_545 = arith.constant 0 : i32
    %dma_wait3A_546 = tpu.memref_slice %arg14[%dma_wait3A_544, %dma_wait3A_545] : memref<1280x64xf32, #tpu.memory_space<vmem>> -> memref<128x64xf32, #tpu.memory_space<vmem>>
    %dma_wait3A_547 = arith.constant 768 : i32
    %dma_wait3A_548 = tpu.memref_slice %arg11[%dma_wait3A_547] : memref<1280xi32, #tpu.memory_space<vmem>> -> memref<128xi32, #tpu.memory_space<vmem>>
    %dma_wait3A_549 = arith.constant 0 : i32
    %dma_wait3A_550 = arith.constant 0 : i32
    %dma_wait3A_551 = tpu.memref_slice %arg3[%dma_wait3A_549, %dma_wait3A_550] : memref<1007616x64xf32, #tpu.memory_space<hbm>> -> memref<1007616x64xf32, #tpu.memory_space<hbm>>
    tpu.wait_indirect_dma semaphore(%arg17 : memref<!tpu.dma_semaphore, #tpu.memory_space<semaphore_mem>>) src(%dma_wait3A_551 : memref<1007616x64xf32, #tpu.memory_space<hbm>>) dst(%dma_wait3A_546 : memref<128x64xf32, #tpu.memory_space<vmem>>)
    %dma_wait3A_552 = arith.constant 896 : i32
    %dma_wait3A_553 = arith.constant 0 : i32
    %dma_wait3A_554 = tpu.memref_slice %arg14[%dma_wait3A_552, %dma_wait3A_553] : memref<1280x64xf32, #tpu.memory_space<vmem>> -> memref<128x64xf32, #tpu.memory_space<vmem>>
    %dma_wait3A_555 = arith.constant 896 : i32
    %dma_wait3A_556 = tpu.memref_slice %arg11[%dma_wait3A_555] : memref<1280xi32, #tpu.memory_space<vmem>> -> memref<128xi32, #tpu.memory_space<vmem>>
    %dma_wait3A_557 = arith.constant 0 : i32
    %dma_wait3A_558 = arith.constant 0 : i32
    %dma_wait3A_559 = tpu.memref_slice %arg3[%dma_wait3A_557, %dma_wait3A_558] : memref<1007616x64xf32, #tpu.memory_space<hbm>> -> memref<1007616x64xf32, #tpu.memory_space<hbm>>
    tpu.wait_indirect_dma semaphore(%arg17 : memref<!tpu.dma_semaphore, #tpu.memory_space<semaphore_mem>>) src(%dma_wait3A_559 : memref<1007616x64xf32, #tpu.memory_space<hbm>>) dst(%dma_wait3A_554 : memref<128x64xf32, #tpu.memory_space<vmem>>)
    %dma_wait3A_560 = arith.constant 1024 : i32
    %dma_wait3A_561 = arith.constant 0 : i32
    %dma_wait3A_562 = tpu.memref_slice %arg14[%dma_wait3A_560, %dma_wait3A_561] : memref<1280x64xf32, #tpu.memory_space<vmem>> -> memref<128x64xf32, #tpu.memory_space<vmem>>
    %dma_wait3A_563 = arith.constant 1024 : i32
    %dma_wait3A_564 = tpu.memref_slice %arg11[%dma_wait3A_563] : memref<1280xi32, #tpu.memory_space<vmem>> -> memref<128xi32, #tpu.memory_space<vmem>>
    %dma_wait3A_565 = arith.constant 0 : i32
    %dma_wait3A_566 = arith.constant 0 : i32
    %dma_wait3A_567 = tpu.memref_slice %arg3[%dma_wait3A_565, %dma_wait3A_566] : memref<1007616x64xf32, #tpu.memory_space<hbm>> -> memref<1007616x64xf32, #tpu.memory_space<hbm>>
    tpu.wait_indirect_dma semaphore(%arg17 : memref<!tpu.dma_semaphore, #tpu.memory_space<semaphore_mem>>) src(%dma_wait3A_567 : memref<1007616x64xf32, #tpu.memory_space<hbm>>) dst(%dma_wait3A_562 : memref<128x64xf32, #tpu.memory_space<vmem>>)
    %dma_wait3A_568 = arith.constant 1152 : i32
    %dma_wait3A_569 = arith.constant 0 : i32
    %dma_wait3A_570 = tpu.memref_slice %arg14[%dma_wait3A_568, %dma_wait3A_569] : memref<1280x64xf32, #tpu.memory_space<vmem>> -> memref<128x64xf32, #tpu.memory_space<vmem>>
    %dma_wait3A_571 = arith.constant 1152 : i32
    %dma_wait3A_572 = tpu.memref_slice %arg11[%dma_wait3A_571] : memref<1280xi32, #tpu.memory_space<vmem>> -> memref<128xi32, #tpu.memory_space<vmem>>
    %dma_wait3A_573 = arith.constant 0 : i32
    %dma_wait3A_574 = arith.constant 0 : i32
    %dma_wait3A_575 = tpu.memref_slice %arg3[%dma_wait3A_573, %dma_wait3A_574] : memref<1007616x64xf32, #tpu.memory_space<hbm>> -> memref<1007616x64xf32, #tpu.memory_space<hbm>>
    tpu.wait_indirect_dma semaphore(%arg17 : memref<!tpu.dma_semaphore, #tpu.memory_space<semaphore_mem>>) src(%dma_wait3A_575 : memref<1007616x64xf32, #tpu.memory_space<hbm>>) dst(%dma_wait3A_570 : memref<128x64xf32, #tpu.memory_space<vmem>>)
    %scan3A_576 = arith.constant 0 : i32
    %scan3A_577 = arith.constant 8 : i32
    %scan3A_578 = arith.addi %scan3A_576, %scan3A_577 : i32
    %scan3A_579 = arith.constant 1 : i32
    scf.for %scan3A_778 = %scan3A_576 to %scan3A_578 step %scan3A_579  : i32 {
      %broadcast_in_dim3A = arith.constant 0.000000e+00 : f32
      %broadcast_in_dim3A_779 = vector.broadcast %broadcast_in_dim3A : f32 to vector<16xf32>
      %scan3A_780 = arith.constant 0 : i32
      %scan3A_781 = arith.constant 16 : i32
      %scan3A_782 = arith.addi %scan3A_780, %scan3A_781 : i32
      %scan3A_783 = arith.constant 1 : i32
      %scan3A_784:11 = scf.for %scan3A_849 = %scan3A_780 to %scan3A_782 step %scan3A_783 iter_args(%scan3A_850 = %broadcast_in_dim3A_779, %scan3A_851 = %broadcast_in_dim3A_779, %scan3A_852 = %broadcast_in_dim3A_779, %scan3A_853 = %broadcast_in_dim3A_779, %scan3A_854 = %broadcast_in_dim3A_779, %scan3A_855 = %broadcast_in_dim3A_779, %scan3A_856 = %broadcast_in_dim3A_779, %scan3A_857 = %broadcast_in_dim3A_779, %scan3A_858 = %broadcast_in_dim3A_779, %scan3A_859 = %broadcast_in_dim3A_779, %scan3A_860 = %broadcast_in_dim3A_779) -> (vector<16xf32>, vector<16xf32>, vector<16xf32>, vector<16xf32>, vector<16xf32>, vector<16xf32>, vector<16xf32>, vector<16xf32>, vector<16xf32>, vector<16xf32>, vector<16xf32>)  : i32 {
        %mul3A_861 = arith.constant 16 : i32
        %mul3A_862 = arith.muli %scan3A_778, %mul3A_861 : i32
        %add3A_863 = arith.addi %mul3A_862, %scan3A_849 : i32
        %eq3A = vector.broadcast %scan3A_849 : i32 to vector<16xi32>
        %eq3A_864 = arith.cmpi eq, %iota3A, %eq3A : vector<16xi32>
        %get3A = arith.index_cast %add3A_863 : i32 to index
        %get3A_865 = arith.constant 0 : index
        %get3A_866 = tpu.vector_load %arg12[%get3A, %get3A_865] {strides = array<i32>} : memref<128x64xf32, #tpu.memory_space<vmem>>, vector<16xf32>,
        %get3A_867 = arith.index_cast %add3A_863 : i32 to index
        %get3A_868 = arith.constant 16 : index
        %get3A_869 = tpu.vector_load %arg12[%get3A_867, %get3A_868] {strides = array<i32>} : memref<128x64xf32, #tpu.memory_space<vmem>>, vector<16xf32>,
        %get3A_870 = arith.index_cast %add3A_863 : i32 to index
        %get3A_871 = arith.constant 32 : index
        %get3A_872 = tpu.vector_load %arg12[%get3A_870, %get3A_871] {strides = array<i32>} : memref<128x64xf32, #tpu.memory_space<vmem>>, vector<16xf32>,
        %get3A_873 = arith.index_cast %add3A_863 : i32 to index
        %get3A_874 = arith.constant 48 : index
        %get3A_875 = tpu.vector_load %arg12[%get3A_873, %get3A_874] {strides = array<i32>} : memref<128x64xf32, #tpu.memory_space<vmem>>, vector<16xf32>,
        %get3A_876 = arith.index_cast %add3A_863 : i32 to index
        %get3A_877 = arith.constant 0 : index
        %get3A_878 = tpu.vector_load %arg13[%get3A_876, %get3A_877] {strides = array<i32>} : memref<128x64xf32, #tpu.memory_space<vmem>>, vector<16xf32>,
        %get3A_879 = arith.index_cast %add3A_863 : i32 to index
        %get3A_880 = arith.constant 16 : index
        %get3A_881 = tpu.vector_load %arg13[%get3A_879, %get3A_880] {strides = array<i32>} : memref<128x64xf32, #tpu.memory_space<vmem>>, vector<16xf32>,
        %get3A_882 = arith.index_cast %add3A_863 : i32 to index
        %get3A_883 = arith.constant 32 : index
        %get3A_884 = tpu.vector_load %arg13[%get3A_882, %get3A_883] {strides = array<i32>} : memref<128x64xf32, #tpu.memory_space<vmem>>, vector<16xf32>,
        %get3A_885 = arith.index_cast %add3A_863 : i32 to index
        %get3A_886 = arith.constant 48 : index
        %get3A_887 = tpu.vector_load %arg13[%get3A_885, %get3A_886] {strides = array<i32>} : memref<128x64xf32, #tpu.memory_space<vmem>>, vector<16xf32>,
        %mul3A_888 = arith.mulf %get3A_866, %get3A_878 : vector<16xf32>
        %mul3A_889 = arith.mulf %get3A_869, %get3A_881 : vector<16xf32>
        %add3A_890 = arith.addf %mul3A_888, %mul3A_889 : vector<16xf32>
        %mul3A_891 = arith.mulf %get3A_872, %get3A_884 : vector<16xf32>
        %add3A_892 = arith.addf %add3A_890, %mul3A_891 : vector<16xf32>
        %mul3A_893 = arith.mulf %get3A_875, %get3A_887 : vector<16xf32>
        %add3A_894 = arith.addf %add3A_892, %mul3A_893 : vector<16xf32>
        %reduce_sum3A = arith.constant true
        %reduce_sum3A_895 = vector.broadcast %reduce_sum3A : i1 to vector<16xi1>
        %reduce_sum3A_896 = tpu.scan <sum>, %add3A_894 masked %reduce_sum3A_895 : vector<16xf32>, vector<16xi1> -> vector<16xf32>
        %reduce_sum3A_897 = vector.extract %reduce_sum3A_896[15] : f32 from vector<16xf32>
        %broadcast_in_dim3A_898 = vector.broadcast %reduce_sum3A_897 : f32 to vector<16xf32>
        %select_n3A = arith.select %eq3A_864, %broadcast_in_dim3A_898, %scan3A_850 : vector<16xi1>, vector<16xf32>
        %mul3A_899 = arith.constant 10 : i32
        %mul3A_900 = arith.muli %add3A_863, %mul3A_899 : i32
        %add3A_901 = arith.constant 0 : i32
        %add3A_902 = arith.addi %mul3A_900, %add3A_901 : i32
        %get3A_903 = arith.index_cast %add3A_902 : i32 to index
        %get3A_904 = arith.constant 0 : index
        %get3A_905 = tpu.vector_load %arg14[%get3A_903, %get3A_904] {strides = array<i32>} : memref<1280x64xf32, #tpu.memory_space<vmem>>, vector<16xf32>,
        %mul3A_906 = arith.mulf %get3A_866, %get3A_905 : vector<16xf32>
        %get3A_907 = arith.index_cast %add3A_902 : i32 to index
        %get3A_908 = arith.constant 16 : index
        %get3A_909 = tpu.vector_load %arg14[%get3A_907, %get3A_908] {strides = array<i32>} : memref<1280x64xf32, #tpu.memory_space<vmem>>, vector<16xf32>,
        %mul3A_910 = arith.mulf %get3A_869, %get3A_909 : vector<16xf32>
        %add3A_911 = arith.addf %mul3A_906, %mul3A_910 : vector<16xf32>
        %get3A_912 = arith.index_cast %add3A_902 : i32 to index
        %get3A_913 = arith.constant 32 : index
        %get3A_914 = tpu.vector_load %arg14[%get3A_912, %get3A_913] {strides = array<i32>} : memref<1280x64xf32, #tpu.memory_space<vmem>>, vector<16xf32>,
        %mul3A_915 = arith.mulf %get3A_872, %get3A_914 : vector<16xf32>
        %add3A_916 = arith.addf %add3A_911, %mul3A_915 : vector<16xf32>
        %get3A_917 = arith.index_cast %add3A_902 : i32 to index
        %get3A_918 = arith.constant 48 : index
        %get3A_919 = tpu.vector_load %arg14[%get3A_917, %get3A_918] {strides = array<i32>} : memref<1280x64xf32, #tpu.memory_space<vmem>>, vector<16xf32>,
        %mul3A_920 = arith.mulf %get3A_875, %get3A_919 : vector<16xf32>
        %add3A_921 = arith.addf %add3A_916, %mul3A_920 : vector<16xf32>
        %reduce_sum3A_922 = arith.constant true
        %reduce_sum3A_923 = vector.broadcast %reduce_sum3A_922 : i1 to vector<16xi1>
        %reduce_sum3A_924 = tpu.scan <sum>, %add3A_921 masked %reduce_sum3A_923 : vector<16xf32>, vector<16xi1> -> vector<16xf32>
        %reduce_sum3A_925 = vector.extract %reduce_sum3A_924[15] : f32 from vector<16xf32>
        %broadcast_in_dim3A_926 = vector.broadcast %reduce_sum3A_925 : f32 to vector<16xf32>
        %select_n3A_927 = arith.select %eq3A_864, %broadcast_in_dim3A_926, %scan3A_851 : vector<16xi1>, vector<16xf32>
        %mul3A_928 = arith.constant 10 : i32
        %mul3A_929 = arith.muli %add3A_863, %mul3A_928 : i32
        %add3A_930 = arith.constant 1 : i32
        %add3A_931 = arith.addi %mul3A_929, %add3A_930 : i32
        %get3A_932 = arith.index_cast %add3A_931 : i32 to index
        %get3A_933 = arith.constant 0 : index
        %get3A_934 = tpu.vector_load %arg14[%get3A_932, %get3A_933] {strides = array<i32>} : memref<1280x64xf32, #tpu.memory_space<vmem>>, vector<16xf32>,
        %mul3A_935 = arith.mulf %get3A_866, %get3A_934 : vector<16xf32>
        %get3A_936 = arith.index_cast %add3A_931 : i32 to index
        %get3A_937 = arith.constant 16 : index
        %get3A_938 = tpu.vector_load %arg14[%get3A_936, %get3A_937] {strides = array<i32>} : memref<1280x64xf32, #tpu.memory_space<vmem>>, vector<16xf32>,
        %mul3A_939 = arith.mulf %get3A_869, %get3A_938 : vector<16xf32>
        %add3A_940 = arith.addf %mul3A_935, %mul3A_939 : vector<16xf32>
        %get3A_941 = arith.index_cast %add3A_931 : i32 to index
        %get3A_942 = arith.constant 32 : index
        %get3A_943 = tpu.vector_load %arg14[%get3A_941, %get3A_942] {strides = array<i32>} : memref<1280x64xf32, #tpu.memory_space<vmem>>, vector<16xf32>,
        %mul3A_944 = arith.mulf %get3A_872, %get3A_943 : vector<16xf32>
        %add3A_945 = arith.addf %add3A_940, %mul3A_944 : vector<16xf32>
        %get3A_946 = arith.index_cast %add3A_931 : i32 to index
        %get3A_947 = arith.constant 48 : index
        %get3A_948 = tpu.vector_load %arg14[%get3A_946, %get3A_947] {strides = array<i32>} : memref<1280x64xf32, #tpu.memory_space<vmem>>, vector<16xf32>,
        %mul3A_949 = arith.mulf %get3A_875, %get3A_948 : vector<16xf32>
        %add3A_950 = arith.addf %add3A_945, %mul3A_949 : vector<16xf32>
        %reduce_sum3A_951 = arith.constant true
        %reduce_sum3A_952 = vector.broadcast %reduce_sum3A_951 : i1 to vector<16xi1>
        %reduce_sum3A_953 = tpu.scan <sum>, %add3A_950 masked %reduce_sum3A_952 : vector<16xf32>, vector<16xi1> -> vector<16xf32>
        %reduce_sum3A_954 = vector.extract %reduce_sum3A_953[15] : f32 from vector<16xf32>
        %broadcast_in_dim3A_955 = vector.broadcast %reduce_sum3A_954 : f32 to vector<16xf32>
        %select_n3A_956 = arith.select %eq3A_864, %broadcast_in_dim3A_955, %scan3A_852 : vector<16xi1>, vector<16xf32>
        %mul3A_957 = arith.constant 10 : i32
        %mul3A_958 = arith.muli %add3A_863, %mul3A_957 : i32
        %add3A_959 = arith.constant 2 : i32
        %add3A_960 = arith.addi %mul3A_958, %add3A_959 : i32
        %get3A_961 = arith.index_cast %add3A_960 : i32 to index
        %get3A_962 = arith.constant 0 : index
        %get3A_963 = tpu.vector_load %arg14[%get3A_961, %get3A_962] {strides = array<i32>} : memref<1280x64xf32, #tpu.memory_space<vmem>>, vector<16xf32>,
        %mul3A_964 = arith.mulf %get3A_866, %get3A_963 : vector<16xf32>
        %get3A_965 = arith.index_cast %add3A_960 : i32 to index
        %get3A_966 = arith.constant 16 : index
        %get3A_967 = tpu.vector_load %arg14[%get3A_965, %get3A_966] {strides = array<i32>} : memref<1280x64xf32, #tpu.memory_space<vmem>>, vector<16xf32>,
        %mul3A_968 = arith.mulf %get3A_869, %get3A_967 : vector<16xf32>
        %add3A_969 = arith.addf %mul3A_964, %mul3A_968 : vector<16xf32>
        %get3A_970 = arith.index_cast %add3A_960 : i32 to index
        %get3A_971 = arith.constant 32 : index
        %get3A_972 = tpu.vector_load %arg14[%get3A_970, %get3A_971] {strides = array<i32>} : memref<1280x64xf32, #tpu.memory_space<vmem>>, vector<16xf32>,
        %mul3A_973 = arith.mulf %get3A_872, %get3A_972 : vector<16xf32>
        %add3A_974 = arith.addf %add3A_969, %mul3A_973 : vector<16xf32>
        %get3A_975 = arith.index_cast %add3A_960 : i32 to index
        %get3A_976 = arith.constant 48 : index
        %get3A_977 = tpu.vector_load %arg14[%get3A_975, %get3A_976] {strides = array<i32>} : memref<1280x64xf32, #tpu.memory_space<vmem>>, vector<16xf32>,
        %mul3A_978 = arith.mulf %get3A_875, %get3A_977 : vector<16xf32>
        %add3A_979 = arith.addf %add3A_974, %mul3A_978 : vector<16xf32>
        %reduce_sum3A_980 = arith.constant true
        %reduce_sum3A_981 = vector.broadcast %reduce_sum3A_980 : i1 to vector<16xi1>
        %reduce_sum3A_982 = tpu.scan <sum>, %add3A_979 masked %reduce_sum3A_981 : vector<16xf32>, vector<16xi1> -> vector<16xf32>
        %reduce_sum3A_983 = vector.extract %reduce_sum3A_982[15] : f32 from vector<16xf32>
        %broadcast_in_dim3A_984 = vector.broadcast %reduce_sum3A_983 : f32 to vector<16xf32>
        %select_n3A_985 = arith.select %eq3A_864, %broadcast_in_dim3A_984, %scan3A_853 : vector<16xi1>, vector<16xf32>
        %mul3A_986 = arith.constant 10 : i32
        %mul3A_987 = arith.muli %add3A_863, %mul3A_986 : i32
        %add3A_988 = arith.constant 3 : i32
        %add3A_989 = arith.addi %mul3A_987, %add3A_988 : i32
        %get3A_990 = arith.index_cast %add3A_989 : i32 to index
        %get3A_991 = arith.constant 0 : index
        %get3A_992 = tpu.vector_load %arg14[%get3A_990, %get3A_991] {strides = array<i32>} : memref<1280x64xf32, #tpu.memory_space<vmem>>, vector<16xf32>,
        %mul3A_993 = arith.mulf %get3A_866, %get3A_992 : vector<16xf32>
        %get3A_994 = arith.index_cast %add3A_989 : i32 to index
        %get3A_995 = arith.constant 16 : index
        %get3A_996 = tpu.vector_load %arg14[%get3A_994, %get3A_995] {strides = array<i32>} : memref<1280x64xf32, #tpu.memory_space<vmem>>, vector<16xf32>,
        %mul3A_997 = arith.mulf %get3A_869, %get3A_996 : vector<16xf32>
        %add3A_998 = arith.addf %mul3A_993, %mul3A_997 : vector<16xf32>
        %get3A_999 = arith.index_cast %add3A_989 : i32 to index
        %get3A_1000 = arith.constant 32 : index
        %get3A_1001 = tpu.vector_load %arg14[%get3A_999, %get3A_1000] {strides = array<i32>} : memref<1280x64xf32, #tpu.memory_space<vmem>>, vector<16xf32>,
        %mul3A_1002 = arith.mulf %get3A_872, %get3A_1001 : vector<16xf32>
        %add3A_1003 = arith.addf %add3A_998, %mul3A_1002 : vector<16xf32>
        %get3A_1004 = arith.index_cast %add3A_989 : i32 to index
        %get3A_1005 = arith.constant 48 : index
        %get3A_1006 = tpu.vector_load %arg14[%get3A_1004, %get3A_1005] {strides = array<i32>} : memref<1280x64xf32, #tpu.memory_space<vmem>>, vector<16xf32>,
        %mul3A_1007 = arith.mulf %get3A_875, %get3A_1006 : vector<16xf32>
        %add3A_1008 = arith.addf %add3A_1003, %mul3A_1007 : vector<16xf32>
        %reduce_sum3A_1009 = arith.constant true
        %reduce_sum3A_1010 = vector.broadcast %reduce_sum3A_1009 : i1 to vector<16xi1>
        %reduce_sum3A_1011 = tpu.scan <sum>, %add3A_1008 masked %reduce_sum3A_1010 : vector<16xf32>, vector<16xi1> -> vector<16xf32>
        %reduce_sum3A_1012 = vector.extract %reduce_sum3A_1011[15] : f32 from vector<16xf32>
        %broadcast_in_dim3A_1013 = vector.broadcast %reduce_sum3A_1012 : f32 to vector<16xf32>
        %select_n3A_1014 = arith.select %eq3A_864, %broadcast_in_dim3A_1013, %scan3A_854 : vector<16xi1>, vector<16xf32>
        %mul3A_1015 = arith.constant 10 : i32
        %mul3A_1016 = arith.muli %add3A_863, %mul3A_1015 : i32
        %add3A_1017 = arith.constant 4 : i32
        %add3A_1018 = arith.addi %mul3A_1016, %add3A_1017 : i32
        %get3A_1019 = arith.index_cast %add3A_1018 : i32 to index
        %get3A_1020 = arith.constant 0 : index
        %get3A_1021 = tpu.vector_load %arg14[%get3A_1019, %get3A_1020] {strides = array<i32>} : memref<1280x64xf32, #tpu.memory_space<vmem>>, vector<16xf32>,
        %mul3A_1022 = arith.mulf %get3A_866, %get3A_1021 : vector<16xf32>
        %get3A_1023 = arith.index_cast %add3A_1018 : i32 to index
        %get3A_1024 = arith.constant 16 : index
        %get3A_1025 = tpu.vector_load %arg14[%get3A_1023, %get3A_1024] {strides = array<i32>} : memref<1280x64xf32, #tpu.memory_space<vmem>>, vector<16xf32>,
        %mul3A_1026 = arith.mulf %get3A_869, %get3A_1025 : vector<16xf32>
        %add3A_1027 = arith.addf %mul3A_1022, %mul3A_1026 : vector<16xf32>
        %get3A_1028 = arith.index_cast %add3A_1018 : i32 to index
        %get3A_1029 = arith.constant 32 : index
        %get3A_1030 = tpu.vector_load %arg14[%get3A_1028, %get3A_1029] {strides = array<i32>} : memref<1280x64xf32, #tpu.memory_space<vmem>>, vector<16xf32>,
        %mul3A_1031 = arith.mulf %get3A_872, %get3A_1030 : vector<16xf32>
        %add3A_1032 = arith.addf %add3A_1027, %mul3A_1031 : vector<16xf32>
        %get3A_1033 = arith.index_cast %add3A_1018 : i32 to index
        %get3A_1034 = arith.constant 48 : index
        %get3A_1035 = tpu.vector_load %arg14[%get3A_1033, %get3A_1034] {strides = array<i32>} : memref<1280x64xf32, #tpu.memory_space<vmem>>, vector<16xf32>,
        %mul3A_1036 = arith.mulf %get3A_875, %get3A_1035 : vector<16xf32>
        %add3A_1037 = arith.addf %add3A_1032, %mul3A_1036 : vector<16xf32>
        %reduce_sum3A_1038 = arith.constant true
        %reduce_sum3A_1039 = vector.broadcast %reduce_sum3A_1038 : i1 to vector<16xi1>
        %reduce_sum3A_1040 = tpu.scan <sum>, %add3A_1037 masked %reduce_sum3A_1039 : vector<16xf32>, vector<16xi1> -> vector<16xf32>
        %reduce_sum3A_1041 = vector.extract %reduce_sum3A_1040[15] : f32 from vector<16xf32>
        %broadcast_in_dim3A_1042 = vector.broadcast %reduce_sum3A_1041 : f32 to vector<16xf32>
        %select_n3A_1043 = arith.select %eq3A_864, %broadcast_in_dim3A_1042, %scan3A_855 : vector<16xi1>, vector<16xf32>
        %mul3A_1044 = arith.constant 10 : i32
        %mul3A_1045 = arith.muli %add3A_863, %mul3A_1044 : i32
        %add3A_1046 = arith.constant 5 : i32
        %add3A_1047 = arith.addi %mul3A_1045, %add3A_1046 : i32
        %get3A_1048 = arith.index_cast %add3A_1047 : i32 to index
        %get3A_1049 = arith.constant 0 : index
        %get3A_1050 = tpu.vector_load %arg14[%get3A_1048, %get3A_1049] {strides = array<i32>} : memref<1280x64xf32, #tpu.memory_space<vmem>>, vector<16xf32>,
        %mul3A_1051 = arith.mulf %get3A_866, %get3A_1050 : vector<16xf32>
        %get3A_1052 = arith.index_cast %add3A_1047 : i32 to index
        %get3A_1053 = arith.constant 16 : index
        %get3A_1054 = tpu.vector_load %arg14[%get3A_1052, %get3A_1053] {strides = array<i32>} : memref<1280x64xf32, #tpu.memory_space<vmem>>, vector<16xf32>,
        %mul3A_1055 = arith.mulf %get3A_869, %get3A_1054 : vector<16xf32>
        %add3A_1056 = arith.addf %mul3A_1051, %mul3A_1055 : vector<16xf32>
        %get3A_1057 = arith.index_cast %add3A_1047 : i32 to index
        %get3A_1058 = arith.constant 32 : index
        %get3A_1059 = tpu.vector_load %arg14[%get3A_1057, %get3A_1058] {strides = array<i32>} : memref<1280x64xf32, #tpu.memory_space<vmem>>, vector<16xf32>,
        %mul3A_1060 = arith.mulf %get3A_872, %get3A_1059 : vector<16xf32>
        %add3A_1061 = arith.addf %add3A_1056, %mul3A_1060 : vector<16xf32>
        %get3A_1062 = arith.index_cast %add3A_1047 : i32 to index
        %get3A_1063 = arith.constant 48 : index
        %get3A_1064 = tpu.vector_load %arg14[%get3A_1062, %get3A_1063] {strides = array<i32>} : memref<1280x64xf32, #tpu.memory_space<vmem>>, vector<16xf32>,
        %mul3A_1065 = arith.mulf %get3A_875, %get3A_1064 : vector<16xf32>
        %add3A_1066 = arith.addf %add3A_1061, %mul3A_1065 : vector<16xf32>
        %reduce_sum3A_1067 = arith.constant true
        %reduce_sum3A_1068 = vector.broadcast %reduce_sum3A_1067 : i1 to vector<16xi1>
        %reduce_sum3A_1069 = tpu.scan <sum>, %add3A_1066 masked %reduce_sum3A_1068 : vector<16xf32>, vector<16xi1> -> vector<16xf32>
        %reduce_sum3A_1070 = vector.extract %reduce_sum3A_1069[15] : f32 from vector<16xf32>
        %broadcast_in_dim3A_1071 = vector.broadcast %reduce_sum3A_1070 : f32 to vector<16xf32>
        %select_n3A_1072 = arith.select %eq3A_864, %broadcast_in_dim3A_1071, %scan3A_856 : vector<16xi1>, vector<16xf32>
        %mul3A_1073 = arith.constant 10 : i32
        %mul3A_1074 = arith.muli %add3A_863, %mul3A_1073 : i32
        %add3A_1075 = arith.constant 6 : i32
        %add3A_1076 = arith.addi %mul3A_1074, %add3A_1075 : i32
        %get3A_1077 = arith.index_cast %add3A_1076 : i32 to index
        %get3A_1078 = arith.constant 0 : index
        %get3A_1079 = tpu.vector_load %arg14[%get3A_1077, %get3A_1078] {strides = array<i32>} : memref<1280x64xf32, #tpu.memory_space<vmem>>, vector<16xf32>,
        %mul3A_1080 = arith.mulf %get3A_866, %get3A_1079 : vector<16xf32>
        %get3A_1081 = arith.index_cast %add3A_1076 : i32 to index
        %get3A_1082 = arith.constant 16 : index
        %get3A_1083 = tpu.vector_load %arg14[%get3A_1081, %get3A_1082] {strides = array<i32>} : memref<1280x64xf32, #tpu.memory_space<vmem>>, vector<16xf32>,
        %mul3A_1084 = arith.mulf %get3A_869, %get3A_1083 : vector<16xf32>
        %add3A_1085 = arith.addf %mul3A_1080, %mul3A_1084 : vector<16xf32>
        %get3A_1086 = arith.index_cast %add3A_1076 : i32 to index
        %get3A_1087 = arith.constant 32 : index
        %get3A_1088 = tpu.vector_load %arg14[%get3A_1086, %get3A_1087] {strides = array<i32>} : memref<1280x64xf32, #tpu.memory_space<vmem>>, vector<16xf32>,
        %mul3A_1089 = arith.mulf %get3A_872, %get3A_1088 : vector<16xf32>
        %add3A_1090 = arith.addf %add3A_1085, %mul3A_1089 : vector<16xf32>
        %get3A_1091 = arith.index_cast %add3A_1076 : i32 to index
        %get3A_1092 = arith.constant 48 : index
        %get3A_1093 = tpu.vector_load %arg14[%get3A_1091, %get3A_1092] {strides = array<i32>} : memref<1280x64xf32, #tpu.memory_space<vmem>>, vector<16xf32>,
        %mul3A_1094 = arith.mulf %get3A_875, %get3A_1093 : vector<16xf32>
        %add3A_1095 = arith.addf %add3A_1090, %mul3A_1094 : vector<16xf32>
        %reduce_sum3A_1096 = arith.constant true
        %reduce_sum3A_1097 = vector.broadcast %reduce_sum3A_1096 : i1 to vector<16xi1>
        %reduce_sum3A_1098 = tpu.scan <sum>, %add3A_1095 masked %reduce_sum3A_1097 : vector<16xf32>, vector<16xi1> -> vector<16xf32>
        %reduce_sum3A_1099 = vector.extract %reduce_sum3A_1098[15] : f32 from vector<16xf32>
        %broadcast_in_dim3A_1100 = vector.broadcast %reduce_sum3A_1099 : f32 to vector<16xf32>
        %select_n3A_1101 = arith.select %eq3A_864, %broadcast_in_dim3A_1100, %scan3A_857 : vector<16xi1>, vector<16xf32>
        %mul3A_1102 = arith.constant 10 : i32
        %mul3A_1103 = arith.muli %add3A_863, %mul3A_1102 : i32
        %add3A_1104 = arith.constant 7 : i32
        %add3A_1105 = arith.addi %mul3A_1103, %add3A_1104 : i32
        %get3A_1106 = arith.index_cast %add3A_1105 : i32 to index
        %get3A_1107 = arith.constant 0 : index
        %get3A_1108 = tpu.vector_load %arg14[%get3A_1106, %get3A_1107] {strides = array<i32>} : memref<1280x64xf32, #tpu.memory_space<vmem>>, vector<16xf32>,
        %mul3A_1109 = arith.mulf %get3A_866, %get3A_1108 : vector<16xf32>
        %get3A_1110 = arith.index_cast %add3A_1105 : i32 to index
        %get3A_1111 = arith.constant 16 : index
        %get3A_1112 = tpu.vector_load %arg14[%get3A_1110, %get3A_1111] {strides = array<i32>} : memref<1280x64xf32, #tpu.memory_space<vmem>>, vector<16xf32>,
        %mul3A_1113 = arith.mulf %get3A_869, %get3A_1112 : vector<16xf32>
        %add3A_1114 = arith.addf %mul3A_1109, %mul3A_1113 : vector<16xf32>
        %get3A_1115 = arith.index_cast %add3A_1105 : i32 to index
        %get3A_1116 = arith.constant 32 : index
        %get3A_1117 = tpu.vector_load %arg14[%get3A_1115, %get3A_1116] {strides = array<i32>} : memref<1280x64xf32, #tpu.memory_space<vmem>>, vector<16xf32>,
        %mul3A_1118 = arith.mulf %get3A_872, %get3A_1117 : vector<16xf32>
        %add3A_1119 = arith.addf %add3A_1114, %mul3A_1118 : vector<16xf32>
        %get3A_1120 = arith.index_cast %add3A_1105 : i32 to index
        %get3A_1121 = arith.constant 48 : index
        %get3A_1122 = tpu.vector_load %arg14[%get3A_1120, %get3A_1121] {strides = array<i32>} : memref<1280x64xf32, #tpu.memory_space<vmem>>, vector<16xf32>,
        %mul3A_1123 = arith.mulf %get3A_875, %get3A_1122 : vector<16xf32>
        %add3A_1124 = arith.addf %add3A_1119, %mul3A_1123 : vector<16xf32>
        %reduce_sum3A_1125 = arith.constant true
        %reduce_sum3A_1126 = vector.broadcast %reduce_sum3A_1125 : i1 to vector<16xi1>
        %reduce_sum3A_1127 = tpu.scan <sum>, %add3A_1124 masked %reduce_sum3A_1126 : vector<16xf32>, vector<16xi1> -> vector<16xf32>
        %reduce_sum3A_1128 = vector.extract %reduce_sum3A_1127[15] : f32 from vector<16xf32>
        %broadcast_in_dim3A_1129 = vector.broadcast %reduce_sum3A_1128 : f32 to vector<16xf32>
        %select_n3A_1130 = arith.select %eq3A_864, %broadcast_in_dim3A_1129, %scan3A_858 : vector<16xi1>, vector<16xf32>
        %mul3A_1131 = arith.constant 10 : i32
        %mul3A_1132 = arith.muli %add3A_863, %mul3A_1131 : i32
        %add3A_1133 = arith.constant 8 : i32
        %add3A_1134 = arith.addi %mul3A_1132, %add3A_1133 : i32
        %get3A_1135 = arith.index_cast %add3A_1134 : i32 to index
        %get3A_1136 = arith.constant 0 : index
        %get3A_1137 = tpu.vector_load %arg14[%get3A_1135, %get3A_1136] {strides = array<i32>} : memref<1280x64xf32, #tpu.memory_space<vmem>>, vector<16xf32>,
        %mul3A_1138 = arith.mulf %get3A_866, %get3A_1137 : vector<16xf32>
        %get3A_1139 = arith.index_cast %add3A_1134 : i32 to index
        %get3A_1140 = arith.constant 16 : index
        %get3A_1141 = tpu.vector_load %arg14[%get3A_1139, %get3A_1140] {strides = array<i32>} : memref<1280x64xf32, #tpu.memory_space<vmem>>, vector<16xf32>,
        %mul3A_1142 = arith.mulf %get3A_869, %get3A_1141 : vector<16xf32>
        %add3A_1143 = arith.addf %mul3A_1138, %mul3A_1142 : vector<16xf32>
        %get3A_1144 = arith.index_cast %add3A_1134 : i32 to index
        %get3A_1145 = arith.constant 32 : index
        %get3A_1146 = tpu.vector_load %arg14[%get3A_1144, %get3A_1145] {strides = array<i32>} : memref<1280x64xf32, #tpu.memory_space<vmem>>, vector<16xf32>,
        %mul3A_1147 = arith.mulf %get3A_872, %get3A_1146 : vector<16xf32>
        %add3A_1148 = arith.addf %add3A_1143, %mul3A_1147 : vector<16xf32>
        %get3A_1149 = arith.index_cast %add3A_1134 : i32 to index
        %get3A_1150 = arith.constant 48 : index
        %get3A_1151 = tpu.vector_load %arg14[%get3A_1149, %get3A_1150] {strides = array<i32>} : memref<1280x64xf32, #tpu.memory_space<vmem>>, vector<16xf32>,
        %mul3A_1152 = arith.mulf %get3A_875, %get3A_1151 : vector<16xf32>
        %add3A_1153 = arith.addf %add3A_1148, %mul3A_1152 : vector<16xf32>
        %reduce_sum3A_1154 = arith.constant true
        %reduce_sum3A_1155 = vector.broadcast %reduce_sum3A_1154 : i1 to vector<16xi1>
        %reduce_sum3A_1156 = tpu.scan <sum>, %add3A_1153 masked %reduce_sum3A_1155 : vector<16xf32>, vector<16xi1> -> vector<16xf32>
        %reduce_sum3A_1157 = vector.extract %reduce_sum3A_1156[15] : f32 from vector<16xf32>
        %broadcast_in_dim3A_1158 = vector.broadcast %reduce_sum3A_1157 : f32 to vector<16xf32>
        %select_n3A_1159 = arith.select %eq3A_864, %broadcast_in_dim3A_1158, %scan3A_859 : vector<16xi1>, vector<16xf32>
        %mul3A_1160 = arith.constant 10 : i32
        %mul3A_1161 = arith.muli %add3A_863, %mul3A_1160 : i32
        %add3A_1162 = arith.constant 9 : i32
        %add3A_1163 = arith.addi %mul3A_1161, %add3A_1162 : i32
        %get3A_1164 = arith.index_cast %add3A_1163 : i32 to index
        %get3A_1165 = arith.constant 0 : index
        %get3A_1166 = tpu.vector_load %arg14[%get3A_1164, %get3A_1165] {strides = array<i32>} : memref<1280x64xf32, #tpu.memory_space<vmem>>, vector<16xf32>,
        %mul3A_1167 = arith.mulf %get3A_866, %get3A_1166 : vector<16xf32>
        %get3A_1168 = arith.index_cast %add3A_1163 : i32 to index
        %get3A_1169 = arith.constant 16 : index
        %get3A_1170 = tpu.vector_load %arg14[%get3A_1168, %get3A_1169] {strides = array<i32>} : memref<1280x64xf32, #tpu.memory_space<vmem>>, vector<16xf32>,
        %mul3A_1171 = arith.mulf %get3A_869, %get3A_1170 : vector<16xf32>
        %add3A_1172 = arith.addf %mul3A_1167, %mul3A_1171 : vector<16xf32>
        %get3A_1173 = arith.index_cast %add3A_1163 : i32 to index
        %get3A_1174 = arith.constant 32 : index
        %get3A_1175 = tpu.vector_load %arg14[%get3A_1173, %get3A_1174] {strides = array<i32>} : memref<1280x64xf32, #tpu.memory_space<vmem>>, vector<16xf32>,
        %mul3A_1176 = arith.mulf %get3A_872, %get3A_1175 : vector<16xf32>
        %add3A_1177 = arith.addf %add3A_1172, %mul3A_1176 : vector<16xf32>
        %get3A_1178 = arith.index_cast %add3A_1163 : i32 to index
        %get3A_1179 = arith.constant 48 : index
        %get3A_1180 = tpu.vector_load %arg14[%get3A_1178, %get3A_1179] {strides = array<i32>} : memref<1280x64xf32, #tpu.memory_space<vmem>>, vector<16xf32>,
        %mul3A_1181 = arith.mulf %get3A_875, %get3A_1180 : vector<16xf32>
        %add3A_1182 = arith.addf %add3A_1177, %mul3A_1181 : vector<16xf32>
        %reduce_sum3A_1183 = arith.constant true
        %reduce_sum3A_1184 = vector.broadcast %reduce_sum3A_1183 : i1 to vector<16xi1>
        %reduce_sum3A_1185 = tpu.scan <sum>, %add3A_1182 masked %reduce_sum3A_1184 : vector<16xf32>, vector<16xi1> -> vector<16xf32>
        %reduce_sum3A_1186 = vector.extract %reduce_sum3A_1185[15] : f32 from vector<16xf32>
        %broadcast_in_dim3A_1187 = vector.broadcast %reduce_sum3A_1186 : f32 to vector<16xf32>
        %select_n3A_1188 = arith.select %eq3A_864, %broadcast_in_dim3A_1187, %scan3A_860 : vector<16xi1>, vector<16xf32>
        scf.yield %select_n3A, %select_n3A_927, %select_n3A_956, %select_n3A_985, %select_n3A_1014, %select_n3A_1043, %select_n3A_1072, %select_n3A_1101, %select_n3A_1130, %select_n3A_1159, %select_n3A_1188 : vector<16xf32>, vector<16xf32>, vector<16xf32>, vector<16xf32>, vector<16xf32>, vector<16xf32>, vector<16xf32>, vector<16xf32>, vector<16xf32>, vector<16xf32>, vector<16xf32>
      }
      %scan3A_785 = arith.constant 16 : i32
      %mul3A_786 = arith.constant 16 : i32
      %mul3A_787 = arith.muli %scan3A_778, %mul3A_786 : i32
      %swap3A = arith.index_cast %mul3A_787 : i32 to index
      %swap3A_788 = tpu.vector_load %arg15[%swap3A] {strides = array<i32>} : memref<128xf32, #tpu.memory_space<vmem>>, vector<16xf32>,
      tpu.vector_store %arg15[%swap3A], %scan3A_784#0 {strides = array<i32>} : memref<128xf32, #tpu.memory_space<vmem>>, vector<16xf32>,
      %mul3A_789 = arith.constant 16 : i32
      %mul3A_790 = arith.muli %scan3A_778, %mul3A_789 : i32
      %add3A_791 = arith.constant 0 : i32
      %add3A_792 = arith.addi %add3A_791, %mul3A_790 : i32
      %swap3A_793 = arith.index_cast %add3A_792 : i32 to index
      %swap3A_794 = tpu.vector_load %arg16[%swap3A_793] {strides = array<i32>} : memref<1280xf32, #tpu.memory_space<vmem>>, vector<16xf32>,
      tpu.vector_store %arg16[%swap3A_793], %scan3A_784#1 {strides = array<i32>} : memref<1280xf32, #tpu.memory_space<vmem>>, vector<16xf32>,
      %mul3A_795 = arith.constant 16 : i32
      %mul3A_796 = arith.muli %scan3A_778, %mul3A_795 : i32
      %add3A_797 = arith.constant 128 : i32
      %add3A_798 = arith.addi %add3A_797, %mul3A_796 : i32
      %swap3A_799 = arith.index_cast %add3A_798 : i32 to index
      %swap3A_800 = tpu.vector_load %arg16[%swap3A_799] {strides = array<i32>} : memref<1280xf32, #tpu.memory_space<vmem>>, vector<16xf32>,
      tpu.vector_store %arg16[%swap3A_799], %scan3A_784#2 {strides = array<i32>} : memref<1280xf32, #tpu.memory_space<vmem>>, vector<16xf32>,
      %mul3A_801 = arith.constant 16 : i32
      %mul3A_802 = arith.muli %scan3A_778, %mul3A_801 : i32
      %add3A_803 = arith.constant 256 : i32
      %add3A_804 = arith.addi %add3A_803, %mul3A_802 : i32
      %swap3A_805 = arith.index_cast %add3A_804 : i32 to index
      %swap3A_806 = tpu.vector_load %arg16[%swap3A_805] {strides = array<i32>} : memref<1280xf32, #tpu.memory_space<vmem>>, vector<16xf32>,
      tpu.vector_store %arg16[%swap3A_805], %scan3A_784#3 {strides = array<i32>} : memref<1280xf32, #tpu.memory_space<vmem>>, vector<16xf32>,
      %mul3A_807 = arith.constant 16 : i32
      %mul3A_808 = arith.muli %scan3A_778, %mul3A_807 : i32
      %add3A_809 = arith.constant 384 : i32
      %add3A_810 = arith.addi %add3A_809, %mul3A_808 : i32
      %swap3A_811 = arith.index_cast %add3A_810 : i32 to index
      %swap3A_812 = tpu.vector_load %arg16[%swap3A_811] {strides = array<i32>} : memref<1280xf32, #tpu.memory_space<vmem>>, vector<16xf32>,
      tpu.vector_store %arg16[%swap3A_811], %scan3A_784#4 {strides = array<i32>} : memref<1280xf32, #tpu.memory_space<vmem>>, vector<16xf32>,
      %mul3A_813 = arith.constant 16 : i32
      %mul3A_814 = arith.muli %scan3A_778, %mul3A_813 : i32
      %add3A_815 = arith.constant 512 : i32
      %add3A_816 = arith.addi %add3A_815, %mul3A_814 : i32
      %swap3A_817 = arith.index_cast %add3A_816 : i32 to index
      %swap3A_818 = tpu.vector_load %arg16[%swap3A_817] {strides = array<i32>} : memref<1280xf32, #tpu.memory_space<vmem>>, vector<16xf32>,
      tpu.vector_store %arg16[%swap3A_817], %scan3A_784#5 {strides = array<i32>} : memref<1280xf32, #tpu.memory_space<vmem>>, vector<16xf32>,
      %mul3A_819 = arith.constant 16 : i32
      %mul3A_820 = arith.muli %scan3A_778, %mul3A_819 : i32
      %add3A_821 = arith.constant 640 : i32
      %add3A_822 = arith.addi %add3A_821, %mul3A_820 : i32
      %swap3A_823 = arith.index_cast %add3A_822 : i32 to index
      %swap3A_824 = tpu.vector_load %arg16[%swap3A_823] {strides = array<i32>} : memref<1280xf32, #tpu.memory_space<vmem>>, vector<16xf32>,
      tpu.vector_store %arg16[%swap3A_823], %scan3A_784#6 {strides = array<i32>} : memref<1280xf32, #tpu.memory_space<vmem>>, vector<16xf32>,
      %mul3A_825 = arith.constant 16 : i32
      %mul3A_826 = arith.muli %scan3A_778, %mul3A_825 : i32
      %add3A_827 = arith.constant 768 : i32
      %add3A_828 = arith.addi %add3A_827, %mul3A_826 : i32
      %swap3A_829 = arith.index_cast %add3A_828 : i32 to index
      %swap3A_830 = tpu.vector_load %arg16[%swap3A_829] {strides = array<i32>} : memref<1280xf32, #tpu.memory_space<vmem>>, vector<16xf32>,
      tpu.vector_store %arg16[%swap3A_829], %scan3A_784#7 {strides = array<i32>} : memref<1280xf32, #tpu.memory_space<vmem>>, vector<16xf32>,
      %mul3A_831 = arith.constant 16 : i32
      %mul3A_832 = arith.muli %scan3A_778, %mul3A_831 : i32
      %add3A_833 = arith.constant 896 : i32
      %add3A_834 = arith.addi %add3A_833, %mul3A_832 : i32
      %swap3A_835 = arith.index_cast %add3A_834 : i32 to index
      %swap3A_836 = tpu.vector_load %arg16[%swap3A_835] {strides = array<i32>} : memref<1280xf32, #tpu.memory_space<vmem>>, vector<16xf32>,
      tpu.vector_store %arg16[%swap3A_835], %scan3A_784#8 {strides = array<i32>} : memref<1280xf32, #tpu.memory_space<vmem>>, vector<16xf32>,
      %mul3A_837 = arith.constant 16 : i32
      %mul3A_838 = arith.muli %scan3A_778, %mul3A_837 : i32
      %add3A_839 = arith.constant 1024 : i32
      %add3A_840 = arith.addi %add3A_839, %mul3A_838 : i32
      %swap3A_841 = arith.index_cast %add3A_840 : i32 to index
      %swap3A_842 = tpu.vector_load %arg16[%swap3A_841] {strides = array<i32>} : memref<1280xf32, #tpu.memory_space<vmem>>, vector<16xf32>,
      tpu.vector_store %arg16[%swap3A_841], %scan3A_784#9 {strides = array<i32>} : memref<1280xf32, #tpu.memory_space<vmem>>, vector<16xf32>,
      %mul3A_843 = arith.constant 16 : i32
      %mul3A_844 = arith.muli %scan3A_778, %mul3A_843 : i32
      %add3A_845 = arith.constant 1152 : i32
      %add3A_846 = arith.addi %add3A_845, %mul3A_844 : i32
      %swap3A_847 = arith.index_cast %add3A_846 : i32 to index
      %swap3A_848 = tpu.vector_load %arg16[%swap3A_847] {strides = array<i32>} : memref<1280xf32, #tpu.memory_space<vmem>>, vector<16xf32>,
      tpu.vector_store %arg16[%swap3A_847], %scan3A_784#10 {strides = array<i32>} : memref<1280xf32, #tpu.memory_space<vmem>>, vector<16xf32>,
    }
    %scan3A_580 = arith.constant 8 : i32
    "tpu.region"() ({
      %run_scoped3A = tpu.sem_alloc : memref<!tpu.dma_semaphore, #tpu.memory_space<semaphore_mem>>
      %dma_start3A_778 = tpu.memref_slice %arg7[%add3A_391] : memref<16384xf32, #tpu.memory_space<hbm>> -> memref<128xf32, #tpu.memory_space<hbm>>
      %dma_start3A_779 = tpu.memref_slice %arg7[%add3A_391] : memref<16384xf32, #tpu.memory_space<hbm>> -> memref<128xf32, #tpu.memory_space<hbm>>
      tpu.enqueue_dma source(%arg15 : memref<128xf32, #tpu.memory_space<vmem>>) target(%dma_start3A_779 : memref<128xf32, #tpu.memory_space<hbm>>) target_semaphore(%run_scoped3A : memref<!tpu.dma_semaphore, #tpu.memory_space<semaphore_mem>>)
      %dma_wait3A_780 = tpu.memref_slice %arg7[%add3A_391] : memref<16384xf32, #tpu.memory_space<hbm>> -> memref<128xf32, #tpu.memory_space<hbm>>
      %dma_wait3A_781 = tpu.memref_slice %arg7[%add3A_391] : memref<16384xf32, #tpu.memory_space<hbm>> -> memref<128xf32, #tpu.memory_space<hbm>>
      tpu.wait_dma2 semaphore(%run_scoped3A : memref<!tpu.dma_semaphore, #tpu.memory_space<semaphore_mem>>) src(%arg15 : memref<128xf32, #tpu.memory_space<vmem>>) dst(%dma_wait3A_781 : memref<128xf32, #tpu.memory_space<hbm>>)
      tpu.yield
    }) : () -> ()
    %mul3A_581 = arith.constant 10 : i32
    %mul3A_582 = arith.muli %add3A_391, %mul3A_581 : i32
    "tpu.region"() ({
      %run_scoped3A = tpu.sem_alloc : memref<!tpu.dma_semaphore, #tpu.memory_space<semaphore_mem>>
      %dma_start3A_778 = tpu.memref_slice %arg8[%mul3A_582] : memref<163840xf32, #tpu.memory_space<hbm>> -> memref<1280xf32, #tpu.memory_space<hbm>>
      %dma_start3A_779 = tpu.memref_slice %arg8[%mul3A_582] : memref<163840xf32, #tpu.memory_space<hbm>> -> memref<1280xf32, #tpu.memory_space<hbm>>
      tpu.enqueue_dma source(%arg16 : memref<1280xf32, #tpu.memory_space<vmem>>) target(%dma_start3A_779 : memref<1280xf32, #tpu.memory_space<hbm>>) target_semaphore(%run_scoped3A : memref<!tpu.dma_semaphore, #tpu.memory_space<semaphore_mem>>)
      %dma_wait3A_780 = tpu.memref_slice %arg8[%mul3A_582] : memref<163840xf32, #tpu.memory_space<hbm>> -> memref<1280xf32, #tpu.memory_space<hbm>>
      %dma_wait3A_781 = tpu.memref_slice %arg8[%mul3A_582] : memref<163840xf32, #tpu.memory_space<hbm>> -> memref<1280xf32, #tpu.memory_space<hbm>>
      tpu.wait_dma2 semaphore(%run_scoped3A : memref<!tpu.dma_semaphore, #tpu.memory_space<semaphore_mem>>) src(%arg16 : memref<1280xf32, #tpu.memory_space<vmem>>) dst(%dma_wait3A_781 : memref<1280xf32, #tpu.memory_space<hbm>>)
      tpu.yield
    }) : () -> ()
    %mul3A_583 = arith.constant 512 : i32
    %mul3A_584 = arith.muli %add3A, %mul3A_583 : i32
    %add3A_585 = arith.constant 384 : i32
    %add3A_586 = arith.addi %mul3A_584, %add3A_585 : i32
    "tpu.region"() ({
      %run_scoped3A = tpu.sem_alloc : memref<!tpu.dma_semaphore, #tpu.memory_space<semaphore_mem>>
      %dma_start3A_778 = tpu.memref_slice %arg4[%add3A_586] : memref<16384xi32, #tpu.memory_space<hbm>> -> memref<128xi32, #tpu.memory_space<hbm>>
      %dma_start3A_779 = tpu.memref_slice %arg4[%add3A_586] : memref<16384xi32, #tpu.memory_space<hbm>> -> memref<128xi32, #tpu.memory_space<hbm>>
      tpu.enqueue_dma source(%dma_start3A_779 : memref<128xi32, #tpu.memory_space<hbm>>) target(%arg9 : memref<128xi32, #tpu.memory_space<vmem>>) target_semaphore(%run_scoped3A : memref<!tpu.dma_semaphore, #tpu.memory_space<semaphore_mem>>)
      %dma_wait3A_780 = tpu.memref_slice %arg4[%add3A_586] : memref<16384xi32, #tpu.memory_space<hbm>> -> memref<128xi32, #tpu.memory_space<hbm>>
      %dma_wait3A_781 = tpu.memref_slice %arg4[%add3A_586] : memref<16384xi32, #tpu.memory_space<hbm>> -> memref<128xi32, #tpu.memory_space<hbm>>
      tpu.wait_dma2 semaphore(%run_scoped3A : memref<!tpu.dma_semaphore, #tpu.memory_space<semaphore_mem>>) src(%dma_wait3A_781 : memref<128xi32, #tpu.memory_space<hbm>>) dst(%arg9 : memref<128xi32, #tpu.memory_space<vmem>>)
      tpu.yield
    }) : () -> ()
    "tpu.region"() ({
      %run_scoped3A = tpu.sem_alloc : memref<!tpu.dma_semaphore, #tpu.memory_space<semaphore_mem>>
      %dma_start3A_778 = tpu.memref_slice %arg5[%add3A_586] : memref<16384xi32, #tpu.memory_space<hbm>> -> memref<128xi32, #tpu.memory_space<hbm>>
      %dma_start3A_779 = tpu.memref_slice %arg5[%add3A_586] : memref<16384xi32, #tpu.memory_space<hbm>> -> memref<128xi32, #tpu.memory_space<hbm>>
      tpu.enqueue_dma source(%dma_start3A_779 : memref<128xi32, #tpu.memory_space<hbm>>) target(%arg10 : memref<128xi32, #tpu.memory_space<vmem>>) target_semaphore(%run_scoped3A : memref<!tpu.dma_semaphore, #tpu.memory_space<semaphore_mem>>)
      %dma_wait3A_780 = tpu.memref_slice %arg5[%add3A_586] : memref<16384xi32, #tpu.memory_space<hbm>> -> memref<128xi32, #tpu.memory_space<hbm>>
      %dma_wait3A_781 = tpu.memref_slice %arg5[%add3A_586] : memref<16384xi32, #tpu.memory_space<hbm>> -> memref<128xi32, #tpu.memory_space<hbm>>
      tpu.wait_dma2 semaphore(%run_scoped3A : memref<!tpu.dma_semaphore, #tpu.memory_space<semaphore_mem>>) src(%dma_wait3A_781 : memref<128xi32, #tpu.memory_space<hbm>>) dst(%arg10 : memref<128xi32, #tpu.memory_space<vmem>>)
      tpu.yield
    }) : () -> ()
    %mul3A_587 = arith.constant 10 : i32
    %mul3A_588 = arith.muli %add3A_586, %mul3A_587 : i32
    "tpu.region"() ({
      %run_scoped3A = tpu.sem_alloc : memref<!tpu.dma_semaphore, #tpu.memory_space<semaphore_mem>>
      %dma_start3A_778 = tpu.memref_slice %arg6[%mul3A_588] : memref<163840xi32, #tpu.memory_space<hbm>> -> memref<1280xi32, #tpu.memory_space<hbm>>
      %dma_start3A_779 = tpu.memref_slice %arg6[%mul3A_588] : memref<163840xi32, #tpu.memory_space<hbm>> -> memref<1280xi32, #tpu.memory_space<hbm>>
      tpu.enqueue_dma source(%dma_start3A_779 : memref<1280xi32, #tpu.memory_space<hbm>>) target(%arg11 : memref<1280xi32, #tpu.memory_space<vmem>>) target_semaphore(%run_scoped3A : memref<!tpu.dma_semaphore, #tpu.memory_space<semaphore_mem>>)
      %dma_wait3A_780 = tpu.memref_slice %arg6[%mul3A_588] : memref<163840xi32, #tpu.memory_space<hbm>> -> memref<1280xi32, #tpu.memory_space<hbm>>
      %dma_wait3A_781 = tpu.memref_slice %arg6[%mul3A_588] : memref<163840xi32, #tpu.memory_space<hbm>> -> memref<1280xi32, #tpu.memory_space<hbm>>
      tpu.wait_dma2 semaphore(%run_scoped3A : memref<!tpu.dma_semaphore, #tpu.memory_space<semaphore_mem>>) src(%dma_wait3A_781 : memref<1280xi32, #tpu.memory_space<hbm>>) dst(%arg11 : memref<1280xi32, #tpu.memory_space<vmem>>)
      tpu.yield
    }) : () -> ()
    %scan3A_589 = arith.constant 0 : i32
    %scan3A_590 = arith.constant 8 : i32
    %scan3A_591 = arith.addi %scan3A_589, %scan3A_590 : i32
    %scan3A_592 = arith.constant 1 : i32
    scf.for %scan3A_778 = %scan3A_589 to %scan3A_591 step %scan3A_592  : i32 {
      %mul3A_779 = arith.constant 16 : i32
      %mul3A_780 = arith.muli %scan3A_778, %mul3A_779 : i32
      %get3A = arith.index_cast %mul3A_780 : i32 to index
      %get3A_781 = tpu.vector_load %arg9[%get3A] {strides = array<i32>} : memref<128xi32, #tpu.memory_space<vmem>>, vector<16xi32>,
      %and3A = arith.constant -8192 : i32
      %and3A_782 = vector.broadcast %and3A : i32 to vector<16xi32>
      %and3A_783 = arith.andi %get3A_781, %and3A_782 : vector<16xi32>
      %and3A_784 = arith.constant 4095 : i32
      %and3A_785 = vector.broadcast %and3A_784 : i32 to vector<16xi32>
      %and3A_786 = arith.andi %get3A_781, %and3A_785 : vector<16xi32>
      %shift_left3A = arith.constant 1 : i32
      %shift_left3A_787 = vector.broadcast %shift_left3A : i32 to vector<16xi32>
      %shift_left3A_788 = arith.shli %and3A_786, %shift_left3A_787 : vector<16xi32>
      %add3A_789 = arith.addi %and3A_783, %shift_left3A_788 : vector<16xi32>
      %shift_right_arithmetic3A = arith.constant 12 : i32
      %shift_right_arithmetic3A_790 = vector.broadcast %shift_right_arithmetic3A : i32 to vector<16xi32>
      %shift_right_arithmetic3A_791 = arith.shrsi %get3A_781, %shift_right_arithmetic3A_790 : vector<16xi32>
      %and3A_792 = arith.constant 1 : i32
      %and3A_793 = vector.broadcast %and3A_792 : i32 to vector<16xi32>
      %and3A_794 = arith.andi %shift_right_arithmetic3A_791, %and3A_793 : vector<16xi32>
      %add3A_795 = arith.addi %add3A_789, %and3A_794 : vector<16xi32>
      %swap3A = arith.index_cast %mul3A_780 : i32 to index
      %swap3A_796 = tpu.vector_load %arg9[%swap3A] {strides = array<i32>} : memref<128xi32, #tpu.memory_space<vmem>>, vector<16xi32>,
      tpu.vector_store %arg9[%swap3A], %add3A_795 {strides = array<i32>} : memref<128xi32, #tpu.memory_space<vmem>>, vector<16xi32>,
      %get3A_797 = arith.index_cast %mul3A_780 : i32 to index
      %get3A_798 = tpu.vector_load %arg10[%get3A_797] {strides = array<i32>} : memref<128xi32, #tpu.memory_space<vmem>>, vector<16xi32>,
      %and3A_799 = arith.constant -8192 : i32
      %and3A_800 = vector.broadcast %and3A_799 : i32 to vector<16xi32>
      %and3A_801 = arith.andi %get3A_798, %and3A_800 : vector<16xi32>
      %and3A_802 = arith.constant 4095 : i32
      %and3A_803 = vector.broadcast %and3A_802 : i32 to vector<16xi32>
      %and3A_804 = arith.andi %get3A_798, %and3A_803 : vector<16xi32>
      %shift_left3A_805 = arith.constant 1 : i32
      %shift_left3A_806 = vector.broadcast %shift_left3A_805 : i32 to vector<16xi32>
      %shift_left3A_807 = arith.shli %and3A_804, %shift_left3A_806 : vector<16xi32>
      %add3A_808 = arith.addi %and3A_801, %shift_left3A_807 : vector<16xi32>
      %shift_right_arithmetic3A_809 = arith.constant 12 : i32
      %shift_right_arithmetic3A_810 = vector.broadcast %shift_right_arithmetic3A_809 : i32 to vector<16xi32>
      %shift_right_arithmetic3A_811 = arith.shrsi %get3A_798, %shift_right_arithmetic3A_810 : vector<16xi32>
      %and3A_812 = arith.constant 1 : i32
      %and3A_813 = vector.broadcast %and3A_812 : i32 to vector<16xi32>
      %and3A_814 = arith.andi %shift_right_arithmetic3A_811, %and3A_813 : vector<16xi32>
      %add3A_815 = arith.addi %add3A_808, %and3A_814 : vector<16xi32>
      %swap3A_816 = arith.index_cast %mul3A_780 : i32 to index
      %swap3A_817 = tpu.vector_load %arg10[%swap3A_816] {strides = array<i32>} : memref<128xi32, #tpu.memory_space<vmem>>, vector<16xi32>,
      tpu.vector_store %arg10[%swap3A_816], %add3A_815 {strides = array<i32>} : memref<128xi32, #tpu.memory_space<vmem>>, vector<16xi32>,
    }
    %scan3A_593 = arith.constant 8 : i32
    %scan3A_594 = arith.constant 0 : i32
    %scan3A_595 = arith.constant 80 : i32
    %scan3A_596 = arith.addi %scan3A_594, %scan3A_595 : i32
    %scan3A_597 = arith.constant 1 : i32
    scf.for %scan3A_778 = %scan3A_594 to %scan3A_596 step %scan3A_597  : i32 {
      %mul3A_779 = arith.constant 16 : i32
      %mul3A_780 = arith.muli %scan3A_778, %mul3A_779 : i32
      %get3A = arith.index_cast %mul3A_780 : i32 to index
      %get3A_781 = tpu.vector_load %arg11[%get3A] {strides = array<i32>} : memref<1280xi32, #tpu.memory_space<vmem>>, vector<16xi32>,
      %and3A = arith.constant -8192 : i32
      %and3A_782 = vector.broadcast %and3A : i32 to vector<16xi32>
      %and3A_783 = arith.andi %get3A_781, %and3A_782 : vector<16xi32>
      %and3A_784 = arith.constant 4095 : i32
      %and3A_785 = vector.broadcast %and3A_784 : i32 to vector<16xi32>
      %and3A_786 = arith.andi %get3A_781, %and3A_785 : vector<16xi32>
      %shift_left3A = arith.constant 1 : i32
      %shift_left3A_787 = vector.broadcast %shift_left3A : i32 to vector<16xi32>
      %shift_left3A_788 = arith.shli %and3A_786, %shift_left3A_787 : vector<16xi32>
      %add3A_789 = arith.addi %and3A_783, %shift_left3A_788 : vector<16xi32>
      %shift_right_arithmetic3A = arith.constant 12 : i32
      %shift_right_arithmetic3A_790 = vector.broadcast %shift_right_arithmetic3A : i32 to vector<16xi32>
      %shift_right_arithmetic3A_791 = arith.shrsi %get3A_781, %shift_right_arithmetic3A_790 : vector<16xi32>
      %and3A_792 = arith.constant 1 : i32
      %and3A_793 = vector.broadcast %and3A_792 : i32 to vector<16xi32>
      %and3A_794 = arith.andi %shift_right_arithmetic3A_791, %and3A_793 : vector<16xi32>
      %add3A_795 = arith.addi %add3A_789, %and3A_794 : vector<16xi32>
      %swap3A = arith.index_cast %mul3A_780 : i32 to index
      %swap3A_796 = tpu.vector_load %arg11[%swap3A] {strides = array<i32>} : memref<1280xi32, #tpu.memory_space<vmem>>, vector<16xi32>,
      tpu.vector_store %arg11[%swap3A], %add3A_795 {strides = array<i32>} : memref<1280xi32, #tpu.memory_space<vmem>>, vector<16xi32>,
    }
    %scan3A_598 = arith.constant 80 : i32
    %dma_start3A_599 = arith.constant 0 : i32
    %dma_start3A_600 = arith.constant 0 : i32
    %dma_start3A_601 = tpu.memref_slice %arg2[%dma_start3A_599, %dma_start3A_600] : memref<1007616x64xf32, #tpu.memory_space<hbm>> -> memref<1007616x64xf32, #tpu.memory_space<hbm>>
    tpu.enqueue_indirect_dma source(%dma_start3A_601 : memref<1007616x64xf32, #tpu.memory_space<hbm>>) target(%arg12 : memref<128x64xf32, #tpu.memory_space<vmem>>) offsets(%arg9 : memref<128xi32, #tpu.memory_space<vmem>>) semaphore(%arg17 : memref<!tpu.dma_semaphore, #tpu.memory_space<semaphore_mem>>)
    %dma_start3A_602 = arith.constant 0 : i32
    %dma_start3A_603 = arith.constant 0 : i32
    %dma_start3A_604 = tpu.memref_slice %arg3[%dma_start3A_602, %dma_start3A_603] : memref<1007616x64xf32, #tpu.memory_space<hbm>> -> memref<1007616x64xf32, #tpu.memory_space<hbm>>
    tpu.enqueue_indirect_dma source(%dma_start3A_604 : memref<1007616x64xf32, #tpu.memory_space<hbm>>) target(%arg13 : memref<128x64xf32, #tpu.memory_space<vmem>>) offsets(%arg10 : memref<128xi32, #tpu.memory_space<vmem>>) semaphore(%arg17 : memref<!tpu.dma_semaphore, #tpu.memory_space<semaphore_mem>>)
    %dma_start3A_605 = arith.constant 0 : i32
    %dma_start3A_606 = arith.constant 0 : i32
    %dma_start3A_607 = tpu.memref_slice %arg14[%dma_start3A_605, %dma_start3A_606] : memref<1280x64xf32, #tpu.memory_space<vmem>> -> memref<128x64xf32, #tpu.memory_space<vmem>>
    %dma_start3A_608 = arith.constant 0 : i32
    %dma_start3A_609 = tpu.memref_slice %arg11[%dma_start3A_608] : memref<1280xi32, #tpu.memory_space<vmem>> -> memref<128xi32, #tpu.memory_space<vmem>>
    %dma_start3A_610 = arith.constant 0 : i32
    %dma_start3A_611 = arith.constant 0 : i32
    %dma_start3A_612 = tpu.memref_slice %arg3[%dma_start3A_610, %dma_start3A_611] : memref<1007616x64xf32, #tpu.memory_space<hbm>> -> memref<1007616x64xf32, #tpu.memory_space<hbm>>
    tpu.enqueue_indirect_dma source(%dma_start3A_612 : memref<1007616x64xf32, #tpu.memory_space<hbm>>) target(%dma_start3A_607 : memref<128x64xf32, #tpu.memory_space<vmem>>) offsets(%dma_start3A_609 : memref<128xi32, #tpu.memory_space<vmem>>) semaphore(%arg17 : memref<!tpu.dma_semaphore, #tpu.memory_space<semaphore_mem>>)
    %dma_start3A_613 = arith.constant 128 : i32
    %dma_start3A_614 = arith.constant 0 : i32
    %dma_start3A_615 = tpu.memref_slice %arg14[%dma_start3A_613, %dma_start3A_614] : memref<1280x64xf32, #tpu.memory_space<vmem>> -> memref<128x64xf32, #tpu.memory_space<vmem>>
    %dma_start3A_616 = arith.constant 128 : i32
    %dma_start3A_617 = tpu.memref_slice %arg11[%dma_start3A_616] : memref<1280xi32, #tpu.memory_space<vmem>> -> memref<128xi32, #tpu.memory_space<vmem>>
    %dma_start3A_618 = arith.constant 0 : i32
    %dma_start3A_619 = arith.constant 0 : i32
    %dma_start3A_620 = tpu.memref_slice %arg3[%dma_start3A_618, %dma_start3A_619] : memref<1007616x64xf32, #tpu.memory_space<hbm>> -> memref<1007616x64xf32, #tpu.memory_space<hbm>>
    tpu.enqueue_indirect_dma source(%dma_start3A_620 : memref<1007616x64xf32, #tpu.memory_space<hbm>>) target(%dma_start3A_615 : memref<128x64xf32, #tpu.memory_space<vmem>>) offsets(%dma_start3A_617 : memref<128xi32, #tpu.memory_space<vmem>>) semaphore(%arg17 : memref<!tpu.dma_semaphore, #tpu.memory_space<semaphore_mem>>)
    %dma_start3A_621 = arith.constant 256 : i32
    %dma_start3A_622 = arith.constant 0 : i32
    %dma_start3A_623 = tpu.memref_slice %arg14[%dma_start3A_621, %dma_start3A_622] : memref<1280x64xf32, #tpu.memory_space<vmem>> -> memref<128x64xf32, #tpu.memory_space<vmem>>
    %dma_start3A_624 = arith.constant 256 : i32
    %dma_start3A_625 = tpu.memref_slice %arg11[%dma_start3A_624] : memref<1280xi32, #tpu.memory_space<vmem>> -> memref<128xi32, #tpu.memory_space<vmem>>
    %dma_start3A_626 = arith.constant 0 : i32
    %dma_start3A_627 = arith.constant 0 : i32
    %dma_start3A_628 = tpu.memref_slice %arg3[%dma_start3A_626, %dma_start3A_627] : memref<1007616x64xf32, #tpu.memory_space<hbm>> -> memref<1007616x64xf32, #tpu.memory_space<hbm>>
    tpu.enqueue_indirect_dma source(%dma_start3A_628 : memref<1007616x64xf32, #tpu.memory_space<hbm>>) target(%dma_start3A_623 : memref<128x64xf32, #tpu.memory_space<vmem>>) offsets(%dma_start3A_625 : memref<128xi32, #tpu.memory_space<vmem>>) semaphore(%arg17 : memref<!tpu.dma_semaphore, #tpu.memory_space<semaphore_mem>>)
    %dma_start3A_629 = arith.constant 384 : i32
    %dma_start3A_630 = arith.constant 0 : i32
    %dma_start3A_631 = tpu.memref_slice %arg14[%dma_start3A_629, %dma_start3A_630] : memref<1280x64xf32, #tpu.memory_space<vmem>> -> memref<128x64xf32, #tpu.memory_space<vmem>>
    %dma_start3A_632 = arith.constant 384 : i32
    %dma_start3A_633 = tpu.memref_slice %arg11[%dma_start3A_632] : memref<1280xi32, #tpu.memory_space<vmem>> -> memref<128xi32, #tpu.memory_space<vmem>>
    %dma_start3A_634 = arith.constant 0 : i32
    %dma_start3A_635 = arith.constant 0 : i32
    %dma_start3A_636 = tpu.memref_slice %arg3[%dma_start3A_634, %dma_start3A_635] : memref<1007616x64xf32, #tpu.memory_space<hbm>> -> memref<1007616x64xf32, #tpu.memory_space<hbm>>
    tpu.enqueue_indirect_dma source(%dma_start3A_636 : memref<1007616x64xf32, #tpu.memory_space<hbm>>) target(%dma_start3A_631 : memref<128x64xf32, #tpu.memory_space<vmem>>) offsets(%dma_start3A_633 : memref<128xi32, #tpu.memory_space<vmem>>) semaphore(%arg17 : memref<!tpu.dma_semaphore, #tpu.memory_space<semaphore_mem>>)
    %dma_start3A_637 = arith.constant 512 : i32
    %dma_start3A_638 = arith.constant 0 : i32
    %dma_start3A_639 = tpu.memref_slice %arg14[%dma_start3A_637, %dma_start3A_638] : memref<1280x64xf32, #tpu.memory_space<vmem>> -> memref<128x64xf32, #tpu.memory_space<vmem>>
    %dma_start3A_640 = arith.constant 512 : i32
    %dma_start3A_641 = tpu.memref_slice %arg11[%dma_start3A_640] : memref<1280xi32, #tpu.memory_space<vmem>> -> memref<128xi32, #tpu.memory_space<vmem>>
    %dma_start3A_642 = arith.constant 0 : i32
    %dma_start3A_643 = arith.constant 0 : i32
    %dma_start3A_644 = tpu.memref_slice %arg3[%dma_start3A_642, %dma_start3A_643] : memref<1007616x64xf32, #tpu.memory_space<hbm>> -> memref<1007616x64xf32, #tpu.memory_space<hbm>>
    tpu.enqueue_indirect_dma source(%dma_start3A_644 : memref<1007616x64xf32, #tpu.memory_space<hbm>>) target(%dma_start3A_639 : memref<128x64xf32, #tpu.memory_space<vmem>>) offsets(%dma_start3A_641 : memref<128xi32, #tpu.memory_space<vmem>>) semaphore(%arg17 : memref<!tpu.dma_semaphore, #tpu.memory_space<semaphore_mem>>)
    %dma_start3A_645 = arith.constant 640 : i32
    %dma_start3A_646 = arith.constant 0 : i32
    %dma_start3A_647 = tpu.memref_slice %arg14[%dma_start3A_645, %dma_start3A_646] : memref<1280x64xf32, #tpu.memory_space<vmem>> -> memref<128x64xf32, #tpu.memory_space<vmem>>
    %dma_start3A_648 = arith.constant 640 : i32
    %dma_start3A_649 = tpu.memref_slice %arg11[%dma_start3A_648] : memref<1280xi32, #tpu.memory_space<vmem>> -> memref<128xi32, #tpu.memory_space<vmem>>
    %dma_start3A_650 = arith.constant 0 : i32
    %dma_start3A_651 = arith.constant 0 : i32
    %dma_start3A_652 = tpu.memref_slice %arg3[%dma_start3A_650, %dma_start3A_651] : memref<1007616x64xf32, #tpu.memory_space<hbm>> -> memref<1007616x64xf32, #tpu.memory_space<hbm>>
    tpu.enqueue_indirect_dma source(%dma_start3A_652 : memref<1007616x64xf32, #tpu.memory_space<hbm>>) target(%dma_start3A_647 : memref<128x64xf32, #tpu.memory_space<vmem>>) offsets(%dma_start3A_649 : memref<128xi32, #tpu.memory_space<vmem>>) semaphore(%arg17 : memref<!tpu.dma_semaphore, #tpu.memory_space<semaphore_mem>>)
    %dma_start3A_653 = arith.constant 768 : i32
    %dma_start3A_654 = arith.constant 0 : i32
    %dma_start3A_655 = tpu.memref_slice %arg14[%dma_start3A_653, %dma_start3A_654] : memref<1280x64xf32, #tpu.memory_space<vmem>> -> memref<128x64xf32, #tpu.memory_space<vmem>>
    %dma_start3A_656 = arith.constant 768 : i32
    %dma_start3A_657 = tpu.memref_slice %arg11[%dma_start3A_656] : memref<1280xi32, #tpu.memory_space<vmem>> -> memref<128xi32, #tpu.memory_space<vmem>>
    %dma_start3A_658 = arith.constant 0 : i32
    %dma_start3A_659 = arith.constant 0 : i32
    %dma_start3A_660 = tpu.memref_slice %arg3[%dma_start3A_658, %dma_start3A_659] : memref<1007616x64xf32, #tpu.memory_space<hbm>> -> memref<1007616x64xf32, #tpu.memory_space<hbm>>
    tpu.enqueue_indirect_dma source(%dma_start3A_660 : memref<1007616x64xf32, #tpu.memory_space<hbm>>) target(%dma_start3A_655 : memref<128x64xf32, #tpu.memory_space<vmem>>) offsets(%dma_start3A_657 : memref<128xi32, #tpu.memory_space<vmem>>) semaphore(%arg17 : memref<!tpu.dma_semaphore, #tpu.memory_space<semaphore_mem>>)
    %dma_start3A_661 = arith.constant 896 : i32
    %dma_start3A_662 = arith.constant 0 : i32
    %dma_start3A_663 = tpu.memref_slice %arg14[%dma_start3A_661, %dma_start3A_662] : memref<1280x64xf32, #tpu.memory_space<vmem>> -> memref<128x64xf32, #tpu.memory_space<vmem>>
    %dma_start3A_664 = arith.constant 896 : i32
    %dma_start3A_665 = tpu.memref_slice %arg11[%dma_start3A_664] : memref<1280xi32, #tpu.memory_space<vmem>> -> memref<128xi32, #tpu.memory_space<vmem>>
    %dma_start3A_666 = arith.constant 0 : i32
    %dma_start3A_667 = arith.constant 0 : i32
    %dma_start3A_668 = tpu.memref_slice %arg3[%dma_start3A_666, %dma_start3A_667] : memref<1007616x64xf32, #tpu.memory_space<hbm>> -> memref<1007616x64xf32, #tpu.memory_space<hbm>>
    tpu.enqueue_indirect_dma source(%dma_start3A_668 : memref<1007616x64xf32, #tpu.memory_space<hbm>>) target(%dma_start3A_663 : memref<128x64xf32, #tpu.memory_space<vmem>>) offsets(%dma_start3A_665 : memref<128xi32, #tpu.memory_space<vmem>>) semaphore(%arg17 : memref<!tpu.dma_semaphore, #tpu.memory_space<semaphore_mem>>)
    %dma_start3A_669 = arith.constant 1024 : i32
    %dma_start3A_670 = arith.constant 0 : i32
    %dma_start3A_671 = tpu.memref_slice %arg14[%dma_start3A_669, %dma_start3A_670] : memref<1280x64xf32, #tpu.memory_space<vmem>> -> memref<128x64xf32, #tpu.memory_space<vmem>>
    %dma_start3A_672 = arith.constant 1024 : i32
    %dma_start3A_673 = tpu.memref_slice %arg11[%dma_start3A_672] : memref<1280xi32, #tpu.memory_space<vmem>> -> memref<128xi32, #tpu.memory_space<vmem>>
    %dma_start3A_674 = arith.constant 0 : i32
    %dma_start3A_675 = arith.constant 0 : i32
    %dma_start3A_676 = tpu.memref_slice %arg3[%dma_start3A_674, %dma_start3A_675] : memref<1007616x64xf32, #tpu.memory_space<hbm>> -> memref<1007616x64xf32, #tpu.memory_space<hbm>>
    tpu.enqueue_indirect_dma source(%dma_start3A_676 : memref<1007616x64xf32, #tpu.memory_space<hbm>>) target(%dma_start3A_671 : memref<128x64xf32, #tpu.memory_space<vmem>>) offsets(%dma_start3A_673 : memref<128xi32, #tpu.memory_space<vmem>>) semaphore(%arg17 : memref<!tpu.dma_semaphore, #tpu.memory_space<semaphore_mem>>)
    %dma_start3A_677 = arith.constant 1152 : i32
    %dma_start3A_678 = arith.constant 0 : i32
    %dma_start3A_679 = tpu.memref_slice %arg14[%dma_start3A_677, %dma_start3A_678] : memref<1280x64xf32, #tpu.memory_space<vmem>> -> memref<128x64xf32, #tpu.memory_space<vmem>>
    %dma_start3A_680 = arith.constant 1152 : i32
    %dma_start3A_681 = tpu.memref_slice %arg11[%dma_start3A_680] : memref<1280xi32, #tpu.memory_space<vmem>> -> memref<128xi32, #tpu.memory_space<vmem>>
    %dma_start3A_682 = arith.constant 0 : i32
    %dma_start3A_683 = arith.constant 0 : i32
    %dma_start3A_684 = tpu.memref_slice %arg3[%dma_start3A_682, %dma_start3A_683] : memref<1007616x64xf32, #tpu.memory_space<hbm>> -> memref<1007616x64xf32, #tpu.memory_space<hbm>>
    tpu.enqueue_indirect_dma source(%dma_start3A_684 : memref<1007616x64xf32, #tpu.memory_space<hbm>>) target(%dma_start3A_679 : memref<128x64xf32, #tpu.memory_space<vmem>>) offsets(%dma_start3A_681 : memref<128xi32, #tpu.memory_space<vmem>>) semaphore(%arg17 : memref<!tpu.dma_semaphore, #tpu.memory_space<semaphore_mem>>)
    %dma_wait3A_685 = arith.constant 0 : i32
    %dma_wait3A_686 = arith.constant 0 : i32
    %dma_wait3A_687 = tpu.memref_slice %arg2[%dma_wait3A_685, %dma_wait3A_686] : memref<1007616x64xf32, #tpu.memory_space<hbm>> -> memref<1007616x64xf32, #tpu.memory_space<hbm>>
    tpu.wait_indirect_dma semaphore(%arg17 : memref<!tpu.dma_semaphore, #tpu.memory_space<semaphore_mem>>) src(%dma_wait3A_687 : memref<1007616x64xf32, #tpu.memory_space<hbm>>) dst(%arg12 : memref<128x64xf32, #tpu.memory_space<vmem>>)
    %dma_wait3A_688 = arith.constant 0 : i32
    %dma_wait3A_689 = arith.constant 0 : i32
    %dma_wait3A_690 = tpu.memref_slice %arg3[%dma_wait3A_688, %dma_wait3A_689] : memref<1007616x64xf32, #tpu.memory_space<hbm>> -> memref<1007616x64xf32, #tpu.memory_space<hbm>>
    tpu.wait_indirect_dma semaphore(%arg17 : memref<!tpu.dma_semaphore, #tpu.memory_space<semaphore_mem>>) src(%dma_wait3A_690 : memref<1007616x64xf32, #tpu.memory_space<hbm>>) dst(%arg13 : memref<128x64xf32, #tpu.memory_space<vmem>>)
    %dma_wait3A_691 = arith.constant 0 : i32
    %dma_wait3A_692 = arith.constant 0 : i32
    %dma_wait3A_693 = tpu.memref_slice %arg14[%dma_wait3A_691, %dma_wait3A_692] : memref<1280x64xf32, #tpu.memory_space<vmem>> -> memref<128x64xf32, #tpu.memory_space<vmem>>
    %dma_wait3A_694 = arith.constant 0 : i32
    %dma_wait3A_695 = tpu.memref_slice %arg11[%dma_wait3A_694] : memref<1280xi32, #tpu.memory_space<vmem>> -> memref<128xi32, #tpu.memory_space<vmem>>
    %dma_wait3A_696 = arith.constant 0 : i32
    %dma_wait3A_697 = arith.constant 0 : i32
    %dma_wait3A_698 = tpu.memref_slice %arg3[%dma_wait3A_696, %dma_wait3A_697] : memref<1007616x64xf32, #tpu.memory_space<hbm>> -> memref<1007616x64xf32, #tpu.memory_space<hbm>>
    tpu.wait_indirect_dma semaphore(%arg17 : memref<!tpu.dma_semaphore, #tpu.memory_space<semaphore_mem>>) src(%dma_wait3A_698 : memref<1007616x64xf32, #tpu.memory_space<hbm>>) dst(%dma_wait3A_693 : memref<128x64xf32, #tpu.memory_space<vmem>>)
    %dma_wait3A_699 = arith.constant 128 : i32
    %dma_wait3A_700 = arith.constant 0 : i32
    %dma_wait3A_701 = tpu.memref_slice %arg14[%dma_wait3A_699, %dma_wait3A_700] : memref<1280x64xf32, #tpu.memory_space<vmem>> -> memref<128x64xf32, #tpu.memory_space<vmem>>
    %dma_wait3A_702 = arith.constant 128 : i32
    %dma_wait3A_703 = tpu.memref_slice %arg11[%dma_wait3A_702] : memref<1280xi32, #tpu.memory_space<vmem>> -> memref<128xi32, #tpu.memory_space<vmem>>
    %dma_wait3A_704 = arith.constant 0 : i32
    %dma_wait3A_705 = arith.constant 0 : i32
    %dma_wait3A_706 = tpu.memref_slice %arg3[%dma_wait3A_704, %dma_wait3A_705] : memref<1007616x64xf32, #tpu.memory_space<hbm>> -> memref<1007616x64xf32, #tpu.memory_space<hbm>>
    tpu.wait_indirect_dma semaphore(%arg17 : memref<!tpu.dma_semaphore, #tpu.memory_space<semaphore_mem>>) src(%dma_wait3A_706 : memref<1007616x64xf32, #tpu.memory_space<hbm>>) dst(%dma_wait3A_701 : memref<128x64xf32, #tpu.memory_space<vmem>>)
    %dma_wait3A_707 = arith.constant 256 : i32
    %dma_wait3A_708 = arith.constant 0 : i32
    %dma_wait3A_709 = tpu.memref_slice %arg14[%dma_wait3A_707, %dma_wait3A_708] : memref<1280x64xf32, #tpu.memory_space<vmem>> -> memref<128x64xf32, #tpu.memory_space<vmem>>
    %dma_wait3A_710 = arith.constant 256 : i32
    %dma_wait3A_711 = tpu.memref_slice %arg11[%dma_wait3A_710] : memref<1280xi32, #tpu.memory_space<vmem>> -> memref<128xi32, #tpu.memory_space<vmem>>
    %dma_wait3A_712 = arith.constant 0 : i32
    %dma_wait3A_713 = arith.constant 0 : i32
    %dma_wait3A_714 = tpu.memref_slice %arg3[%dma_wait3A_712, %dma_wait3A_713] : memref<1007616x64xf32, #tpu.memory_space<hbm>> -> memref<1007616x64xf32, #tpu.memory_space<hbm>>
    tpu.wait_indirect_dma semaphore(%arg17 : memref<!tpu.dma_semaphore, #tpu.memory_space<semaphore_mem>>) src(%dma_wait3A_714 : memref<1007616x64xf32, #tpu.memory_space<hbm>>) dst(%dma_wait3A_709 : memref<128x64xf32, #tpu.memory_space<vmem>>)
    %dma_wait3A_715 = arith.constant 384 : i32
    %dma_wait3A_716 = arith.constant 0 : i32
    %dma_wait3A_717 = tpu.memref_slice %arg14[%dma_wait3A_715, %dma_wait3A_716] : memref<1280x64xf32, #tpu.memory_space<vmem>> -> memref<128x64xf32, #tpu.memory_space<vmem>>
    %dma_wait3A_718 = arith.constant 384 : i32
    %dma_wait3A_719 = tpu.memref_slice %arg11[%dma_wait3A_718] : memref<1280xi32, #tpu.memory_space<vmem>> -> memref<128xi32, #tpu.memory_space<vmem>>
    %dma_wait3A_720 = arith.constant 0 : i32
    %dma_wait3A_721 = arith.constant 0 : i32
    %dma_wait3A_722 = tpu.memref_slice %arg3[%dma_wait3A_720, %dma_wait3A_721] : memref<1007616x64xf32, #tpu.memory_space<hbm>> -> memref<1007616x64xf32, #tpu.memory_space<hbm>>
    tpu.wait_indirect_dma semaphore(%arg17 : memref<!tpu.dma_semaphore, #tpu.memory_space<semaphore_mem>>) src(%dma_wait3A_722 : memref<1007616x64xf32, #tpu.memory_space<hbm>>) dst(%dma_wait3A_717 : memref<128x64xf32, #tpu.memory_space<vmem>>)
    %dma_wait3A_723 = arith.constant 512 : i32
    %dma_wait3A_724 = arith.constant 0 : i32
    %dma_wait3A_725 = tpu.memref_slice %arg14[%dma_wait3A_723, %dma_wait3A_724] : memref<1280x64xf32, #tpu.memory_space<vmem>> -> memref<128x64xf32, #tpu.memory_space<vmem>>
    %dma_wait3A_726 = arith.constant 512 : i32
    %dma_wait3A_727 = tpu.memref_slice %arg11[%dma_wait3A_726] : memref<1280xi32, #tpu.memory_space<vmem>> -> memref<128xi32, #tpu.memory_space<vmem>>
    %dma_wait3A_728 = arith.constant 0 : i32
    %dma_wait3A_729 = arith.constant 0 : i32
    %dma_wait3A_730 = tpu.memref_slice %arg3[%dma_wait3A_728, %dma_wait3A_729] : memref<1007616x64xf32, #tpu.memory_space<hbm>> -> memref<1007616x64xf32, #tpu.memory_space<hbm>>
    tpu.wait_indirect_dma semaphore(%arg17 : memref<!tpu.dma_semaphore, #tpu.memory_space<semaphore_mem>>) src(%dma_wait3A_730 : memref<1007616x64xf32, #tpu.memory_space<hbm>>) dst(%dma_wait3A_725 : memref<128x64xf32, #tpu.memory_space<vmem>>)
    %dma_wait3A_731 = arith.constant 640 : i32
    %dma_wait3A_732 = arith.constant 0 : i32
    %dma_wait3A_733 = tpu.memref_slice %arg14[%dma_wait3A_731, %dma_wait3A_732] : memref<1280x64xf32, #tpu.memory_space<vmem>> -> memref<128x64xf32, #tpu.memory_space<vmem>>
    %dma_wait3A_734 = arith.constant 640 : i32
    %dma_wait3A_735 = tpu.memref_slice %arg11[%dma_wait3A_734] : memref<1280xi32, #tpu.memory_space<vmem>> -> memref<128xi32, #tpu.memory_space<vmem>>
    %dma_wait3A_736 = arith.constant 0 : i32
    %dma_wait3A_737 = arith.constant 0 : i32
    %dma_wait3A_738 = tpu.memref_slice %arg3[%dma_wait3A_736, %dma_wait3A_737] : memref<1007616x64xf32, #tpu.memory_space<hbm>> -> memref<1007616x64xf32, #tpu.memory_space<hbm>>
    tpu.wait_indirect_dma semaphore(%arg17 : memref<!tpu.dma_semaphore, #tpu.memory_space<semaphore_mem>>) src(%dma_wait3A_738 : memref<1007616x64xf32, #tpu.memory_space<hbm>>) dst(%dma_wait3A_733 : memref<128x64xf32, #tpu.memory_space<vmem>>)
    %dma_wait3A_739 = arith.constant 768 : i32
    %dma_wait3A_740 = arith.constant 0 : i32
    %dma_wait3A_741 = tpu.memref_slice %arg14[%dma_wait3A_739, %dma_wait3A_740] : memref<1280x64xf32, #tpu.memory_space<vmem>> -> memref<128x64xf32, #tpu.memory_space<vmem>>
    %dma_wait3A_742 = arith.constant 768 : i32
    %dma_wait3A_743 = tpu.memref_slice %arg11[%dma_wait3A_742] : memref<1280xi32, #tpu.memory_space<vmem>> -> memref<128xi32, #tpu.memory_space<vmem>>
    %dma_wait3A_744 = arith.constant 0 : i32
    %dma_wait3A_745 = arith.constant 0 : i32
    %dma_wait3A_746 = tpu.memref_slice %arg3[%dma_wait3A_744, %dma_wait3A_745] : memref<1007616x64xf32, #tpu.memory_space<hbm>> -> memref<1007616x64xf32, #tpu.memory_space<hbm>>
    tpu.wait_indirect_dma semaphore(%arg17 : memref<!tpu.dma_semaphore, #tpu.memory_space<semaphore_mem>>) src(%dma_wait3A_746 : memref<1007616x64xf32, #tpu.memory_space<hbm>>) dst(%dma_wait3A_741 : memref<128x64xf32, #tpu.memory_space<vmem>>)
    %dma_wait3A_747 = arith.constant 896 : i32
    %dma_wait3A_748 = arith.constant 0 : i32
    %dma_wait3A_749 = tpu.memref_slice %arg14[%dma_wait3A_747, %dma_wait3A_748] : memref<1280x64xf32, #tpu.memory_space<vmem>> -> memref<128x64xf32, #tpu.memory_space<vmem>>
    %dma_wait3A_750 = arith.constant 896 : i32
    %dma_wait3A_751 = tpu.memref_slice %arg11[%dma_wait3A_750] : memref<1280xi32, #tpu.memory_space<vmem>> -> memref<128xi32, #tpu.memory_space<vmem>>
    %dma_wait3A_752 = arith.constant 0 : i32
    %dma_wait3A_753 = arith.constant 0 : i32
    %dma_wait3A_754 = tpu.memref_slice %arg3[%dma_wait3A_752, %dma_wait3A_753] : memref<1007616x64xf32, #tpu.memory_space<hbm>> -> memref<1007616x64xf32, #tpu.memory_space<hbm>>
    tpu.wait_indirect_dma semaphore(%arg17 : memref<!tpu.dma_semaphore, #tpu.memory_space<semaphore_mem>>) src(%dma_wait3A_754 : memref<1007616x64xf32, #tpu.memory_space<hbm>>) dst(%dma_wait3A_749 : memref<128x64xf32, #tpu.memory_space<vmem>>)
    %dma_wait3A_755 = arith.constant 1024 : i32
    %dma_wait3A_756 = arith.constant 0 : i32
    %dma_wait3A_757 = tpu.memref_slice %arg14[%dma_wait3A_755, %dma_wait3A_756] : memref<1280x64xf32, #tpu.memory_space<vmem>> -> memref<128x64xf32, #tpu.memory_space<vmem>>
    %dma_wait3A_758 = arith.constant 1024 : i32
    %dma_wait3A_759 = tpu.memref_slice %arg11[%dma_wait3A_758] : memref<1280xi32, #tpu.memory_space<vmem>> -> memref<128xi32, #tpu.memory_space<vmem>>
    %dma_wait3A_760 = arith.constant 0 : i32
    %dma_wait3A_761 = arith.constant 0 : i32
    %dma_wait3A_762 = tpu.memref_slice %arg3[%dma_wait3A_760, %dma_wait3A_761] : memref<1007616x64xf32, #tpu.memory_space<hbm>> -> memref<1007616x64xf32, #tpu.memory_space<hbm>>
    tpu.wait_indirect_dma semaphore(%arg17 : memref<!tpu.dma_semaphore, #tpu.memory_space<semaphore_mem>>) src(%dma_wait3A_762 : memref<1007616x64xf32, #tpu.memory_space<hbm>>) dst(%dma_wait3A_757 : memref<128x64xf32, #tpu.memory_space<vmem>>)
    %dma_wait3A_763 = arith.constant 1152 : i32
    %dma_wait3A_764 = arith.constant 0 : i32
    %dma_wait3A_765 = tpu.memref_slice %arg14[%dma_wait3A_763, %dma_wait3A_764] : memref<1280x64xf32, #tpu.memory_space<vmem>> -> memref<128x64xf32, #tpu.memory_space<vmem>>
    %dma_wait3A_766 = arith.constant 1152 : i32
    %dma_wait3A_767 = tpu.memref_slice %arg11[%dma_wait3A_766] : memref<1280xi32, #tpu.memory_space<vmem>> -> memref<128xi32, #tpu.memory_space<vmem>>
    %dma_wait3A_768 = arith.constant 0 : i32
    %dma_wait3A_769 = arith.constant 0 : i32
    %dma_wait3A_770 = tpu.memref_slice %arg3[%dma_wait3A_768, %dma_wait3A_769] : memref<1007616x64xf32, #tpu.memory_space<hbm>> -> memref<1007616x64xf32, #tpu.memory_space<hbm>>
    tpu.wait_indirect_dma semaphore(%arg17 : memref<!tpu.dma_semaphore, #tpu.memory_space<semaphore_mem>>) src(%dma_wait3A_770 : memref<1007616x64xf32, #tpu.memory_space<hbm>>) dst(%dma_wait3A_765 : memref<128x64xf32, #tpu.memory_space<vmem>>)
    %scan3A_771 = arith.constant 0 : i32
    %scan3A_772 = arith.constant 8 : i32
    %scan3A_773 = arith.addi %scan3A_771, %scan3A_772 : i32
    %scan3A_774 = arith.constant 1 : i32
    scf.for %scan3A_778 = %scan3A_771 to %scan3A_773 step %scan3A_774  : i32 {
      %broadcast_in_dim3A = arith.constant 0.000000e+00 : f32
      %broadcast_in_dim3A_779 = vector.broadcast %broadcast_in_dim3A : f32 to vector<16xf32>
      %scan3A_780 = arith.constant 0 : i32
      %scan3A_781 = arith.constant 16 : i32
      %scan3A_782 = arith.addi %scan3A_780, %scan3A_781 : i32
      %scan3A_783 = arith.constant 1 : i32
      %scan3A_784:11 = scf.for %scan3A_849 = %scan3A_780 to %scan3A_782 step %scan3A_783 iter_args(%scan3A_850 = %broadcast_in_dim3A_779, %scan3A_851 = %broadcast_in_dim3A_779, %scan3A_852 = %broadcast_in_dim3A_779, %scan3A_853 = %broadcast_in_dim3A_779, %scan3A_854 = %broadcast_in_dim3A_779, %scan3A_855 = %broadcast_in_dim3A_779, %scan3A_856 = %broadcast_in_dim3A_779, %scan3A_857 = %broadcast_in_dim3A_779, %scan3A_858 = %broadcast_in_dim3A_779, %scan3A_859 = %broadcast_in_dim3A_779, %scan3A_860 = %broadcast_in_dim3A_779) -> (vector<16xf32>, vector<16xf32>, vector<16xf32>, vector<16xf32>, vector<16xf32>, vector<16xf32>, vector<16xf32>, vector<16xf32>, vector<16xf32>, vector<16xf32>, vector<16xf32>)  : i32 {
        %mul3A_861 = arith.constant 16 : i32
        %mul3A_862 = arith.muli %scan3A_778, %mul3A_861 : i32
        %add3A_863 = arith.addi %mul3A_862, %scan3A_849 : i32
        %eq3A = vector.broadcast %scan3A_849 : i32 to vector<16xi32>
        %eq3A_864 = arith.cmpi eq, %iota3A, %eq3A : vector<16xi32>
        %get3A = arith.index_cast %add3A_863 : i32 to index
        %get3A_865 = arith.constant 0 : index
        %get3A_866 = tpu.vector_load %arg12[%get3A, %get3A_865] {strides = array<i32>} : memref<128x64xf32, #tpu.memory_space<vmem>>, vector<16xf32>,
        %get3A_867 = arith.index_cast %add3A_863 : i32 to index
        %get3A_868 = arith.constant 16 : index
        %get3A_869 = tpu.vector_load %arg12[%get3A_867, %get3A_868] {strides = array<i32>} : memref<128x64xf32, #tpu.memory_space<vmem>>, vector<16xf32>,
        %get3A_870 = arith.index_cast %add3A_863 : i32 to index
        %get3A_871 = arith.constant 32 : index
        %get3A_872 = tpu.vector_load %arg12[%get3A_870, %get3A_871] {strides = array<i32>} : memref<128x64xf32, #tpu.memory_space<vmem>>, vector<16xf32>,
        %get3A_873 = arith.index_cast %add3A_863 : i32 to index
        %get3A_874 = arith.constant 48 : index
        %get3A_875 = tpu.vector_load %arg12[%get3A_873, %get3A_874] {strides = array<i32>} : memref<128x64xf32, #tpu.memory_space<vmem>>, vector<16xf32>,
        %get3A_876 = arith.index_cast %add3A_863 : i32 to index
        %get3A_877 = arith.constant 0 : index
        %get3A_878 = tpu.vector_load %arg13[%get3A_876, %get3A_877] {strides = array<i32>} : memref<128x64xf32, #tpu.memory_space<vmem>>, vector<16xf32>,
        %get3A_879 = arith.index_cast %add3A_863 : i32 to index
        %get3A_880 = arith.constant 16 : index
        %get3A_881 = tpu.vector_load %arg13[%get3A_879, %get3A_880] {strides = array<i32>} : memref<128x64xf32, #tpu.memory_space<vmem>>, vector<16xf32>,
        %get3A_882 = arith.index_cast %add3A_863 : i32 to index
        %get3A_883 = arith.constant 32 : index
        %get3A_884 = tpu.vector_load %arg13[%get3A_882, %get3A_883] {strides = array<i32>} : memref<128x64xf32, #tpu.memory_space<vmem>>, vector<16xf32>,
        %get3A_885 = arith.index_cast %add3A_863 : i32 to index
        %get3A_886 = arith.constant 48 : index
        %get3A_887 = tpu.vector_load %arg13[%get3A_885, %get3A_886] {strides = array<i32>} : memref<128x64xf32, #tpu.memory_space<vmem>>, vector<16xf32>,
        %mul3A_888 = arith.mulf %get3A_866, %get3A_878 : vector<16xf32>
        %mul3A_889 = arith.mulf %get3A_869, %get3A_881 : vector<16xf32>
        %add3A_890 = arith.addf %mul3A_888, %mul3A_889 : vector<16xf32>
        %mul3A_891 = arith.mulf %get3A_872, %get3A_884 : vector<16xf32>
        %add3A_892 = arith.addf %add3A_890, %mul3A_891 : vector<16xf32>
        %mul3A_893 = arith.mulf %get3A_875, %get3A_887 : vector<16xf32>
        %add3A_894 = arith.addf %add3A_892, %mul3A_893 : vector<16xf32>
        %reduce_sum3A = arith.constant true
        %reduce_sum3A_895 = vector.broadcast %reduce_sum3A : i1 to vector<16xi1>
        %reduce_sum3A_896 = tpu.scan <sum>, %add3A_894 masked %reduce_sum3A_895 : vector<16xf32>, vector<16xi1> -> vector<16xf32>
        %reduce_sum3A_897 = vector.extract %reduce_sum3A_896[15] : f32 from vector<16xf32>
        %broadcast_in_dim3A_898 = vector.broadcast %reduce_sum3A_897 : f32 to vector<16xf32>
        %select_n3A = arith.select %eq3A_864, %broadcast_in_dim3A_898, %scan3A_850 : vector<16xi1>, vector<16xf32>
        %mul3A_899 = arith.constant 10 : i32
        %mul3A_900 = arith.muli %add3A_863, %mul3A_899 : i32
        %add3A_901 = arith.constant 0 : i32
        %add3A_902 = arith.addi %mul3A_900, %add3A_901 : i32
        %get3A_903 = arith.index_cast %add3A_902 : i32 to index
        %get3A_904 = arith.constant 0 : index
        %get3A_905 = tpu.vector_load %arg14[%get3A_903, %get3A_904] {strides = array<i32>} : memref<1280x64xf32, #tpu.memory_space<vmem>>, vector<16xf32>,
        %mul3A_906 = arith.mulf %get3A_866, %get3A_905 : vector<16xf32>
        %get3A_907 = arith.index_cast %add3A_902 : i32 to index
        %get3A_908 = arith.constant 16 : index
        %get3A_909 = tpu.vector_load %arg14[%get3A_907, %get3A_908] {strides = array<i32>} : memref<1280x64xf32, #tpu.memory_space<vmem>>, vector<16xf32>,
        %mul3A_910 = arith.mulf %get3A_869, %get3A_909 : vector<16xf32>
        %add3A_911 = arith.addf %mul3A_906, %mul3A_910 : vector<16xf32>
        %get3A_912 = arith.index_cast %add3A_902 : i32 to index
        %get3A_913 = arith.constant 32 : index
        %get3A_914 = tpu.vector_load %arg14[%get3A_912, %get3A_913] {strides = array<i32>} : memref<1280x64xf32, #tpu.memory_space<vmem>>, vector<16xf32>,
        %mul3A_915 = arith.mulf %get3A_872, %get3A_914 : vector<16xf32>
        %add3A_916 = arith.addf %add3A_911, %mul3A_915 : vector<16xf32>
        %get3A_917 = arith.index_cast %add3A_902 : i32 to index
        %get3A_918 = arith.constant 48 : index
        %get3A_919 = tpu.vector_load %arg14[%get3A_917, %get3A_918] {strides = array<i32>} : memref<1280x64xf32, #tpu.memory_space<vmem>>, vector<16xf32>,
        %mul3A_920 = arith.mulf %get3A_875, %get3A_919 : vector<16xf32>
        %add3A_921 = arith.addf %add3A_916, %mul3A_920 : vector<16xf32>
        %reduce_sum3A_922 = arith.constant true
        %reduce_sum3A_923 = vector.broadcast %reduce_sum3A_922 : i1 to vector<16xi1>
        %reduce_sum3A_924 = tpu.scan <sum>, %add3A_921 masked %reduce_sum3A_923 : vector<16xf32>, vector<16xi1> -> vector<16xf32>
        %reduce_sum3A_925 = vector.extract %reduce_sum3A_924[15] : f32 from vector<16xf32>
        %broadcast_in_dim3A_926 = vector.broadcast %reduce_sum3A_925 : f32 to vector<16xf32>
        %select_n3A_927 = arith.select %eq3A_864, %broadcast_in_dim3A_926, %scan3A_851 : vector<16xi1>, vector<16xf32>
        %mul3A_928 = arith.constant 10 : i32
        %mul3A_929 = arith.muli %add3A_863, %mul3A_928 : i32
        %add3A_930 = arith.constant 1 : i32
        %add3A_931 = arith.addi %mul3A_929, %add3A_930 : i32
        %get3A_932 = arith.index_cast %add3A_931 : i32 to index
        %get3A_933 = arith.constant 0 : index
        %get3A_934 = tpu.vector_load %arg14[%get3A_932, %get3A_933] {strides = array<i32>} : memref<1280x64xf32, #tpu.memory_space<vmem>>, vector<16xf32>,
        %mul3A_935 = arith.mulf %get3A_866, %get3A_934 : vector<16xf32>
        %get3A_936 = arith.index_cast %add3A_931 : i32 to index
        %get3A_937 = arith.constant 16 : index
        %get3A_938 = tpu.vector_load %arg14[%get3A_936, %get3A_937] {strides = array<i32>} : memref<1280x64xf32, #tpu.memory_space<vmem>>, vector<16xf32>,
        %mul3A_939 = arith.mulf %get3A_869, %get3A_938 : vector<16xf32>
        %add3A_940 = arith.addf %mul3A_935, %mul3A_939 : vector<16xf32>
        %get3A_941 = arith.index_cast %add3A_931 : i32 to index
        %get3A_942 = arith.constant 32 : index
        %get3A_943 = tpu.vector_load %arg14[%get3A_941, %get3A_942] {strides = array<i32>} : memref<1280x64xf32, #tpu.memory_space<vmem>>, vector<16xf32>,
        %mul3A_944 = arith.mulf %get3A_872, %get3A_943 : vector<16xf32>
        %add3A_945 = arith.addf %add3A_940, %mul3A_944 : vector<16xf32>
        %get3A_946 = arith.index_cast %add3A_931 : i32 to index
        %get3A_947 = arith.constant 48 : index
        %get3A_948 = tpu.vector_load %arg14[%get3A_946, %get3A_947] {strides = array<i32>} : memref<1280x64xf32, #tpu.memory_space<vmem>>, vector<16xf32>,
        %mul3A_949 = arith.mulf %get3A_875, %get3A_948 : vector<16xf32>
        %add3A_950 = arith.addf %add3A_945, %mul3A_949 : vector<16xf32>
        %reduce_sum3A_951 = arith.constant true
        %reduce_sum3A_952 = vector.broadcast %reduce_sum3A_951 : i1 to vector<16xi1>
        %reduce_sum3A_953 = tpu.scan <sum>, %add3A_950 masked %reduce_sum3A_952 : vector<16xf32>, vector<16xi1> -> vector<16xf32>
        %reduce_sum3A_954 = vector.extract %reduce_sum3A_953[15] : f32 from vector<16xf32>
        %broadcast_in_dim3A_955 = vector.broadcast %reduce_sum3A_954 : f32 to vector<16xf32>
        %select_n3A_956 = arith.select %eq3A_864, %broadcast_in_dim3A_955, %scan3A_852 : vector<16xi1>, vector<16xf32>
        %mul3A_957 = arith.constant 10 : i32
        %mul3A_958 = arith.muli %add3A_863, %mul3A_957 : i32
        %add3A_959 = arith.constant 2 : i32
        %add3A_960 = arith.addi %mul3A_958, %add3A_959 : i32
        %get3A_961 = arith.index_cast %add3A_960 : i32 to index
        %get3A_962 = arith.constant 0 : index
        %get3A_963 = tpu.vector_load %arg14[%get3A_961, %get3A_962] {strides = array<i32>} : memref<1280x64xf32, #tpu.memory_space<vmem>>, vector<16xf32>,
        %mul3A_964 = arith.mulf %get3A_866, %get3A_963 : vector<16xf32>
        %get3A_965 = arith.index_cast %add3A_960 : i32 to index
        %get3A_966 = arith.constant 16 : index
        %get3A_967 = tpu.vector_load %arg14[%get3A_965, %get3A_966] {strides = array<i32>} : memref<1280x64xf32, #tpu.memory_space<vmem>>, vector<16xf32>,
        %mul3A_968 = arith.mulf %get3A_869, %get3A_967 : vector<16xf32>
        %add3A_969 = arith.addf %mul3A_964, %mul3A_968 : vector<16xf32>
        %get3A_970 = arith.index_cast %add3A_960 : i32 to index
        %get3A_971 = arith.constant 32 : index
        %get3A_972 = tpu.vector_load %arg14[%get3A_970, %get3A_971] {strides = array<i32>} : memref<1280x64xf32, #tpu.memory_space<vmem>>, vector<16xf32>,
        %mul3A_973 = arith.mulf %get3A_872, %get3A_972 : vector<16xf32>
        %add3A_974 = arith.addf %add3A_969, %mul3A_973 : vector<16xf32>
        %get3A_975 = arith.index_cast %add3A_960 : i32 to index
        %get3A_976 = arith.constant 48 : index
        %get3A_977 = tpu.vector_load %arg14[%get3A_975, %get3A_976] {strides = array<i32>} : memref<1280x64xf32, #tpu.memory_space<vmem>>, vector<16xf32>,
        %mul3A_978 = arith.mulf %get3A_875, %get3A_977 : vector<16xf32>
        %add3A_979 = arith.addf %add3A_974, %mul3A_978 : vector<16xf32>
        %reduce_sum3A_980 = arith.constant true
        %reduce_sum3A_981 = vector.broadcast %reduce_sum3A_980 : i1 to vector<16xi1>
        %reduce_sum3A_982 = tpu.scan <sum>, %add3A_979 masked %reduce_sum3A_981 : vector<16xf32>, vector<16xi1> -> vector<16xf32>
        %reduce_sum3A_983 = vector.extract %reduce_sum3A_982[15] : f32 from vector<16xf32>
        %broadcast_in_dim3A_984 = vector.broadcast %reduce_sum3A_983 : f32 to vector<16xf32>
        %select_n3A_985 = arith.select %eq3A_864, %broadcast_in_dim3A_984, %scan3A_853 : vector<16xi1>, vector<16xf32>
        %mul3A_986 = arith.constant 10 : i32
        %mul3A_987 = arith.muli %add3A_863, %mul3A_986 : i32
        %add3A_988 = arith.constant 3 : i32
        %add3A_989 = arith.addi %mul3A_987, %add3A_988 : i32
        %get3A_990 = arith.index_cast %add3A_989 : i32 to index
        %get3A_991 = arith.constant 0 : index
        %get3A_992 = tpu.vector_load %arg14[%get3A_990, %get3A_991] {strides = array<i32>} : memref<1280x64xf32, #tpu.memory_space<vmem>>, vector<16xf32>,
        %mul3A_993 = arith.mulf %get3A_866, %get3A_992 : vector<16xf32>
        %get3A_994 = arith.index_cast %add3A_989 : i32 to index
        %get3A_995 = arith.constant 16 : index
        %get3A_996 = tpu.vector_load %arg14[%get3A_994, %get3A_995] {strides = array<i32>} : memref<1280x64xf32, #tpu.memory_space<vmem>>, vector<16xf32>,
        %mul3A_997 = arith.mulf %get3A_869, %get3A_996 : vector<16xf32>
        %add3A_998 = arith.addf %mul3A_993, %mul3A_997 : vector<16xf32>
        %get3A_999 = arith.index_cast %add3A_989 : i32 to index
        %get3A_1000 = arith.constant 32 : index
        %get3A_1001 = tpu.vector_load %arg14[%get3A_999, %get3A_1000] {strides = array<i32>} : memref<1280x64xf32, #tpu.memory_space<vmem>>, vector<16xf32>,
        %mul3A_1002 = arith.mulf %get3A_872, %get3A_1001 : vector<16xf32>
        %add3A_1003 = arith.addf %add3A_998, %mul3A_1002 : vector<16xf32>
        %get3A_1004 = arith.index_cast %add3A_989 : i32 to index
        %get3A_1005 = arith.constant 48 : index
        %get3A_1006 = tpu.vector_load %arg14[%get3A_1004, %get3A_1005] {strides = array<i32>} : memref<1280x64xf32, #tpu.memory_space<vmem>>, vector<16xf32>,
        %mul3A_1007 = arith.mulf %get3A_875, %get3A_1006 : vector<16xf32>
        %add3A_1008 = arith.addf %add3A_1003, %mul3A_1007 : vector<16xf32>
        %reduce_sum3A_1009 = arith.constant true
        %reduce_sum3A_1010 = vector.broadcast %reduce_sum3A_1009 : i1 to vector<16xi1>
        %reduce_sum3A_1011 = tpu.scan <sum>, %add3A_1008 masked %reduce_sum3A_1010 : vector<16xf32>, vector<16xi1> -> vector<16xf32>
        %reduce_sum3A_1012 = vector.extract %reduce_sum3A_1011[15] : f32 from vector<16xf32>
        %broadcast_in_dim3A_1013 = vector.broadcast %reduce_sum3A_1012 : f32 to vector<16xf32>
        %select_n3A_1014 = arith.select %eq3A_864, %broadcast_in_dim3A_1013, %scan3A_854 : vector<16xi1>, vector<16xf32>
        %mul3A_1015 = arith.constant 10 : i32
        %mul3A_1016 = arith.muli %add3A_863, %mul3A_1015 : i32
        %add3A_1017 = arith.constant 4 : i32
        %add3A_1018 = arith.addi %mul3A_1016, %add3A_1017 : i32
        %get3A_1019 = arith.index_cast %add3A_1018 : i32 to index
        %get3A_1020 = arith.constant 0 : index
        %get3A_1021 = tpu.vector_load %arg14[%get3A_1019, %get3A_1020] {strides = array<i32>} : memref<1280x64xf32, #tpu.memory_space<vmem>>, vector<16xf32>,
        %mul3A_1022 = arith.mulf %get3A_866, %get3A_1021 : vector<16xf32>
        %get3A_1023 = arith.index_cast %add3A_1018 : i32 to index
        %get3A_1024 = arith.constant 16 : index
        %get3A_1025 = tpu.vector_load %arg14[%get3A_1023, %get3A_1024] {strides = array<i32>} : memref<1280x64xf32, #tpu.memory_space<vmem>>, vector<16xf32>,
        %mul3A_1026 = arith.mulf %get3A_869, %get3A_1025 : vector<16xf32>
        %add3A_1027 = arith.addf %mul3A_1022, %mul3A_1026 : vector<16xf32>
        %get3A_1028 = arith.index_cast %add3A_1018 : i32 to index
        %get3A_1029 = arith.constant 32 : index
        %get3A_1030 = tpu.vector_load %arg14[%get3A_1028, %get3A_1029] {strides = array<i32>} : memref<1280x64xf32, #tpu.memory_space<vmem>>, vector<16xf32>,
        %mul3A_1031 = arith.mulf %get3A_872, %get3A_1030 : vector<16xf32>
        %add3A_1032 = arith.addf %add3A_1027, %mul3A_1031 : vector<16xf32>
        %get3A_1033 = arith.index_cast %add3A_1018 : i32 to index
        %get3A_1034 = arith.constant 48 : index
        %get3A_1035 = tpu.vector_load %arg14[%get3A_1033, %get3A_1034] {strides = array<i32>} : memref<1280x64xf32, #tpu.memory_space<vmem>>, vector<16xf32>,
        %mul3A_1036 = arith.mulf %get3A_875, %get3A_1035 : vector<16xf32>
        %add3A_1037 = arith.addf %add3A_1032, %mul3A_1036 : vector<16xf32>
        %reduce_sum3A_1038 = arith.constant true
        %reduce_sum3A_1039 = vector.broadcast %reduce_sum3A_1038 : i1 to vector<16xi1>
        %reduce_sum3A_1040 = tpu.scan <sum>, %add3A_1037 masked %reduce_sum3A_1039 : vector<16xf32>, vector<16xi1> -> vector<16xf32>
        %reduce_sum3A_1041 = vector.extract %reduce_sum3A_1040[15] : f32 from vector<16xf32>
        %broadcast_in_dim3A_1042 = vector.broadcast %reduce_sum3A_1041 : f32 to vector<16xf32>
        %select_n3A_1043 = arith.select %eq3A_864, %broadcast_in_dim3A_1042, %scan3A_855 : vector<16xi1>, vector<16xf32>
        %mul3A_1044 = arith.constant 10 : i32
        %mul3A_1045 = arith.muli %add3A_863, %mul3A_1044 : i32
        %add3A_1046 = arith.constant 5 : i32
        %add3A_1047 = arith.addi %mul3A_1045, %add3A_1046 : i32
        %get3A_1048 = arith.index_cast %add3A_1047 : i32 to index
        %get3A_1049 = arith.constant 0 : index
        %get3A_1050 = tpu.vector_load %arg14[%get3A_1048, %get3A_1049] {strides = array<i32>} : memref<1280x64xf32, #tpu.memory_space<vmem>>, vector<16xf32>,
        %mul3A_1051 = arith.mulf %get3A_866, %get3A_1050 : vector<16xf32>
        %get3A_1052 = arith.index_cast %add3A_1047 : i32 to index
        %get3A_1053 = arith.constant 16 : index
        %get3A_1054 = tpu.vector_load %arg14[%get3A_1052, %get3A_1053] {strides = array<i32>} : memref<1280x64xf32, #tpu.memory_space<vmem>>, vector<16xf32>,
        %mul3A_1055 = arith.mulf %get3A_869, %get3A_1054 : vector<16xf32>
        %add3A_1056 = arith.addf %mul3A_1051, %mul3A_1055 : vector<16xf32>
        %get3A_1057 = arith.index_cast %add3A_1047 : i32 to index
        %get3A_1058 = arith.constant 32 : index
        %get3A_1059 = tpu.vector_load %arg14[%get3A_1057, %get3A_1058] {strides = array<i32>} : memref<1280x64xf32, #tpu.memory_space<vmem>>, vector<16xf32>,
        %mul3A_1060 = arith.mulf %get3A_872, %get3A_1059 : vector<16xf32>
        %add3A_1061 = arith.addf %add3A_1056, %mul3A_1060 : vector<16xf32>
        %get3A_1062 = arith.index_cast %add3A_1047 : i32 to index
        %get3A_1063 = arith.constant 48 : index
        %get3A_1064 = tpu.vector_load %arg14[%get3A_1062, %get3A_1063] {strides = array<i32>} : memref<1280x64xf32, #tpu.memory_space<vmem>>, vector<16xf32>,
        %mul3A_1065 = arith.mulf %get3A_875, %get3A_1064 : vector<16xf32>
        %add3A_1066 = arith.addf %add3A_1061, %mul3A_1065 : vector<16xf32>
        %reduce_sum3A_1067 = arith.constant true
        %reduce_sum3A_1068 = vector.broadcast %reduce_sum3A_1067 : i1 to vector<16xi1>
        %reduce_sum3A_1069 = tpu.scan <sum>, %add3A_1066 masked %reduce_sum3A_1068 : vector<16xf32>, vector<16xi1> -> vector<16xf32>
        %reduce_sum3A_1070 = vector.extract %reduce_sum3A_1069[15] : f32 from vector<16xf32>
        %broadcast_in_dim3A_1071 = vector.broadcast %reduce_sum3A_1070 : f32 to vector<16xf32>
        %select_n3A_1072 = arith.select %eq3A_864, %broadcast_in_dim3A_1071, %scan3A_856 : vector<16xi1>, vector<16xf32>
        %mul3A_1073 = arith.constant 10 : i32
        %mul3A_1074 = arith.muli %add3A_863, %mul3A_1073 : i32
        %add3A_1075 = arith.constant 6 : i32
        %add3A_1076 = arith.addi %mul3A_1074, %add3A_1075 : i32
        %get3A_1077 = arith.index_cast %add3A_1076 : i32 to index
        %get3A_1078 = arith.constant 0 : index
        %get3A_1079 = tpu.vector_load %arg14[%get3A_1077, %get3A_1078] {strides = array<i32>} : memref<1280x64xf32, #tpu.memory_space<vmem>>, vector<16xf32>,
        %mul3A_1080 = arith.mulf %get3A_866, %get3A_1079 : vector<16xf32>
        %get3A_1081 = arith.index_cast %add3A_1076 : i32 to index
        %get3A_1082 = arith.constant 16 : index
        %get3A_1083 = tpu.vector_load %arg14[%get3A_1081, %get3A_1082] {strides = array<i32>} : memref<1280x64xf32, #tpu.memory_space<vmem>>, vector<16xf32>,
        %mul3A_1084 = arith.mulf %get3A_869, %get3A_1083 : vector<16xf32>
        %add3A_1085 = arith.addf %mul3A_1080, %mul3A_1084 : vector<16xf32>
        %get3A_1086 = arith.index_cast %add3A_1076 : i32 to index
        %get3A_1087 = arith.constant 32 : index
        %get3A_1088 = tpu.vector_load %arg14[%get3A_1086, %get3A_1087] {strides = array<i32>} : memref<1280x64xf32, #tpu.memory_space<vmem>>, vector<16xf32>,
        %mul3A_1089 = arith.mulf %get3A_872, %get3A_1088 : vector<16xf32>
        %add3A_1090 = arith.addf %add3A_1085, %mul3A_1089 : vector<16xf32>
        %get3A_1091 = arith.index_cast %add3A_1076 : i32 to index
        %get3A_1092 = arith.constant 48 : index
        %get3A_1093 = tpu.vector_load %arg14[%get3A_1091, %get3A_1092] {strides = array<i32>} : memref<1280x64xf32, #tpu.memory_space<vmem>>, vector<16xf32>,
        %mul3A_1094 = arith.mulf %get3A_875, %get3A_1093 : vector<16xf32>
        %add3A_1095 = arith.addf %add3A_1090, %mul3A_1094 : vector<16xf32>
        %reduce_sum3A_1096 = arith.constant true
        %reduce_sum3A_1097 = vector.broadcast %reduce_sum3A_1096 : i1 to vector<16xi1>
        %reduce_sum3A_1098 = tpu.scan <sum>, %add3A_1095 masked %reduce_sum3A_1097 : vector<16xf32>, vector<16xi1> -> vector<16xf32>
        %reduce_sum3A_1099 = vector.extract %reduce_sum3A_1098[15] : f32 from vector<16xf32>
        %broadcast_in_dim3A_1100 = vector.broadcast %reduce_sum3A_1099 : f32 to vector<16xf32>
        %select_n3A_1101 = arith.select %eq3A_864, %broadcast_in_dim3A_1100, %scan3A_857 : vector<16xi1>, vector<16xf32>
        %mul3A_1102 = arith.constant 10 : i32
        %mul3A_1103 = arith.muli %add3A_863, %mul3A_1102 : i32
        %add3A_1104 = arith.constant 7 : i32
        %add3A_1105 = arith.addi %mul3A_1103, %add3A_1104 : i32
        %get3A_1106 = arith.index_cast %add3A_1105 : i32 to index
        %get3A_1107 = arith.constant 0 : index
        %get3A_1108 = tpu.vector_load %arg14[%get3A_1106, %get3A_1107] {strides = array<i32>} : memref<1280x64xf32, #tpu.memory_space<vmem>>, vector<16xf32>,
        %mul3A_1109 = arith.mulf %get3A_866, %get3A_1108 : vector<16xf32>
        %get3A_1110 = arith.index_cast %add3A_1105 : i32 to index
        %get3A_1111 = arith.constant 16 : index
        %get3A_1112 = tpu.vector_load %arg14[%get3A_1110, %get3A_1111] {strides = array<i32>} : memref<1280x64xf32, #tpu.memory_space<vmem>>, vector<16xf32>,
        %mul3A_1113 = arith.mulf %get3A_869, %get3A_1112 : vector<16xf32>
        %add3A_1114 = arith.addf %mul3A_1109, %mul3A_1113 : vector<16xf32>
        %get3A_1115 = arith.index_cast %add3A_1105 : i32 to index
        %get3A_1116 = arith.constant 32 : index
        %get3A_1117 = tpu.vector_load %arg14[%get3A_1115, %get3A_1116] {strides = array<i32>} : memref<1280x64xf32, #tpu.memory_space<vmem>>, vector<16xf32>,
        %mul3A_1118 = arith.mulf %get3A_872, %get3A_1117 : vector<16xf32>
        %add3A_1119 = arith.addf %add3A_1114, %mul3A_1118 : vector<16xf32>
        %get3A_1120 = arith.index_cast %add3A_1105 : i32 to index
        %get3A_1121 = arith.constant 48 : index
        %get3A_1122 = tpu.vector_load %arg14[%get3A_1120, %get3A_1121] {strides = array<i32>} : memref<1280x64xf32, #tpu.memory_space<vmem>>, vector<16xf32>,
        %mul3A_1123 = arith.mulf %get3A_875, %get3A_1122 : vector<16xf32>
        %add3A_1124 = arith.addf %add3A_1119, %mul3A_1123 : vector<16xf32>
        %reduce_sum3A_1125 = arith.constant true
        %reduce_sum3A_1126 = vector.broadcast %reduce_sum3A_1125 : i1 to vector<16xi1>
        %reduce_sum3A_1127 = tpu.scan <sum>, %add3A_1124 masked %reduce_sum3A_1126 : vector<16xf32>, vector<16xi1> -> vector<16xf32>
        %reduce_sum3A_1128 = vector.extract %reduce_sum3A_1127[15] : f32 from vector<16xf32>
        %broadcast_in_dim3A_1129 = vector.broadcast %reduce_sum3A_1128 : f32 to vector<16xf32>
        %select_n3A_1130 = arith.select %eq3A_864, %broadcast_in_dim3A_1129, %scan3A_858 : vector<16xi1>, vector<16xf32>
        %mul3A_1131 = arith.constant 10 : i32
        %mul3A_1132 = arith.muli %add3A_863, %mul3A_1131 : i32
        %add3A_1133 = arith.constant 8 : i32
        %add3A_1134 = arith.addi %mul3A_1132, %add3A_1133 : i32
        %get3A_1135 = arith.index_cast %add3A_1134 : i32 to index
        %get3A_1136 = arith.constant 0 : index
        %get3A_1137 = tpu.vector_load %arg14[%get3A_1135, %get3A_1136] {strides = array<i32>} : memref<1280x64xf32, #tpu.memory_space<vmem>>, vector<16xf32>,
        %mul3A_1138 = arith.mulf %get3A_866, %get3A_1137 : vector<16xf32>
        %get3A_1139 = arith.index_cast %add3A_1134 : i32 to index
        %get3A_1140 = arith.constant 16 : index
        %get3A_1141 = tpu.vector_load %arg14[%get3A_1139, %get3A_1140] {strides = array<i32>} : memref<1280x64xf32, #tpu.memory_space<vmem>>, vector<16xf32>,
        %mul3A_1142 = arith.mulf %get3A_869, %get3A_1141 : vector<16xf32>
        %add3A_1143 = arith.addf %mul3A_1138, %mul3A_1142 : vector<16xf32>
        %get3A_1144 = arith.index_cast %add3A_1134 : i32 to index
        %get3A_1145 = arith.constant 32 : index
        %get3A_1146 = tpu.vector_load %arg14[%get3A_1144, %get3A_1145] {strides = array<i32>} : memref<1280x64xf32, #tpu.memory_space<vmem>>, vector<16xf32>,
        %mul3A_1147 = arith.mulf %get3A_872, %get3A_1146 : vector<16xf32>
        %add3A_1148 = arith.addf %add3A_1143, %mul3A_1147 : vector<16xf32>
        %get3A_1149 = arith.index_cast %add3A_1134 : i32 to index
        %get3A_1150 = arith.constant 48 : index
        %get3A_1151 = tpu.vector_load %arg14[%get3A_1149, %get3A_1150] {strides = array<i32>} : memref<1280x64xf32, #tpu.memory_space<vmem>>, vector<16xf32>,
        %mul3A_1152 = arith.mulf %get3A_875, %get3A_1151 : vector<16xf32>
        %add3A_1153 = arith.addf %add3A_1148, %mul3A_1152 : vector<16xf32>
        %reduce_sum3A_1154 = arith.constant true
        %reduce_sum3A_1155 = vector.broadcast %reduce_sum3A_1154 : i1 to vector<16xi1>
        %reduce_sum3A_1156 = tpu.scan <sum>, %add3A_1153 masked %reduce_sum3A_1155 : vector<16xf32>, vector<16xi1> -> vector<16xf32>
        %reduce_sum3A_1157 = vector.extract %reduce_sum3A_1156[15] : f32 from vector<16xf32>
        %broadcast_in_dim3A_1158 = vector.broadcast %reduce_sum3A_1157 : f32 to vector<16xf32>
        %select_n3A_1159 = arith.select %eq3A_864, %broadcast_in_dim3A_1158, %scan3A_859 : vector<16xi1>, vector<16xf32>
        %mul3A_1160 = arith.constant 10 : i32
        %mul3A_1161 = arith.muli %add3A_863, %mul3A_1160 : i32
        %add3A_1162 = arith.constant 9 : i32
        %add3A_1163 = arith.addi %mul3A_1161, %add3A_1162 : i32
        %get3A_1164 = arith.index_cast %add3A_1163 : i32 to index
        %get3A_1165 = arith.constant 0 : index
        %get3A_1166 = tpu.vector_load %arg14[%get3A_1164, %get3A_1165] {strides = array<i32>} : memref<1280x64xf32, #tpu.memory_space<vmem>>, vector<16xf32>,
        %mul3A_1167 = arith.mulf %get3A_866, %get3A_1166 : vector<16xf32>
        %get3A_1168 = arith.index_cast %add3A_1163 : i32 to index
        %get3A_1169 = arith.constant 16 : index
        %get3A_1170 = tpu.vector_load %arg14[%get3A_1168, %get3A_1169] {strides = array<i32>} : memref<1280x64xf32, #tpu.memory_space<vmem>>, vector<16xf32>,
        %mul3A_1171 = arith.mulf %get3A_869, %get3A_1170 : vector<16xf32>
        %add3A_1172 = arith.addf %mul3A_1167, %mul3A_1171 : vector<16xf32>
        %get3A_1173 = arith.index_cast %add3A_1163 : i32 to index
        %get3A_1174 = arith.constant 32 : index
        %get3A_1175 = tpu.vector_load %arg14[%get3A_1173, %get3A_1174] {strides = array<i32>} : memref<1280x64xf32, #tpu.memory_space<vmem>>, vector<16xf32>,
        %mul3A_1176 = arith.mulf %get3A_872, %get3A_1175 : vector<16xf32>
        %add3A_1177 = arith.addf %add3A_1172, %mul3A_1176 : vector<16xf32>
        %get3A_1178 = arith.index_cast %add3A_1163 : i32 to index
        %get3A_1179 = arith.constant 48 : index
        %get3A_1180 = tpu.vector_load %arg14[%get3A_1178, %get3A_1179] {strides = array<i32>} : memref<1280x64xf32, #tpu.memory_space<vmem>>, vector<16xf32>,
        %mul3A_1181 = arith.mulf %get3A_875, %get3A_1180 : vector<16xf32>
        %add3A_1182 = arith.addf %add3A_1177, %mul3A_1181 : vector<16xf32>
        %reduce_sum3A_1183 = arith.constant true
        %reduce_sum3A_1184 = vector.broadcast %reduce_sum3A_1183 : i1 to vector<16xi1>
        %reduce_sum3A_1185 = tpu.scan <sum>, %add3A_1182 masked %reduce_sum3A_1184 : vector<16xf32>, vector<16xi1> -> vector<16xf32>
        %reduce_sum3A_1186 = vector.extract %reduce_sum3A_1185[15] : f32 from vector<16xf32>
        %broadcast_in_dim3A_1187 = vector.broadcast %reduce_sum3A_1186 : f32 to vector<16xf32>
        %select_n3A_1188 = arith.select %eq3A_864, %broadcast_in_dim3A_1187, %scan3A_860 : vector<16xi1>, vector<16xf32>
        scf.yield %select_n3A, %select_n3A_927, %select_n3A_956, %select_n3A_985, %select_n3A_1014, %select_n3A_1043, %select_n3A_1072, %select_n3A_1101, %select_n3A_1130, %select_n3A_1159, %select_n3A_1188 : vector<16xf32>, vector<16xf32>, vector<16xf32>, vector<16xf32>, vector<16xf32>, vector<16xf32>, vector<16xf32>, vector<16xf32>, vector<16xf32>, vector<16xf32>, vector<16xf32>
      }
      %scan3A_785 = arith.constant 16 : i32
      %mul3A_786 = arith.constant 16 : i32
      %mul3A_787 = arith.muli %scan3A_778, %mul3A_786 : i32
      %swap3A = arith.index_cast %mul3A_787 : i32 to index
      %swap3A_788 = tpu.vector_load %arg15[%swap3A] {strides = array<i32>} : memref<128xf32, #tpu.memory_space<vmem>>, vector<16xf32>,
      tpu.vector_store %arg15[%swap3A], %scan3A_784#0 {strides = array<i32>} : memref<128xf32, #tpu.memory_space<vmem>>, vector<16xf32>,
      %mul3A_789 = arith.constant 16 : i32
      %mul3A_790 = arith.muli %scan3A_778, %mul3A_789 : i32
      %add3A_791 = arith.constant 0 : i32
      %add3A_792 = arith.addi %add3A_791, %mul3A_790 : i32
      %swap3A_793 = arith.index_cast %add3A_792 : i32 to index
      %swap3A_794 = tpu.vector_load %arg16[%swap3A_793] {strides = array<i32>} : memref<1280xf32, #tpu.memory_space<vmem>>, vector<16xf32>,
      tpu.vector_store %arg16[%swap3A_793], %scan3A_784#1 {strides = array<i32>} : memref<1280xf32, #tpu.memory_space<vmem>>, vector<16xf32>,
      %mul3A_795 = arith.constant 16 : i32
      %mul3A_796 = arith.muli %scan3A_778, %mul3A_795 : i32
      %add3A_797 = arith.constant 128 : i32
      %add3A_798 = arith.addi %add3A_797, %mul3A_796 : i32
      %swap3A_799 = arith.index_cast %add3A_798 : i32 to index
      %swap3A_800 = tpu.vector_load %arg16[%swap3A_799] {strides = array<i32>} : memref<1280xf32, #tpu.memory_space<vmem>>, vector<16xf32>,
      tpu.vector_store %arg16[%swap3A_799], %scan3A_784#2 {strides = array<i32>} : memref<1280xf32, #tpu.memory_space<vmem>>, vector<16xf32>,
      %mul3A_801 = arith.constant 16 : i32
      %mul3A_802 = arith.muli %scan3A_778, %mul3A_801 : i32
      %add3A_803 = arith.constant 256 : i32
      %add3A_804 = arith.addi %add3A_803, %mul3A_802 : i32
      %swap3A_805 = arith.index_cast %add3A_804 : i32 to index
      %swap3A_806 = tpu.vector_load %arg16[%swap3A_805] {strides = array<i32>} : memref<1280xf32, #tpu.memory_space<vmem>>, vector<16xf32>,
      tpu.vector_store %arg16[%swap3A_805], %scan3A_784#3 {strides = array<i32>} : memref<1280xf32, #tpu.memory_space<vmem>>, vector<16xf32>,
      %mul3A_807 = arith.constant 16 : i32
      %mul3A_808 = arith.muli %scan3A_778, %mul3A_807 : i32
      %add3A_809 = arith.constant 384 : i32
      %add3A_810 = arith.addi %add3A_809, %mul3A_808 : i32
      %swap3A_811 = arith.index_cast %add3A_810 : i32 to index
      %swap3A_812 = tpu.vector_load %arg16[%swap3A_811] {strides = array<i32>} : memref<1280xf32, #tpu.memory_space<vmem>>, vector<16xf32>,
      tpu.vector_store %arg16[%swap3A_811], %scan3A_784#4 {strides = array<i32>} : memref<1280xf32, #tpu.memory_space<vmem>>, vector<16xf32>,
      %mul3A_813 = arith.constant 16 : i32
      %mul3A_814 = arith.muli %scan3A_778, %mul3A_813 : i32
      %add3A_815 = arith.constant 512 : i32
      %add3A_816 = arith.addi %add3A_815, %mul3A_814 : i32
      %swap3A_817 = arith.index_cast %add3A_816 : i32 to index
      %swap3A_818 = tpu.vector_load %arg16[%swap3A_817] {strides = array<i32>} : memref<1280xf32, #tpu.memory_space<vmem>>, vector<16xf32>,
      tpu.vector_store %arg16[%swap3A_817], %scan3A_784#5 {strides = array<i32>} : memref<1280xf32, #tpu.memory_space<vmem>>, vector<16xf32>,
      %mul3A_819 = arith.constant 16 : i32
      %mul3A_820 = arith.muli %scan3A_778, %mul3A_819 : i32
      %add3A_821 = arith.constant 640 : i32
      %add3A_822 = arith.addi %add3A_821, %mul3A_820 : i32
      %swap3A_823 = arith.index_cast %add3A_822 : i32 to index
      %swap3A_824 = tpu.vector_load %arg16[%swap3A_823] {strides = array<i32>} : memref<1280xf32, #tpu.memory_space<vmem>>, vector<16xf32>,
      tpu.vector_store %arg16[%swap3A_823], %scan3A_784#6 {strides = array<i32>} : memref<1280xf32, #tpu.memory_space<vmem>>, vector<16xf32>,
      %mul3A_825 = arith.constant 16 : i32
      %mul3A_826 = arith.muli %scan3A_778, %mul3A_825 : i32
      %add3A_827 = arith.constant 768 : i32
      %add3A_828 = arith.addi %add3A_827, %mul3A_826 : i32
      %swap3A_829 = arith.index_cast %add3A_828 : i32 to index
      %swap3A_830 = tpu.vector_load %arg16[%swap3A_829] {strides = array<i32>} : memref<1280xf32, #tpu.memory_space<vmem>>, vector<16xf32>,
      tpu.vector_store %arg16[%swap3A_829], %scan3A_784#7 {strides = array<i32>} : memref<1280xf32, #tpu.memory_space<vmem>>, vector<16xf32>,
      %mul3A_831 = arith.constant 16 : i32
      %mul3A_832 = arith.muli %scan3A_778, %mul3A_831 : i32
      %add3A_833 = arith.constant 896 : i32
      %add3A_834 = arith.addi %add3A_833, %mul3A_832 : i32
      %swap3A_835 = arith.index_cast %add3A_834 : i32 to index
      %swap3A_836 = tpu.vector_load %arg16[%swap3A_835] {strides = array<i32>} : memref<1280xf32, #tpu.memory_space<vmem>>, vector<16xf32>,
      tpu.vector_store %arg16[%swap3A_835], %scan3A_784#8 {strides = array<i32>} : memref<1280xf32, #tpu.memory_space<vmem>>, vector<16xf32>,
      %mul3A_837 = arith.constant 16 : i32
      %mul3A_838 = arith.muli %scan3A_778, %mul3A_837 : i32
      %add3A_839 = arith.constant 1024 : i32
      %add3A_840 = arith.addi %add3A_839, %mul3A_838 : i32
      %swap3A_841 = arith.index_cast %add3A_840 : i32 to index
      %swap3A_842 = tpu.vector_load %arg16[%swap3A_841] {strides = array<i32>} : memref<1280xf32, #tpu.memory_space<vmem>>, vector<16xf32>,
      tpu.vector_store %arg16[%swap3A_841], %scan3A_784#9 {strides = array<i32>} : memref<1280xf32, #tpu.memory_space<vmem>>, vector<16xf32>,
      %mul3A_843 = arith.constant 16 : i32
      %mul3A_844 = arith.muli %scan3A_778, %mul3A_843 : i32
      %add3A_845 = arith.constant 1152 : i32
      %add3A_846 = arith.addi %add3A_845, %mul3A_844 : i32
      %swap3A_847 = arith.index_cast %add3A_846 : i32 to index
      %swap3A_848 = tpu.vector_load %arg16[%swap3A_847] {strides = array<i32>} : memref<1280xf32, #tpu.memory_space<vmem>>, vector<16xf32>,
      tpu.vector_store %arg16[%swap3A_847], %scan3A_784#10 {strides = array<i32>} : memref<1280xf32, #tpu.memory_space<vmem>>, vector<16xf32>,
    }
    %scan3A_775 = arith.constant 8 : i32
    "tpu.region"() ({
      %run_scoped3A = tpu.sem_alloc : memref<!tpu.dma_semaphore, #tpu.memory_space<semaphore_mem>>
      %dma_start3A_778 = tpu.memref_slice %arg7[%add3A_586] : memref<16384xf32, #tpu.memory_space<hbm>> -> memref<128xf32, #tpu.memory_space<hbm>>
      %dma_start3A_779 = tpu.memref_slice %arg7[%add3A_586] : memref<16384xf32, #tpu.memory_space<hbm>> -> memref<128xf32, #tpu.memory_space<hbm>>
      tpu.enqueue_dma source(%arg15 : memref<128xf32, #tpu.memory_space<vmem>>) target(%dma_start3A_779 : memref<128xf32, #tpu.memory_space<hbm>>) target_semaphore(%run_scoped3A : memref<!tpu.dma_semaphore, #tpu.memory_space<semaphore_mem>>)
      %dma_wait3A_780 = tpu.memref_slice %arg7[%add3A_586] : memref<16384xf32, #tpu.memory_space<hbm>> -> memref<128xf32, #tpu.memory_space<hbm>>
      %dma_wait3A_781 = tpu.memref_slice %arg7[%add3A_586] : memref<16384xf32, #tpu.memory_space<hbm>> -> memref<128xf32, #tpu.memory_space<hbm>>
      tpu.wait_dma2 semaphore(%run_scoped3A : memref<!tpu.dma_semaphore, #tpu.memory_space<semaphore_mem>>) src(%arg15 : memref<128xf32, #tpu.memory_space<vmem>>) dst(%dma_wait3A_781 : memref<128xf32, #tpu.memory_space<hbm>>)
      tpu.yield
    }) : () -> ()
    %mul3A_776 = arith.constant 10 : i32
    %mul3A_777 = arith.muli %add3A_586, %mul3A_776 : i32
    "tpu.region"() ({
      %run_scoped3A = tpu.sem_alloc : memref<!tpu.dma_semaphore, #tpu.memory_space<semaphore_mem>>
      %dma_start3A_778 = tpu.memref_slice %arg8[%mul3A_777] : memref<163840xf32, #tpu.memory_space<hbm>> -> memref<1280xf32, #tpu.memory_space<hbm>>
      %dma_start3A_779 = tpu.memref_slice %arg8[%mul3A_777] : memref<163840xf32, #tpu.memory_space<hbm>> -> memref<1280xf32, #tpu.memory_space<hbm>>
      tpu.enqueue_dma source(%arg16 : memref<1280xf32, #tpu.memory_space<vmem>>) target(%dma_start3A_779 : memref<1280xf32, #tpu.memory_space<hbm>>) target_semaphore(%run_scoped3A : memref<!tpu.dma_semaphore, #tpu.memory_space<semaphore_mem>>)
      %dma_wait3A_780 = tpu.memref_slice %arg8[%mul3A_777] : memref<163840xf32, #tpu.memory_space<hbm>> -> memref<1280xf32, #tpu.memory_space<hbm>>
      %dma_wait3A_781 = tpu.memref_slice %arg8[%mul3A_777] : memref<163840xf32, #tpu.memory_space<hbm>> -> memref<1280xf32, #tpu.memory_space<hbm>>
      tpu.wait_dma2 semaphore(%run_scoped3A : memref<!tpu.dma_semaphore, #tpu.memory_space<semaphore_mem>>) src(%arg16 : memref<1280xf32, #tpu.memory_space<vmem>>) dst(%dma_wait3A_781 : memref<1280xf32, #tpu.memory_space<hbm>>)
      tpu.yield
    }) : () -> ()
    return
  }
}

module attributes {stable_mosaic.version = 14 : i64} {
  func.func @body(%arg0: memref<128x128xf32, #tpu.memory_space<vmem>>, %arg1: memref<1280x128xf32, #tpu.memory_space<vmem>>, %arg2: memref<1x1xf32, #tpu.memory_space<smem>>) attributes {dimension_semantics = [], scalar_prefetch = 0 : i64, scratch_operands = 0 : i64, tpu.core_type = #tpu.core_type<tc>} {
    %get3A = arith.constant 0 : index
    %get3A_0 = arith.constant 0 : index
    %get3A_1 = vector.load %arg0[%get3A, %get3A_0] : memref<128x128xf32, #tpu.memory_space<vmem>>, vector<128x128xf32>
    %get3A_2 = arith.constant 0 : index
    %get3A_3 = arith.constant 0 : index
    %get3A_4 = vector.load %arg1[%get3A_2, %get3A_3] : memref<1280x128xf32, #tpu.memory_space<vmem>>, vector<1280x128xf32>
    %logistic3A = arith.negf %get3A_1 : vector<128x128xf32>
    %logistic3A_5 = math.exp %logistic3A : vector<128x128xf32>
    %logistic3A_6 = arith.constant 1.000000e+00 : f32
    %logistic3A_7 = vector.broadcast %logistic3A_6 : f32 to vector<128x128xf32>
    %logistic3A_8 = arith.addf %logistic3A_7, %logistic3A_5 : vector<128x128xf32>
    %logistic3A_9 = arith.divf %logistic3A_7, %logistic3A_8 : vector<128x128xf32>
    %add3A = arith.constant 1.000000e-15 : f32
    %add3A_10 = vector.broadcast %add3A : f32 to vector<128x128xf32>
    %add3A_11 = arith.addf %logistic3A_9, %add3A_10 : vector<128x128xf32>
    %log3A = math.log %add3A_11 : vector<128x128xf32>
    %reduce_sum3A = vector.shape_cast %log3A : vector<128x128xf32> to vector<1x128x128xf32>
    %reduce_sum3A_12 = arith.constant dense<0.000000e+00> : vector<1xf32>
    %reduce_sum3A_13 = vector.multi_reduction <add>, %reduce_sum3A, %reduce_sum3A_12 [1, 2] : vector<1x128x128xf32> to vector<1xf32>
    %reduce_sum3A_14 = vector.shape_cast %reduce_sum3A_13 : vector<1xf32> to vector<1x1x1xf32>
    %reduce_sum3A_15 = vector.extract %reduce_sum3A_14[0, 0, 0] : f32 from vector<1x1x1xf32>
    %div3A = arith.constant 1.638400e+04 : f32
    %div3A_16 = arith.divf %reduce_sum3A_15, %div3A : f32
    %neg3A = arith.constant 0.000000e+00 : f32
    %neg3A_17 = arith.subf %neg3A, %div3A_16 : f32
    %neg3A_18 = arith.constant 0.000000e+00 : f32
    %neg3A_19 = vector.broadcast %neg3A_18 : f32 to vector<1280x128xf32>
    %neg3A_20 = arith.subf %neg3A_19, %get3A_4 : vector<1280x128xf32>
    %logistic3A_21 = arith.negf %neg3A_20 : vector<1280x128xf32>
    %logistic3A_22 = math.exp %logistic3A_21 : vector<1280x128xf32>
    %logistic3A_23 = arith.constant 1.000000e+00 : f32
    %logistic3A_24 = vector.broadcast %logistic3A_23 : f32 to vector<1280x128xf32>
    %logistic3A_25 = arith.addf %logistic3A_24, %logistic3A_22 : vector<1280x128xf32>
    %logistic3A_26 = arith.divf %logistic3A_24, %logistic3A_25 : vector<1280x128xf32>
    %add3A_27 = arith.constant 1.000000e-15 : f32
    %add3A_28 = vector.broadcast %add3A_27 : f32 to vector<1280x128xf32>
    %add3A_29 = arith.addf %logistic3A_26, %add3A_28 : vector<1280x128xf32>
    %log3A_30 = math.log %add3A_29 : vector<1280x128xf32>
    %reduce_sum3A_31 = vector.shape_cast %log3A_30 : vector<1280x128xf32> to vector<1x1280x128xf32>
    %reduce_sum3A_32 = arith.constant dense<0.000000e+00> : vector<1xf32>
    %reduce_sum3A_33 = vector.multi_reduction <add>, %reduce_sum3A_31, %reduce_sum3A_32 [1, 2] : vector<1x1280x128xf32> to vector<1xf32>
    %reduce_sum3A_34 = vector.shape_cast %reduce_sum3A_33 : vector<1xf32> to vector<1x1x1xf32>
    %reduce_sum3A_35 = vector.extract %reduce_sum3A_34[0, 0, 0] : f32 from vector<1x1x1xf32>
    %div3A_36 = arith.constant 1.638400e+05 : f32
    %div3A_37 = arith.divf %reduce_sum3A_35, %div3A_36 : f32
    %neg3A_38 = arith.constant 0.000000e+00 : f32
    %neg3A_39 = arith.subf %neg3A_38, %div3A_37 : f32
    %add3A_40 = arith.addf %neg3A_17, %neg3A_39 : f32
    %swap3A = arith.constant 0 : index
    %swap3A_41 = arith.constant 0 : index
    %swap3A_42 = memref.load %arg2[%swap3A, %swap3A_41] : memref<1x1xf32, #tpu.memory_space<smem>>
    memref.store %add3A_40, %arg2[%swap3A, %swap3A_41] : memref<1x1xf32, #tpu.memory_space<smem>>
    return
  }
}

module attributes {stable_mosaic.version = 14 : i64} {
  func.func @body(%arg0: i32, %arg1: memref<64x8192xf32, #tpu.memory_space<vmem>>, %arg2: memref<4096x128xf32, #tpu.memory_space<vmem>>) attributes {dimension_semantics = [#tpu.dimension_semantics<arbitrary>], iteration_bounds = array<i64: 123>, scalar_prefetch = 0 : i64, scratch_operands = 0 : i64, tpu.core_type = #tpu.core_type<tc>, window_params = [{transform_indices = @transform_0, window_bounds = array<i64: 64, 8192>}, {transform_indices = @transform_1, window_bounds = array<i64: 4096, 128>}]} {
    %get3A = arith.constant 0 : index
    %get3A_0 = arith.constant 0 : index
    %get3A_1 = vector.load %arg1[%get3A, %get3A_0] : memref<64x8192xf32, #tpu.memory_space<vmem>>, vector<64x8192xf32>
    %slice3A = vector.extract_strided_slice %get3A_1 {offsets = [0, 0], sizes = [64, 4096], strides = [1, 1]} : vector<64x8192xf32> to vector<64x4096xf32>
    %slice3A_2 = vector.extract_strided_slice %get3A_1 {offsets = [0, 4096], sizes = [64, 4096], strides = [1, 1]} : vector<64x8192xf32> to vector<64x4096xf32>
    %concatenate3A = tpu.concatenate %slice3A, %slice3A_2 in 0 : vector<64x4096xf32>, vector<64x4096xf32> -> vector<128x4096xf32>
    %iota3A = tpu.iota {dimensions = array<i32: 0>} : vector<128x128xi32>
    %iota3A_3 = tpu.iota {dimensions = array<i32: 1>} : vector<128x128xi32>
    %eq3A = arith.cmpi eq, %iota3A, %iota3A_3 : vector<128x128xi32>
    %jit3A = arith.constant 1.000000e+00 : f32
    %jit3A_4 = arith.constant 0.000000e+00 : f32
    %broadcast_in_dim3A = vector.broadcast %jit3A : f32 to vector<128x128xf32>
    %broadcast_in_dim3A_5 = vector.broadcast %jit3A_4 : f32 to vector<128x128xf32>
    %select_n3A = arith.select %eq3A, %broadcast_in_dim3A, %broadcast_in_dim3A_5 : vector<128x128xi1>, vector<128x128xf32>
    %dot_general3A = arith.constant dense<0.000000e+00> : vector<4096x128xf32>
    %dot_general3A_6 = tpu.matmul %concatenate3A, %select_n3A, %dot_general3A {dimension_numbers = #tpu.dot_dimension_numbers<[0], [0], [1], [1], [0, 1, 1, 1], [], []>, transpose_lhs_hint = true} : vector<128x4096xf32>, vector<128x128xf32>, vector<4096x128xf32> -> vector<4096x128xf32>
    %swap3A = arith.constant 0 : index
    %swap3A_7 = arith.constant 0 : index
    %swap3A_8 = vector.load %arg2[%swap3A, %swap3A_7] : memref<4096x128xf32, #tpu.memory_space<vmem>>, vector<4096x128xf32>
    tpu.vector_store %arg2[%swap3A, %swap3A_7], %dot_general3A_6 {strides = array<i32>} : memref<4096x128xf32, #tpu.memory_space<vmem>>, vector<4096x128xf32>,
    return
  }
  func.func @transform_0(%arg0: i32) -> (i32, i32) {
    %c0_i32 = arith.constant 0 : i32
    %c0_i32_0 = arith.constant 0 : i32
    return %c0_i32, %arg0 : i32, i32
  }
  func.func @transform_1(%arg0: i32) -> (i32, i32) {
    %c0_i32 = arith.constant 0 : i32
    %c0_i32_0 = arith.constant 0 : i32
    return %arg0, %c0_i32 : i32, i32
  }
}

</mosaic_0001>

<sc_bundles>
// kernel: kernel.6.cloned.1.call-start
scs
__scs_entry_jumppad:
0x0: {  	(pc) =	sbr.rel $0x88, $3  }
0x1: {  	(tag) =	ssettag $0x0;
	lr =	simm.s32 $0x1  }
0x2: {  	[smem:$0x3F9C] =	sst lr;
	_ =	strace $0xD0000000  }
0x3: {  	_ = 	snop  }
0x4: {  	_ = 	snop  }
0x5: {  	_ = 	snop  }
0x6: {  	_ = 	snop  }
0x7: {  	_ = 	snop  }
__scs_overlays_trampoline_lowered:
0x8: {  	[smem:$0x3FAB] =	sst s0  }
0x9: {  	[smem:$0x3FAC] =	sst s1  }
0xa: {  	[smem:$0x3FAD] =	sst s2  }
0xb: {  	[smem:$0x3FAE] =	sst s3  }
0xc: {  	[smem:$0x3FAF] =	sst s4  }
0xd: {  	[smem:$0x3FB0] =	sst s5  }
0xe: {  	[smem:$0x3FB1] =	sst s6  }
0xf: {  	[smem:$0x3FB2] =	sst s7  }
0x10: {  	[smem:$0x3FB3] =	sst s8  }
0x11: {  	[smem:$0x3FB4] =	sst s9;
	s0 =	simm.s32 @!p0 $0x0  }
0x12: {  	s1 =	sld [smem:$0x3F9A];
	s0 =	simm.s32 @p0 $0x1  }
0x13: {  	[smem:$0x3FB5] =	sst s0;
	s0 =	simm.s32 @!p1 $0x0  }
0x14: {  	s2 =	sld [smem:$0x3F99];
	s0 =	simm.s32 @p1 $0x1  }
0x15: {  	[smem:$0x3FB6] =	sst s0;
	s0 =	simm.s32 @!p2 $0x0  }
0x16: {  	s3 =	sld [smem:$0x3FDB];
	s0 =	simm.s32 @p2 $0x1  }
0x17: {  	s4 =	simm.s32 $0x1BF5;
	[smem:$0x3FB8] =	sst s0  }
0x18: {  	s0 =	sld [smem:$0x3F9B];
	_ =	swait.ge [sflag:s4], $0x0  }
0x19: {  	s7 =	sld [smem:$0x3F9C]  }
0x1a: {  	s8 =	sadd.s32 $0xFFFFE003, lr  }
0x1b: {  	s9 =	sadd.s32 $0xFFFFFEF7, lr;
	s5 =	simm.s32 $0xFFFFFFFF;
	p2 =	slt.u32 s8, $0xFFFFF086  }
0x1c: {  	p1 =	slt.u32 s9, $0xF7A;
	s5 =	simm.s32 @!p2 $0x0  }
0x1d: {  	s5 =	simm.s32 @p1 $0x1;
	p0 =	seq.s32 s7, s2  }
0x1e: {  	s7 =	smul.u32 @!p0 $0xF7A, s2;
	p2 =	seq.s32 @!p0 s5, $0x0  }
0x1f: {  	s9 =	smul.u32 $0xF7A, s1;
	s8 =	simm.s32 @!p0 $0x1BF5;
	p2 =	por !p2, p0  }
0x20: {  	[sflag:s8] =	ssyncset.s32 @!p0 $0xFFFFF086;
	s6 =	sadd.s32 @!p0 s3, s7;
	s7 =	simm.s32 @!p0 $0x108  }
0x21: {  	s3 =	sadd.s32 s3, s9;
	s6 =	sadd.s32 @!p0 $0x88, s6;
	s7 =	simm.s32 @p2 $0x1082  }
0x22: {  	[simem:s7], [sflag:s8] =	dma.local @!p0 [hbm:s6], $0xF7A  }
0x23: {  	s9 =	sor.u32 $0xD0000000, s2;
	s6 =	simm.s32 $0x108;
	_ =	swait.ge @!p0 [sflag:s8], $0x0  }
0x24: {  	s3 =	sadd.s32 $0x88, s3;
	s6 =	simm.s32 @!p1 $0x1082;
	[sflag:s4] =	ssyncset.s32 $0xFFFFF086  }
0x25: {  	[simem:s6], [sflag:s4] =	dma.local [hbm:s3], $0xF7A  }
0x26: {  	[smem:$0x3F9C] =	sst s1;
	(tag) =	ssettag s2;
	_ =	strace s9  }
0x27: {  	s1 =	sld [smem:$0x3FAC]  }
0x28: {  	s2 =	sld [smem:$0x3FAD]  }
0x29: {  	s4 =	sld [smem:$0x3FAF]  }
0x2a: {  	p0 =	seq.s32 s5, $0x0;
	s5 =	sld [smem:$0x3FB0]  }
0x2b: {  	s6 =	sld [smem:$0x3FB1]  }
0x2c: {  	s7 =	sld [smem:$0x3FB2]  }
0x2d: {  	s3 =	simm.s32 $0x108;
	s8 =	sld [smem:$0x3FB3]  }
0x2e: {  	s3 =	simm.s32 @!p0 $0x1082;
	s9 =	sld [smem:$0x3FB4]  }
0x2f: {  	lr =	sadd.s32 s0, s3;
	s0 =	sld [smem:$0x3FAB]  }
0x30: {  	s3 =	sld [smem:$0x3FAE]  }
0x31: {  	[smem:$0x3FB7] =	sst s10  }
0x32: {  	s10 =	sld [smem:$0x3FB5];
	_ =	sdelay $0x3  }
0x33: {  	p0 =	seq.s32 s10, $0x1;
	s10 =	sld [smem:$0x3FB7];
	_ =	sdelay $0x3  }
0x34: {  	[smem:$0x3FB7] =	sst s10  }
0x35: {  	s10 =	sld [smem:$0x3FB6];
	_ =	sdelay $0x3  }
0x36: {  	p1 =	seq.s32 s10, $0x1;
	s10 =	sld [smem:$0x3FB7];
	_ =	sdelay $0x3  }
0x37: {  	[smem:$0x3FB7] =	sst s10  }
0x38: {  	s10 =	sld [smem:$0x3FB8]  }
0x39: {  	_ = 	snop;
	(pc) =	sbr.ind lr, $3  }
0x3a: {  	_ = 	snop  }
0x3b: {  	_ = 	snop  }
0x3c: {  	p2 =	seq.s32 s10, $0x1;
	s10 =	sld [smem:$0x3FB7]  }
0x3d: {  	_ =	shalt  }
0x3e: {  	_ =	shalt  }
0x3f: {  	_ =	shalt  }
0x40: {  	_ =	shalt  }
0x41: {  	_ =	shalt  }
0x42: {  	_ =	shalt  }
0x43: {  	_ =	shalt  }
0x44: {  	_ =	shalt  }
0x45: {  	_ =	shalt  }
0x46: {  	_ =	shalt  }
0x47: {  	_ =	shalt  }
0x48: {  	_ =	shalt  }
0x49: {  	_ =	shalt  }
0x4a: {  	_ =	shalt  }
0x4b: {  	_ =	shalt  }
0x4c: {  	_ =	shalt  }
0x4d: {  	_ =	shalt  }
0x4e: {  	_ =	shalt  }
0x4f: {  	_ =	shalt  }
0x50: {  	_ =	shalt  }
0x51: {  	_ =	shalt  }
0x52: {  	_ =	shalt  }
0x53: {  	_ =	shalt  }
0x54: {  	_ =	shalt  }
0x55: {  	_ =	shalt  }
0x56: {  	_ =	shalt  }
0x57: {  	_ =	shalt  }
0x58: {  	_ =	shalt  }
0x59: {  	_ =	shalt  }
0x5a: {  	_ =	shalt  }
0x5b: {  	_ =	shalt  }
0x5c: {  	_ =	shalt  }
0x5d: {  	_ =	shalt  }
0x5e: {  	_ =	shalt  }
0x5f: {  	_ =	shalt  }
0x60: {  	_ =	shalt  }
0x61: {  	_ =	shalt  }
0x62: {  	_ =	shalt  }
0x63: {  	_ =	shalt  }
0x64: {  	_ =	shalt  }
0x65: {  	_ =	shalt  }
0x66: {  	_ =	shalt  }
0x67: {  	_ =	shalt  }
0x68: {  	_ =	shalt  }
0x69: {  	_ =	shalt  }
0x6a: {  	_ =	shalt  }
0x6b: {  	_ =	shalt  }
0x6c: {  	_ =	shalt  }
0x6d: {  	_ =	shalt  }
0x6e: {  	_ =	shalt  }
0x6f: {  	_ =	shalt  }
0x70: {  	_ =	shalt  }
0x71: {  	_ =	shalt  }
0x72: {  	_ =	shalt  }
0x73: {  	_ =	shalt  }
0x74: {  	_ =	shalt  }
0x75: {  	_ =	shalt  }
0x76: {  	_ =	shalt  }
0x77: {  	_ =	shalt  }
0x78: {  	_ =	shalt  }
0x79: {  	_ =	shalt  }
0x7a: {  	_ =	shalt  }
0x7b: {  	_ =	shalt  }
0x7c: {  	_ =	shalt  }
0x7d: {  	_ =	shalt  }
0x7e: {  	_ =	shalt  }
0x7f: {  	_ =	shalt  }
0x80: {  	_ =	shalt  }
0x81: {  	_ =	shalt  }
0x82: {  	_ =	shalt  }
0x83: {  	_ =	shalt  }
0x84: {  	_ =	shalt  }
0x85: {  	_ =	shalt  }
0x86: {  	_ =	shalt  }
0x87: {  	_ =	shalt  }
.Lfunc_end0:
.L_simem_size_0:
called_computation_lowered:
.L_overlay_start_0:
0x88: {  	s2 =	sld [smem:$0x3FD9]  }
0x89: {  	s3 =	sld [smem:$0x3FFE];
	_ =	sdelay $0x1  }
0x8a: {  	s1 =	srdreg.scid  }
0x8b: {  	s0 =	sand.u32 $0x1, s1  }
0x8c: {  	s17 =	sshll.u32 s0, $0xA;
	s2 =	sadd.s32 s3, s2  }
0x8d: {  	s2 =	sadd.s32 s2, s17  }
0x8e: {  	[smem:$0x3FC3] =	sst s2  }
0x8f: {  	_ = 	snop  }
0x90: {  	s2 =	sld [smem:$0x3FC9]  }
0x91: {  	s18 =	sld [smem:$0x3FC8];
	(tm) =	ssettm $0x1  }
0x92: {  	s4 =	sld [smem:$0x3FFB];
	_ =	sdelay $0x3  }
0x93: {  	_ =	strace s4  }
0x94: {  	s4 =	sld [smem:$0x3FFC];
	_ =	sdelay $0x3  }
0x95: {  	_ =	strace s4  }
0x96: {  	s4 =	sld [smem:$0x3FFD];
	_ =	sdelay $0x3  }
0x97: {  	_ =	strace s4  }
0x98: {  	_ =	strace $0x8FFFFFFF  }
0x99: {  	s19 =	sld [smem:$0x3FDB];
	_ =	sdelay $0x1  }
0x9a: {  	s5 =	simm.s32 $_scs_section_size  }
0x9b: {  	s6 =	simm.s32 $_size__tile_overlayer_lowered;
	s7 =	simm.s32 $_tile_overlayer_lowered  }
0x9c: {  	s22 =	simm.s32 $0x1BFF;
	s21 =	sshll.u32 s7, $0x1;
	s4 =	sadd.s32 s5, s19  }
0x9d: {  	s8 =	simm.s32 $0x0;
	s20 =	sshll.u32 s6, $0x1;
	s6 =	sadd.s32 s21, s4  }
0x9e: {  	[timem:s8], [sflag:s22] =	dma.local [hbm:s6], s20  }
0x9f: {  	_ =	swait.ge [sflag:s22], s20  }
0xa0: {  	s5 =	ssub.s32 $0x0, s20;
	[sflag:s22] =	ssyncset.done $0x0  }
0xa1: {  	[sflag:s22] =	ssyncadd.s32 s5;
	_ =	sdelay $0x1  }
0xa2: {  	s23 =	simm.s32 $0x1B8B  }
0xa3: {  	_ =	swait.ge [sflag:s23], $0x1  }
0xa4: {  	[sflag:s23] =	ssyncset.done $0x0  }
0xa5: {  	s25 =	simm.s32 $0x1B8E;
	s24 =	sld [smem:$0x3FFE];
	[sflag:s23] =	ssyncadd.s32 $0xFFFFFFFF  }
0xa6: {  	s26 =	simm.s32 $execute0_lowered;
	[smem:$0x3FD2] =	sst s25  }
0xa7: {  	s6 =	sshll.u32 s26, $0x1;
	_ =	strace $0x80000046;
	[dreg:$0x1] =	wrdreg $0xFFFFFFFF  }
0xa8: {  	s28 =	simm.s32 $_size_execute0_lowered;
	s4 =	sadd.s32 s4, s6;
	[dreg:$0x0] =	wrdreg $0x0  }
0xa9: {  	s6 =	sshll.u32 s28, $0x1;
	[dreg:$0x2] =	wrdreg s4  }
0xaa: {  	[dreg:$0x3] =	wrdreg s6  }
0xab: {  	[dreg:$0x4] =	wrdreg $0xC0  }
0xac: {  	_ =	task [dreg:s8], $0x5FFFF  }
0xad: {  	[dreg:$0x1] =	wrdreg $0xFFFFFFFF  }
0xae: {  	[dreg:$0x0] =	wrdreg $0x60  }
0xaf: {  	[dreg:$0x2] =	wrdreg s24  }
0xb0: {  	[dreg:$0x3] =	wrdreg s2  }
0xb1: {  	[dreg:$0x4] =	wrdreg s18  }
0xb2: {  	[dreg:$0x5] =	wrdreg $0x9  }
0xb3: {  	_ =	task.clear_ibuf [dreg:s8], $0x6FFFF;
	_ =	strace $0x90000046  }
0xb4: {  	s29 =	simm.s32 $0x9;
	_ =	strace $0x80000048  }
0xb5: {  	_ =	swait.ge [sflag:s29], $0x1  }
0xb6: {  	[sflag:s29] =	ssyncadd.s32 $0xFFFFFFFF  }
0xb7: {  	_ =	strace $0x90000048  }
0xb8: {  	_ =	sfence  }
0xb9: {  	s30 =	sld [smem:$0x0];
	_ =	sdelay $0x2  }
0xba: {  	s31 =	sshll.u32 s1, $0xD;
	s1 =	sshrl.u32 s1, $0x2  }
0xbb: {  	s3 =	sand.u32 $0x4000, s31;
	s1 =	sadd.s32 s1, s30  }
0xbc: {  	s0 =	sor.u32 s3, s0;
	s1 =	sshll.u32 s1, $0x11  }
0xbd: {  	s0 =	sor.u32 s1, s0  }
0xbe: {  	s0 =	sadd.s32 $0x8F2B, s0  }
0xbf: {  	[sflag:s0] =	ssyncadd.remote.s32 $0x1  }
0xc0: {  	_ =	sfence.sel $0xFFFF  }
0xc1: {  	[dreg:$0x0] =	wrdreg $0xFFFFFFFF;
	(pc) =	sbr.abs _section_cstart, $3  }
0xc2: {  	[dreg:$0x1] =	wrdreg $0xFFFFFFFF  }
0xc3: {  	_ =	task.clear_ibuf [dreg:s8], $0x2FFFF;
	_ =	strace $0x9FFFFFFF  }
0xc4: {  	(tm) =	ssettm $0x7FFFFFFF  }
0xc5: {  	_ =	shalt  }
tec
execute0_lowered:
.L_overlay_start_1:
0x0: {  	(tag) =	ssettag $0x1  }
0x1: {  	s0 =	rddreg [dreg:$0x0]  }
0x2: {  	s2 =	rddreg [dreg:$0x1]  }
0x3: {  	s3 =	rddreg [dreg:$0x2]  }
0x4: {  	s1 =	simm.s32 $0x0;
	s4 =	srdreg.scid;
	s9 =	stileid.u32  }
0x5: {  	s28 =	simm.s32 $0x80;
	s29 =	simm.s32 $0x100;
	[smem:$0x7FF] =	sst s1  }
0x6: {  	s4 =	sand.u32 $0x1, s4;
	s5 =	sadd.s32 $0xC00, s0;
	s9 =	sshll.u32 s9, $0x1  }
0x7: {  	s7 =	sadd.s32 $0xF6AC00, s0;
	s6 =	ssub.s32 $0x2, s4;
	s4 =	sor.u32 s4, s9  }
0x8: {  	s10 =	sadd.s32 $0xF65C00, s0;
	_ =	strace $0x80000047;
	s9 =	sshll.u32 s4, $0x6  }
0x9: {  	s8 =	sshrl.u32 s6, $0x1;
	s25 =	sshll.u32 s4, $0x9;
	s11 =	sadd.s32 s2, s9  }
0xa: {  	s4 =	smul.u32 $0x280, s4;
	s26 =	sadd.s32 s3, s9;
	[dreg:$0x4] =	wrdreg s11  }
0xb: {  	s6 =	ssub.s32 s6, s8;
	s9 =	sadd.s32 s7, s9;
	[dreg:$0x5] =	wrdreg s26  }
0xc: {  	s30 =	sor.u32 $0x80, s25;
	s12 =	sadd.s32 s5, s4;
	[dreg:$0x7] =	wrdreg s9  }
0xd: {  	s31 =	sshrl.u32 s30, $0x3;
	s4 =	sadd.s32 s10, s4;
	[dreg:$0x6] =	wrdreg s12  }
0xe: {  	s15 =	sor.u32 $0x100, s25;
	[dreg:$0x8] =	wrdreg s4;
	s9 =	sadd.s32 s2, s31  }
0xf: {  	s8 =	sor.u32 $0x180, s25;
	s13 =	sadd.s32 s3, s31;
	[dreg:$0x9] =	wrdreg s9  }
0x10: {  	s16 =	sshrl.u32 s15, $0x3;
	s12 =	sadd.s32 s7, s31;
	[dreg:$0xa] =	wrdreg s13  }
0x11: {  	s11 =	smul.u32 $0xA, s30;
	s17 =	sadd.s32 s2, s16;
	[dreg:$0xc] =	wrdreg s12  }
0x12: {  	s21 =	sshrl.u32 s8, $0x3;
	s18 =	sadd.s32 s3, s16;
	[dreg:$0xe] =	wrdreg s17  }
0x13: {  	s8 =	smul.u32 $0xA, s8;
	s20 =	sadd.s32 s7, s16;
	[dreg:$0xf] =	wrdreg s18  }
0x14: {  	s2 =	sadd.s32 s2, s21;
	s22 =	sadd.s32 s3, s21;
	[dreg:$0x10] =	wrdreg s20  }
0x15: {  	s23 =	sadd.s32 s7, s21;
	s31 =	smax.u32 s6, $0x1;
	[dreg:$0x11] =	wrdreg s2  }
0x16: {  	s16 =	simm.s32 $0x500;
	s21 =	simm.s32 $0x18600;
	[dreg:$0x12] =	wrdreg s22  }
0x17: {  	s14 =	sshrl.u32 s11, $0x3;
	s9 =	smul.u32 $0xA, s15;
	[dreg:$0x13] =	wrdreg s23  }
0x18: {  	s26 =	sshrl.u32 s8, $0x3;
	s23 =	sadd.s32 $0x5C00, s0;
	[dreg:$0x18] =	wrdreg s31  }
0x19: {  	s12 =	simm.s32 $0x400;
	s13 =	simm.s32 $0x10600;
	s15 =	simm.s32 $0x12600  }
0x1a: {  	s17 =	simm.s32 $0x14600;
	s18 =	simm.s32 $0x580;
	s11 =	sadd.s32 s5, s14  }
0x1b: {  	s20 =	simm.s32 $0x1;
	s4 =	sadd.s32 s10, s14;
	[dreg:$0xb] =	wrdreg s11  }
0x1c: {  	s22 =	simm.s32 $0x18680;
	s30 =	sadd.s32 s5, s26;
	[dreg:$0xd] =	wrdreg s4  }
0x1d: {  	s2 =	sadd.s32 s10, s26;
	s26 =	simm.s32 $0x2;
	[dreg:$0x16] =	wrdreg s30  }
0x1e: {  	s14 =	simm.s32 $0x480;
	s19 =	sshrl.u32 s9, $0x3;
	[dreg:$0x17] =	wrdreg s2  }
0x1f: {  	s11 =	simm.s32 $0xE600;
	s24 =	sadd.s32 s5, s19;
	s25 =	sadd.s32 s10, s19  }
0x20: {  	s10 =	simm.s32 $0x380;
	s19 =	simm.s32 $0x16600;
	[dreg:$0x14] =	wrdreg s24  }
0x21: {  	v0 =	vlaneseq.u32;
	[dreg:$0x15] =	wrdreg s25;
	s24 =	sadd.s32 $0x7B5C00, s0;
	s25 =	simm.s32 $0x0  }
.LBB2_1:
0x22: {  	s0 =	rddreg [dreg:$0x4]  }
0x23: {  	[tilespmem:s1], [sflag:$0x2] =	stream.linear.gather [hbm4b:s0+s1], $0x80, $0x38;
	[tilespmem:$0x18B80] =	vst v63  }
0x24: {  	_ =	swait.ge [sflag:s26], $0x80  }
0x25: {  	[sflag:s26] =	ssyncset.done $0x0  }
0x26: {  	s30 =	rddreg [dreg:$0x5];
	[sflag:s26] =	ssyncadd.s32 $0xFFFFFF80  }
0x27: {  	[tilespmem:s28], [sflag:$0x2] =	stream.linear.gather [hbm4b:s30+s1], $0x80, $0x38;
	[tilespmem:$0x18B80] =	vst v63  }
0x28: {  	_ =	swait.ge [sflag:s26], $0x80  }
0x29: {  	[sflag:s26] =	ssyncset.done $0x0  }
0x2a: {  	s31 =	rddreg [dreg:$0x6];
	[sflag:s26] =	ssyncadd.s32 $0xFFFFFF80  }
0x2b: {  	[tilespmem:s29], [sflag:$0x2] =	stream.linear.gather [hbm4b:s31+s1], $0x500, $0x38;
	[tilespmem:$0x18B80] =	vst v63  }
0x2c: {  	_ =	swait.ge [sflag:s26], $0x500  }
0x2d: {  	[sflag:s26] =	ssyncset.done $0x0  }
0x2e: {  	[sflag:s26] =	ssyncadd.s32 $0xFFFFFB00  }
0x2f: {  	v1 =	vld [tilespmem:$0x0]  }
0x30: {  	v2 =	vld [tilespmem:$0x80]  }
0x31: {  	v4 =	vld [tilespmem:$0x10]  }
0x32: {  	v6 =	vld [tilespmem:$0x90]  }
0x33: {  	v21 =	vld [tilespmem:$0x20]  }
0x34: {  	v8 =	vld [tilespmem:$0xA0]  }
0x35: {  	v9 =	vld [tilespmem:$0x30]  }
0x36: {  	v27 =	vld [tilespmem:$0xB0]  }
0x37: {  	v11 =	vld [tilespmem:$0x40];
	v3 =	vshll.u32 v1, $0x1;
	v5 =	vand.u32 $0xFFFFE000, v1;
	v1 =	vshrl.u32 v1, $0xC  }
0x38: {  	v12 =	vld [tilespmem:$0xC0];
	v20 =	vshll.u32 v2, $0x1;
	v7 =	vand.u32 $0xFFFFE000, v2;
	v2 =	vshrl.u32 v2, $0xC  }
0x39: {  	v36 =	vld [tilespmem:$0x50];
	v22 =	vand.u32 $0xFFFFE000, v4;
	v23 =	vshll.u32 v6, $0x1;
	v24 =	vand.u32 $0xFFFFE000, v6  }
0x3a: {  	v14 =	vld [tilespmem:$0xD0];
	v25 =	vshrl.u32 v6, $0xC;
	v26 =	vshll.u32 v21, $0x1;
	v10 =	vand.u32 $0xFFFFE000, v21  }
0x3b: {  	v15 =	vld [tilespmem:$0x60];
	v29 =	vshll.u32 v8, $0x1;
	v30 =	vand.u32 $0xFFFFE000, v8;
	v8 =	vshrl.u32 v8, $0xC  }
0x3c: {  	v46 =	vld [tilespmem:$0xE0];
	v32 =	vshll.u32 v9, $0x1;
	v33 =	vand.u32 $0xFFFFE000, v9;
	v34 =	vshrl.u32 v9, $0xC  }
0x3d: {  	v51 =	vld [tilespmem:$0x70];
	v35 =	vshll.u32 v27, $0x1;
	v13 =	vand.u32 $0xFFFFE000, v27;
	v38 =	vshll.u32 v11, $0x1  }
0x3e: {  	v55 =	vld [tilespmem:$0xF0];
	v39 =	vand.u32 $0xFFFFE000, v11;
	v11 =	vshrl.u32 v11, $0xC;
	v41 =	vshll.u32 v12, $0x1  }
0x3f: {  	v42 =	vand.u32 $0xFFFFE000, v12;
	v43 =	vshrl.u32 v12, $0xC;
	v44 =	vshll.u32 v36, $0x1  }
0x40: {  	v47 =	vand.u32 $0xFFFFE000, v14;
	v48 =	vshrl.u32 v14, $0xC;
	v50 =	vshll.u32 v15, $0x1  }
0x41: {  	v52 =	vand.u32 $0xFFFFE000, v15;
	v53 =	vshrl.u32 v15, $0xC;
	v54 =	vshll.u32 v46, $0x1  }
0x42: {  	v56 =	vand.u32 $0xFFFFE000, v46;
	v57 =	vshrl.u32 v46, $0xC;
	v60 =	vshll.u32 v51, $0x1  }
0x43: {  	v61 =	vshrl.u32 v51, $0xC;
	v62 =	vshll.u32 v55, $0x1;
	v63 =	vshrl.u32 v55, $0xC  }
0x44: {  	v3 =	vand.u32 $0x1FFE, v3;
	v1 =	vand.u32 $0x1, v1;
	v2 =	vand.u32 $0x1, v2  }
0x45: {  	v6 =	vand.u32 $0x1FFE, v26;
	v31 =	vand.u32 $0x1, v8;
	v8 =	vand.u32 $0x1FFE, v32  }
0x46: {  	v9 =	vand.u32 $0x1FFE, v35;
	v40 =	vand.u32 $0x1, v11;
	v11 =	vand.u32 $0x1FFE, v41  }
0x47: {  	v12 =	vand.u32 $0x1FFE, v44;
	v49 =	vand.u32 $0x1, v48;
	v58 =	vand.u32 $0x1, v57  }
0x48: {  	v3 =	vor.u32 v5, v3;
	v5 =	vand.u32 $0x1FFE, v20;
	v6 =	vor.u32 v10, v6  }
0x49: {  	v10 =	vshrl.u32 v27, $0xC;
	v9 =	vor.u32 v13, v9;
	v13 =	vshrl.u32 v36, $0xC  }
0x4a: {  	v5 =	vor.u32 v7, v5;
	v1 =	vor.u32 v1, v3;
	v3 =	vshll.u32 v4, $0x1  }
0x4b: {  	v4 =	vshrl.u32 v4, $0xC;
	v7 =	vshrl.u32 v21, $0xC;
	v10 =	vand.u32 $0x1, v10  }
0x4c: {  	v45 =	vand.u32 $0x1, v13;
	v2 =	vor.u32 v2, v5;
	v3 =	vand.u32 $0x1FFE, v3  }
0x4d: {  	v4 =	vand.u32 $0x1, v4;
	v5 =	vand.u32 $0x1FFE, v23;
	v7 =	vand.u32 $0x1, v7  }
0x4e: {  	v37 =	vor.u32 v10, v9;
	v9 =	vand.u32 $0x1FFE, v38;
	v10 =	vor.u32 v42, v11;
	[tilespmem:$0x0] =	vst v1  }
0x4f: {  	v1 =	vand.u32 $0xFFFFE000, v36;
	v3 =	vor.u32 v22, v3;
	v28 =	vor.u32 v7, v6;
	[tilespmem:$0x80] =	vst v2  }
0x50: {  	v6 =	vand.u32 $0x1FFE, v29;
	v7 =	vor.u32 v33, v8;
	v8 =	vand.u32 $0x1, v34;
	[tilespmem:$0xB0] =	vst v37  }
0x51: {  	v9 =	vor.u32 v39, v9;
	v2 =	vand.u32 $0x1, v43;
	v3 =	vor.u32 v4, v3;
	[tilespmem:$0x20] =	vst v28  }
0x52: {  	v1 =	vor.u32 v1, v12;
	v4 =	vor.u32 v24, v5;
	v7 =	vor.u32 v8, v7;
	[tilespmem:$0x10] =	vst v3  }
0x53: {  	v5 =	vand.u32 $0x1, v25;
	v6 =	vor.u32 v30, v6;
	v9 =	vor.u32 v40, v9;
	[tilespmem:$0x30] =	vst v7  }
0x54: {  	v2 =	vor.u32 v2, v10;
	v1 =	vor.u32 v45, v1;
	v4 =	vor.u32 v5, v4;
	[tilespmem:$0x40] =	vst v9  }
0x55: {  	v6 =	vor.u32 v31, v6;
	v3 =	vshll.u32 v14, $0x1;
	v5 =	vand.u32 $0x1FFE, v50;
	[tilespmem:$0x50] =	vst v1  }
0x56: {  	v1 =	vand.u32 $0xFFFFE000, v51;
	[tilespmem:$0x90] =	vst v4;
	v3 =	vand.u32 $0x1FFE, v3;
	v4 =	vor.u32 v52, v5  }
0x57: {  	[tilespmem:$0xA0] =	vst v6;
	v6 =	vand.u32 $0x1FFE, v54;
	v5 =	vand.u32 $0x1, v53;
	v3 =	vor.u32 v47, v3  }
0x58: {  	[tilespmem:$0xC0] =	vst v2;
	v6 =	vor.u32 v56, v6;
	v2 =	vor.u32 v5, v4;
	v5 =	vand.u32 $0x1FFE, v60  }
0x59: {  	v3 =	vor.u32 v49, v3;
	v59 =	vor.u32 v58, v6;
	v1 =	vor.u32 v1, v5;
	[tilespmem:$0x60] =	vst v2  }
0x5a: {  	v2 =	vand.u32 $0xFFFFE000, v55;
	v5 =	vand.u32 $0x1FFE, v62;
	[tilespmem:$0xD0] =	vst v3;
	v3 =	vand.u32 $0x1, v61  }
0x5b: {  	[tilespmem:$0xE0] =	vst v59;
	v2 =	vor.u32 v2, v5;
	v1 =	vor.u32 v3, v1;
	v3 =	vand.u32 $0x1, v63  }
0x5c: {  	[tilespmem:$0x70] =	vst v1;
	v1 =	vor.u32 v3, v2  }
0x5d: {  	s2 =	simm.s32 $0x40;
	s0 =	simm.s32 $0x0;
	[tilespmem:$0xF0] =	vst v1  }
.LBB2_2:
0x5e: {  	p0 =	sne.s32 s2, $0x13C0;
	v1 =	vld [tilespmem:s0+$0x100];
	_ =	sdelay $0x4  }
.Ltmp0:
0x5f: {  	v2 =	vshll.u32 v1, $0x1;
	(pc) =	sbr.rel @p0 .LBB2_2-.Ltmp0, $4  }
0x60: {  	v3 =	vand.u32 $0xFFFFE000, v1;
	v1 =	vshrl.u32 v1, $0xC;
	v2 =	vand.u32 $0x1FFE, v2  }
0x61: {  	v1 =	vand.u32 $0x1, v1;
	v2 =	vor.u32 v3, v2  }
0x62: {  	v1 =	vor.u32 v1, v2  }
0x63: {  	[tilespmem:s0+$0x100] =	vst v1;
	s0 =	sshra.s32 s2, $0x2;
	s2 =	sadd.s32 $0x40, s2  }
0x64: {  	v1 =	vld [tilespmem:s0+$0x100];
	_ =	sdelay $0x4  }
0x65: {  	v2 =	vshll.u32 v1, $0x1  }
0x66: {  	v3 =	vand.u32 $0xFFFFE000, v1;
	v1 =	vshrl.u32 v1, $0xC;
	v2 =	vand.u32 $0x1FFE, v2  }
0x67: {  	v1 =	vand.u32 $0x1, v1;
	v2 =	vor.u32 v3, v2  }
0x68: {  	v1 =	vor.u32 v1, v2  }
0x69: {  	s30 =	simm.s32 $0x0;
	s8 =	simm.s32 $0x600;
	[tilespmem:s0+$0x100] =	vst v1  }
0x6a: {  	[tilespmem:s8], [sflag:$0x1] =	stream.indirect.gather [hbm4b:s23+s28], $0x40, s30, s28, $0xb8;
	[tilespmem:$0x18B80] =	vst v63  }
0x6b: {  	s9 =	simm.s32 $0x2600  }
0x6c: {  	[tilespmem:s9], [sflag:$0x1] =	stream.indirect.gather [hbm4b:s24+s28], $0x40, s28, s28, $0xb8;
	[tilespmem:$0x18B80] =	vst v63  }
0x6d: {  	s2 =	simm.s32 $0x4600  }
0x6e: {  	[tilespmem:s2], [sflag:$0x1] =	stream.indirect.gather [hbm4b:s24+s28], $0x40, s29, s28, $0xb8;
	[tilespmem:$0x18B80] =	vst v63  }
0x6f: {  	s3 =	simm.s32 $0x180;
	s2 =	simm.s32 $0x6600  }
0x70: {  	[tilespmem:s2], [sflag:$0x1] =	stream.indirect.gather [hbm4b:s24+s28], $0x40, s3, s28, $0xb8;
	[tilespmem:$0x18B80] =	vst v63  }
0x71: {  	s4 =	simm.s32 $0x200;
	s5 =	simm.s32 $0x8600  }
0x72: {  	[tilespmem:s5], [sflag:$0x1] =	stream.indirect.gather [hbm4b:s24+s28], $0x40, s4, s28, $0xb8;
	[tilespmem:$0x18B80] =	vst v63  }
0x73: {  	s6 =	simm.s32 $0x280;
	s7 =	simm.s32 $0xA600  }
0x74: {  	[tilespmem:s7], [sflag:$0x1] =	stream.indirect.gather [hbm4b:s24+s28], $0x40, s6, s28, $0xb8;
	[tilespmem:$0x18B80] =	vst v63  }
0x75: {  	s8 =	simm.s32 $0x300;
	s9 =	simm.s32 $0xC600  }
0x76: {  	[tilespmem:s9], [sflag:$0x1] =	stream.indirect.gather [hbm4b:s24+s28], $0x40, s8, s28, $0xb8;
	[tilespmem:$0x18B80] =	vst v63  }
0x77: {  	_ = 	snop  }
0x78: {  	[tilespmem:s11], [sflag:$0x1] =	stream.indirect.gather [hbm4b:s24+s28], $0x40, s10, s28, $0xb8;
	[tilespmem:$0x18B80] =	vst v63  }
0x79: {  	_ = 	snop  }
0x7a: {  	[tilespmem:s13], [sflag:$0x1] =	stream.indirect.gather [hbm4b:s24+s28], $0x40, s12, s28, $0xb8;
	[tilespmem:$0x18B80] =	vst v63  }
0x7b: {  	_ = 	snop  }
0x7c: {  	[tilespmem:s15], [sflag:$0x1] =	stream.indirect.gather [hbm4b:s24+s28], $0x40, s14, s28, $0xb8;
	[tilespmem:$0x18B80] =	vst v63  }
0x7d: {  	_ = 	snop  }
0x7e: {  	[tilespmem:s17], [sflag:$0x1] =	stream.indirect.gather [hbm4b:s24+s28], $0x40, s16, s28, $0xb8;
	[tilespmem:$0x18B80] =	vst v63  }
0x7f: {  	_ = 	snop  }
0x80: {  	[tilespmem:s19], [sflag:$0x1] =	stream.indirect.gather [hbm4b:s24+s28], $0x40, s18, s28, $0xb8;
	[tilespmem:$0x18B80] =	vst v63  }
0x81: {  	_ =	swait.ge [sflag:s20], $0x2000  }
0x82: {  	[sflag:s20] =	ssyncset.done $0x0  }
0x83: {  	[sflag:s20] =	ssyncadd.s32 $0xFFFFE000  }
0x84: {  	_ =	swait.ge [sflag:s20], $0x2000  }
0x85: {  	[sflag:s20] =	ssyncset.done $0x0  }
0x86: {  	[sflag:s20] =	ssyncadd.s32 $0xFFFFE000  }
0x87: {  	_ =	swait.ge [sflag:s20], $0x2000  }
0x88: {  	[sflag:s20] =	ssyncset.done $0x0  }
0x89: {  	[sflag:s20] =	ssyncadd.s32 $0xFFFFE000  }
0x8a: {  	_ =	swait.ge [sflag:s20], $0x2000  }
0x8b: {  	[sflag:s20] =	ssyncset.done $0x0  }
0x8c: {  	[sflag:s20] =	ssyncadd.s32 $0xFFFFE000  }
0x8d: {  	_ =	swait.ge [sflag:s20], $0x2000  }
0x8e: {  	[sflag:s20] =	ssyncset.done $0x0  }
0x8f: {  	[sflag:s20] =	ssyncadd.s32 $0xFFFFE000  }
0x90: {  	_ =	swait.ge [sflag:s20], $0x2000  }
0x91: {  	[sflag:s20] =	ssyncset.done $0x0  }
0x92: {  	[sflag:s20] =	ssyncadd.s32 $0xFFFFE000  }
0x93: {  	_ =	swait.ge [sflag:s20], $0x2000  }
0x94: {  	[sflag:s20] =	ssyncset.done $0x0  }
0x95: {  	[sflag:s20] =	ssyncadd.s32 $0xFFFFE000  }
0x96: {  	_ =	swait.ge [sflag:s20], $0x2000  }
0x97: {  	[sflag:s20] =	ssyncset.done $0x0  }
0x98: {  	[sflag:s20] =	ssyncadd.s32 $0xFFFFE000  }
0x99: {  	_ =	swait.ge [sflag:s20], $0x2000  }
0x9a: {  	[sflag:s20] =	ssyncset.done $0x0  }
0x9b: {  	[sflag:s20] =	ssyncadd.s32 $0xFFFFE000  }
0x9c: {  	_ =	swait.ge [sflag:s20], $0x2000  }
0x9d: {  	[sflag:s20] =	ssyncset.done $0x0  }
0x9e: {  	[sflag:s20] =	ssyncadd.s32 $0xFFFFE000  }
0x9f: {  	_ =	swait.ge [sflag:s20], $0x2000  }
0xa0: {  	[sflag:s20] =	ssyncset.done $0x0  }
0xa1: {  	[sflag:s20] =	ssyncadd.s32 $0xFFFFE000  }
0xa2: {  	_ =	swait.ge [sflag:s20], $0x2000  }
0xa3: {  	s31 =	simm.s32 $0x4740;
	s0 =	simm.s32 $0x2620;
	[sflag:s20] =	ssyncset.done $0x0  }
0xa4: {  	s2 =	simm.s32 $0x620;
	s3 =	simm.s32 $0x0;
	[sflag:s20] =	ssyncadd.s32 $0xFFFFE000  }
.LBB2_4:
0xa5: {  	v1 =	vld [tilespmem:s0+$0x10]  }
0xa6: {  	v2 =	vld [tilespmem:s0+$0x0]  }
0xa7: {  	v3 =	vld [tilespmem:s0+$0xFFFFFFE0]  }
0xa8: {  	v4 =	vld [tilespmem:s0+$0xFFFFFFF0]  }
0xa9: {  	v5 =	vld [tilespmem:s2+$0xFFFFFFE0]  }
0xaa: {  	v6 =	vld [tilespmem:s2+$0xFFFFFFF0]  }
0xab: {  	v7 =	vld [tilespmem:s31+$0x100]  }
0xac: {  	v8 =	vld [tilespmem:s31+$0x110]  }
0xad: {  	v9 =	vld [tilespmem:s2+$0x0]  }
0xae: {  	v10 =	vld [tilespmem:s31+$0x120]  }
0xaf: {  	v11 =	vld [tilespmem:s2+$0x10]  }
0xb0: {  	v12 =	vld [tilespmem:s31+$0x130]  }
0xb1: {  	v13 =	vld [tilespmem:s31+$0xFFFFFEC0]  }
0xb2: {  	v14 =	vld [tilespmem:s31+$0xFFFFFED0]  }
0xb3: {  	v15 =	vld [tilespmem:s31+$0xFFFFFF00]  }
0xb4: {  	v16 =	vld [tilespmem:s31+$0xFFFFFF10]  }
0xb5: {  	v17 =	vld [tilespmem:s31+$0xFFFFFF40]  }
0xb6: {  	v18 =	vld [tilespmem:s31+$0xFFFFFF50]  }
0xb7: {  	v19 =	vld [tilespmem:s31+$0xFFFFFF80]  }
0xb8: {  	v20 =	vld [tilespmem:s31+$0xFFFFFF90]  }
0xb9: {  	v21 =	vld [tilespmem:s31+$0xFFFFFFC0]  }
0xba: {  	v22 =	vld [tilespmem:s31+$0xFFFFFFD0]  }
0xbb: {  	v23 =	vld [tilespmem:s31+$0x0];
	v3 =	vmul.f32 v3, v5;
	v4 =	vmul.f32 v4, v6  }
0xbc: {  	v24 =	vld [tilespmem:s31+$0x10];
	v7 =	vmul.f32 v7, v5;
	v8 =	vmul.f32 v8, v6  }
0xbd: {  	v25 =	vld [tilespmem:s31+$0x90];
	v2 =	vmul.f32 v2, v9;
	v3 =	vadd.f32 v4, v3  }
0xbe: {  	v7 =	vadd.f32 v8, v7;
	v8 =	vmul.f32 v10, v9;
	v4 =	vld [tilespmem:s31+$0x50]  }
0xbf: {  	v26 =	vld [tilespmem:s31+$0xFFFFFFF0];
	v1 =	vmul.f32 v1, v11;
	v2 =	vadd.f32 v2, v3  }
0xc0: {  	v10 =	vld [tilespmem:s31+$0x40];
	v7 =	vadd.f32 v8, v7;
	v8 =	vmul.f32 v12, v11  }
0xc1: {  	v12 =	vld [tilespmem:s31+$0x80];
	v1 =	vadd.f32 v1, v2;
	v2 =	vmul.f32 v13, v5  }
0xc2: {  	v3 =	vadd.f32 v8, v7;
	v7 =	vld [tilespmem:s31+$0xC0];
	v13 =	vmul.f32 v14, v6;
	v14 =	vmul.f32 v15, v5  }
0xc3: {  	v15 =	vmul.f32 v16, v6;
	v16 =	vld [tilespmem:s31+$0xFFFFFF20];
	v4 =	vmul.f32 v4, v6  }
0xc4: {  	v8 =	vld [tilespmem:s31+$0xD0];
	(xrf2) =	vadd.scan.msk.f32 $0xffff, v3;
	v13 =	vadd.f32 v13, v2;
	v2 =	vmul.f32 v17, v5;
	v17 =	vmul.f32 v18, v6  }
0xc5: {  	v3 =	vld [tilespmem:s31+$0xFFFFFEE0];
	v14 =	vadd.f32 v15, v14;
	v15 =	vmul.f32 v19, v5;
	v18 =	vmul.f32 v20, v6  }
0xc6: {  	v19 =	vld [tilespmem:s31+$0xFFFFFFA0];
	v20 =	vmul.f32 v22, v6;
	v17 =	vadd.f32 v17, v2;
	v2 =	vmul.f32 v21, v5  }
0xc7: {  	v22 =	vmul.f32 v24, v6;
	(xrf2) =	vadd.scan.msk.f32 $0xffff, v1;
	v1 =	vld [tilespmem:s31+$0xFFFFFF60];
	v15 =	vadd.f32 v18, v15;
	v18 =	vmul.f32 v23, v5  }
0xc8: {  	v12 =	vmul.f32 v12, v5;
	v21 =	vld [tilespmem:s31+$0xFFFFFFE0];
	v16 =	vmul.f32 v16, v9;
	v20 =	vadd.f32 v20, v2  }
0xc9: {  	v2 =	vmul.f32 v10, v5;
	v10 =	vld [tilespmem:s31+$0x60];
	v18 =	vadd.f32 v22, v18;
	v22 =	vmov s30  }
0xca: {  	v24 =	vld [tilespmem:s31+$0xA0];
	v5 =	vmul.f32 v7, v5;
	vm0 =	veq.s32 v22, v0;
	v22 =	vmul.f32 v25, v6  }
0xcb: {  	v7 =	vld [tilespmem:s31+$0xFFFFFEF0];
	v6 =	vmul.f32 v8, v6;
	v3 =	vmul.f32 v3, v9  }
0xcc: {  	v23 =	vld [tilespmem:s31+$0x20];
	v14 =	vadd.f32 v16, v14;
	v16 =	vmul.f32 v19, v9;
	v4 =	vadd.f32 v4, v2  }
0xcd: {  	v2 =	vimm.f32 $0.0e+00;
	v1 =	vmul.f32 v1, v9;
	v12 =	vadd.f32 v22, v12;
	v22 =	vld [tilespmem:s31+$0xFFFFFF30]  }
0xce: {  	v5 =	vadd.f32 v6, v5;
	v6 =	vld [tilespmem:s31+$0xFFFFFF70];
	v21 =	vmul.f32 v21, v9;
	v10 =	vmul.f32 v10, v9;
	v8, _, _ =	vpop (xrf2)  }
0xcf: {  	v25 =	vld [tilespmem:s31+$0xE0];
	v13 =	vadd.f32 v3, v13;
	v17 =	vadd.f32 v1, v17;
	v8 =	vbroadcast v8, $0xF  }
0xd0: {  	v27 =	vld [tilespmem:s31+$0x70];
	v20 =	vadd.f32 v21, v20;
	v7 =	vmul.f32 v7, v11;
	v4 =	vadd.f32 v10, v4  }
0xd1: {  	v19 =	vld [tilespmem:s31+$0xFFFFFFB0];
	v3, _, _ =	vpop (xrf2);
	v1 =	vsel vm0, v8, v2;
	v8 =	vadd.f32 v16, v15;
	v15 =	vmul.f32 v23, v9  }
0xd2: {  	v7 =	vadd.f32 v7, v13;
	v3 =	vbroadcast v3, $0xF;
	v10 =	vmul.f32 v22, v11;
	v16 =	vld [tilespmem:s31+$0x30]  }
0xd3: {  	v28 =	vld [tilespmem:s31+$0xF0];
	v6 =	vmul.f32 v6, v11;
	v15 =	vadd.f32 v15, v18;
	v18 =	vmul.f32 v24, v9  }
0xd4: {  	s7 =	sadd.s32 $0x40, s0;
	(xrf2) =	vadd.scan.msk.f32 $0xffff, v7;
	v7 =	vimm.f32 $0.0e+00;
	v3 =	vsel vm0, v3, v2;
	v9 =	vmul.f32 v25, v9;
	v25 =	vld [tilespmem:s31+$0xB0]  }
0xd5: {  	v22 =	vld [tilespmem:s7+$0x10];
	v17 =	vadd.f32 v6, v17;
	v6 =	vmul.f32 v26, v11;
	v12 =	vadd.f32 v18, v12  }
0xd6: {  	v23 =	vld [tilespmem:s7+$0x0];
	v5 =	vadd.f32 v9, v5;
	v18 =	vadd.f32 v10, v14;
	v9 =	vmul.f32 v19, v11  }
0xd7: {  	s8 =	sadd.s32 $0x40, s2;
	vm0 =	vmmov vm0;
	v24 =	vld [tilespmem:s7+$0xFFFFFFE0];
	v20 =	vadd.f32 v6, v20;
	v10 =	vmul.f32 v16, v11  }
0xd8: {  	v6 =	vmul.f32 v28, v11;
	v14 =	vld [tilespmem:s8+$0xFFFFFFE0];
	v21 =	vadd.f32 v9, v8;
	v8 =	vmul.f32 v27, v11;
	(xrf2) =	vadd.scan.msk.f32 $0xffff, v18  }
0xd9: {  	v9 =	vmul.f32 v25, v11;
	v25 =	vld [tilespmem:s7+$0xFFFFFFF0];
	v19 =	vadd.f32 v10, v15;
	v10 =	vimm.f32 $0.0e+00  }
0xda: {  	s6 =	sadd.s32 $0x280, s31;
	v15 =	vld [tilespmem:s8+$0xFFFFFFF0];
	v11 =	vimm.f32 $0.0e+00;
	v16 =	vadd.f32 v8, v4;
	v8 =	vimm.f32 $0.0e+00  }
0xdb: {  	v26 =	vld [tilespmem:s6+$0x100];
	(xrf2) =	vadd.scan.msk.f32 $0xffff, v17;
	v4 =	vimm.f32 $0.0e+00;
	v13 =	vadd.f32 v9, v12;
	v12 =	vadd.f32 v6, v5  }
0xdc: {  	s4 =	sshll.u32 s3, $0x4;
	s5 =	simm.s32 $0x1;
	s9 =	simm.s32 $0x2;
	v27 =	vld [tilespmem:s6+$0x110];
	v9 =	vimm.f32 $0.0e+00;
	v6 =	vimm.f32 $0.0e+00;
	v5 =	vimm.f32 $0.0e+00  }
.LBB2_5:
0xdd: {  	p0 =	sne.s32 s9, $0xF;
	v18 =	vld [tilespmem:s8+$0x0]  }
0xde: {  	v24 =	vmul.f32 v24, v14;
	v28 =	vld [tilespmem:s6+$0x120];
	(xrf2) =	vadd.scan.msk.f32 $0xffff, v21  }
0xdf: {  	v17 =	vld [tilespmem:s8+$0x10];
	v21 =	vmul.f32 v25, v15;
	v25, _, _ =	vpop (xrf2)  }
0xe0: {  	v29 =	vld [tilespmem:s6+$0x130];
	v30 =	vbroadcast v25, $0xF  }
0xe1: {  	v26 =	vmul.f32 v26, v14;
	v21 =	vadd.f32 v21, v24;
	v24 =	vld [tilespmem:s6+$0xFFFFFEC0];
	v27 =	vmul.f32 v27, v15;
	(xrf2) =	vadd.scan.msk.f32 $0xffff, v20  }
0xe2: {  	v20 =	vmul.f32 v23, v18;
	v23 =	vld [tilespmem:s6+$0xFFFFFED0];
	v2 =	vsel vm0, v30, v2;
	v25, _, _ =	vpop (xrf2)  }
0xe3: {  	v30 =	vld [tilespmem:s6+$0xFFFFFF00];
	v26 =	vadd.f32 v27, v26;
	v27 =	vmul.f32 v28, v18;
	v28 =	vbroadcast v25, $0xF  }
0xe4: {  	v20 =	vadd.f32 v20, v21;
	v21 =	vmul.f32 v22, v17;
	v22 =	vld [tilespmem:s6+$0xFFFFFF10];
	(xrf2) =	vadd.scan.msk.f32 $0xffff, v19  }
0xe5: {  	v19 =	vld [tilespmem:s6+$0xFFFFFF40];
	v26 =	vadd.f32 v27, v26;
	v27 =	vmul.f32 v29, v17;
	v9 =	vsel vm0, v28, v9;
	v25, _, _ =	vpop (xrf2)  }
0xe6: {  	v20 =	vadd.f32 v21, v20;
	v21 =	vmul.f32 v24, v14;
	v24 =	vld [tilespmem:s6+$0xFFFFFF50];
	v31 =	vbroadcast v25, $0xF  }
0xe7: {  	v23 =	vmul.f32 v23, v15;
	v28 =	vld [tilespmem:s6+$0xFFFFFF80];
	v26 =	vadd.f32 v27, v26  }
0xe8: {  	v27 =	vmul.f32 v30, v14;
	v29 =	vld [tilespmem:s6+$0xFFFFFF90];
	v10 =	vsel vm0, v31, v10;
	v25, _, _ =	vpop (xrf2)  }
0xe9: {  	v21 =	vadd.f32 v23, v21;
	v22 =	vmul.f32 v22, v15;
	v23 =	vld [tilespmem:s6+$0xFFFFFFC0];
	(xrf2) =	vadd.scan.msk.f32 $0xffff, v26;
	v30 =	vbroadcast v25, $0xF  }
0xea: {  	v19 =	vmul.f32 v19, v14;
	v26 =	vld [tilespmem:s6+$0xFFFFFFD0]  }
0xeb: {  	v22 =	vadd.f32 v22, v27;
	v24 =	vmul.f32 v24, v15;
	v27 =	vld [tilespmem:s6+$0x0];
	v11 =	vsel vm0, v30, v11;
	v25, _, _ =	vpop (xrf2)  }
0xec: {  	v28 =	vmul.f32 v28, v14;
	v30 =	vld [tilespmem:s6+$0x10];
	(xrf2) =	vadd.scan.msk.f32 $0xffff, v20;
	v31 =	vbroadcast v25, $0xF  }
0xed: {  	v19 =	vadd.f32 v24, v19;
	v24 =	vmul.f32 v29, v15;
	v25 =	vld [tilespmem:s6+$0x40]  }
0xee: {  	v23 =	vmul.f32 v23, v14;
	v29 =	vld [tilespmem:s6+$0x50];
	v8 =	vsel vm0, v31, v8;
	v20, _, _ =	vpop (xrf2)  }
0xef: {  	v24 =	vadd.f32 v24, v28;
	v26 =	vmul.f32 v26, v15;
	v28 =	vld [tilespmem:s6+$0x80];
	v20 =	vbroadcast v20, $0xF;
	(xrf2) =	vadd.scan.msk.f32 $0xffff, v16  }
0xf0: {  	v16 =	vmul.f32 v27, v14;
	v27 =	vld [tilespmem:s6+$0x90]  }
0xf1: {  	v23 =	vadd.f32 v26, v23;
	v26 =	vmul.f32 v30, v15;
	v30 =	vld [tilespmem:s6+$0xC0];
	v6 =	vsel vm0, v20, v6  }
0xf2: {  	v20 =	vmul.f32 v25, v14;
	v25 =	vld [tilespmem:s6+$0xD0];
	(xrf2) =	vadd.scan.msk.f32 $0xffff, v13  }
0xf3: {  	v13 =	vld [tilespmem:s6+$0xFFFFFEE0];
	v16 =	vadd.f32 v26, v16;
	v26 =	vmul.f32 v29, v15;
	v29, _, _ =	vpop (xrf2)  }
0xf4: {  	v31 =	vmov s5;
	s5 =	smov.u32 s9;
	v32 =	vld [tilespmem:s6+$0xFFFFFF20];
	v28 =	vmul.f32 v28, v14;
	v29 =	vbroadcast v29, $0xF  }
0xf5: {  	vm1 =	veq.s32 v31, v0;
	v31 =	vld [tilespmem:s6+$0xFFFFFF60];
	v20 =	vadd.f32 v26, v20;
	v26 =	vmul.f32 v27, v15;
	(xrf2) =	vadd.scan.msk.f32 $0xffff, v12  }
0xf6: {  	v12 =	vld [tilespmem:s6+$0xFFFFFFA0];
	v14 =	vmul.f32 v30, v14;
	v1 =	vsel vm1, v29, v1;
	v27, _, _ =	vpop (xrf2)  }
0xf7: {  	v27 =	vbroadcast v27, $0xF;
	v29 =	vld [tilespmem:s6+$0xFFFFFFE0];
	v26 =	vadd.f32 v26, v28;
	v30 =	vmul.f32 v25, v15  }
0xf8: {  	v13 =	vmul.f32 v13, v18;
	v25 =	vld [tilespmem:s6+$0x20]  }
0xf9: {  	v3 =	vsel vm1, v27, v3;
	v27 =	vmul.f32 v32, v18;
	v28 =	vld [tilespmem:s6+$0x60];
	v14 =	vadd.f32 v30, v14;
	v15, _, _ =	vpop (xrf2)  }
0xfa: {  	v13 =	vadd.f32 v13, v21;
	v21 =	vmul.f32 v31, v18;
	v30 =	vld [tilespmem:s6+$0xA0];
	v32 =	vbroadcast v15, $0xF  }
0xfb: {  	v22 =	vadd.f32 v27, v22;
	v12 =	vmul.f32 v12, v18;
	v27 =	vld [tilespmem:s6+$0xE0]  }
0xfc: {  	v31 =	vld [tilespmem:s6+$0xFFFFFEF0];
	v19 =	vadd.f32 v21, v19;
	v21 =	vmul.f32 v29, v18;
	v7 =	vsel vm0, v32, v7;
	v15, _, _ =	vpop (xrf2)  }
0xfd: {  	v29 =	vld [tilespmem:s6+$0xFFFFFF30];
	v12 =	vadd.f32 v12, v24;
	v24 =	vmul.f32 v25, v18;
	v33 =	vbroadcast v15, $0xF  }
0xfe: {  	v25 =	vld [tilespmem:s6+$0xFFFFFF70];
	v32 =	vadd.f32 v21, v23;
	v21 =	vmul.f32 v28, v18  }
0xff: {  	v23 =	vld [tilespmem:s6+$0xFFFFFFB0];
	v16 =	vadd.f32 v24, v16;
	v24 =	vmul.f32 v30, v18;
	v5 =	vsel vm0, v33, v5;
	v15, _, _ =	vpop (xrf2)  }
0x100: {  	v28 =	vld [tilespmem:s6+$0xFFFFFFF0];
	v30 =	vadd.f32 v21, v20;
	v18 =	vmul.f32 v27, v18;
	v15 =	vbroadcast v15, $0xF  }
0x101: {  	v20 =	vmul.f32 v31, v17;
	v27 =	vld [tilespmem:s6+$0x30];
	v26 =	vadd.f32 v24, v26  }
0x102: {  	v21 =	vmul.f32 v29, v17;
	v29 =	vld [tilespmem:s6+$0x70];
	v18 =	vadd.f32 v18, v14;
	v4 =	vsel vm0, v15, v4  }
0x103: {  	vm0 =	vmmov vm1;
	v13 =	vadd.f32 v20, v13;
	v14 =	vmul.f32 v25, v17;
	v15 =	vld [tilespmem:s6+$0xB0]  }
0x104: {  	s7 =	sadd.s32 $0x40, s7;
	v31 =	vadd.f32 v21, v22;
	v20 =	vmul.f32 v23, v17;
	v33 =	vld [tilespmem:s6+$0xF0]  }
0x105: {  	v22 =	vld [tilespmem:s7+$0x10];
	v34 =	vadd.f32 v14, v19;
	v14 =	vmul.f32 v28, v17;
	(xrf2) =	vadd.scan.msk.f32 $0xffff, v13  }
0x106: {  	v23 =	vld [tilespmem:s7+$0x0];
	v21 =	vadd.f32 v20, v12;
	v12 =	vmul.f32 v27, v17  }
0x107: {  	v24 =	vld [tilespmem:s7+$0xFFFFFFE0];
	v20 =	vadd.f32 v14, v32;
	v13 =	vmul.f32 v29, v17  }
.Ltmp1:
0x108: {  	s8 =	sadd.s32 $0x40, s8;
	v25 =	vld [tilespmem:s7+$0xFFFFFFF0];
	v19 =	vadd.f32 v12, v16;
	v12 =	vmul.f32 v15, v17;
	(xrf2) =	vadd.scan.msk.f32 $0xffff, v31;
	(pc) =	sbr.rel @p0 .LBB2_5-.Ltmp1, $4  }
0x109: {  	v14 =	vld [tilespmem:s8+$0xFFFFFFE0];
	v16 =	vadd.f32 v13, v30;
	v17 =	vmul.f32 v33, v17  }
0x10a: {  	s6 =	sadd.s32 $0x280, s6;
	v15 =	vld [tilespmem:s8+$0xFFFFFFF0];
	v13 =	vadd.f32 v12, v26  }
0x10b: {  	v26 =	vld [tilespmem:s6+$0x100];
	v12 =	vadd.f32 v17, v18;
	(xrf2) =	vadd.scan.msk.f32 $0xffff, v34  }
0x10c: {  	s9 =	sadd.s32 $0x1, s9;
	v27 =	vld [tilespmem:s6+$0x110]  }
0x10d: {  	v18 =	vld [tilespmem:s8+$0x0]  }
0x10e: {  	v28 =	vld [tilespmem:s6+$0x120]  }
0x10f: {  	v17 =	vld [tilespmem:s8+$0x10]  }
0x110: {  	v29 =	vld [tilespmem:s6+$0x130]  }
0x111: {  	v30 =	vld [tilespmem:s6+$0xFFFFFEC0]  }
0x112: {  	v31 =	vld [tilespmem:s6+$0xFFFFFED0]  }
0x113: {  	v32 =	vld [tilespmem:s6+$0xFFFFFF00]  }
0x114: {  	v33 =	vld [tilespmem:s6+$0xFFFFFF10]  }
0x115: {  	v34 =	vld [tilespmem:s6+$0xFFFFFF40]  }
0x116: {  	v35 =	vld [tilespmem:s6+$0xFFFFFF50]  }
0x117: {  	v36 =	vld [tilespmem:s6+$0xFFFFFF80]  }
0x118: {  	v37 =	vld [tilespmem:s6+$0xFFFFFF90]  }
0x119: {  	v38 =	vld [tilespmem:s6+$0xFFFFFFC0]  }
0x11a: {  	v39 =	vld [tilespmem:s6+$0xFFFFFFD0]  }
0x11b: {  	v40 =	vld [tilespmem:s6+$0x0]  }
0x11c: {  	v41 =	vld [tilespmem:s6+$0x10]  }
0x11d: {  	v42 =	vld [tilespmem:s6+$0x40]  }
0x11e: {  	v43 =	vld [tilespmem:s6+$0x50];
	v24 =	vmul.f32 v24, v14;
	v25 =	vmul.f32 v25, v15  }
0x11f: {  	v44 =	vld [tilespmem:s6+$0x80];
	v26 =	vmul.f32 v26, v14;
	v27 =	vmul.f32 v27, v15  }
0x120: {  	v45 =	vld [tilespmem:s6+$0x90];
	v23 =	vmul.f32 v23, v18;
	v54 =	vmul.f32 v28, v18  }
0x121: {  	v48 =	vld [tilespmem:s6+$0x60];
	v22 =	vmul.f32 v22, v17;
	v55 =	vmul.f32 v29, v17  }
0x122: {  	v24 =	vadd.f32 v25, v24;
	v25 =	vld [tilespmem:s6+$0xC0];
	v56 =	vmul.f32 v30, v14;
	v57 =	vmul.f32 v31, v15  }
0x123: {  	v28 =	vld [tilespmem:s6+$0xD0];
	v58 =	vmul.f32 v32, v14;
	v59 =	vmul.f32 v33, v15  }
0x124: {  	v29 =	vld [tilespmem:s6+$0xFFFFFF20];
	v60 =	vmul.f32 v34, v14;
	v61 =	vmul.f32 v35, v15  }
0x125: {  	v31 =	vld [tilespmem:s6+$0xFFFFFF60];
	v62 =	vmul.f32 v36, v14;
	v63 =	vmul.f32 v37, v15  }
0x126: {  	v33 =	vld [tilespmem:s6+$0xFFFFFFA0];
	v46 =	vmul.f32 v38, v14;
	v47 =	vmul.f32 v39, v15  }
0x127: {  	v35 =	vld [tilespmem:s6+$0xFFFFFFE0];
	v49 =	vmul.f32 v40, v14;
	v50 =	vmul.f32 v41, v15  }
0x128: {  	v37 =	vld [tilespmem:s6+$0x20];
	v51 =	vmul.f32 v42, v14;
	v26 =	vadd.f32 v27, v26;
	v23 =	vadd.f32 v23, v24  }
0x129: {  	v41 =	vld [tilespmem:s6+$0xA0];
	v52 =	vmul.f32 v43, v15;
	v27 =	vadd.f32 v59, v58;
	v30 =	vadd.f32 v61, v60  }
0x12a: {  	v53 =	vmul.f32 v44, v14;
	v24 =	vld [tilespmem:s6+$0xFFFFFEE0];
	v32 =	vadd.f32 v63, v62;
	v26 =	vadd.f32 v54, v26  }
0x12b: {  	v43 =	vld [tilespmem:s6+$0xE0];
	v48 =	vmul.f32 v48, v18;
	v34 =	vadd.f32 v47, v46;
	v36 =	vadd.f32 v50, v49  }
0x12c: {  	v54 =	vmul.f32 v45, v15;
	v22 =	vadd.f32 v22, v23;
	v26 =	vadd.f32 v55, v26;
	v55 =	vld [tilespmem:s6+$0xFFFFFEF0]  }
0x12d: {  	(xrf2) =	vadd.scan.msk.f32 $0xffff, v21;
	v58 =	vld [tilespmem:s6+$0xFFFFFF30];
	v23 =	vadd.f32 v57, v56;
	v56 =	vmul.f32 v25, v14;
	v57 =	vmul.f32 v28, v15  }
0x12e: {  	(xrf2) =	vadd.scan.msk.f32 $0xffff, v20;
	v21 =	vadd.f32 v52, v51;
	v60 =	vld [tilespmem:s6+$0xFFFFFF70];
	v59 =	vmul.f32 v29, v18;
	v61 =	vmul.f32 v31, v18  }
0x12f: {  	(xrf2) =	vadd.scan.msk.f32 $0xffff, v19;
	v63 =	vld [tilespmem:s6+$0xFFFFFFB0];
	v20 =	vadd.f32 v54, v53;
	v62 =	vmul.f32 v33, v18;
	v24 =	vmul.f32 v24, v18  }
0x130: {  	v42 =	vld [tilespmem:s6+$0xFFFFFFF0];
	v40 =	vmul.f32 v35, v18;
	v46 =	vmul.f32 v37, v18;
	v14 =	vadd.f32 v57, v56;
	(xrf2) =	vadd.scan.msk.f32 $0xffff, v26  }
0x131: {  	v45 =	vld [tilespmem:s6+$0x30];
	v38 =	vadd.f32 v59, v27;
	(xrf2) =	vadd.scan.msk.f32 $0xffff, v22;
	v23 =	vadd.f32 v24, v23;
	v44 =	vmul.f32 v55, v17  }
0x132: {  	v47 =	vld [tilespmem:s6+$0x70];
	v15 =	vadd.f32 v61, v30;
	v19 =	vadd.f32 v62, v32;
	v25 =	vmul.f32 v58, v17;
	(xrf2) =	vadd.scan.msk.f32 $0xffff, v16  }
0x133: {  	v50 =	vld [tilespmem:s6+$0xB0];
	v26 =	vadd.f32 v40, v34;
	v49 =	vmul.f32 v60, v17;
	(xrf2) =	vadd.scan.msk.f32 $0xffff, v13;
	v22 =	vadd.f32 v44, v23  }
0x134: {  	v51, _, _ =	vpop (xrf2);
	v52 =	vadd.f32 v46, v36;
	v54 =	vmul.f32 v63, v17;
	v53 =	vadd.f32 v25, v38;
	v55 =	vld [tilespmem:s6+$0xF0];
	(xrf2) =	vadd.scan.msk.f32 $0xffff, v12  }
0x135: {  	v57 =	vmul.f32 v42, v17;
	v59 =	vmul.f32 v41, v18;
	v56, _, _ =	vpop (xrf2);
	v15 =	vadd.f32 v49, v15;
	(xrf2) =	vadd.scan.msk.f32 $0xffff, v22  }
0x136: {  	v18 =	vmul.f32 v43, v18;
	v60 =	vmul.f32 v45, v17;
	v58, _, _ =	vpop (xrf2);
	v19 =	vadd.f32 v54, v19;
	(xrf2) =	vadd.scan.msk.f32 $0xffff, v53  }
0x137: {  	v62 =	vmul.f32 v47, v17;
	v13 =	vadd.f32 v48, v21;
	v61, _, _ =	vpop (xrf2);
	v23 =	vadd.f32 v57, v26;
	(xrf2) =	vadd.scan.msk.f32 $0xffff, v15  }
0x138: {  	v28 =	vmul.f32 v50, v17;
	v20 =	vadd.f32 v59, v20;
	v63, _, _ =	vpop (xrf2);
	v12 =	vadd.f32 v60, v52;
	(xrf2) =	vadd.scan.msk.f32 $0xffff, v19  }
0x139: {  	v14 =	vadd.f32 v18, v14;
	v29, _, _ =	vpop (xrf2);
	v13 =	vadd.f32 v62, v13;
	v17 =	vmul.f32 v55, v17;
	(xrf2) =	vadd.scan.msk.f32 $0xffff, v23  }
0x13a: {  	v31 =	vbroadcast v51, $0xF;
	v20 =	vadd.f32 v28, v20;
	v30, _, _ =	vpop (xrf2);
	(xrf2) =	vadd.scan.msk.f32 $0xffff, v12  }
0x13b: {  	v14 =	vadd.f32 v17, v14;
	v32, _, _ =	vpop (xrf2);
	(xrf2) =	vadd.scan.msk.f32 $0xffff, v13  }
0x13c: {  	v2 =	vsel vm0, v31, v2;
	v41 =	vmov s5;
	v33 =	vbroadcast v56, $0xF;
	v35, _, _ =	vpop (xrf2);
	(xrf2) =	vadd.scan.msk.f32 $0xffff, v20  }
0x13d: {  	vm1 =	veq.s32 v41, v0;
	v34 =	vbroadcast v58, $0xF;
	v39 =	vbroadcast v63, $0xF;
	v37, _, _ =	vpop (xrf2);
	(xrf2) =	vadd.scan.msk.f32 $0xffff, v14  }
0x13e: {  	vm2 =	vmmov vm1;
	v63 =	vbroadcast v30, $0xF;
	v42 =	vbroadcast v32, $0xF;
	v38, _, _ =	vpop (xrf2)  }
0x13f: {  	v36 =	vbroadcast v61, $0xF;
	v9 =	vsel vm0, v33, v9;
	v10 =	vsel vm0, v34, v10;
	v40, _, _ =	vpop (xrf2)  }
0x140: {  	v1 =	vsel vm1, v63, v1;
	v3 =	vsel vm1, v42, v3;
	v43, _, _ =	vpop (xrf2);
	v44 =	vbroadcast v40, $0xF  }
0x141: {  	v11 =	vsel vm0, v36, v11;
	v8 =	vsel vm0, v39, v8;
	[tilespmem:s4+$0x18B00] =	vst v1;
	v45, _, _ =	vpop (xrf2);
	v46 =	vbroadcast v43, $0xF  }
0x142: {  	v19 =	vbroadcast v29, $0xF;
	[tilespmem:s4+$0x18600] =	vst v3;
	v47, _, _ =	vpop (xrf2);
	v2 =	vsel vm2, v44, v2;
	v48 =	vbroadcast v45, $0xF  }
0x143: {  	v49 =	vbroadcast v35, $0xF;
	v3, _, _ =	vpop (xrf2);
	v9 =	vsel vm2, v46, v9;
	v50 =	vbroadcast v47, $0xF;
	[tilespmem:s4+$0x18680] =	vst v2  }
0x144: {  	v55 =	vbroadcast v37, $0xF;
	v51 =	vsel vm2, v48, v10;
	v3 =	vbroadcast v3, $0xF;
	v52, _, _ =	vpop (xrf2);
	[tilespmem:s4+$0x18700] =	vst v9  }
0x145: {  	s3 =	sadd.s32 $0x1, s3;
	v7 =	vsel vm0, v49, v7;
	v53 =	vsel vm2, v50, v11;
	v10 =	vbroadcast v52, $0xF;
	v54, _, _ =	vpop (xrf2);
	[tilespmem:s4+$0x18780] =	vst v51  }
0x146: {  	p0 =	sne.s32 s3, $0x8;
	v2 =	vsel vm0, v19, v6;
	v3 =	vsel vm2, v3, v8;
	v56 =	vbroadcast v54, $0xF;
	v57, _, _ =	vpop (xrf2);
	[tilespmem:s4+$0x18800] =	vst v53  }
.Ltmp2:
0x147: {  	v58 =	vbroadcast v38, $0xF;
	v2 =	vsel vm2, v10, v2;
	v59 =	vbroadcast v57, $0xF;
	v60, _, _ =	vpop (xrf2);
	[tilespmem:s4+$0x18880] =	vst v3;
	(pc) =	sbr.rel @p0 .LBB2_4-.Ltmp2, $4  }
0x148: {  	v3 =	vsel vm0, v55, v5;
	v61 =	vsel vm2, v56, v7;
	v62 =	vbroadcast v60, $0xF;
	[tilespmem:s4+$0x18900] =	vst v2  }
0x149: {  	v2 =	vsel vm0, v58, v4;
	v3 =	vsel vm2, v59, v3;
	[tilespmem:s4+$0x18980] =	vst v61  }
0x14a: {  	v2 =	vsel vm2, v62, v2;
	[tilespmem:s4+$0x18A00] =	vst v3  }
0x14b: {  	s31 =	sadd.s32 $0x2800, s31;
	s0 =	sadd.s32 $0x400, s0;
	s2 =	sadd.s32 $0x400, s2;
	[tilespmem:s4+$0x18A80] =	vst v2  }
0x14c: {  	s0 =	simm.s32 $0x0;
	s2 =	rddreg [dreg:$0x7]  }
0x14d: {  	[hbm4b:s2+s0] =	stream.linear.scatter [tilespmem:s21], [sflag:$0x2], $0x80, $0x38;
	[tilespmem:$0x18B80] =	vst v63  }
0x14e: {  	_ =	swait.ge [sflag:s26], $0x80  }
0x14f: {  	[sflag:s26] =	ssyncset.done $0x0  }
0x150: {  	s8 =	rddreg [dreg:$0x8];
	[sflag:s26] =	ssyncadd.s32 $0xFFFFFF80  }
0x151: {  	[hbm4b:s8+s0] =	stream.linear.scatter [tilespmem:s22], [sflag:$0x2], $0x500, $0x38;
	[tilespmem:$0x18B80] =	vst v63  }
0x152: {  	_ =	swait.ge [sflag:s26], $0x500  }
0x153: {  	[sflag:s26] =	ssyncset.done $0x0  }
0x154: {  	s9 =	rddreg [dreg:$0x9];
	[sflag:s26] =	ssyncadd.s32 $0xFFFFFB00  }
0x155: {  	[tilespmem:s0], [sflag:$0x2] =	stream.linear.gather [hbm4b:s9+s0], $0x80, $0x38;
	[tilespmem:$0x18B80] =	vst v63  }
0x156: {  	_ =	swait.ge [sflag:s26], $0x80  }
0x157: {  	[sflag:s26] =	ssyncset.done $0x0  }
0x158: {  	s30 =	rddreg [dreg:$0xa];
	[sflag:s26] =	ssyncadd.s32 $0xFFFFFF80  }
0x159: {  	[tilespmem:s28], [sflag:$0x2] =	stream.linear.gather [hbm4b:s30+s0], $0x80, $0x38;
	[tilespmem:$0x18B80] =	vst v63  }
0x15a: {  	_ =	swait.ge [sflag:s26], $0x80  }
0x15b: {  	[sflag:s26] =	ssyncset.done $0x0  }
0x15c: {  	s31 =	rddreg [dreg:$0xb];
	[sflag:s26] =	ssyncadd.s32 $0xFFFFFF80  }
0x15d: {  	[tilespmem:s29], [sflag:$0x2] =	stream.linear.gather [hbm4b:s31+s0], $0x500, $0x38;
	[tilespmem:$0x18B80] =	vst v63  }
0x15e: {  	_ =	swait.ge [sflag:s26], $0x500  }
0x15f: {  	[sflag:s26] =	ssyncset.done $0x0  }
0x160: {  	[sflag:s26] =	ssyncadd.s32 $0xFFFFFB00  }
0x161: {  	v1 =	vld [tilespmem:$0x0]  }
0x162: {  	v2 =	vld [tilespmem:$0x80]  }
0x163: {  	v4 =	vld [tilespmem:$0x10]  }
0x164: {  	v6 =	vld [tilespmem:$0x90]  }
0x165: {  	v21 =	vld [tilespmem:$0x20]  }
0x166: {  	v8 =	vld [tilespmem:$0xA0]  }
0x167: {  	v9 =	vld [tilespmem:$0x30]  }
0x168: {  	v27 =	vld [tilespmem:$0xB0]  }
0x169: {  	v11 =	vld [tilespmem:$0x40];
	v3 =	vshll.u32 v1, $0x1;
	v5 =	vand.u32 $0xFFFFE000, v1;
	v1 =	vshrl.u32 v1, $0xC  }
0x16a: {  	v12 =	vld [tilespmem:$0xC0];
	v20 =	vshll.u32 v2, $0x1;
	v7 =	vand.u32 $0xFFFFE000, v2;
	v2 =	vshrl.u32 v2, $0xC  }
0x16b: {  	v36 =	vld [tilespmem:$0x50];
	v22 =	vand.u32 $0xFFFFE000, v4;
	v23 =	vshll.u32 v6, $0x1;
	v24 =	vand.u32 $0xFFFFE000, v6  }
0x16c: {  	v14 =	vld [tilespmem:$0xD0];
	v25 =	vshrl.u32 v6, $0xC;
	v26 =	vshll.u32 v21, $0x1;
	v10 =	vand.u32 $0xFFFFE000, v21  }
0x16d: {  	v15 =	vld [tilespmem:$0x60];
	v29 =	vshll.u32 v8, $0x1;
	v30 =	vand.u32 $0xFFFFE000, v8;
	v8 =	vshrl.u32 v8, $0xC  }
0x16e: {  	v46 =	vld [tilespmem:$0xE0];
	v32 =	vshll.u32 v9, $0x1;
	v33 =	vand.u32 $0xFFFFE000, v9;
	v34 =	vshrl.u32 v9, $0xC  }
0x16f: {  	v51 =	vld [tilespmem:$0x70];
	v35 =	vshll.u32 v27, $0x1;
	v13 =	vand.u32 $0xFFFFE000, v27;
	v38 =	vshll.u32 v11, $0x1  }
0x170: {  	v55 =	vld [tilespmem:$0xF0];
	v39 =	vand.u32 $0xFFFFE000, v11;
	v11 =	vshrl.u32 v11, $0xC;
	v41 =	vshll.u32 v12, $0x1  }
0x171: {  	v42 =	vand.u32 $0xFFFFE000, v12;
	v43 =	vshrl.u32 v12, $0xC;
	v44 =	vshll.u32 v36, $0x1  }
0x172: {  	v47 =	vand.u32 $0xFFFFE000, v14;
	v48 =	vshrl.u32 v14, $0xC;
	v50 =	vshll.u32 v15, $0x1  }
0x173: {  	v52 =	vand.u32 $0xFFFFE000, v15;
	v53 =	vshrl.u32 v15, $0xC;
	v54 =	vshll.u32 v46, $0x1  }
0x174: {  	v56 =	vand.u32 $0xFFFFE000, v46;
	v57 =	vshrl.u32 v46, $0xC;
	v60 =	vshll.u32 v51, $0x1  }
0x175: {  	v61 =	vshrl.u32 v51, $0xC;
	v62 =	vshll.u32 v55, $0x1;
	v63 =	vshrl.u32 v55, $0xC  }
0x176: {  	v3 =	vand.u32 $0x1FFE, v3;
	v1 =	vand.u32 $0x1, v1;
	v2 =	vand.u32 $0x1, v2  }
0x177: {  	v6 =	vand.u32 $0x1FFE, v26;
	v31 =	vand.u32 $0x1, v8;
	v8 =	vand.u32 $0x1FFE, v32  }
0x178: {  	v9 =	vand.u32 $0x1FFE, v35;
	v40 =	vand.u32 $0x1, v11;
	v11 =	vand.u32 $0x1FFE, v41  }
0x179: {  	v12 =	vand.u32 $0x1FFE, v44;
	v49 =	vand.u32 $0x1, v48;
	v58 =	vand.u32 $0x1, v57  }
0x17a: {  	v3 =	vor.u32 v5, v3;
	v5 =	vand.u32 $0x1FFE, v20;
	v6 =	vor.u32 v10, v6  }
0x17b: {  	v10 =	vshrl.u32 v27, $0xC;
	v9 =	vor.u32 v13, v9;
	v13 =	vshrl.u32 v36, $0xC  }
0x17c: {  	v5 =	vor.u32 v7, v5;
	v1 =	vor.u32 v1, v3;
	v3 =	vshll.u32 v4, $0x1  }
0x17d: {  	v4 =	vshrl.u32 v4, $0xC;
	v7 =	vshrl.u32 v21, $0xC;
	v10 =	vand.u32 $0x1, v10  }
0x17e: {  	v45 =	vand.u32 $0x1, v13;
	v2 =	vor.u32 v2, v5;
	v3 =	vand.u32 $0x1FFE, v3  }
0x17f: {  	v4 =	vand.u32 $0x1, v4;
	v5 =	vand.u32 $0x1FFE, v23;
	v7 =	vand.u32 $0x1, v7  }
0x180: {  	v37 =	vor.u32 v10, v9;
	v9 =	vand.u32 $0x1FFE, v38;
	v10 =	vor.u32 v42, v11;
	[tilespmem:$0x0] =	vst v1  }
0x181: {  	v1 =	vand.u32 $0xFFFFE000, v36;
	v3 =	vor.u32 v22, v3;
	v28 =	vor.u32 v7, v6;
	[tilespmem:$0x80] =	vst v2  }
0x182: {  	v6 =	vand.u32 $0x1FFE, v29;
	v7 =	vor.u32 v33, v8;
	v8 =	vand.u32 $0x1, v34;
	[tilespmem:$0xB0] =	vst v37  }
0x183: {  	v9 =	vor.u32 v39, v9;
	v2 =	vand.u32 $0x1, v43;
	v3 =	vor.u32 v4, v3;
	[tilespmem:$0x20] =	vst v28  }
0x184: {  	v1 =	vor.u32 v1, v12;
	v4 =	vor.u32 v24, v5;
	v7 =	vor.u32 v8, v7;
	[tilespmem:$0x10] =	vst v3  }
0x185: {  	v5 =	vand.u32 $0x1, v25;
	v6 =	vor.u32 v30, v6;
	v9 =	vor.u32 v40, v9;
	[tilespmem:$0x30] =	vst v7  }
0x186: {  	v2 =	vor.u32 v2, v10;
	v1 =	vor.u32 v45, v1;
	v4 =	vor.u32 v5, v4;
	[tilespmem:$0x40] =	vst v9  }
0x187: {  	v6 =	vor.u32 v31, v6;
	v3 =	vshll.u32 v14, $0x1;
	v5 =	vand.u32 $0x1FFE, v50;
	[tilespmem:$0x50] =	vst v1  }
0x188: {  	v1 =	vand.u32 $0xFFFFE000, v51;
	[tilespmem:$0x90] =	vst v4;
	v3 =	vand.u32 $0x1FFE, v3;
	v4 =	vor.u32 v52, v5  }
0x189: {  	[tilespmem:$0xA0] =	vst v6;
	v6 =	vand.u32 $0x1FFE, v54;
	v5 =	vand.u32 $0x1, v53;
	v3 =	vor.u32 v47, v3  }
0x18a: {  	[tilespmem:$0xC0] =	vst v2;
	v6 =	vor.u32 v56, v6;
	v2 =	vor.u32 v5, v4;
	v5 =	vand.u32 $0x1FFE, v60  }
0x18b: {  	v3 =	vor.u32 v49, v3;
	v59 =	vor.u32 v58, v6;
	v1 =	vor.u32 v1, v5;
	[tilespmem:$0x60] =	vst v2  }
0x18c: {  	v2 =	vand.u32 $0xFFFFE000, v55;
	v5 =	vand.u32 $0x1FFE, v62;
	[tilespmem:$0xD0] =	vst v3;
	v3 =	vand.u32 $0x1, v61  }
0x18d: {  	[tilespmem:$0xE0] =	vst v59;
	v2 =	vor.u32 v2, v5;
	v1 =	vor.u32 v3, v1;
	v3 =	vand.u32 $0x1, v63  }
0x18e: {  	[tilespmem:$0x70] =	vst v1;
	v1 =	vor.u32 v3, v2  }
0x18f: {  	s2 =	simm.s32 $0x40;
	s0 =	simm.s32 $0x0;
	[tilespmem:$0xF0] =	vst v1  }
.LBB2_8:
0x190: {  	p0 =	sne.s32 s2, $0x13C0;
	v1 =	vld [tilespmem:s0+$0x100];
	_ =	sdelay $0x4  }
.Ltmp3:
0x191: {  	v2 =	vshll.u32 v1, $0x1;
	(pc) =	sbr.rel @p0 .LBB2_8-.Ltmp3, $4  }
0x192: {  	v3 =	vand.u32 $0xFFFFE000, v1;
	v1 =	vshrl.u32 v1, $0xC;
	v2 =	vand.u32 $0x1FFE, v2  }
0x193: {  	v1 =	vand.u32 $0x1, v1;
	v2 =	vor.u32 v3, v2  }
0x194: {  	v1 =	vor.u32 v1, v2  }
0x195: {  	[tilespmem:s0+$0x100] =	vst v1;
	s0 =	sshra.s32 s2, $0x2;
	s2 =	sadd.s32 $0x40, s2  }
0x196: {  	v1 =	vld [tilespmem:s0+$0x100];
	_ =	sdelay $0x4  }
0x197: {  	v2 =	vshll.u32 v1, $0x1  }
0x198: {  	v3 =	vand.u32 $0xFFFFE000, v1;
	v1 =	vshrl.u32 v1, $0xC;
	v2 =	vand.u32 $0x1FFE, v2  }
0x199: {  	v1 =	vand.u32 $0x1, v1;
	v2 =	vor.u32 v3, v2  }
0x19a: {  	v1 =	vor.u32 v1, v2  }
0x19b: {  	s30 =	simm.s32 $0x0;
	s8 =	simm.s32 $0x600;
	[tilespmem:s0+$0x100] =	vst v1  }
0x19c: {  	[tilespmem:s8], [sflag:$0x1] =	stream.indirect.gather [hbm4b:s23+s28], $0x40, s30, s28, $0xb8;
	[tilespmem:$0x18B80] =	vst v63  }
0x19d: {  	s9 =	simm.s32 $0x2600  }
0x19e: {  	[tilespmem:s9], [sflag:$0x1] =	stream.indirect.gather [hbm4b:s24+s28], $0x40, s28, s28, $0xb8;
	[tilespmem:$0x18B80] =	vst v63  }
0x19f: {  	s2 =	simm.s32 $0x4600  }
0x1a0: {  	[tilespmem:s2], [sflag:$0x1] =	stream.indirect.gather [hbm4b:s24+s28], $0x40, s29, s28, $0xb8;
	[tilespmem:$0x18B80] =	vst v63  }
0x1a1: {  	s3 =	simm.s32 $0x180;
	s2 =	simm.s32 $0x6600  }
0x1a2: {  	[tilespmem:s2], [sflag:$0x1] =	stream.indirect.gather [hbm4b:s24+s28], $0x40, s3, s28, $0xb8;
	[tilespmem:$0x18B80] =	vst v63  }
0x1a3: {  	s4 =	simm.s32 $0x200;
	s5 =	simm.s32 $0x8600  }
0x1a4: {  	[tilespmem:s5], [sflag:$0x1] =	stream.indirect.gather [hbm4b:s24+s28], $0x40, s4, s28, $0xb8;
	[tilespmem:$0x18B80] =	vst v63  }
0x1a5: {  	s6 =	simm.s32 $0x280;
	s7 =	simm.s32 $0xA600  }
0x1a6: {  	[tilespmem:s7], [sflag:$0x1] =	stream.indirect.gather [hbm4b:s24+s28], $0x40, s6, s28, $0xb8;
	[tilespmem:$0x18B80] =	vst v63  }
0x1a7: {  	s8 =	simm.s32 $0x300;
	s9 =	simm.s32 $0xC600  }
0x1a8: {  	[tilespmem:s9], [sflag:$0x1] =	stream.indirect.gather [hbm4b:s24+s28], $0x40, s8, s28, $0xb8;
	[tilespmem:$0x18B80] =	vst v63  }
0x1a9: {  	_ = 	snop  }
0x1aa: {  	[tilespmem:s11], [sflag:$0x1] =	stream.indirect.gather [hbm4b:s24+s28], $0x40, s10, s28, $0xb8;
	[tilespmem:$0x18B80] =	vst v63  }
0x1ab: {  	_ = 	snop  }
0x1ac: {  	[tilespmem:s13], [sflag:$0x1] =	stream.indirect.gather [hbm4b:s24+s28], $0x40, s12, s28, $0xb8;
	[tilespmem:$0x18B80] =	vst v63  }
0x1ad: {  	_ = 	snop  }
0x1ae: {  	[tilespmem:s15], [sflag:$0x1] =	stream.indirect.gather [hbm4b:s24+s28], $0x40, s14, s28, $0xb8;
	[tilespmem:$0x18B80] =	vst v63  }
0x1af: {  	_ = 	snop  }
0x1b0: {  	[tilespmem:s17], [sflag:$0x1] =	stream.indirect.gather [hbm4b:s24+s28], $0x40, s16, s28, $0xb8;
	[tilespmem:$0x18B80] =	vst v63  }
0x1b1: {  	_ = 	snop  }
0x1b2: {  	[tilespmem:s19], [sflag:$0x1] =	stream.indirect.gather [hbm4b:s24+s28], $0x40, s18, s28, $0xb8;
	[tilespmem:$0x18B80] =	vst v63  }
0x1b3: {  	_ =	swait.ge [sflag:s20], $0x2000  }
0x1b4: {  	[sflag:s20] =	ssyncset.done $0x0  }
0x1b5: {  	[sflag:s20] =	ssyncadd.s32 $0xFFFFE000  }
0x1b6: {  	_ =	swait.ge [sflag:s20], $0x2000  }
0x1b7: {  	[sflag:s20] =	ssyncset.done $0x0  }
0x1b8: {  	[sflag:s20] =	ssyncadd.s32 $0xFFFFE000  }
0x1b9: {  	_ =	swait.ge [sflag:s20], $0x2000  }
0x1ba: {  	[sflag:s20] =	ssyncset.done $0x0  }
0x1bb: {  	[sflag:s20] =	ssyncadd.s32 $0xFFFFE000  }
0x1bc: {  	_ =	swait.ge [sflag:s20], $0x2000  }
0x1bd: {  	[sflag:s20] =	ssyncset.done $0x0  }
0x1be: {  	[sflag:s20] =	ssyncadd.s32 $0xFFFFE000  }
0x1bf: {  	_ =	swait.ge [sflag:s20], $0x2000  }
0x1c0: {  	[sflag:s20] =	ssyncset.done $0x0  }
0x1c1: {  	[sflag:s20] =	ssyncadd.s32 $0xFFFFE000  }
0x1c2: {  	_ =	swait.ge [sflag:s20], $0x2000  }
0x1c3: {  	[sflag:s20] =	ssyncset.done $0x0  }
0x1c4: {  	[sflag:s20] =	ssyncadd.s32 $0xFFFFE000  }
0x1c5: {  	_ =	swait.ge [sflag:s20], $0x2000  }
0x1c6: {  	[sflag:s20] =	ssyncset.done $0x0  }
0x1c7: {  	[sflag:s20] =	ssyncadd.s32 $0xFFFFE000  }
0x1c8: {  	_ =	swait.ge [sflag:s20], $0x2000  }
0x1c9: {  	[sflag:s20] =	ssyncset.done $0x0  }
0x1ca: {  	[sflag:s20] =	ssyncadd.s32 $0xFFFFE000  }
0x1cb: {  	_ =	swait.ge [sflag:s20], $0x2000  }
0x1cc: {  	[sflag:s20] =	ssyncset.done $0x0  }
0x1cd: {  	[sflag:s20] =	ssyncadd.s32 $0xFFFFE000  }
0x1ce: {  	_ =	swait.ge [sflag:s20], $0x2000  }
0x1cf: {  	[sflag:s20] =	ssyncset.done $0x0  }
0x1d0: {  	[sflag:s20] =	ssyncadd.s32 $0xFFFFE000  }
0x1d1: {  	_ =	swait.ge [sflag:s20], $0x2000  }
0x1d2: {  	[sflag:s20] =	ssyncset.done $0x0  }
0x1d3: {  	[sflag:s20] =	ssyncadd.s32 $0xFFFFE000  }
0x1d4: {  	_ =	swait.ge [sflag:s20], $0x2000  }
0x1d5: {  	s31 =	simm.s32 $0x4740;
	s0 =	simm.s32 $0x2620;
	[sflag:s20] =	ssyncset.done $0x0  }
0x1d6: {  	s2 =	simm.s32 $0x620;
	s3 =	simm.s32 $0x0;
	[sflag:s20] =	ssyncadd.s32 $0xFFFFE000  }
.LBB2_10:
0x1d7: {  	v1 =	vld [tilespmem:s0+$0x10]  }
0x1d8: {  	v2 =	vld [tilespmem:s0+$0x0]  }
0x1d9: {  	v3 =	vld [tilespmem:s0+$0xFFFFFFE0]  }
0x1da: {  	v4 =	vld [tilespmem:s0+$0xFFFFFFF0]  }
0x1db: {  	v5 =	vld [tilespmem:s2+$0xFFFFFFE0]  }
0x1dc: {  	v6 =	vld [tilespmem:s2+$0xFFFFFFF0]  }
0x1dd: {  	v7 =	vld [tilespmem:s31+$0x100]  }
0x1de: {  	v8 =	vld [tilespmem:s31+$0x110]  }
0x1df: {  	v9 =	vld [tilespmem:s2+$0x0]  }
0x1e0: {  	v10 =	vld [tilespmem:s31+$0x120]  }
0x1e1: {  	v11 =	vld [tilespmem:s2+$0x10]  }
0x1e2: {  	v12 =	vld [tilespmem:s31+$0x130]  }
0x1e3: {  	v13 =	vld [tilespmem:s31+$0xFFFFFEC0]  }
0x1e4: {  	v14 =	vld [tilespmem:s31+$0xFFFFFED0]  }
0x1e5: {  	v15 =	vld [tilespmem:s31+$0xFFFFFF00]  }
0x1e6: {  	v16 =	vld [tilespmem:s31+$0xFFFFFF10]  }
0x1e7: {  	v17 =	vld [tilespmem:s31+$0xFFFFFF40]  }
0x1e8: {  	v18 =	vld [tilespmem:s31+$0xFFFFFF50]  }
0x1e9: {  	v19 =	vld [tilespmem:s31+$0xFFFFFF80]  }
0x1ea: {  	v20 =	vld [tilespmem:s31+$0xFFFFFF90]  }
0x1eb: {  	v21 =	vld [tilespmem:s31+$0xFFFFFFC0]  }
0x1ec: {  	v22 =	vld [tilespmem:s31+$0xFFFFFFD0]  }
0x1ed: {  	v23 =	vld [tilespmem:s31+$0x0];
	v3 =	vmul.f32 v3, v5;
	v4 =	vmul.f32 v4, v6  }
0x1ee: {  	v24 =	vld [tilespmem:s31+$0x10];
	v7 =	vmul.f32 v7, v5;
	v8 =	vmul.f32 v8, v6  }
0x1ef: {  	v25 =	vld [tilespmem:s31+$0x90];
	v2 =	vmul.f32 v2, v9;
	v3 =	vadd.f32 v4, v3  }
0x1f0: {  	v7 =	vadd.f32 v8, v7;
	v8 =	vmul.f32 v10, v9;
	v4 =	vld [tilespmem:s31+$0x50]  }
0x1f1: {  	v26 =	vld [tilespmem:s31+$0xFFFFFFF0];
	v1 =	vmul.f32 v1, v11;
	v2 =	vadd.f32 v2, v3  }
0x1f2: {  	v10 =	vld [tilespmem:s31+$0x40];
	v7 =	vadd.f32 v8, v7;
	v8 =	vmul.f32 v12, v11  }
0x1f3: {  	v12 =	vld [tilespmem:s31+$0x80];
	v1 =	vadd.f32 v1, v2;
	v2 =	vmul.f32 v13, v5  }
0x1f4: {  	v3 =	vadd.f32 v8, v7;
	v7 =	vld [tilespmem:s31+$0xC0];
	v13 =	vmul.f32 v14, v6;
	v14 =	vmul.f32 v15, v5  }
0x1f5: {  	v15 =	vmul.f32 v16, v6;
	v16 =	vld [tilespmem:s31+$0xFFFFFF20];
	v4 =	vmul.f32 v4, v6  }
0x1f6: {  	v8 =	vld [tilespmem:s31+$0xD0];
	(xrf2) =	vadd.scan.msk.f32 $0xffff, v3;
	v13 =	vadd.f32 v13, v2;
	v2 =	vmul.f32 v17, v5;
	v17 =	vmul.f32 v18, v6  }
0x1f7: {  	v3 =	vld [tilespmem:s31+$0xFFFFFEE0];
	v14 =	vadd.f32 v15, v14;
	v15 =	vmul.f32 v19, v5;
	v18 =	vmul.f32 v20, v6  }
0x1f8: {  	v19 =	vld [tilespmem:s31+$0xFFFFFFA0];
	v20 =	vmul.f32 v22, v6;
	v17 =	vadd.f32 v17, v2;
	v2 =	vmul.f32 v21, v5  }
0x1f9: {  	v22 =	vmul.f32 v24, v6;
	(xrf2) =	vadd.scan.msk.f32 $0xffff, v1;
	v1 =	vld [tilespmem:s31+$0xFFFFFF60];
	v15 =	vadd.f32 v18, v15;
	v18 =	vmul.f32 v23, v5  }
0x1fa: {  	v12 =	vmul.f32 v12, v5;
	v21 =	vld [tilespmem:s31+$0xFFFFFFE0];
	v16 =	vmul.f32 v16, v9;
	v20 =	vadd.f32 v20, v2  }
0x1fb: {  	v2 =	vmul.f32 v10, v5;
	v10 =	vld [tilespmem:s31+$0x60];
	v18 =	vadd.f32 v22, v18;
	v22 =	vmov s30  }
0x1fc: {  	v24 =	vld [tilespmem:s31+$0xA0];
	v5 =	vmul.f32 v7, v5;
	vm0 =	veq.s32 v22, v0;
	v22 =	vmul.f32 v25, v6  }
0x1fd: {  	v7 =	vld [tilespmem:s31+$0xFFFFFEF0];
	v6 =	vmul.f32 v8, v6;
	v3 =	vmul.f32 v3, v9  }
0x1fe: {  	v23 =	vld [tilespmem:s31+$0x20];
	v14 =	vadd.f32 v16, v14;
	v16 =	vmul.f32 v19, v9;
	v4 =	vadd.f32 v4, v2  }
0x1ff: {  	v2 =	vimm.f32 $0.0e+00;
	v1 =	vmul.f32 v1, v9;
	v12 =	vadd.f32 v22, v12;
	v22 =	vld [tilespmem:s31+$0xFFFFFF30]  }
0x200: {  	v5 =	vadd.f32 v6, v5;
	v6 =	vld [tilespmem:s31+$0xFFFFFF70];
	v21 =	vmul.f32 v21, v9;
	v10 =	vmul.f32 v10, v9;
	v8, _, _ =	vpop (xrf2)  }
0x201: {  	v25 =	vld [tilespmem:s31+$0xE0];
	v13 =	vadd.f32 v3, v13;
	v17 =	vadd.f32 v1, v17;
	v8 =	vbroadcast v8, $0xF  }
0x202: {  	v27 =	vld [tilespmem:s31+$0x70];
	v20 =	vadd.f32 v21, v20;
	v7 =	vmul.f32 v7, v11;
	v4 =	vadd.f32 v10, v4  }
0x203: {  	v19 =	vld [tilespmem:s31+$0xFFFFFFB0];
	v3, _, _ =	vpop (xrf2);
	v1 =	vsel vm0, v8, v2;
	v8 =	vadd.f32 v16, v15;
	v15 =	vmul.f32 v23, v9  }
0x204: {  	v7 =	vadd.f32 v7, v13;
	v3 =	vbroadcast v3, $0xF;
	v10 =	vmul.f32 v22, v11;
	v16 =	vld [tilespmem:s31+$0x30]  }
0x205: {  	v28 =	vld [tilespmem:s31+$0xF0];
	v6 =	vmul.f32 v6, v11;
	v15 =	vadd.f32 v15, v18;
	v18 =	vmul.f32 v24, v9  }
0x206: {  	s7 =	sadd.s32 $0x40, s0;
	(xrf2) =	vadd.scan.msk.f32 $0xffff, v7;
	v7 =	vimm.f32 $0.0e+00;
	v3 =	vsel vm0, v3, v2;
	v9 =	vmul.f32 v25, v9;
	v25 =	vld [tilespmem:s31+$0xB0]  }
0x207: {  	v22 =	vld [tilespmem:s7+$0x10];
	v17 =	vadd.f32 v6, v17;
	v6 =	vmul.f32 v26, v11;
	v12 =	vadd.f32 v18, v12  }
0x208: {  	v23 =	vld [tilespmem:s7+$0x0];
	v5 =	vadd.f32 v9, v5;
	v18 =	vadd.f32 v10, v14;
	v9 =	vmul.f32 v19, v11  }
0x209: {  	s8 =	sadd.s32 $0x40, s2;
	vm0 =	vmmov vm0;
	v24 =	vld [tilespmem:s7+$0xFFFFFFE0];
	v20 =	vadd.f32 v6, v20;
	v10 =	vmul.f32 v16, v11  }
0x20a: {  	v6 =	vmul.f32 v28, v11;
	v14 =	vld [tilespmem:s8+$0xFFFFFFE0];
	v21 =	vadd.f32 v9, v8;
	v8 =	vmul.f32 v27, v11;
	(xrf2) =	vadd.scan.msk.f32 $0xffff, v18  }
0x20b: {  	v9 =	vmul.f32 v25, v11;
	v25 =	vld [tilespmem:s7+$0xFFFFFFF0];
	v19 =	vadd.f32 v10, v15;
	v10 =	vimm.f32 $0.0e+00  }
0x20c: {  	s6 =	sadd.s32 $0x280, s31;
	v15 =	vld [tilespmem:s8+$0xFFFFFFF0];
	v11 =	vimm.f32 $0.0e+00;
	v16 =	vadd.f32 v8, v4;
	v8 =	vimm.f32 $0.0e+00  }
0x20d: {  	v26 =	vld [tilespmem:s6+$0x100];
	(xrf2) =	vadd.scan.msk.f32 $0xffff, v17;
	v4 =	vimm.f32 $0.0e+00;
	v13 =	vadd.f32 v9, v12;
	v12 =	vadd.f32 v6, v5  }
0x20e: {  	s4 =	sshll.u32 s3, $0x4;
	s5 =	simm.s32 $0x1;
	s9 =	simm.s32 $0x2;
	v27 =	vld [tilespmem:s6+$0x110];
	v9 =	vimm.f32 $0.0e+00;
	v6 =	vimm.f32 $0.0e+00;
	v5 =	vimm.f32 $0.0e+00  }
.LBB2_11:
0x20f: {  	p0 =	sne.s32 s9, $0xF;
	v18 =	vld [tilespmem:s8+$0x0]  }
0x210: {  	v24 =	vmul.f32 v24, v14;
	v28 =	vld [tilespmem:s6+$0x120];
	(xrf2) =	vadd.scan.msk.f32 $0xffff, v21  }
0x211: {  	v17 =	vld [tilespmem:s8+$0x10];
	v21 =	vmul.f32 v25, v15;
	v25, _, _ =	vpop (xrf2)  }
0x212: {  	v29 =	vld [tilespmem:s6+$0x130];
	v30 =	vbroadcast v25, $0xF  }
0x213: {  	v26 =	vmul.f32 v26, v14;
	v21 =	vadd.f32 v21, v24;
	v24 =	vld [tilespmem:s6+$0xFFFFFEC0];
	v27 =	vmul.f32 v27, v15;
	(xrf2) =	vadd.scan.msk.f32 $0xffff, v20  }
0x214: {  	v20 =	vmul.f32 v23, v18;
	v23 =	vld [tilespmem:s6+$0xFFFFFED0];
	v2 =	vsel vm0, v30, v2;
	v25, _, _ =	vpop (xrf2)  }
0x215: {  	v30 =	vld [tilespmem:s6+$0xFFFFFF00];
	v26 =	vadd.f32 v27, v26;
	v27 =	vmul.f32 v28, v18;
	v28 =	vbroadcast v25, $0xF  }
0x216: {  	v20 =	vadd.f32 v20, v21;
	v21 =	vmul.f32 v22, v17;
	v22 =	vld [tilespmem:s6+$0xFFFFFF10];
	(xrf2) =	vadd.scan.msk.f32 $0xffff, v19  }
0x217: {  	v19 =	vld [tilespmem:s6+$0xFFFFFF40];
	v26 =	vadd.f32 v27, v26;
	v27 =	vmul.f32 v29, v17;
	v9 =	vsel vm0, v28, v9;
	v25, _, _ =	vpop (xrf2)  }
0x218: {  	v20 =	vadd.f32 v21, v20;
	v21 =	vmul.f32 v24, v14;
	v24 =	vld [tilespmem:s6+$0xFFFFFF50];
	v31 =	vbroadcast v25, $0xF  }
0x219: {  	v23 =	vmul.f32 v23, v15;
	v28 =	vld [tilespmem:s6+$0xFFFFFF80];
	v26 =	vadd.f32 v27, v26  }
0x21a: {  	v27 =	vmul.f32 v30, v14;
	v29 =	vld [tilespmem:s6+$0xFFFFFF90];
	v10 =	vsel vm0, v31, v10;
	v25, _, _ =	vpop (xrf2)  }
0x21b: {  	v21 =	vadd.f32 v23, v21;
	v22 =	vmul.f32 v22, v15;
	v23 =	vld [tilespmem:s6+$0xFFFFFFC0];
	(xrf2) =	vadd.scan.msk.f32 $0xffff, v26;
	v30 =	vbroadcast v25, $0xF  }
0x21c: {  	v19 =	vmul.f32 v19, v14;
	v26 =	vld [tilespmem:s6+$0xFFFFFFD0]  }
0x21d: {  	v22 =	vadd.f32 v22, v27;
	v24 =	vmul.f32 v24, v15;
	v27 =	vld [tilespmem:s6+$0x0];
	v11 =	vsel vm0, v30, v11;
	v25, _, _ =	vpop (xrf2)  }
0x21e: {  	v28 =	vmul.f32 v28, v14;
	v30 =	vld [tilespmem:s6+$0x10];
	(xrf2) =	vadd.scan.msk.f32 $0xffff, v20;
	v31 =	vbroadcast v25, $0xF  }
0x21f: {  	v19 =	vadd.f32 v24, v19;
	v24 =	vmul.f32 v29, v15;
	v25 =	vld [tilespmem:s6+$0x40]  }
0x220: {  	v23 =	vmul.f32 v23, v14;
	v29 =	vld [tilespmem:s6+$0x50];
	v8 =	vsel vm0, v31, v8;
	v20, _, _ =	vpop (xrf2)  }
0x221: {  	v24 =	vadd.f32 v24, v28;
	v26 =	vmul.f32 v26, v15;
	v28 =	vld [tilespmem:s6+$0x80];
	v20 =	vbroadcast v20, $0xF;
	(xrf2) =	vadd.scan.msk.f32 $0xffff, v16  }
0x222: {  	v16 =	vmul.f32 v27, v14;
	v27 =	vld [tilespmem:s6+$0x90]  }
0x223: {  	v23 =	vadd.f32 v26, v23;
	v26 =	vmul.f32 v30, v15;
	v30 =	vld [tilespmem:s6+$0xC0];
	v6 =	vsel vm0, v20, v6  }
0x224: {  	v20 =	vmul.f32 v25, v14;
	v25 =	vld [tilespmem:s6+$0xD0];
	(xrf2) =	vadd.scan.msk.f32 $0xffff, v13  }
0x225: {  	v13 =	vld [tilespmem:s6+$0xFFFFFEE0];
	v16 =	vadd.f32 v26, v16;
	v26 =	vmul.f32 v29, v15;
	v29, _, _ =	vpop (xrf2)  }
0x226: {  	v31 =	vmov s5;
	s5 =	smov.u32 s9;
	v32 =	vld [tilespmem:s6+$0xFFFFFF20];
	v28 =	vmul.f32 v28, v14;
	v29 =	vbroadcast v29, $0xF  }
0x227: {  	vm1 =	veq.s32 v31, v0;
	v31 =	vld [tilespmem:s6+$0xFFFFFF60];
	v20 =	vadd.f32 v26, v20;
	v26 =	vmul.f32 v27, v15;
	(xrf2) =	vadd.scan.msk.f32 $0xffff, v12  }
0x228: {  	v12 =	vld [tilespmem:s6+$0xFFFFFFA0];
	v14 =	vmul.f32 v30, v14;
	v1 =	vsel vm1, v29, v1;
	v27, _, _ =	vpop (xrf2)  }
0x229: {  	v27 =	vbroadcast v27, $0xF;
	v29 =	vld [tilespmem:s6+$0xFFFFFFE0];
	v26 =	vadd.f32 v26, v28;
	v30 =	vmul.f32 v25, v15  }
0x22a: {  	v13 =	vmul.f32 v13, v18;
	v25 =	vld [tilespmem:s6+$0x20]  }
0x22b: {  	v3 =	vsel vm1, v27, v3;
	v27 =	vmul.f32 v32, v18;
	v28 =	vld [tilespmem:s6+$0x60];
	v14 =	vadd.f32 v30, v14;
	v15, _, _ =	vpop (xrf2)  }
0x22c: {  	v13 =	vadd.f32 v13, v21;
	v21 =	vmul.f32 v31, v18;
	v30 =	vld [tilespmem:s6+$0xA0];
	v32 =	vbroadcast v15, $0xF  }
0x22d: {  	v22 =	vadd.f32 v27, v22;
	v12 =	vmul.f32 v12, v18;
	v27 =	vld [tilespmem:s6+$0xE0]  }
0x22e: {  	v31 =	vld [tilespmem:s6+$0xFFFFFEF0];
	v19 =	vadd.f32 v21, v19;
	v21 =	vmul.f32 v29, v18;
	v7 =	vsel vm0, v32, v7;
	v15, _, _ =	vpop (xrf2)  }
0x22f: {  	v29 =	vld [tilespmem:s6+$0xFFFFFF30];
	v12 =	vadd.f32 v12, v24;
	v24 =	vmul.f32 v25, v18;
	v33 =	vbroadcast v15, $0xF  }
0x230: {  	v25 =	vld [tilespmem:s6+$0xFFFFFF70];
	v32 =	vadd.f32 v21, v23;
	v21 =	vmul.f32 v28, v18  }
0x231: {  	v23 =	vld [tilespmem:s6+$0xFFFFFFB0];
	v16 =	vadd.f32 v24, v16;
	v24 =	vmul.f32 v30, v18;
	v5 =	vsel vm0, v33, v5;
	v15, _, _ =	vpop (xrf2)  }
0x232: {  	v28 =	vld [tilespmem:s6+$0xFFFFFFF0];
	v30 =	vadd.f32 v21, v20;
	v18 =	vmul.f32 v27, v18;
	v15 =	vbroadcast v15, $0xF  }
0x233: {  	v20 =	vmul.f32 v31, v17;
	v27 =	vld [tilespmem:s6+$0x30];
	v26 =	vadd.f32 v24, v26  }
0x234: {  	v21 =	vmul.f32 v29, v17;
	v29 =	vld [tilespmem:s6+$0x70];
	v18 =	vadd.f32 v18, v14;
	v4 =	vsel vm0, v15, v4  }
0x235: {  	vm0 =	vmmov vm1;
	v13 =	vadd.f32 v20, v13;
	v14 =	vmul.f32 v25, v17;
	v15 =	vld [tilespmem:s6+$0xB0]  }
0x236: {  	s7 =	sadd.s32 $0x40, s7;
	v31 =	vadd.f32 v21, v22;
	v20 =	vmul.f32 v23, v17;
	v33 =	vld [tilespmem:s6+$0xF0]  }
0x237: {  	v22 =	vld [tilespmem:s7+$0x10];
	v34 =	vadd.f32 v14, v19;
	v14 =	vmul.f32 v28, v17;
	(xrf2) =	vadd.scan.msk.f32 $0xffff, v13  }
0x238: {  	v23 =	vld [tilespmem:s7+$0x0];
	v21 =	vadd.f32 v20, v12;
	v12 =	vmul.f32 v27, v17  }
0x239: {  	v24 =	vld [tilespmem:s7+$0xFFFFFFE0];
	v20 =	vadd.f32 v14, v32;
	v13 =	vmul.f32 v29, v17  }
.Ltmp4:
0x23a: {  	s8 =	sadd.s32 $0x40, s8;
	v25 =	vld [tilespmem:s7+$0xFFFFFFF0];
	v19 =	vadd.f32 v12, v16;
	v12 =	vmul.f32 v15, v17;
	(xrf2) =	vadd.scan.msk.f32 $0xffff, v31;
	(pc) =	sbr.rel @p0 .LBB2_11-.Ltmp4, $4  }
0x23b: {  	v14 =	vld [tilespmem:s8+$0xFFFFFFE0];
	v16 =	vadd.f32 v13, v30;
	v17 =	vmul.f32 v33, v17  }
0x23c: {  	s6 =	sadd.s32 $0x280, s6;
	v15 =	vld [tilespmem:s8+$0xFFFFFFF0];
	v13 =	vadd.f32 v12, v26  }
0x23d: {  	v26 =	vld [tilespmem:s6+$0x100];
	v12 =	vadd.f32 v17, v18;
	(xrf2) =	vadd.scan.msk.f32 $0xffff, v34  }
0x23e: {  	s9 =	sadd.s32 $0x1, s9;
	v27 =	vld [tilespmem:s6+$0x110]  }
0x23f: {  	v18 =	vld [tilespmem:s8+$0x0]  }
0x240: {  	v28 =	vld [tilespmem:s6+$0x120]  }
0x241: {  	v17 =	vld [tilespmem:s8+$0x10]  }
0x242: {  	v29 =	vld [tilespmem:s6+$0x130]  }
0x243: {  	v30 =	vld [tilespmem:s6+$0xFFFFFEC0]  }
0x244: {  	v31 =	vld [tilespmem:s6+$0xFFFFFED0]  }
0x245: {  	v32 =	vld [tilespmem:s6+$0xFFFFFF00]  }
0x246: {  	v33 =	vld [tilespmem:s6+$0xFFFFFF10]  }
0x247: {  	v34 =	vld [tilespmem:s6+$0xFFFFFF40]  }
0x248: {  	v35 =	vld [tilespmem:s6+$0xFFFFFF50]  }
0x249: {  	v36 =	vld [tilespmem:s6+$0xFFFFFF80]  }
0x24a: {  	v37 =	vld [tilespmem:s6+$0xFFFFFF90]  }
0x24b: {  	v38 =	vld [tilespmem:s6+$0xFFFFFFC0]  }
0x24c: {  	v39 =	vld [tilespmem:s6+$0xFFFFFFD0]  }
0x24d: {  	v40 =	vld [tilespmem:s6+$0x0]  }
0x24e: {  	v41 =	vld [tilespmem:s6+$0x10]  }
0x24f: {  	v42 =	vld [tilespmem:s6+$0x40]  }
0x250: {  	v43 =	vld [tilespmem:s6+$0x50];
	v24 =	vmul.f32 v24, v14;
	v25 =	vmul.f32 v25, v15  }
0x251: {  	v44 =	vld [tilespmem:s6+$0x80];
	v26 =	vmul.f32 v26, v14;
	v27 =	vmul.f32 v27, v15  }
0x252: {  	v45 =	vld [tilespmem:s6+$0x90];
	v23 =	vmul.f32 v23, v18;
	v54 =	vmul.f32 v28, v18  }
0x253: {  	v48 =	vld [tilespmem:s6+$0x60];
	v22 =	vmul.f32 v22, v17;
	v55 =	vmul.f32 v29, v17  }
0x254: {  	v24 =	vadd.f32 v25, v24;
	v25 =	vld [tilespmem:s6+$0xC0];
	v56 =	vmul.f32 v30, v14;
	v57 =	vmul.f32 v31, v15  }
0x255: {  	v28 =	vld [tilespmem:s6+$0xD0];
	v58 =	vmul.f32 v32, v14;
	v59 =	vmul.f32 v33, v15  }
0x256: {  	v29 =	vld [tilespmem:s6+$0xFFFFFF20];
	v60 =	vmul.f32 v34, v14;
	v61 =	vmul.f32 v35, v15  }
0x257: {  	v31 =	vld [tilespmem:s6+$0xFFFFFF60];
	v62 =	vmul.f32 v36, v14;
	v63 =	vmul.f32 v37, v15  }
0x258: {  	v33 =	vld [tilespmem:s6+$0xFFFFFFA0];
	v46 =	vmul.f32 v38, v14;
	v47 =	vmul.f32 v39, v15  }
0x259: {  	v35 =	vld [tilespmem:s6+$0xFFFFFFE0];
	v49 =	vmul.f32 v40, v14;
	v50 =	vmul.f32 v41, v15  }
0x25a: {  	v37 =	vld [tilespmem:s6+$0x20];
	v51 =	vmul.f32 v42, v14;
	v26 =	vadd.f32 v27, v26;
	v23 =	vadd.f32 v23, v24  }
0x25b: {  	v41 =	vld [tilespmem:s6+$0xA0];
	v52 =	vmul.f32 v43, v15;
	v27 =	vadd.f32 v59, v58;
	v30 =	vadd.f32 v61, v60  }
0x25c: {  	v53 =	vmul.f32 v44, v14;
	v24 =	vld [tilespmem:s6+$0xFFFFFEE0];
	v32 =	vadd.f32 v63, v62;
	v26 =	vadd.f32 v54, v26  }
0x25d: {  	v43 =	vld [tilespmem:s6+$0xE0];
	v48 =	vmul.f32 v48, v18;
	v34 =	vadd.f32 v47, v46;
	v36 =	vadd.f32 v50, v49  }
0x25e: {  	v54 =	vmul.f32 v45, v15;
	v22 =	vadd.f32 v22, v23;
	v26 =	vadd.f32 v55, v26;
	v55 =	vld [tilespmem:s6+$0xFFFFFEF0]  }
0x25f: {  	(xrf2) =	vadd.scan.msk.f32 $0xffff, v21;
	v58 =	vld [tilespmem:s6+$0xFFFFFF30];
	v23 =	vadd.f32 v57, v56;
	v56 =	vmul.f32 v25, v14;
	v57 =	vmul.f32 v28, v15  }
0x260: {  	(xrf2) =	vadd.scan.msk.f32 $0xffff, v20;
	v21 =	vadd.f32 v52, v51;
	v60 =	vld [tilespmem:s6+$0xFFFFFF70];
	v59 =	vmul.f32 v29, v18;
	v61 =	vmul.f32 v31, v18  }
0x261: {  	(xrf2) =	vadd.scan.msk.f32 $0xffff, v19;
	v63 =	vld [tilespmem:s6+$0xFFFFFFB0];
	v20 =	vadd.f32 v54, v53;
	v62 =	vmul.f32 v33, v18;
	v24 =	vmul.f32 v24, v18  }
0x262: {  	v42 =	vld [tilespmem:s6+$0xFFFFFFF0];
	v40 =	vmul.f32 v35, v18;
	v46 =	vmul.f32 v37, v18;
	v14 =	vadd.f32 v57, v56;
	(xrf2) =	vadd.scan.msk.f32 $0xffff, v26  }
0x263: {  	v45 =	vld [tilespmem:s6+$0x30];
	v38 =	vadd.f32 v59, v27;
	(xrf2) =	vadd.scan.msk.f32 $0xffff, v22;
	v23 =	vadd.f32 v24, v23;
	v44 =	vmul.f32 v55, v17  }
0x264: {  	v47 =	vld [tilespmem:s6+$0x70];
	v15 =	vadd.f32 v61, v30;
	v19 =	vadd.f32 v62, v32;
	v25 =	vmul.f32 v58, v17;
	(xrf2) =	vadd.scan.msk.f32 $0xffff, v16  }
0x265: {  	v50 =	vld [tilespmem:s6+$0xB0];
	v26 =	vadd.f32 v40, v34;
	v49 =	vmul.f32 v60, v17;
	(xrf2) =	vadd.scan.msk.f32 $0xffff, v13;
	v22 =	vadd.f32 v44, v23  }
0x266: {  	v51, _, _ =	vpop (xrf2);
	v52 =	vadd.f32 v46, v36;
	v54 =	vmul.f32 v63, v17;
	v53 =	vadd.f32 v25, v38;
	v55 =	vld [tilespmem:s6+$0xF0];
	(xrf2) =	vadd.scan.msk.f32 $0xffff, v12  }
0x267: {  	v57 =	vmul.f32 v42, v17;
	v59 =	vmul.f32 v41, v18;
	v56, _, _ =	vpop (xrf2);
	v15 =	vadd.f32 v49, v15;
	(xrf2) =	vadd.scan.msk.f32 $0xffff, v22  }
0x268: {  	v18 =	vmul.f32 v43, v18;
	v60 =	vmul.f32 v45, v17;
	v58, _, _ =	vpop (xrf2);
	v19 =	vadd.f32 v54, v19;
	(xrf2) =	vadd.scan.msk.f32 $0xffff, v53  }
0x269: {  	v62 =	vmul.f32 v47, v17;
	v13 =	vadd.f32 v48, v21;
	v61, _, _ =	vpop (xrf2);
	v23 =	vadd.f32 v57, v26;
	(xrf2) =	vadd.scan.msk.f32 $0xffff, v15  }
0x26a: {  	v28 =	vmul.f32 v50, v17;
	v20 =	vadd.f32 v59, v20;
	v63, _, _ =	vpop (xrf2);
	v12 =	vadd.f32 v60, v52;
	(xrf2) =	vadd.scan.msk.f32 $0xffff, v19  }
0x26b: {  	v14 =	vadd.f32 v18, v14;
	v29, _, _ =	vpop (xrf2);
	v13 =	vadd.f32 v62, v13;
	v17 =	vmul.f32 v55, v17;
	(xrf2) =	vadd.scan.msk.f32 $0xffff, v23  }
0x26c: {  	v31 =	vbroadcast v51, $0xF;
	v20 =	vadd.f32 v28, v20;
	v30, _, _ =	vpop (xrf2);
	(xrf2) =	vadd.scan.msk.f32 $0xffff, v12  }
0x26d: {  	v14 =	vadd.f32 v17, v14;
	v32, _, _ =	vpop (xrf2);
	(xrf2) =	vadd.scan.msk.f32 $0xffff, v13  }
0x26e: {  	v2 =	vsel vm0, v31, v2;
	v41 =	vmov s5;
	v33 =	vbroadcast v56, $0xF;
	v35, _, _ =	vpop (xrf2);
	(xrf2) =	vadd.scan.msk.f32 $0xffff, v20  }
0x26f: {  	vm1 =	veq.s32 v41, v0;
	v34 =	vbroadcast v58, $0xF;
	v39 =	vbroadcast v63, $0xF;
	v37, _, _ =	vpop (xrf2);
	(xrf2) =	vadd.scan.msk.f32 $0xffff, v14  }
0x270: {  	vm2 =	vmmov vm1;
	v63 =	vbroadcast v30, $0xF;
	v42 =	vbroadcast v32, $0xF;
	v38, _, _ =	vpop (xrf2)  }
0x271: {  	v36 =	vbroadcast v61, $0xF;
	v9 =	vsel vm0, v33, v9;
	v10 =	vsel vm0, v34, v10;
	v40, _, _ =	vpop (xrf2)  }
0x272: {  	v1 =	vsel vm1, v63, v1;
	v3 =	vsel vm1, v42, v3;
	v43, _, _ =	vpop (xrf2);
	v44 =	vbroadcast v40, $0xF  }
0x273: {  	v11 =	vsel vm0, v36, v11;
	v8 =	vsel vm0, v39, v8;
	[tilespmem:s4+$0x18B00] =	vst v1;
	v45, _, _ =	vpop (xrf2);
	v46 =	vbroadcast v43, $0xF  }
0x274: {  	v19 =	vbroadcast v29, $0xF;
	[tilespmem:s4+$0x18600] =	vst v3;
	v47, _, _ =	vpop (xrf2);
	v2 =	vsel vm2, v44, v2;
	v48 =	vbroadcast v45, $0xF  }
0x275: {  	v49 =	vbroadcast v35, $0xF;
	v3, _, _ =	vpop (xrf2);
	v9 =	vsel vm2, v46, v9;
	v50 =	vbroadcast v47, $0xF;
	[tilespmem:s4+$0x18680] =	vst v2  }
0x276: {  	v55 =	vbroadcast v37, $0xF;
	v51 =	vsel vm2, v48, v10;
	v3 =	vbroadcast v3, $0xF;
	v52, _, _ =	vpop (xrf2);
	[tilespmem:s4+$0x18700] =	vst v9  }
0x277: {  	s3 =	sadd.s32 $0x1, s3;
	v7 =	vsel vm0, v49, v7;
	v53 =	vsel vm2, v50, v11;
	v10 =	vbroadcast v52, $0xF;
	v54, _, _ =	vpop (xrf2);
	[tilespmem:s4+$0x18780] =	vst v51  }
0x278: {  	p0 =	sne.s32 s3, $0x8;
	v2 =	vsel vm0, v19, v6;
	v3 =	vsel vm2, v3, v8;
	v56 =	vbroadcast v54, $0xF;
	v57, _, _ =	vpop (xrf2);
	[tilespmem:s4+$0x18800] =	vst v53  }
.Ltmp5:
0x279: {  	v58 =	vbroadcast v38, $0xF;
	v2 =	vsel vm2, v10, v2;
	v59 =	vbroadcast v57, $0xF;
	v60, _, _ =	vpop (xrf2);
	[tilespmem:s4+$0x18880] =	vst v3;
	(pc) =	sbr.rel @p0 .LBB2_10-.Ltmp5, $4  }
0x27a: {  	v3 =	vsel vm0, v55, v5;
	v61 =	vsel vm2, v56, v7;
	v62 =	vbroadcast v60, $0xF;
	[tilespmem:s4+$0x18900] =	vst v2  }
0x27b: {  	v2 =	vsel vm0, v58, v4;
	v3 =	vsel vm2, v59, v3;
	[tilespmem:s4+$0x18980] =	vst v61  }
0x27c: {  	v2 =	vsel vm2, v62, v2;
	[tilespmem:s4+$0x18A00] =	vst v3  }
0x27d: {  	s31 =	sadd.s32 $0x2800, s31;
	s0 =	sadd.s32 $0x400, s0;
	s2 =	sadd.s32 $0x400, s2;
	[tilespmem:s4+$0x18A80] =	vst v2  }
0x27e: {  	s0 =	simm.s32 $0x0;
	s2 =	rddreg [dreg:$0xc]  }
0x27f: {  	[hbm4b:s2+s0] =	stream.linear.scatter [tilespmem:s21], [sflag:$0x2], $0x80, $0x38;
	[tilespmem:$0x18B80] =	vst v63  }
0x280: {  	_ =	swait.ge [sflag:s26], $0x80  }
0x281: {  	[sflag:s26] =	ssyncset.done $0x0  }
0x282: {  	s8 =	rddreg [dreg:$0xd];
	[sflag:s26] =	ssyncadd.s32 $0xFFFFFF80  }
0x283: {  	[hbm4b:s8+s0] =	stream.linear.scatter [tilespmem:s22], [sflag:$0x2], $0x500, $0x38;
	[tilespmem:$0x18B80] =	vst v63  }
0x284: {  	_ =	swait.ge [sflag:s26], $0x500  }
0x285: {  	[sflag:s26] =	ssyncset.done $0x0  }
0x286: {  	s9 =	rddreg [dreg:$0xe];
	[sflag:s26] =	ssyncadd.s32 $0xFFFFFB00  }
0x287: {  	[tilespmem:s0], [sflag:$0x2] =	stream.linear.gather [hbm4b:s9+s0], $0x80, $0x38;
	[tilespmem:$0x18B80] =	vst v63  }
0x288: {  	_ =	swait.ge [sflag:s26], $0x80  }
0x289: {  	[sflag:s26] =	ssyncset.done $0x0  }
0x28a: {  	s30 =	rddreg [dreg:$0xf];
	[sflag:s26] =	ssyncadd.s32 $0xFFFFFF80  }
0x28b: {  	[tilespmem:s28], [sflag:$0x2] =	stream.linear.gather [hbm4b:s30+s0], $0x80, $0x38;
	[tilespmem:$0x18B80] =	vst v63  }
0x28c: {  	_ =	swait.ge [sflag:s26], $0x80  }
0x28d: {  	[sflag:s26] =	ssyncset.done $0x0  }
0x28e: {  	s31 =	rddreg [dreg:$0x14];
	[sflag:s26] =	ssyncadd.s32 $0xFFFFFF80  }
0x28f: {  	[tilespmem:s29], [sflag:$0x2] =	stream.linear.gather [hbm4b:s31+s0], $0x500, $0x38;
	[tilespmem:$0x18B80] =	vst v63  }
0x290: {  	_ =	swait.ge [sflag:s26], $0x500  }
0x291: {  	[sflag:s26] =	ssyncset.done $0x0  }
0x292: {  	[sflag:s26] =	ssyncadd.s32 $0xFFFFFB00  }
0x293: {  	v1 =	vld [tilespmem:$0x0]  }
0x294: {  	v2 =	vld [tilespmem:$0x80]  }
0x295: {  	v4 =	vld [tilespmem:$0x10]  }
0x296: {  	v6 =	vld [tilespmem:$0x90]  }
0x297: {  	v21 =	vld [tilespmem:$0x20]  }
0x298: {  	v8 =	vld [tilespmem:$0xA0]  }
0x299: {  	v9 =	vld [tilespmem:$0x30]  }
0x29a: {  	v27 =	vld [tilespmem:$0xB0]  }
0x29b: {  	v11 =	vld [tilespmem:$0x40];
	v3 =	vshll.u32 v1, $0x1;
	v5 =	vand.u32 $0xFFFFE000, v1;
	v1 =	vshrl.u32 v1, $0xC  }
0x29c: {  	v12 =	vld [tilespmem:$0xC0];
	v20 =	vshll.u32 v2, $0x1;
	v7 =	vand.u32 $0xFFFFE000, v2;
	v2 =	vshrl.u32 v2, $0xC  }
0x29d: {  	v36 =	vld [tilespmem:$0x50];
	v22 =	vand.u32 $0xFFFFE000, v4;
	v23 =	vshll.u32 v6, $0x1;
	v24 =	vand.u32 $0xFFFFE000, v6  }
0x29e: {  	v14 =	vld [tilespmem:$0xD0];
	v25 =	vshrl.u32 v6, $0xC;
	v26 =	vshll.u32 v21, $0x1;
	v10 =	vand.u32 $0xFFFFE000, v21  }
0x29f: {  	v15 =	vld [tilespmem:$0x60];
	v29 =	vshll.u32 v8, $0x1;
	v30 =	vand.u32 $0xFFFFE000, v8;
	v8 =	vshrl.u32 v8, $0xC  }
0x2a0: {  	v46 =	vld [tilespmem:$0xE0];
	v32 =	vshll.u32 v9, $0x1;
	v33 =	vand.u32 $0xFFFFE000, v9;
	v34 =	vshrl.u32 v9, $0xC  }
0x2a1: {  	v51 =	vld [tilespmem:$0x70];
	v35 =	vshll.u32 v27, $0x1;
	v13 =	vand.u32 $0xFFFFE000, v27;
	v38 =	vshll.u32 v11, $0x1  }
0x2a2: {  	v55 =	vld [tilespmem:$0xF0];
	v39 =	vand.u32 $0xFFFFE000, v11;
	v11 =	vshrl.u32 v11, $0xC;
	v41 =	vshll.u32 v12, $0x1  }
0x2a3: {  	v42 =	vand.u32 $0xFFFFE000, v12;
	v43 =	vshrl.u32 v12, $0xC;
	v44 =	vshll.u32 v36, $0x1  }
0x2a4: {  	v47 =	vand.u32 $0xFFFFE000, v14;
	v48 =	vshrl.u32 v14, $0xC;
	v50 =	vshll.u32 v15, $0x1  }
0x2a5: {  	v52 =	vand.u32 $0xFFFFE000, v15;
	v53 =	vshrl.u32 v15, $0xC;
	v54 =	vshll.u32 v46, $0x1  }
0x2a6: {  	v56 =	vand.u32 $0xFFFFE000, v46;
	v57 =	vshrl.u32 v46, $0xC;
	v60 =	vshll.u32 v51, $0x1  }
0x2a7: {  	v61 =	vshrl.u32 v51, $0xC;
	v62 =	vshll.u32 v55, $0x1;
	v63 =	vshrl.u32 v55, $0xC  }
0x2a8: {  	v3 =	vand.u32 $0x1FFE, v3;
	v1 =	vand.u32 $0x1, v1;
	v2 =	vand.u32 $0x1, v2  }
0x2a9: {  	v6 =	vand.u32 $0x1FFE, v26;
	v31 =	vand.u32 $0x1, v8;
	v8 =	vand.u32 $0x1FFE, v32  }
0x2aa: {  	v9 =	vand.u32 $0x1FFE, v35;
	v40 =	vand.u32 $0x1, v11;
	v11 =	vand.u32 $0x1FFE, v41  }
0x2ab: {  	v12 =	vand.u32 $0x1FFE, v44;
	v49 =	vand.u32 $0x1, v48;
	v58 =	vand.u32 $0x1, v57  }
0x2ac: {  	v3 =	vor.u32 v5, v3;
	v5 =	vand.u32 $0x1FFE, v20;
	v6 =	vor.u32 v10, v6  }
0x2ad: {  	v10 =	vshrl.u32 v27, $0xC;
	v9 =	vor.u32 v13, v9;
	v13 =	vshrl.u32 v36, $0xC  }
0x2ae: {  	v5 =	vor.u32 v7, v5;
	v1 =	vor.u32 v1, v3;
	v3 =	vshll.u32 v4, $0x1  }
0x2af: {  	v4 =	vshrl.u32 v4, $0xC;
	v7 =	vshrl.u32 v21, $0xC;
	v10 =	vand.u32 $0x1, v10  }
0x2b0: {  	v45 =	vand.u32 $0x1, v13;
	v2 =	vor.u32 v2, v5;
	v3 =	vand.u32 $0x1FFE, v3  }
0x2b1: {  	v4 =	vand.u32 $0x1, v4;
	v5 =	vand.u32 $0x1FFE, v23;
	v7 =	vand.u32 $0x1, v7  }
0x2b2: {  	v37 =	vor.u32 v10, v9;
	v9 =	vand.u32 $0x1FFE, v38;
	v10 =	vor.u32 v42, v11;
	[tilespmem:$0x0] =	vst v1  }
0x2b3: {  	v1 =	vand.u32 $0xFFFFE000, v36;
	v3 =	vor.u32 v22, v3;
	v28 =	vor.u32 v7, v6;
	[tilespmem:$0x80] =	vst v2  }
0x2b4: {  	v6 =	vand.u32 $0x1FFE, v29;
	v7 =	vor.u32 v33, v8;
	v8 =	vand.u32 $0x1, v34;
	[tilespmem:$0xB0] =	vst v37  }
0x2b5: {  	v9 =	vor.u32 v39, v9;
	v2 =	vand.u32 $0x1, v43;
	v3 =	vor.u32 v4, v3;
	[tilespmem:$0x20] =	vst v28  }
0x2b6: {  	v1 =	vor.u32 v1, v12;
	v4 =	vor.u32 v24, v5;
	v7 =	vor.u32 v8, v7;
	[tilespmem:$0x10] =	vst v3  }
0x2b7: {  	v5 =	vand.u32 $0x1, v25;
	v6 =	vor.u32 v30, v6;
	v9 =	vor.u32 v40, v9;
	[tilespmem:$0x30] =	vst v7  }
0x2b8: {  	v2 =	vor.u32 v2, v10;
	v1 =	vor.u32 v45, v1;
	v4 =	vor.u32 v5, v4;
	[tilespmem:$0x40] =	vst v9  }
0x2b9: {  	v6 =	vor.u32 v31, v6;
	v3 =	vshll.u32 v14, $0x1;
	v5 =	vand.u32 $0x1FFE, v50;
	[tilespmem:$0x50] =	vst v1  }
0x2ba: {  	v1 =	vand.u32 $0xFFFFE000, v51;
	[tilespmem:$0x90] =	vst v4;
	v3 =	vand.u32 $0x1FFE, v3;
	v4 =	vor.u32 v52, v5  }
0x2bb: {  	[tilespmem:$0xA0] =	vst v6;
	v6 =	vand.u32 $0x1FFE, v54;
	v5 =	vand.u32 $0x1, v53;
	v3 =	vor.u32 v47, v3  }
0x2bc: {  	[tilespmem:$0xC0] =	vst v2;
	v6 =	vor.u32 v56, v6;
	v2 =	vor.u32 v5, v4;
	v5 =	vand.u32 $0x1FFE, v60  }
0x2bd: {  	v3 =	vor.u32 v49, v3;
	v59 =	vor.u32 v58, v6;
	v1 =	vor.u32 v1, v5;
	[tilespmem:$0x60] =	vst v2  }
0x2be: {  	v2 =	vand.u32 $0xFFFFE000, v55;
	v5 =	vand.u32 $0x1FFE, v62;
	[tilespmem:$0xD0] =	vst v3;
	v3 =	vand.u32 $0x1, v61  }
0x2bf: {  	[tilespmem:$0xE0] =	vst v59;
	v2 =	vor.u32 v2, v5;
	v1 =	vor.u32 v3, v1;
	v3 =	vand.u32 $0x1, v63  }
0x2c0: {  	[tilespmem:$0x70] =	vst v1;
	v1 =	vor.u32 v3, v2  }
0x2c1: {  	s2 =	simm.s32 $0x40;
	s0 =	simm.s32 $0x0;
	[tilespmem:$0xF0] =	vst v1  }
.LBB2_14:
0x2c2: {  	p0 =	sne.s32 s2, $0x13C0;
	v1 =	vld [tilespmem:s0+$0x100];
	_ =	sdelay $0x4  }
.Ltmp6:
0x2c3: {  	v2 =	vshll.u32 v1, $0x1;
	(pc) =	sbr.rel @p0 .LBB2_14-.Ltmp6, $4  }
0x2c4: {  	v3 =	vand.u32 $0xFFFFE000, v1;
	v1 =	vshrl.u32 v1, $0xC;
	v2 =	vand.u32 $0x1FFE, v2  }
0x2c5: {  	v1 =	vand.u32 $0x1, v1;
	v2 =	vor.u32 v3, v2  }
0x2c6: {  	v1 =	vor.u32 v1, v2  }
0x2c7: {  	[tilespmem:s0+$0x100] =	vst v1;
	s0 =	sshra.s32 s2, $0x2;
	s2 =	sadd.s32 $0x40, s2  }
0x2c8: {  	v1 =	vld [tilespmem:s0+$0x100];
	_ =	sdelay $0x4  }
0x2c9: {  	v2 =	vshll.u32 v1, $0x1  }
0x2ca: {  	v3 =	vand.u32 $0xFFFFE000, v1;
	v1 =	vshrl.u32 v1, $0xC;
	v2 =	vand.u32 $0x1FFE, v2  }
0x2cb: {  	v1 =	vand.u32 $0x1, v1;
	v2 =	vor.u32 v3, v2  }
0x2cc: {  	v1 =	vor.u32 v1, v2  }
0x2cd: {  	s30 =	simm.s32 $0x0;
	s8 =	simm.s32 $0x600;
	[tilespmem:s0+$0x100] =	vst v1  }
0x2ce: {  	[tilespmem:s8], [sflag:$0x1] =	stream.indirect.gather [hbm4b:s23+s28], $0x40, s30, s28, $0xb8;
	[tilespmem:$0x18B80] =	vst v63  }
0x2cf: {  	s9 =	simm.s32 $0x2600  }
0x2d0: {  	[tilespmem:s9], [sflag:$0x1] =	stream.indirect.gather [hbm4b:s24+s28], $0x40, s28, s28, $0xb8;
	[tilespmem:$0x18B80] =	vst v63  }
0x2d1: {  	s2 =	simm.s32 $0x4600  }
0x2d2: {  	[tilespmem:s2], [sflag:$0x1] =	stream.indirect.gather [hbm4b:s24+s28], $0x40, s29, s28, $0xb8;
	[tilespmem:$0x18B80] =	vst v63  }
0x2d3: {  	s3 =	simm.s32 $0x180;
	s2 =	simm.s32 $0x6600  }
0x2d4: {  	[tilespmem:s2], [sflag:$0x1] =	stream.indirect.gather [hbm4b:s24+s28], $0x40, s3, s28, $0xb8;
	[tilespmem:$0x18B80] =	vst v63  }
0x2d5: {  	s4 =	simm.s32 $0x200;
	s5 =	simm.s32 $0x8600  }
0x2d6: {  	[tilespmem:s5], [sflag:$0x1] =	stream.indirect.gather [hbm4b:s24+s28], $0x40, s4, s28, $0xb8;
	[tilespmem:$0x18B80] =	vst v63  }
0x2d7: {  	s6 =	simm.s32 $0x280;
	s7 =	simm.s32 $0xA600  }
0x2d8: {  	[tilespmem:s7], [sflag:$0x1] =	stream.indirect.gather [hbm4b:s24+s28], $0x40, s6, s28, $0xb8;
	[tilespmem:$0x18B80] =	vst v63  }
0x2d9: {  	s8 =	simm.s32 $0x300;
	s9 =	simm.s32 $0xC600  }
0x2da: {  	[tilespmem:s9], [sflag:$0x1] =	stream.indirect.gather [hbm4b:s24+s28], $0x40, s8, s28, $0xb8;
	[tilespmem:$0x18B80] =	vst v63  }
0x2db: {  	_ = 	snop  }
0x2dc: {  	[tilespmem:s11], [sflag:$0x1] =	stream.indirect.gather [hbm4b:s24+s28], $0x40, s10, s28, $0xb8;
	[tilespmem:$0x18B80] =	vst v63  }
0x2dd: {  	_ = 	snop  }
0x2de: {  	[tilespmem:s13], [sflag:$0x1] =	stream.indirect.gather [hbm4b:s24+s28], $0x40, s12, s28, $0xb8;
	[tilespmem:$0x18B80] =	vst v63  }
0x2df: {  	_ = 	snop  }
0x2e0: {  	[tilespmem:s15], [sflag:$0x1] =	stream.indirect.gather [hbm4b:s24+s28], $0x40, s14, s28, $0xb8;
	[tilespmem:$0x18B80] =	vst v63  }
0x2e1: {  	_ = 	snop  }
0x2e2: {  	[tilespmem:s17], [sflag:$0x1] =	stream.indirect.gather [hbm4b:s24+s28], $0x40, s16, s28, $0xb8;
	[tilespmem:$0x18B80] =	vst v63  }
0x2e3: {  	_ = 	snop  }
0x2e4: {  	[tilespmem:s19], [sflag:$0x1] =	stream.indirect.gather [hbm4b:s24+s28], $0x40, s18, s28, $0xb8;
	[tilespmem:$0x18B80] =	vst v63  }
0x2e5: {  	_ =	swait.ge [sflag:s20], $0x2000  }
0x2e6: {  	[sflag:s20] =	ssyncset.done $0x0  }
0x2e7: {  	[sflag:s20] =	ssyncadd.s32 $0xFFFFE000  }
0x2e8: {  	_ =	swait.ge [sflag:s20], $0x2000  }
0x2e9: {  	[sflag:s20] =	ssyncset.done $0x0  }
0x2ea: {  	[sflag:s20] =	ssyncadd.s32 $0xFFFFE000  }
0x2eb: {  	_ =	swait.ge [sflag:s20], $0x2000  }
0x2ec: {  	[sflag:s20] =	ssyncset.done $0x0  }
0x2ed: {  	[sflag:s20] =	ssyncadd.s32 $0xFFFFE000  }
0x2ee: {  	_ =	swait.ge [sflag:s20], $0x2000  }
0x2ef: {  	[sflag:s20] =	ssyncset.done $0x0  }
0x2f0: {  	[sflag:s20] =	ssyncadd.s32 $0xFFFFE000  }
0x2f1: {  	_ =	swait.ge [sflag:s20], $0x2000  }
0x2f2: {  	[sflag:s20] =	ssyncset.done $0x0  }
0x2f3: {  	[sflag:s20] =	ssyncadd.s32 $0xFFFFE000  }
0x2f4: {  	_ =	swait.ge [sflag:s20], $0x2000  }
0x2f5: {  	[sflag:s20] =	ssyncset.done $0x0  }
0x2f6: {  	[sflag:s20] =	ssyncadd.s32 $0xFFFFE000  }
0x2f7: {  	_ =	swait.ge [sflag:s20], $0x2000  }
0x2f8: {  	[sflag:s20] =	ssyncset.done $0x0  }
0x2f9: {  	[sflag:s20] =	ssyncadd.s32 $0xFFFFE000  }
0x2fa: {  	_ =	swait.ge [sflag:s20], $0x2000  }
0x2fb: {  	[sflag:s20] =	ssyncset.done $0x0  }
0x2fc: {  	[sflag:s20] =	ssyncadd.s32 $0xFFFFE000  }
0x2fd: {  	_ =	swait.ge [sflag:s20], $0x2000  }
0x2fe: {  	[sflag:s20] =	ssyncset.done $0x0  }
0x2ff: {  	[sflag:s20] =	ssyncadd.s32 $0xFFFFE000  }
0x300: {  	_ =	swait.ge [sflag:s20], $0x2000  }
0x301: {  	[sflag:s20] =	ssyncset.done $0x0  }
0x302: {  	[sflag:s20] =	ssyncadd.s32 $0xFFFFE000  }
0x303: {  	_ =	swait.ge [sflag:s20], $0x2000  }
0x304: {  	[sflag:s20] =	ssyncset.done $0x0  }
0x305: {  	[sflag:s20] =	ssyncadd.s32 $0xFFFFE000  }
0x306: {  	_ =	swait.ge [sflag:s20], $0x2000  }
0x307: {  	s31 =	simm.s32 $0x4740;
	s0 =	simm.s32 $0x2620;
	[sflag:s20] =	ssyncset.done $0x0  }
0x308: {  	s2 =	simm.s32 $0x620;
	s3 =	simm.s32 $0x0;
	[sflag:s20] =	ssyncadd.s32 $0xFFFFE000  }
.LBB2_16:
0x309: {  	v1 =	vld [tilespmem:s0+$0x10]  }
0x30a: {  	v2 =	vld [tilespmem:s0+$0x0]  }
0x30b: {  	v3 =	vld [tilespmem:s0+$0xFFFFFFE0]  }
0x30c: {  	v4 =	vld [tilespmem:s0+$0xFFFFFFF0]  }
0x30d: {  	v5 =	vld [tilespmem:s2+$0xFFFFFFE0]  }
0x30e: {  	v6 =	vld [tilespmem:s2+$0xFFFFFFF0]  }
0x30f: {  	v7 =	vld [tilespmem:s31+$0x100]  }
0x310: {  	v8 =	vld [tilespmem:s31+$0x110]  }
0x311: {  	v9 =	vld [tilespmem:s2+$0x0]  }
0x312: {  	v10 =	vld [tilespmem:s31+$0x120]  }
0x313: {  	v11 =	vld [tilespmem:s2+$0x10]  }
0x314: {  	v12 =	vld [tilespmem:s31+$0x130]  }
0x315: {  	v13 =	vld [tilespmem:s31+$0xFFFFFEC0]  }
0x316: {  	v14 =	vld [tilespmem:s31+$0xFFFFFED0]  }
0x317: {  	v15 =	vld [tilespmem:s31+$0xFFFFFF00]  }
0x318: {  	v16 =	vld [tilespmem:s31+$0xFFFFFF10]  }
0x319: {  	v17 =	vld [tilespmem:s31+$0xFFFFFF40]  }
0x31a: {  	v18 =	vld [tilespmem:s31+$0xFFFFFF50]  }
0x31b: {  	v19 =	vld [tilespmem:s31+$0xFFFFFF80]  }
0x31c: {  	v20 =	vld [tilespmem:s31+$0xFFFFFF90]  }
0x31d: {  	v21 =	vld [tilespmem:s31+$0xFFFFFFC0]  }
0x31e: {  	v22 =	vld [tilespmem:s31+$0xFFFFFFD0]  }
0x31f: {  	v23 =	vld [tilespmem:s31+$0x0];
	v3 =	vmul.f32 v3, v5;
	v4 =	vmul.f32 v4, v6  }
0x320: {  	v24 =	vld [tilespmem:s31+$0x10];
	v7 =	vmul.f32 v7, v5;
	v8 =	vmul.f32 v8, v6  }
0x321: {  	v25 =	vld [tilespmem:s31+$0x90];
	v2 =	vmul.f32 v2, v9;
	v3 =	vadd.f32 v4, v3  }
0x322: {  	v7 =	vadd.f32 v8, v7;
	v8 =	vmul.f32 v10, v9;
	v4 =	vld [tilespmem:s31+$0x50]  }
0x323: {  	v26 =	vld [tilespmem:s31+$0xFFFFFFF0];
	v1 =	vmul.f32 v1, v11;
	v2 =	vadd.f32 v2, v3  }
0x324: {  	v10 =	vld [tilespmem:s31+$0x40];
	v7 =	vadd.f32 v8, v7;
	v8 =	vmul.f32 v12, v11  }
0x325: {  	v12 =	vld [tilespmem:s31+$0x80];
	v1 =	vadd.f32 v1, v2;
	v2 =	vmul.f32 v13, v5  }
0x326: {  	v3 =	vadd.f32 v8, v7;
	v7 =	vld [tilespmem:s31+$0xC0];
	v13 =	vmul.f32 v14, v6;
	v14 =	vmul.f32 v15, v5  }
0x327: {  	v15 =	vmul.f32 v16, v6;
	v16 =	vld [tilespmem:s31+$0xFFFFFF20];
	v4 =	vmul.f32 v4, v6  }
0x328: {  	v8 =	vld [tilespmem:s31+$0xD0];
	(xrf2) =	vadd.scan.msk.f32 $0xffff, v3;
	v13 =	vadd.f32 v13, v2;
	v2 =	vmul.f32 v17, v5;
	v17 =	vmul.f32 v18, v6  }
0x329: {  	v3 =	vld [tilespmem:s31+$0xFFFFFEE0];
	v14 =	vadd.f32 v15, v14;
	v15 =	vmul.f32 v19, v5;
	v18 =	vmul.f32 v20, v6  }
0x32a: {  	v19 =	vld [tilespmem:s31+$0xFFFFFFA0];
	v20 =	vmul.f32 v22, v6;
	v17 =	vadd.f32 v17, v2;
	v2 =	vmul.f32 v21, v5  }
0x32b: {  	v22 =	vmul.f32 v24, v6;
	(xrf2) =	vadd.scan.msk.f32 $0xffff, v1;
	v1 =	vld [tilespmem:s31+$0xFFFFFF60];
	v15 =	vadd.f32 v18, v15;
	v18 =	vmul.f32 v23, v5  }
0x32c: {  	v12 =	vmul.f32 v12, v5;
	v21 =	vld [tilespmem:s31+$0xFFFFFFE0];
	v16 =	vmul.f32 v16, v9;
	v20 =	vadd.f32 v20, v2  }
0x32d: {  	v2 =	vmul.f32 v10, v5;
	v10 =	vld [tilespmem:s31+$0x60];
	v18 =	vadd.f32 v22, v18;
	v22 =	vmov s30  }
0x32e: {  	v24 =	vld [tilespmem:s31+$0xA0];
	v5 =	vmul.f32 v7, v5;
	vm0 =	veq.s32 v22, v0;
	v22 =	vmul.f32 v25, v6  }
0x32f: {  	v7 =	vld [tilespmem:s31+$0xFFFFFEF0];
	v6 =	vmul.f32 v8, v6;
	v3 =	vmul.f32 v3, v9  }
0x330: {  	v23 =	vld [tilespmem:s31+$0x20];
	v14 =	vadd.f32 v16, v14;
	v16 =	vmul.f32 v19, v9;
	v4 =	vadd.f32 v4, v2  }
0x331: {  	v2 =	vimm.f32 $0.0e+00;
	v1 =	vmul.f32 v1, v9;
	v12 =	vadd.f32 v22, v12;
	v22 =	vld [tilespmem:s31+$0xFFFFFF30]  }
0x332: {  	v5 =	vadd.f32 v6, v5;
	v6 =	vld [tilespmem:s31+$0xFFFFFF70];
	v21 =	vmul.f32 v21, v9;
	v10 =	vmul.f32 v10, v9;
	v8, _, _ =	vpop (xrf2)  }
0x333: {  	v25 =	vld [tilespmem:s31+$0xE0];
	v13 =	vadd.f32 v3, v13;
	v17 =	vadd.f32 v1, v17;
	v8 =	vbroadcast v8, $0xF  }
0x334: {  	v27 =	vld [tilespmem:s31+$0x70];
	v20 =	vadd.f32 v21, v20;
	v7 =	vmul.f32 v7, v11;
	v4 =	vadd.f32 v10, v4  }
0x335: {  	v19 =	vld [tilespmem:s31+$0xFFFFFFB0];
	v3, _, _ =	vpop (xrf2);
	v1 =	vsel vm0, v8, v2;
	v8 =	vadd.f32 v16, v15;
	v15 =	vmul.f32 v23, v9  }
0x336: {  	v7 =	vadd.f32 v7, v13;
	v3 =	vbroadcast v3, $0xF;
	v10 =	vmul.f32 v22, v11;
	v16 =	vld [tilespmem:s31+$0x30]  }
0x337: {  	v28 =	vld [tilespmem:s31+$0xF0];
	v6 =	vmul.f32 v6, v11;
	v15 =	vadd.f32 v15, v18;
	v18 =	vmul.f32 v24, v9  }
0x338: {  	s7 =	sadd.s32 $0x40, s0;
	(xrf2) =	vadd.scan.msk.f32 $0xffff, v7;
	v7 =	vimm.f32 $0.0e+00;
	v3 =	vsel vm0, v3, v2;
	v9 =	vmul.f32 v25, v9;
	v25 =	vld [tilespmem:s31+$0xB0]  }
0x339: {  	v22 =	vld [tilespmem:s7+$0x10];
	v17 =	vadd.f32 v6, v17;
	v6 =	vmul.f32 v26, v11;
	v12 =	vadd.f32 v18, v12  }
0x33a: {  	v23 =	vld [tilespmem:s7+$0x0];
	v5 =	vadd.f32 v9, v5;
	v18 =	vadd.f32 v10, v14;
	v9 =	vmul.f32 v19, v11  }
0x33b: {  	s8 =	sadd.s32 $0x40, s2;
	vm0 =	vmmov vm0;
	v24 =	vld [tilespmem:s7+$0xFFFFFFE0];
	v20 =	vadd.f32 v6, v20;
	v10 =	vmul.f32 v16, v11  }
0x33c: {  	v6 =	vmul.f32 v28, v11;
	v14 =	vld [tilespmem:s8+$0xFFFFFFE0];
	v21 =	vadd.f32 v9, v8;
	v8 =	vmul.f32 v27, v11;
	(xrf2) =	vadd.scan.msk.f32 $0xffff, v18  }
0x33d: {  	v9 =	vmul.f32 v25, v11;
	v25 =	vld [tilespmem:s7+$0xFFFFFFF0];
	v19 =	vadd.f32 v10, v15;
	v10 =	vimm.f32 $0.0e+00  }
0x33e: {  	s6 =	sadd.s32 $0x280, s31;
	v15 =	vld [tilespmem:s8+$0xFFFFFFF0];
	v11 =	vimm.f32 $0.0e+00;
	v16 =	vadd.f32 v8, v4;
	v8 =	vimm.f32 $0.0e+00  }
0x33f: {  	v26 =	vld [tilespmem:s6+$0x100];
	(xrf2) =	vadd.scan.msk.f32 $0xffff, v17;
	v4 =	vimm.f32 $0.0e+00;
	v13 =	vadd.f32 v9, v12;
	v12 =	vadd.f32 v6, v5  }
0x340: {  	s4 =	sshll.u32 s3, $0x4;
	s5 =	simm.s32 $0x1;
	s9 =	simm.s32 $0x2;
	v27 =	vld [tilespmem:s6+$0x110];
	v9 =	vimm.f32 $0.0e+00;
	v6 =	vimm.f32 $0.0e+00;
	v5 =	vimm.f32 $0.0e+00  }
.LBB2_17:
0x341: {  	p0 =	sne.s32 s9, $0xF;
	v18 =	vld [tilespmem:s8+$0x0]  }
0x342: {  	v24 =	vmul.f32 v24, v14;
	v28 =	vld [tilespmem:s6+$0x120];
	(xrf2) =	vadd.scan.msk.f32 $0xffff, v21  }
0x343: {  	v17 =	vld [tilespmem:s8+$0x10];
	v21 =	vmul.f32 v25, v15;
	v25, _, _ =	vpop (xrf2)  }
0x344: {  	v29 =	vld [tilespmem:s6+$0x130];
	v30 =	vbroadcast v25, $0xF  }
0x345: {  	v26 =	vmul.f32 v26, v14;
	v21 =	vadd.f32 v21, v24;
	v24 =	vld [tilespmem:s6+$0xFFFFFEC0];
	v27 =	vmul.f32 v27, v15;
	(xrf2) =	vadd.scan.msk.f32 $0xffff, v20  }
0x346: {  	v20 =	vmul.f32 v23, v18;
	v23 =	vld [tilespmem:s6+$0xFFFFFED0];
	v2 =	vsel vm0, v30, v2;
	v25, _, _ =	vpop (xrf2)  }
0x347: {  	v30 =	vld [tilespmem:s6+$0xFFFFFF00];
	v26 =	vadd.f32 v27, v26;
	v27 =	vmul.f32 v28, v18;
	v28 =	vbroadcast v25, $0xF  }
0x348: {  	v20 =	vadd.f32 v20, v21;
	v21 =	vmul.f32 v22, v17;
	v22 =	vld [tilespmem:s6+$0xFFFFFF10];
	(xrf2) =	vadd.scan.msk.f32 $0xffff, v19  }
0x349: {  	v19 =	vld [tilespmem:s6+$0xFFFFFF40];
	v26 =	vadd.f32 v27, v26;
	v27 =	vmul.f32 v29, v17;
	v9 =	vsel vm0, v28, v9;
	v25, _, _ =	vpop (xrf2)  }
0x34a: {  	v20 =	vadd.f32 v21, v20;
	v21 =	vmul.f32 v24, v14;
	v24 =	vld [tilespmem:s6+$0xFFFFFF50];
	v31 =	vbroadcast v25, $0xF  }
0x34b: {  	v23 =	vmul.f32 v23, v15;
	v28 =	vld [tilespmem:s6+$0xFFFFFF80];
	v26 =	vadd.f32 v27, v26  }
0x34c: {  	v27 =	vmul.f32 v30, v14;
	v29 =	vld [tilespmem:s6+$0xFFFFFF90];
	v10 =	vsel vm0, v31, v10;
	v25, _, _ =	vpop (xrf2)  }
0x34d: {  	v21 =	vadd.f32 v23, v21;
	v22 =	vmul.f32 v22, v15;
	v23 =	vld [tilespmem:s6+$0xFFFFFFC0];
	(xrf2) =	vadd.scan.msk.f32 $0xffff, v26;
	v30 =	vbroadcast v25, $0xF  }
0x34e: {  	v19 =	vmul.f32 v19, v14;
	v26 =	vld [tilespmem:s6+$0xFFFFFFD0]  }
0x34f: {  	v22 =	vadd.f32 v22, v27;
	v24 =	vmul.f32 v24, v15;
	v27 =	vld [tilespmem:s6+$0x0];
	v11 =	vsel vm0, v30, v11;
	v25, _, _ =	vpop (xrf2)  }
0x350: {  	v28 =	vmul.f32 v28, v14;
	v30 =	vld [tilespmem:s6+$0x10];
	(xrf2) =	vadd.scan.msk.f32 $0xffff, v20;
	v31 =	vbroadcast v25, $0xF  }
0x351: {  	v19 =	vadd.f32 v24, v19;
	v24 =	vmul.f32 v29, v15;
	v25 =	vld [tilespmem:s6+$0x40]  }
0x352: {  	v23 =	vmul.f32 v23, v14;
	v29 =	vld [tilespmem:s6+$0x50];
	v8 =	vsel vm0, v31, v8;
	v20, _, _ =	vpop (xrf2)  }
0x353: {  	v24 =	vadd.f32 v24, v28;
	v26 =	vmul.f32 v26, v15;
	v28 =	vld [tilespmem:s6+$0x80];
	v20 =	vbroadcast v20, $0xF;
	(xrf2) =	vadd.scan.msk.f32 $0xffff, v16  }
0x354: {  	v16 =	vmul.f32 v27, v14;
	v27 =	vld [tilespmem:s6+$0x90]  }
0x355: {  	v23 =	vadd.f32 v26, v23;
	v26 =	vmul.f32 v30, v15;
	v30 =	vld [tilespmem:s6+$0xC0];
	v6 =	vsel vm0, v20, v6  }
0x356: {  	v20 =	vmul.f32 v25, v14;
	v25 =	vld [tilespmem:s6+$0xD0];
	(xrf2) =	vadd.scan.msk.f32 $0xffff, v13  }
0x357: {  	v13 =	vld [tilespmem:s6+$0xFFFFFEE0];
	v16 =	vadd.f32 v26, v16;
	v26 =	vmul.f32 v29, v15;
	v29, _, _ =	vpop (xrf2)  }
0x358: {  	v31 =	vmov s5;
	s5 =	smov.u32 s9;
	v32 =	vld [tilespmem:s6+$0xFFFFFF20];
	v28 =	vmul.f32 v28, v14;
	v29 =	vbroadcast v29, $0xF  }
0x359: {  	vm1 =	veq.s32 v31, v0;
	v31 =	vld [tilespmem:s6+$0xFFFFFF60];
	v20 =	vadd.f32 v26, v20;
	v26 =	vmul.f32 v27, v15;
	(xrf2) =	vadd.scan.msk.f32 $0xffff, v12  }
0x35a: {  	v12 =	vld [tilespmem:s6+$0xFFFFFFA0];
	v14 =	vmul.f32 v30, v14;
	v1 =	vsel vm1, v29, v1;
	v27, _, _ =	vpop (xrf2)  }
0x35b: {  	v27 =	vbroadcast v27, $0xF;
	v29 =	vld [tilespmem:s6+$0xFFFFFFE0];
	v26 =	vadd.f32 v26, v28;
	v30 =	vmul.f32 v25, v15  }
0x35c: {  	v13 =	vmul.f32 v13, v18;
	v25 =	vld [tilespmem:s6+$0x20]  }
0x35d: {  	v3 =	vsel vm1, v27, v3;
	v27 =	vmul.f32 v32, v18;
	v28 =	vld [tilespmem:s6+$0x60];
	v14 =	vadd.f32 v30, v14;
	v15, _, _ =	vpop (xrf2)  }
0x35e: {  	v13 =	vadd.f32 v13, v21;
	v21 =	vmul.f32 v31, v18;
	v30 =	vld [tilespmem:s6+$0xA0];
	v32 =	vbroadcast v15, $0xF  }
0x35f: {  	v22 =	vadd.f32 v27, v22;
	v12 =	vmul.f32 v12, v18;
	v27 =	vld [tilespmem:s6+$0xE0]  }
0x360: {  	v31 =	vld [tilespmem:s6+$0xFFFFFEF0];
	v19 =	vadd.f32 v21, v19;
	v21 =	vmul.f32 v29, v18;
	v7 =	vsel vm0, v32, v7;
	v15, _, _ =	vpop (xrf2)  }
0x361: {  	v29 =	vld [tilespmem:s6+$0xFFFFFF30];
	v12 =	vadd.f32 v12, v24;
	v24 =	vmul.f32 v25, v18;
	v33 =	vbroadcast v15, $0xF  }
0x362: {  	v25 =	vld [tilespmem:s6+$0xFFFFFF70];
	v32 =	vadd.f32 v21, v23;
	v21 =	vmul.f32 v28, v18  }
0x363: {  	v23 =	vld [tilespmem:s6+$0xFFFFFFB0];
	v16 =	vadd.f32 v24, v16;
	v24 =	vmul.f32 v30, v18;
	v5 =	vsel vm0, v33, v5;
	v15, _, _ =	vpop (xrf2)  }
0x364: {  	v28 =	vld [tilespmem:s6+$0xFFFFFFF0];
	v30 =	vadd.f32 v21, v20;
	v18 =	vmul.f32 v27, v18;
	v15 =	vbroadcast v15, $0xF  }
0x365: {  	v20 =	vmul.f32 v31, v17;
	v27 =	vld [tilespmem:s6+$0x30];
	v26 =	vadd.f32 v24, v26  }
0x366: {  	v21 =	vmul.f32 v29, v17;
	v29 =	vld [tilespmem:s6+$0x70];
	v18 =	vadd.f32 v18, v14;
	v4 =	vsel vm0, v15, v4  }
0x367: {  	vm0 =	vmmov vm1;
	v13 =	vadd.f32 v20, v13;
	v14 =	vmul.f32 v25, v17;
	v15 =	vld [tilespmem:s6+$0xB0]  }
0x368: {  	s7 =	sadd.s32 $0x40, s7;
	v31 =	vadd.f32 v21, v22;
	v20 =	vmul.f32 v23, v17;
	v33 =	vld [tilespmem:s6+$0xF0]  }
0x369: {  	v22 =	vld [tilespmem:s7+$0x10];
	v34 =	vadd.f32 v14, v19;
	v14 =	vmul.f32 v28, v17;
	(xrf2) =	vadd.scan.msk.f32 $0xffff, v13  }
0x36a: {  	v23 =	vld [tilespmem:s7+$0x0];
	v21 =	vadd.f32 v20, v12;
	v12 =	vmul.f32 v27, v17  }
0x36b: {  	v24 =	vld [tilespmem:s7+$0xFFFFFFE0];
	v20 =	vadd.f32 v14, v32;
	v13 =	vmul.f32 v29, v17  }
.Ltmp7:
0x36c: {  	s8 =	sadd.s32 $0x40, s8;
	v25 =	vld [tilespmem:s7+$0xFFFFFFF0];
	v19 =	vadd.f32 v12, v16;
	v12 =	vmul.f32 v15, v17;
	(xrf2) =	vadd.scan.msk.f32 $0xffff, v31;
	(pc) =	sbr.rel @p0 .LBB2_17-.Ltmp7, $4  }
0x36d: {  	v14 =	vld [tilespmem:s8+$0xFFFFFFE0];
	v16 =	vadd.f32 v13, v30;
	v17 =	vmul.f32 v33, v17  }
0x36e: {  	s6 =	sadd.s32 $0x280, s6;
	v15 =	vld [tilespmem:s8+$0xFFFFFFF0];
	v13 =	vadd.f32 v12, v26  }
0x36f: {  	v26 =	vld [tilespmem:s6+$0x100];
	v12 =	vadd.f32 v17, v18;
	(xrf2) =	vadd.scan.msk.f32 $0xffff, v34  }
0x370: {  	s9 =	sadd.s32 $0x1, s9;
	v27 =	vld [tilespmem:s6+$0x110]  }
0x371: {  	v18 =	vld [tilespmem:s8+$0x0]  }
0x372: {  	v28 =	vld [tilespmem:s6+$0x120]  }
0x373: {  	v17 =	vld [tilespmem:s8+$0x10]  }
0x374: {  	v29 =	vld [tilespmem:s6+$0x130]  }
0x375: {  	v30 =	vld [tilespmem:s6+$0xFFFFFEC0]  }
0x376: {  	v31 =	vld [tilespmem:s6+$0xFFFFFED0]  }
0x377: {  	v32 =	vld [tilespmem:s6+$0xFFFFFF00]  }
0x378: {  	v33 =	vld [tilespmem:s6+$0xFFFFFF10]  }
0x379: {  	v34 =	vld [tilespmem:s6+$0xFFFFFF40]  }
0x37a: {  	v35 =	vld [tilespmem:s6+$0xFFFFFF50]  }
0x37b: {  	v36 =	vld [tilespmem:s6+$0xFFFFFF80]  }
0x37c: {  	v37 =	vld [tilespmem:s6+$0xFFFFFF90]  }
0x37d: {  	v38 =	vld [tilespmem:s6+$0xFFFFFFC0]  }
0x37e: {  	v39 =	vld [tilespmem:s6+$0xFFFFFFD0]  }
0x37f: {  	v40 =	vld [tilespmem:s6+$0x0]  }
0x380: {  	v41 =	vld [tilespmem:s6+$0x10]  }
0x381: {  	v42 =	vld [tilespmem:s6+$0x40]  }
0x382: {  	v43 =	vld [tilespmem:s6+$0x50];
	v24 =	vmul.f32 v24, v14;
	v25 =	vmul.f32 v25, v15  }
0x383: {  	v44 =	vld [tilespmem:s6+$0x80];
	v26 =	vmul.f32 v26, v14;
	v27 =	vmul.f32 v27, v15  }
0x384: {  	v45 =	vld [tilespmem:s6+$0x90];
	v23 =	vmul.f32 v23, v18;
	v54 =	vmul.f32 v28, v18  }
0x385: {  	v48 =	vld [tilespmem:s6+$0x60];
	v22 =	vmul.f32 v22, v17;
	v55 =	vmul.f32 v29, v17  }
0x386: {  	v24 =	vadd.f32 v25, v24;
	v25 =	vld [tilespmem:s6+$0xC0];
	v56 =	vmul.f32 v30, v14;
	v57 =	vmul.f32 v31, v15  }
0x387: {  	v28 =	vld [tilespmem:s6+$0xD0];
	v58 =	vmul.f32 v32, v14;
	v59 =	vmul.f32 v33, v15  }
0x388: {  	v29 =	vld [tilespmem:s6+$0xFFFFFF20];
	v60 =	vmul.f32 v34, v14;
	v61 =	vmul.f32 v35, v15  }
0x389: {  	v31 =	vld [tilespmem:s6+$0xFFFFFF60];
	v62 =	vmul.f32 v36, v14;
	v63 =	vmul.f32 v37, v15  }
0x38a: {  	v33 =	vld [tilespmem:s6+$0xFFFFFFA0];
	v46 =	vmul.f32 v38, v14;
	v47 =	vmul.f32 v39, v15  }
0x38b: {  	v35 =	vld [tilespmem:s6+$0xFFFFFFE0];
	v49 =	vmul.f32 v40, v14;
	v50 =	vmul.f32 v41, v15  }
0x38c: {  	v37 =	vld [tilespmem:s6+$0x20];
	v51 =	vmul.f32 v42, v14;
	v26 =	vadd.f32 v27, v26;
	v23 =	vadd.f32 v23, v24  }
0x38d: {  	v41 =	vld [tilespmem:s6+$0xA0];
	v52 =	vmul.f32 v43, v15;
	v27 =	vadd.f32 v59, v58;
	v30 =	vadd.f32 v61, v60  }
0x38e: {  	v53 =	vmul.f32 v44, v14;
	v24 =	vld [tilespmem:s6+$0xFFFFFEE0];
	v32 =	vadd.f32 v63, v62;
	v26 =	vadd.f32 v54, v26  }
0x38f: {  	v43 =	vld [tilespmem:s6+$0xE0];
	v48 =	vmul.f32 v48, v18;
	v34 =	vadd.f32 v47, v46;
	v36 =	vadd.f32 v50, v49  }
0x390: {  	v54 =	vmul.f32 v45, v15;
	v22 =	vadd.f32 v22, v23;
	v26 =	vadd.f32 v55, v26;
	v55 =	vld [tilespmem:s6+$0xFFFFFEF0]  }
0x391: {  	(xrf2) =	vadd.scan.msk.f32 $0xffff, v21;
	v58 =	vld [tilespmem:s6+$0xFFFFFF30];
	v23 =	vadd.f32 v57, v56;
	v56 =	vmul.f32 v25, v14;
	v57 =	vmul.f32 v28, v15  }
0x392: {  	(xrf2) =	vadd.scan.msk.f32 $0xffff, v20;
	v21 =	vadd.f32 v52, v51;
	v60 =	vld [tilespmem:s6+$0xFFFFFF70];
	v59 =	vmul.f32 v29, v18;
	v61 =	vmul.f32 v31, v18  }
0x393: {  	(xrf2) =	vadd.scan.msk.f32 $0xffff, v19;
	v63 =	vld [tilespmem:s6+$0xFFFFFFB0];
	v20 =	vadd.f32 v54, v53;
	v62 =	vmul.f32 v33, v18;
	v24 =	vmul.f32 v24, v18  }
0x394: {  	v42 =	vld [tilespmem:s6+$0xFFFFFFF0];
	v40 =	vmul.f32 v35, v18;
	v46 =	vmul.f32 v37, v18;
	v14 =	vadd.f32 v57, v56;
	(xrf2) =	vadd.scan.msk.f32 $0xffff, v26  }
0x395: {  	v45 =	vld [tilespmem:s6+$0x30];
	v38 =	vadd.f32 v59, v27;
	(xrf2) =	vadd.scan.msk.f32 $0xffff, v22;
	v23 =	vadd.f32 v24, v23;
	v44 =	vmul.f32 v55, v17  }
0x396: {  	v47 =	vld [tilespmem:s6+$0x70];
	v15 =	vadd.f32 v61, v30;
	v19 =	vadd.f32 v62, v32;
	v25 =	vmul.f32 v58, v17;
	(xrf2) =	vadd.scan.msk.f32 $0xffff, v16  }
0x397: {  	v50 =	vld [tilespmem:s6+$0xB0];
	v26 =	vadd.f32 v40, v34;
	v49 =	vmul.f32 v60, v17;
	(xrf2) =	vadd.scan.msk.f32 $0xffff, v13;
	v22 =	vadd.f32 v44, v23  }
0x398: {  	v51, _, _ =	vpop (xrf2);
	v52 =	vadd.f32 v46, v36;
	v54 =	vmul.f32 v63, v17;
	v53 =	vadd.f32 v25, v38;
	v55 =	vld [tilespmem:s6+$0xF0];
	(xrf2) =	vadd.scan.msk.f32 $0xffff, v12  }
0x399: {  	v57 =	vmul.f32 v42, v17;
	v59 =	vmul.f32 v41, v18;
	v56, _, _ =	vpop (xrf2);
	v15 =	vadd.f32 v49, v15;
	(xrf2) =	vadd.scan.msk.f32 $0xffff, v22  }
0x39a: {  	v18 =	vmul.f32 v43, v18;
	v60 =	vmul.f32 v45, v17;
	v58, _, _ =	vpop (xrf2);
	v19 =	vadd.f32 v54, v19;
	(xrf2) =	vadd.scan.msk.f32 $0xffff, v53  }
0x39b: {  	v62 =	vmul.f32 v47, v17;
	v13 =	vadd.f32 v48, v21;
	v61, _, _ =	vpop (xrf2);
	v23 =	vadd.f32 v57, v26;
	(xrf2) =	vadd.scan.msk.f32 $0xffff, v15  }
0x39c: {  	v28 =	vmul.f32 v50, v17;
	v20 =	vadd.f32 v59, v20;
	v63, _, _ =	vpop (xrf2);
	v12 =	vadd.f32 v60, v52;
	(xrf2) =	vadd.scan.msk.f32 $0xffff, v19  }
0x39d: {  	v14 =	vadd.f32 v18, v14;
	v29, _, _ =	vpop (xrf2);
	v13 =	vadd.f32 v62, v13;
	v17 =	vmul.f32 v55, v17;
	(xrf2) =	vadd.scan.msk.f32 $0xffff, v23  }
0x39e: {  	v31 =	vbroadcast v51, $0xF;
	v20 =	vadd.f32 v28, v20;
	v30, _, _ =	vpop (xrf2);
	(xrf2) =	vadd.scan.msk.f32 $0xffff, v12  }
0x39f: {  	v14 =	vadd.f32 v17, v14;
	v32, _, _ =	vpop (xrf2);
	(xrf2) =	vadd.scan.msk.f32 $0xffff, v13  }
0x3a0: {  	v2 =	vsel vm0, v31, v2;
	v41 =	vmov s5;
	v33 =	vbroadcast v56, $0xF;
	v35, _, _ =	vpop (xrf2);
	(xrf2) =	vadd.scan.msk.f32 $0xffff, v20  }
0x3a1: {  	vm1 =	veq.s32 v41, v0;
	v34 =	vbroadcast v58, $0xF;
	v39 =	vbroadcast v63, $0xF;
	v37, _, _ =	vpop (xrf2);
	(xrf2) =	vadd.scan.msk.f32 $0xffff, v14  }
0x3a2: {  	vm2 =	vmmov vm1;
	v63 =	vbroadcast v30, $0xF;
	v42 =	vbroadcast v32, $0xF;
	v38, _, _ =	vpop (xrf2)  }
0x3a3: {  	v36 =	vbroadcast v61, $0xF;
	v9 =	vsel vm0, v33, v9;
	v10 =	vsel vm0, v34, v10;
	v40, _, _ =	vpop (xrf2)  }
0x3a4: {  	v1 =	vsel vm1, v63, v1;
	v3 =	vsel vm1, v42, v3;
	v43, _, _ =	vpop (xrf2);
	v44 =	vbroadcast v40, $0xF  }
0x3a5: {  	v11 =	vsel vm0, v36, v11;
	v8 =	vsel vm0, v39, v8;
	[tilespmem:s4+$0x18B00] =	vst v1;
	v45, _, _ =	vpop (xrf2);
	v46 =	vbroadcast v43, $0xF  }
0x3a6: {  	v19 =	vbroadcast v29, $0xF;
	[tilespmem:s4+$0x18600] =	vst v3;
	v47, _, _ =	vpop (xrf2);
	v2 =	vsel vm2, v44, v2;
	v48 =	vbroadcast v45, $0xF  }
0x3a7: {  	v49 =	vbroadcast v35, $0xF;
	v3, _, _ =	vpop (xrf2);
	v9 =	vsel vm2, v46, v9;
	v50 =	vbroadcast v47, $0xF;
	[tilespmem:s4+$0x18680] =	vst v2  }
0x3a8: {  	v55 =	vbroadcast v37, $0xF;
	v51 =	vsel vm2, v48, v10;
	v3 =	vbroadcast v3, $0xF;
	v52, _, _ =	vpop (xrf2);
	[tilespmem:s4+$0x18700] =	vst v9  }
0x3a9: {  	s3 =	sadd.s32 $0x1, s3;
	v7 =	vsel vm0, v49, v7;
	v53 =	vsel vm2, v50, v11;
	v10 =	vbroadcast v52, $0xF;
	v54, _, _ =	vpop (xrf2);
	[tilespmem:s4+$0x18780] =	vst v51  }
0x3aa: {  	p0 =	sne.s32 s3, $0x8;
	v2 =	vsel vm0, v19, v6;
	v3 =	vsel vm2, v3, v8;
	v56 =	vbroadcast v54, $0xF;
	v57, _, _ =	vpop (xrf2);
	[tilespmem:s4+$0x18800] =	vst v53  }
.Ltmp8:
0x3ab: {  	v58 =	vbroadcast v38, $0xF;
	v2 =	vsel vm2, v10, v2;
	v59 =	vbroadcast v57, $0xF;
	v60, _, _ =	vpop (xrf2);
	[tilespmem:s4+$0x18880] =	vst v3;
	(pc) =	sbr.rel @p0 .LBB2_16-.Ltmp8, $4  }
0x3ac: {  	v3 =	vsel vm0, v55, v5;
	v61 =	vsel vm2, v56, v7;
	v62 =	vbroadcast v60, $0xF;
	[tilespmem:s4+$0x18900] =	vst v2  }
0x3ad: {  	v2 =	vsel vm0, v58, v4;
	v3 =	vsel vm2, v59, v3;
	[tilespmem:s4+$0x18980] =	vst v61  }
0x3ae: {  	v2 =	vsel vm2, v62, v2;
	[tilespmem:s4+$0x18A00] =	vst v3  }
0x3af: {  	s31 =	sadd.s32 $0x2800, s31;
	s0 =	sadd.s32 $0x400, s0;
	s2 =	sadd.s32 $0x400, s2;
	[tilespmem:s4+$0x18A80] =	vst v2  }
0x3b0: {  	s0 =	simm.s32 $0x0;
	s2 =	rddreg [dreg:$0x10]  }
0x3b1: {  	[hbm4b:s2+s0] =	stream.linear.scatter [tilespmem:s21], [sflag:$0x2], $0x80, $0x38;
	[tilespmem:$0x18B80] =	vst v63  }
0x3b2: {  	_ =	swait.ge [sflag:s26], $0x80  }
0x3b3: {  	[sflag:s26] =	ssyncset.done $0x0  }
0x3b4: {  	s8 =	rddreg [dreg:$0x15];
	[sflag:s26] =	ssyncadd.s32 $0xFFFFFF80  }
0x3b5: {  	[hbm4b:s8+s0] =	stream.linear.scatter [tilespmem:s22], [sflag:$0x2], $0x500, $0x38;
	[tilespmem:$0x18B80] =	vst v63  }
0x3b6: {  	_ =	swait.ge [sflag:s26], $0x500  }
0x3b7: {  	[sflag:s26] =	ssyncset.done $0x0  }
0x3b8: {  	s9 =	rddreg [dreg:$0x11];
	[sflag:s26] =	ssyncadd.s32 $0xFFFFFB00  }
0x3b9: {  	[tilespmem:s0], [sflag:$0x2] =	stream.linear.gather [hbm4b:s9+s0], $0x80, $0x38;
	[tilespmem:$0x18B80] =	vst v63  }
0x3ba: {  	_ =	swait.ge [sflag:s26], $0x80  }
0x3bb: {  	[sflag:s26] =	ssyncset.done $0x0  }
0x3bc: {  	s30 =	rddreg [dreg:$0x12];
	[sflag:s26] =	ssyncadd.s32 $0xFFFFFF80  }
0x3bd: {  	[tilespmem:s28], [sflag:$0x2] =	stream.linear.gather [hbm4b:s30+s0], $0x80, $0x38;
	[tilespmem:$0x18B80] =	vst v63  }
0x3be: {  	_ =	swait.ge [sflag:s26], $0x80  }
0x3bf: {  	[sflag:s26] =	ssyncset.done $0x0  }
0x3c0: {  	s31 =	rddreg [dreg:$0x16];
	[sflag:s26] =	ssyncadd.s32 $0xFFFFFF80  }
0x3c1: {  	[tilespmem:s29], [sflag:$0x2] =	stream.linear.gather [hbm4b:s31+s0], $0x500, $0x38;
	[tilespmem:$0x18B80] =	vst v63  }
0x3c2: {  	_ =	swait.ge [sflag:s26], $0x500  }
0x3c3: {  	[sflag:s26] =	ssyncset.done $0x0  }
0x3c4: {  	[sflag:s26] =	ssyncadd.s32 $0xFFFFFB00  }
0x3c5: {  	v1 =	vld [tilespmem:$0x0]  }
0x3c6: {  	v2 =	vld [tilespmem:$0x80]  }
0x3c7: {  	v4 =	vld [tilespmem:$0x10]  }
0x3c8: {  	v6 =	vld [tilespmem:$0x90]  }
0x3c9: {  	v21 =	vld [tilespmem:$0x20]  }
0x3ca: {  	v8 =	vld [tilespmem:$0xA0]  }
0x3cb: {  	v9 =	vld [tilespmem:$0x30]  }
0x3cc: {  	v27 =	vld [tilespmem:$0xB0]  }
0x3cd: {  	v11 =	vld [tilespmem:$0x40];
	v3 =	vshll.u32 v1, $0x1;
	v5 =	vand.u32 $0xFFFFE000, v1;
	v1 =	vshrl.u32 v1, $0xC  }
0x3ce: {  	v12 =	vld [tilespmem:$0xC0];
	v20 =	vshll.u32 v2, $0x1;
	v7 =	vand.u32 $0xFFFFE000, v2;
	v2 =	vshrl.u32 v2, $0xC  }
0x3cf: {  	v36 =	vld [tilespmem:$0x50];
	v22 =	vand.u32 $0xFFFFE000, v4;
	v23 =	vshll.u32 v6, $0x1;
	v24 =	vand.u32 $0xFFFFE000, v6  }
0x3d0: {  	v14 =	vld [tilespmem:$0xD0];
	v25 =	vshrl.u32 v6, $0xC;
	v26 =	vshll.u32 v21, $0x1;
	v10 =	vand.u32 $0xFFFFE000, v21  }
0x3d1: {  	v15 =	vld [tilespmem:$0x60];
	v29 =	vshll.u32 v8, $0x1;
	v30 =	vand.u32 $0xFFFFE000, v8;
	v8 =	vshrl.u32 v8, $0xC  }
0x3d2: {  	v46 =	vld [tilespmem:$0xE0];
	v32 =	vshll.u32 v9, $0x1;
	v33 =	vand.u32 $0xFFFFE000, v9;
	v34 =	vshrl.u32 v9, $0xC  }
0x3d3: {  	v51 =	vld [tilespmem:$0x70];
	v35 =	vshll.u32 v27, $0x1;
	v13 =	vand.u32 $0xFFFFE000, v27;
	v38 =	vshll.u32 v11, $0x1  }
0x3d4: {  	v55 =	vld [tilespmem:$0xF0];
	v39 =	vand.u32 $0xFFFFE000, v11;
	v11 =	vshrl.u32 v11, $0xC;
	v41 =	vshll.u32 v12, $0x1  }
0x3d5: {  	v42 =	vand.u32 $0xFFFFE000, v12;
	v43 =	vshrl.u32 v12, $0xC;
	v44 =	vshll.u32 v36, $0x1  }
0x3d6: {  	v47 =	vand.u32 $0xFFFFE000, v14;
	v48 =	vshrl.u32 v14, $0xC;
	v50 =	vshll.u32 v15, $0x1  }
0x3d7: {  	v52 =	vand.u32 $0xFFFFE000, v15;
	v53 =	vshrl.u32 v15, $0xC;
	v54 =	vshll.u32 v46, $0x1  }
0x3d8: {  	v56 =	vand.u32 $0xFFFFE000, v46;
	v57 =	vshrl.u32 v46, $0xC;
	v60 =	vshll.u32 v51, $0x1  }
0x3d9: {  	v61 =	vshrl.u32 v51, $0xC;
	v62 =	vshll.u32 v55, $0x1;
	v63 =	vshrl.u32 v55, $0xC  }
0x3da: {  	v3 =	vand.u32 $0x1FFE, v3;
	v1 =	vand.u32 $0x1, v1;
	v2 =	vand.u32 $0x1, v2  }
0x3db: {  	v6 =	vand.u32 $0x1FFE, v26;
	v31 =	vand.u32 $0x1, v8;
	v8 =	vand.u32 $0x1FFE, v32  }
0x3dc: {  	v9 =	vand.u32 $0x1FFE, v35;
	v40 =	vand.u32 $0x1, v11;
	v11 =	vand.u32 $0x1FFE, v41  }
0x3dd: {  	v12 =	vand.u32 $0x1FFE, v44;
	v49 =	vand.u32 $0x1, v48;
	v58 =	vand.u32 $0x1, v57  }
0x3de: {  	v3 =	vor.u32 v5, v3;
	v5 =	vand.u32 $0x1FFE, v20;
	v6 =	vor.u32 v10, v6  }
0x3df: {  	v10 =	vshrl.u32 v27, $0xC;
	v9 =	vor.u32 v13, v9;
	v13 =	vshrl.u32 v36, $0xC  }
0x3e0: {  	v5 =	vor.u32 v7, v5;
	v1 =	vor.u32 v1, v3;
	v3 =	vshll.u32 v4, $0x1  }
0x3e1: {  	v4 =	vshrl.u32 v4, $0xC;
	v7 =	vshrl.u32 v21, $0xC;
	v10 =	vand.u32 $0x1, v10  }
0x3e2: {  	v45 =	vand.u32 $0x1, v13;
	v2 =	vor.u32 v2, v5;
	v3 =	vand.u32 $0x1FFE, v3  }
0x3e3: {  	v4 =	vand.u32 $0x1, v4;
	v5 =	vand.u32 $0x1FFE, v23;
	v7 =	vand.u32 $0x1, v7  }
0x3e4: {  	v37 =	vor.u32 v10, v9;
	v9 =	vand.u32 $0x1FFE, v38;
	v10 =	vor.u32 v42, v11;
	[tilespmem:$0x0] =	vst v1  }
0x3e5: {  	v1 =	vand.u32 $0xFFFFE000, v36;
	v3 =	vor.u32 v22, v3;
	v28 =	vor.u32 v7, v6;
	[tilespmem:$0x80] =	vst v2  }
0x3e6: {  	v6 =	vand.u32 $0x1FFE, v29;
	v7 =	vor.u32 v33, v8;
	v8 =	vand.u32 $0x1, v34;
	[tilespmem:$0xB0] =	vst v37  }
0x3e7: {  	v9 =	vor.u32 v39, v9;
	v2 =	vand.u32 $0x1, v43;
	v3 =	vor.u32 v4, v3;
	[tilespmem:$0x20] =	vst v28  }
0x3e8: {  	v1 =	vor.u32 v1, v12;
	v4 =	vor.u32 v24, v5;
	v7 =	vor.u32 v8, v7;
	[tilespmem:$0x10] =	vst v3  }
0x3e9: {  	v5 =	vand.u32 $0x1, v25;
	v6 =	vor.u32 v30, v6;
	v9 =	vor.u32 v40, v9;
	[tilespmem:$0x30] =	vst v7  }
0x3ea: {  	v2 =	vor.u32 v2, v10;
	v1 =	vor.u32 v45, v1;
	v4 =	vor.u32 v5, v4;
	[tilespmem:$0x40] =	vst v9  }
0x3eb: {  	v6 =	vor.u32 v31, v6;
	v3 =	vshll.u32 v14, $0x1;
	v5 =	vand.u32 $0x1FFE, v50;
	[tilespmem:$0x50] =	vst v1  }
0x3ec: {  	v1 =	vand.u32 $0xFFFFE000, v51;
	[tilespmem:$0x90] =	vst v4;
	v3 =	vand.u32 $0x1FFE, v3;
	v4 =	vor.u32 v52, v5  }
0x3ed: {  	[tilespmem:$0xA0] =	vst v6;
	v6 =	vand.u32 $0x1FFE, v54;
	v5 =	vand.u32 $0x1, v53;
	v3 =	vor.u32 v47, v3  }
0x3ee: {  	[tilespmem:$0xC0] =	vst v2;
	v6 =	vor.u32 v56, v6;
	v2 =	vor.u32 v5, v4;
	v5 =	vand.u32 $0x1FFE, v60  }
0x3ef: {  	v3 =	vor.u32 v49, v3;
	v59 =	vor.u32 v58, v6;
	v1 =	vor.u32 v1, v5;
	[tilespmem:$0x60] =	vst v2  }
0x3f0: {  	v2 =	vand.u32 $0xFFFFE000, v55;
	v5 =	vand.u32 $0x1FFE, v62;
	[tilespmem:$0xD0] =	vst v3;
	v3 =	vand.u32 $0x1, v61  }
0x3f1: {  	[tilespmem:$0xE0] =	vst v59;
	v2 =	vor.u32 v2, v5;
	v1 =	vor.u32 v3, v1;
	v3 =	vand.u32 $0x1, v63  }
0x3f2: {  	[tilespmem:$0x70] =	vst v1;
	v1 =	vor.u32 v3, v2  }
0x3f3: {  	s2 =	simm.s32 $0x40;
	s0 =	simm.s32 $0x0;
	[tilespmem:$0xF0] =	vst v1  }
.LBB2_20:
0x3f4: {  	p0 =	sne.s32 s2, $0x13C0;
	v1 =	vld [tilespmem:s0+$0x100];
	_ =	sdelay $0x4  }
.Ltmp9:
0x3f5: {  	v2 =	vshll.u32 v1, $0x1;
	(pc) =	sbr.rel @p0 .LBB2_20-.Ltmp9, $4  }
0x3f6: {  	v3 =	vand.u32 $0xFFFFE000, v1;
	v1 =	vshrl.u32 v1, $0xC;
	v2 =	vand.u32 $0x1FFE, v2  }
0x3f7: {  	v1 =	vand.u32 $0x1, v1;
	v2 =	vor.u32 v3, v2  }
0x3f8: {  	v1 =	vor.u32 v1, v2  }
0x3f9: {  	[tilespmem:s0+$0x100] =	vst v1;
	s0 =	sshra.s32 s2, $0x2;
	s2 =	sadd.s32 $0x40, s2  }
0x3fa: {  	v1 =	vld [tilespmem:s0+$0x100];
	_ =	sdelay $0x4  }
0x3fb: {  	v2 =	vshll.u32 v1, $0x1  }
0x3fc: {  	v3 =	vand.u32 $0xFFFFE000, v1;
	v1 =	vshrl.u32 v1, $0xC;
	v2 =	vand.u32 $0x1FFE, v2  }
0x3fd: {  	v1 =	vand.u32 $0x1, v1;
	v2 =	vor.u32 v3, v2  }
0x3fe: {  	v1 =	vor.u32 v1, v2  }
0x3ff: {  	s30 =	simm.s32 $0x0;
	s8 =	simm.s32 $0x600;
	[tilespmem:s0+$0x100] =	vst v1  }
0x400: {  	[tilespmem:s8], [sflag:$0x1] =	stream.indirect.gather [hbm4b:s23+s28], $0x40, s30, s28, $0xb8;
	[tilespmem:$0x18B80] =	vst v63  }
0x401: {  	s9 =	simm.s32 $0x2600  }
0x402: {  	[tilespmem:s9], [sflag:$0x1] =	stream.indirect.gather [hbm4b:s24+s28], $0x40, s28, s28, $0xb8;
	[tilespmem:$0x18B80] =	vst v63  }
0x403: {  	s2 =	simm.s32 $0x4600  }
0x404: {  	[tilespmem:s2], [sflag:$0x1] =	stream.indirect.gather [hbm4b:s24+s28], $0x40, s29, s28, $0xb8;
	[tilespmem:$0x18B80] =	vst v63  }
0x405: {  	s3 =	simm.s32 $0x180;
	s2 =	simm.s32 $0x6600  }
0x406: {  	[tilespmem:s2], [sflag:$0x1] =	stream.indirect.gather [hbm4b:s24+s28], $0x40, s3, s28, $0xb8;
	[tilespmem:$0x18B80] =	vst v63  }
0x407: {  	s4 =	simm.s32 $0x200;
	s5 =	simm.s32 $0x8600  }
0x408: {  	[tilespmem:s5], [sflag:$0x1] =	stream.indirect.gather [hbm4b:s24+s28], $0x40, s4, s28, $0xb8;
	[tilespmem:$0x18B80] =	vst v63  }
0x409: {  	s6 =	simm.s32 $0x280;
	s7 =	simm.s32 $0xA600  }
0x40a: {  	[tilespmem:s7], [sflag:$0x1] =	stream.indirect.gather [hbm4b:s24+s28], $0x40, s6, s28, $0xb8;
	[tilespmem:$0x18B80] =	vst v63  }
0x40b: {  	s8 =	simm.s32 $0x300;
	s9 =	simm.s32 $0xC600  }
0x40c: {  	[tilespmem:s9], [sflag:$0x1] =	stream.indirect.gather [hbm4b:s24+s28], $0x40, s8, s28, $0xb8;
	[tilespmem:$0x18B80] =	vst v63  }
0x40d: {  	_ = 	snop  }
0x40e: {  	[tilespmem:s11], [sflag:$0x1] =	stream.indirect.gather [hbm4b:s24+s28], $0x40, s10, s28, $0xb8;
	[tilespmem:$0x18B80] =	vst v63  }
0x40f: {  	_ = 	snop  }
0x410: {  	[tilespmem:s13], [sflag:$0x1] =	stream.indirect.gather [hbm4b:s24+s28], $0x40, s12, s28, $0xb8;
	[tilespmem:$0x18B80] =	vst v63  }
0x411: {  	_ = 	snop  }
0x412: {  	[tilespmem:s15], [sflag:$0x1] =	stream.indirect.gather [hbm4b:s24+s28], $0x40, s14, s28, $0xb8;
	[tilespmem:$0x18B80] =	vst v63  }
0x413: {  	_ = 	snop  }
0x414: {  	[tilespmem:s17], [sflag:$0x1] =	stream.indirect.gather [hbm4b:s24+s28], $0x40, s16, s28, $0xb8;
	[tilespmem:$0x18B80] =	vst v63  }
0x415: {  	_ = 	snop  }
0x416: {  	[tilespmem:s19], [sflag:$0x1] =	stream.indirect.gather [hbm4b:s24+s28], $0x40, s18, s28, $0xb8;
	[tilespmem:$0x18B80] =	vst v63  }
0x417: {  	_ =	swait.ge [sflag:s20], $0x2000  }
0x418: {  	[sflag:s20] =	ssyncset.done $0x0  }
0x419: {  	[sflag:s20] =	ssyncadd.s32 $0xFFFFE000  }
0x41a: {  	_ =	swait.ge [sflag:s20], $0x2000  }
0x41b: {  	[sflag:s20] =	ssyncset.done $0x0  }
0x41c: {  	[sflag:s20] =	ssyncadd.s32 $0xFFFFE000  }
0x41d: {  	_ =	swait.ge [sflag:s20], $0x2000  }
0x41e: {  	[sflag:s20] =	ssyncset.done $0x0  }
0x41f: {  	[sflag:s20] =	ssyncadd.s32 $0xFFFFE000  }
0x420: {  	_ =	swait.ge [sflag:s20], $0x2000  }
0x421: {  	[sflag:s20] =	ssyncset.done $0x0  }
0x422: {  	[sflag:s20] =	ssyncadd.s32 $0xFFFFE000  }
0x423: {  	_ =	swait.ge [sflag:s20], $0x2000  }
0x424: {  	[sflag:s20] =	ssyncset.done $0x0  }
0x425: {  	[sflag:s20] =	ssyncadd.s32 $0xFFFFE000  }
0x426: {  	_ =	swait.ge [sflag:s20], $0x2000  }
0x427: {  	[sflag:s20] =	ssyncset.done $0x0  }
0x428: {  	[sflag:s20] =	ssyncadd.s32 $0xFFFFE000  }
0x429: {  	_ =	swait.ge [sflag:s20], $0x2000  }
0x42a: {  	[sflag:s20] =	ssyncset.done $0x0  }
0x42b: {  	[sflag:s20] =	ssyncadd.s32 $0xFFFFE000  }
0x42c: {  	_ =	swait.ge [sflag:s20], $0x2000  }
0x42d: {  	[sflag:s20] =	ssyncset.done $0x0  }
0x42e: {  	[sflag:s20] =	ssyncadd.s32 $0xFFFFE000  }
0x42f: {  	_ =	swait.ge [sflag:s20], $0x2000  }
0x430: {  	[sflag:s20] =	ssyncset.done $0x0  }
0x431: {  	[sflag:s20] =	ssyncadd.s32 $0xFFFFE000  }
0x432: {  	_ =	swait.ge [sflag:s20], $0x2000  }
0x433: {  	[sflag:s20] =	ssyncset.done $0x0  }
0x434: {  	[sflag:s20] =	ssyncadd.s32 $0xFFFFE000  }
0x435: {  	_ =	swait.ge [sflag:s20], $0x2000  }
0x436: {  	[sflag:s20] =	ssyncset.done $0x0  }
0x437: {  	[sflag:s20] =	ssyncadd.s32 $0xFFFFE000  }
0x438: {  	_ =	swait.ge [sflag:s20], $0x2000  }
0x439: {  	s31 =	simm.s32 $0x4740;
	s0 =	simm.s32 $0x2620;
	[sflag:s20] =	ssyncset.done $0x0  }
0x43a: {  	s2 =	simm.s32 $0x620;
	s3 =	simm.s32 $0x0;
	[sflag:s20] =	ssyncadd.s32 $0xFFFFE000  }
.LBB2_22:
0x43b: {  	v1 =	vld [tilespmem:s0+$0x10]  }
0x43c: {  	v2 =	vld [tilespmem:s0+$0x0]  }
0x43d: {  	v3 =	vld [tilespmem:s0+$0xFFFFFFE0]  }
0x43e: {  	v4 =	vld [tilespmem:s0+$0xFFFFFFF0]  }
0x43f: {  	v5 =	vld [tilespmem:s2+$0xFFFFFFE0]  }
0x440: {  	v6 =	vld [tilespmem:s2+$0xFFFFFFF0]  }
0x441: {  	v7 =	vld [tilespmem:s31+$0x100]  }
0x442: {  	v8 =	vld [tilespmem:s31+$0x110]  }
0x443: {  	v9 =	vld [tilespmem:s2+$0x0]  }
0x444: {  	v10 =	vld [tilespmem:s31+$0x120]  }
0x445: {  	v11 =	vld [tilespmem:s2+$0x10]  }
0x446: {  	v12 =	vld [tilespmem:s31+$0x130]  }
0x447: {  	v13 =	vld [tilespmem:s31+$0xFFFFFEC0]  }
0x448: {  	v14 =	vld [tilespmem:s31+$0xFFFFFED0]  }
0x449: {  	v15 =	vld [tilespmem:s31+$0xFFFFFF00]  }
0x44a: {  	v16 =	vld [tilespmem:s31+$0xFFFFFF10]  }
0x44b: {  	v17 =	vld [tilespmem:s31+$0xFFFFFF40]  }
0x44c: {  	v18 =	vld [tilespmem:s31+$0xFFFFFF50]  }
0x44d: {  	v19 =	vld [tilespmem:s31+$0xFFFFFF80]  }
0x44e: {  	v20 =	vld [tilespmem:s31+$0xFFFFFF90]  }
0x44f: {  	v21 =	vld [tilespmem:s31+$0xFFFFFFC0]  }
0x450: {  	v22 =	vld [tilespmem:s31+$0xFFFFFFD0]  }
0x451: {  	v23 =	vld [tilespmem:s31+$0x0];
	v3 =	vmul.f32 v3, v5;
	v4 =	vmul.f32 v4, v6  }
0x452: {  	v24 =	vld [tilespmem:s31+$0x10];
	v7 =	vmul.f32 v7, v5;
	v8 =	vmul.f32 v8, v6  }
0x453: {  	v25 =	vld [tilespmem:s31+$0x90];
	v2 =	vmul.f32 v2, v9;
	v3 =	vadd.f32 v4, v3  }
0x454: {  	v7 =	vadd.f32 v8, v7;
	v8 =	vmul.f32 v10, v9;
	v4 =	vld [tilespmem:s31+$0x50]  }
0x455: {  	v26 =	vld [tilespmem:s31+$0xFFFFFFF0];
	v1 =	vmul.f32 v1, v11;
	v2 =	vadd.f32 v2, v3  }
0x456: {  	v10 =	vld [tilespmem:s31+$0x40];
	v7 =	vadd.f32 v8, v7;
	v8 =	vmul.f32 v12, v11  }
0x457: {  	v12 =	vld [tilespmem:s31+$0x80];
	v1 =	vadd.f32 v1, v2;
	v2 =	vmul.f32 v13, v5  }
0x458: {  	v3 =	vadd.f32 v8, v7;
	v7 =	vld [tilespmem:s31+$0xC0];
	v13 =	vmul.f32 v14, v6;
	v14 =	vmul.f32 v15, v5  }
0x459: {  	v15 =	vmul.f32 v16, v6;
	v16 =	vld [tilespmem:s31+$0xFFFFFF20];
	v4 =	vmul.f32 v4, v6  }
0x45a: {  	v8 =	vld [tilespmem:s31+$0xD0];
	(xrf2) =	vadd.scan.msk.f32 $0xffff, v3;
	v13 =	vadd.f32 v13, v2;
	v2 =	vmul.f32 v17, v5;
	v17 =	vmul.f32 v18, v6  }
0x45b: {  	v3 =	vld [tilespmem:s31+$0xFFFFFEE0];
	v14 =	vadd.f32 v15, v14;
	v15 =	vmul.f32 v19, v5;
	v18 =	vmul.f32 v20, v6  }
0x45c: {  	v19 =	vld [tilespmem:s31+$0xFFFFFFA0];
	v20 =	vmul.f32 v22, v6;
	v17 =	vadd.f32 v17, v2;
	v2 =	vmul.f32 v21, v5  }
0x45d: {  	v22 =	vmul.f32 v24, v6;
	(xrf2) =	vadd.scan.msk.f32 $0xffff, v1;
	v1 =	vld [tilespmem:s31+$0xFFFFFF60];
	v15 =	vadd.f32 v18, v15;
	v18 =	vmul.f32 v23, v5  }
0x45e: {  	v12 =	vmul.f32 v12, v5;
	v21 =	vld [tilespmem:s31+$0xFFFFFFE0];
	v16 =	vmul.f32 v16, v9;
	v20 =	vadd.f32 v20, v2  }
0x45f: {  	v2 =	vmul.f32 v10, v5;
	v10 =	vld [tilespmem:s31+$0x60];
	v18 =	vadd.f32 v22, v18;
	v22 =	vmov s30  }
0x460: {  	v24 =	vld [tilespmem:s31+$0xA0];
	v5 =	vmul.f32 v7, v5;
	vm0 =	veq.s32 v22, v0;
	v22 =	vmul.f32 v25, v6  }
0x461: {  	v7 =	vld [tilespmem:s31+$0xFFFFFEF0];
	v6 =	vmul.f32 v8, v6;
	v3 =	vmul.f32 v3, v9  }
0x462: {  	v23 =	vld [tilespmem:s31+$0x20];
	v14 =	vadd.f32 v16, v14;
	v16 =	vmul.f32 v19, v9;
	v4 =	vadd.f32 v4, v2  }
0x463: {  	v2 =	vimm.f32 $0.0e+00;
	v1 =	vmul.f32 v1, v9;
	v12 =	vadd.f32 v22, v12;
	v22 =	vld [tilespmem:s31+$0xFFFFFF30]  }
0x464: {  	v5 =	vadd.f32 v6, v5;
	v6 =	vld [tilespmem:s31+$0xFFFFFF70];
	v21 =	vmul.f32 v21, v9;
	v10 =	vmul.f32 v10, v9;
	v8, _, _ =	vpop (xrf2)  }
0x465: {  	v25 =	vld [tilespmem:s31+$0xE0];
	v13 =	vadd.f32 v3, v13;
	v17 =	vadd.f32 v1, v17;
	v8 =	vbroadcast v8, $0xF  }
0x466: {  	v27 =	vld [tilespmem:s31+$0x70];
	v20 =	vadd.f32 v21, v20;
	v7 =	vmul.f32 v7, v11;
	v4 =	vadd.f32 v10, v4  }
0x467: {  	v19 =	vld [tilespmem:s31+$0xFFFFFFB0];
	v3, _, _ =	vpop (xrf2);
	v1 =	vsel vm0, v8, v2;
	v8 =	vadd.f32 v16, v15;
	v15 =	vmul.f32 v23, v9  }
0x468: {  	v7 =	vadd.f32 v7, v13;
	v3 =	vbroadcast v3, $0xF;
	v10 =	vmul.f32 v22, v11;
	v16 =	vld [tilespmem:s31+$0x30]  }
0x469: {  	v28 =	vld [tilespmem:s31+$0xF0];
	v6 =	vmul.f32 v6, v11;
	v15 =	vadd.f32 v15, v18;
	v18 =	vmul.f32 v24, v9  }
0x46a: {  	s7 =	sadd.s32 $0x40, s0;
	(xrf2) =	vadd.scan.msk.f32 $0xffff, v7;
	v7 =	vimm.f32 $0.0e+00;
	v3 =	vsel vm0, v3, v2;
	v9 =	vmul.f32 v25, v9;
	v25 =	vld [tilespmem:s31+$0xB0]  }
0x46b: {  	v22 =	vld [tilespmem:s7+$0x10];
	v17 =	vadd.f32 v6, v17;
	v6 =	vmul.f32 v26, v11;
	v12 =	vadd.f32 v18, v12  }
0x46c: {  	v23 =	vld [tilespmem:s7+$0x0];
	v5 =	vadd.f32 v9, v5;
	v18 =	vadd.f32 v10, v14;
	v9 =	vmul.f32 v19, v11  }
0x46d: {  	s8 =	sadd.s32 $0x40, s2;
	vm0 =	vmmov vm0;
	v24 =	vld [tilespmem:s7+$0xFFFFFFE0];
	v20 =	vadd.f32 v6, v20;
	v10 =	vmul.f32 v16, v11  }
0x46e: {  	v6 =	vmul.f32 v28, v11;
	v14 =	vld [tilespmem:s8+$0xFFFFFFE0];
	v21 =	vadd.f32 v9, v8;
	v8 =	vmul.f32 v27, v11;
	(xrf2) =	vadd.scan.msk.f32 $0xffff, v18  }
0x46f: {  	v9 =	vmul.f32 v25, v11;
	v25 =	vld [tilespmem:s7+$0xFFFFFFF0];
	v19 =	vadd.f32 v10, v15;
	v10 =	vimm.f32 $0.0e+00  }
0x470: {  	s6 =	sadd.s32 $0x280, s31;
	v15 =	vld [tilespmem:s8+$0xFFFFFFF0];
	v11 =	vimm.f32 $0.0e+00;
	v16 =	vadd.f32 v8, v4;
	v8 =	vimm.f32 $0.0e+00  }
0x471: {  	v26 =	vld [tilespmem:s6+$0x100];
	(xrf2) =	vadd.scan.msk.f32 $0xffff, v17;
	v4 =	vimm.f32 $0.0e+00;
	v13 =	vadd.f32 v9, v12;
	v12 =	vadd.f32 v6, v5  }
0x472: {  	s4 =	sshll.u32 s3, $0x4;
	s5 =	simm.s32 $0x1;
	s9 =	simm.s32 $0x2;
	v27 =	vld [tilespmem:s6+$0x110];
	v9 =	vimm.f32 $0.0e+00;
	v6 =	vimm.f32 $0.0e+00;
	v5 =	vimm.f32 $0.0e+00  }
.LBB2_23:
0x473: {  	p0 =	sne.s32 s9, $0xF;
	v18 =	vld [tilespmem:s8+$0x0]  }
0x474: {  	v24 =	vmul.f32 v24, v14;
	v28 =	vld [tilespmem:s6+$0x120];
	(xrf2) =	vadd.scan.msk.f32 $0xffff, v21  }
0x475: {  	v17 =	vld [tilespmem:s8+$0x10];
	v21 =	vmul.f32 v25, v15;
	v25, _, _ =	vpop (xrf2)  }
0x476: {  	v29 =	vld [tilespmem:s6+$0x130];
	v30 =	vbroadcast v25, $0xF  }
0x477: {  	v26 =	vmul.f32 v26, v14;
	v21 =	vadd.f32 v21, v24;
	v24 =	vld [tilespmem:s6+$0xFFFFFEC0];
	v27 =	vmul.f32 v27, v15;
	(xrf2) =	vadd.scan.msk.f32 $0xffff, v20  }
0x478: {  	v20 =	vmul.f32 v23, v18;
	v23 =	vld [tilespmem:s6+$0xFFFFFED0];
	v2 =	vsel vm0, v30, v2;
	v25, _, _ =	vpop (xrf2)  }
0x479: {  	v30 =	vld [tilespmem:s6+$0xFFFFFF00];
	v26 =	vadd.f32 v27, v26;
	v27 =	vmul.f32 v28, v18;
	v28 =	vbroadcast v25, $0xF  }
0x47a: {  	v20 =	vadd.f32 v20, v21;
	v21 =	vmul.f32 v22, v17;
	v22 =	vld [tilespmem:s6+$0xFFFFFF10];
	(xrf2) =	vadd.scan.msk.f32 $0xffff, v19  }
0x47b: {  	v19 =	vld [tilespmem:s6+$0xFFFFFF40];
	v26 =	vadd.f32 v27, v26;
	v27 =	vmul.f32 v29, v17;
	v9 =	vsel vm0, v28, v9;
	v25, _, _ =	vpop (xrf2)  }
0x47c: {  	v20 =	vadd.f32 v21, v20;
	v21 =	vmul.f32 v24, v14;
	v24 =	vld [tilespmem:s6+$0xFFFFFF50];
	v31 =	vbroadcast v25, $0xF  }
0x47d: {  	v23 =	vmul.f32 v23, v15;
	v28 =	vld [tilespmem:s6+$0xFFFFFF80];
	v26 =	vadd.f32 v27, v26  }
0x47e: {  	v27 =	vmul.f32 v30, v14;
	v29 =	vld [tilespmem:s6+$0xFFFFFF90];
	v10 =	vsel vm0, v31, v10;
	v25, _, _ =	vpop (xrf2)  }
0x47f: {  	v21 =	vadd.f32 v23, v21;
	v22 =	vmul.f32 v22, v15;
	v23 =	vld [tilespmem:s6+$0xFFFFFFC0];
	(xrf2) =	vadd.scan.msk.f32 $0xffff, v26;
	v30 =	vbroadcast v25, $0xF  }
0x480: {  	v19 =	vmul.f32 v19, v14;
	v26 =	vld [tilespmem:s6+$0xFFFFFFD0]  }
0x481: {  	v22 =	vadd.f32 v22, v27;
	v24 =	vmul.f32 v24, v15;
	v27 =	vld [tilespmem:s6+$0x0];
	v11 =	vsel vm0, v30, v11;
	v25, _, _ =	vpop (xrf2)  }
0x482: {  	v28 =	vmul.f32 v28, v14;
	v30 =	vld [tilespmem:s6+$0x10];
	(xrf2) =	vadd.scan.msk.f32 $0xffff, v20;
	v31 =	vbroadcast v25, $0xF  }
0x483: {  	v19 =	vadd.f32 v24, v19;
	v24 =	vmul.f32 v29, v15;
	v25 =	vld [tilespmem:s6+$0x40]  }
0x484: {  	v23 =	vmul.f32 v23, v14;
	v29 =	vld [tilespmem:s6+$0x50];
	v8 =	vsel vm0, v31, v8;
	v20, _, _ =	vpop (xrf2)  }
0x485: {  	v24 =	vadd.f32 v24, v28;
	v26 =	vmul.f32 v26, v15;
	v28 =	vld [tilespmem:s6+$0x80];
	v20 =	vbroadcast v20, $0xF;
	(xrf2) =	vadd.scan.msk.f32 $0xffff, v16  }
0x486: {  	v16 =	vmul.f32 v27, v14;
	v27 =	vld [tilespmem:s6+$0x90]  }
0x487: {  	v23 =	vadd.f32 v26, v23;
	v26 =	vmul.f32 v30, v15;
	v30 =	vld [tilespmem:s6+$0xC0];
	v6 =	vsel vm0, v20, v6  }
0x488: {  	v20 =	vmul.f32 v25, v14;
	v25 =	vld [tilespmem:s6+$0xD0];
	(xrf2) =	vadd.scan.msk.f32 $0xffff, v13  }
0x489: {  	v13 =	vld [tilespmem:s6+$0xFFFFFEE0];
	v16 =	vadd.f32 v26, v16;
	v26 =	vmul.f32 v29, v15;
	v29, _, _ =	vpop (xrf2)  }
0x48a: {  	v31 =	vmov s5;
	s5 =	smov.u32 s9;
	v32 =	vld [tilespmem:s6+$0xFFFFFF20];
	v28 =	vmul.f32 v28, v14;
	v29 =	vbroadcast v29, $0xF  }
0x48b: {  	vm1 =	veq.s32 v31, v0;
	v31 =	vld [tilespmem:s6+$0xFFFFFF60];
	v20 =	vadd.f32 v26, v20;
	v26 =	vmul.f32 v27, v15;
	(xrf2) =	vadd.scan.msk.f32 $0xffff, v12  }
0x48c: {  	v12 =	vld [tilespmem:s6+$0xFFFFFFA0];
	v14 =	vmul.f32 v30, v14;
	v1 =	vsel vm1, v29, v1;
	v27, _, _ =	vpop (xrf2)  }
0x48d: {  	v27 =	vbroadcast v27, $0xF;
	v29 =	vld [tilespmem:s6+$0xFFFFFFE0];
	v26 =	vadd.f32 v26, v28;
	v30 =	vmul.f32 v25, v15  }
0x48e: {  	v13 =	vmul.f32 v13, v18;
	v25 =	vld [tilespmem:s6+$0x20]  }
0x48f: {  	v3 =	vsel vm1, v27, v3;
	v27 =	vmul.f32 v32, v18;
	v28 =	vld [tilespmem:s6+$0x60];
	v14 =	vadd.f32 v30, v14;
	v15, _, _ =	vpop (xrf2)  }
0x490: {  	v13 =	vadd.f32 v13, v21;
	v21 =	vmul.f32 v31, v18;
	v30 =	vld [tilespmem:s6+$0xA0];
	v32 =	vbroadcast v15, $0xF  }
0x491: {  	v22 =	vadd.f32 v27, v22;
	v12 =	vmul.f32 v12, v18;
	v27 =	vld [tilespmem:s6+$0xE0]  }
0x492: {  	v31 =	vld [tilespmem:s6+$0xFFFFFEF0];
	v19 =	vadd.f32 v21, v19;
	v21 =	vmul.f32 v29, v18;
	v7 =	vsel vm0, v32, v7;
	v15, _, _ =	vpop (xrf2)  }
0x493: {  	v29 =	vld [tilespmem:s6+$0xFFFFFF30];
	v12 =	vadd.f32 v12, v24;
	v24 =	vmul.f32 v25, v18;
	v33 =	vbroadcast v15, $0xF  }
0x494: {  	v25 =	vld [tilespmem:s6+$0xFFFFFF70];
	v32 =	vadd.f32 v21, v23;
	v21 =	vmul.f32 v28, v18  }
0x495: {  	v23 =	vld [tilespmem:s6+$0xFFFFFFB0];
	v16 =	vadd.f32 v24, v16;
	v24 =	vmul.f32 v30, v18;
	v5 =	vsel vm0, v33, v5;
	v15, _, _ =	vpop (xrf2)  }
0x496: {  	v28 =	vld [tilespmem:s6+$0xFFFFFFF0];
	v30 =	vadd.f32 v21, v20;
	v18 =	vmul.f32 v27, v18;
	v15 =	vbroadcast v15, $0xF  }
0x497: {  	v20 =	vmul.f32 v31, v17;
	v27 =	vld [tilespmem:s6+$0x30];
	v26 =	vadd.f32 v24, v26  }
0x498: {  	v21 =	vmul.f32 v29, v17;
	v29 =	vld [tilespmem:s6+$0x70];
	v18 =	vadd.f32 v18, v14;
	v4 =	vsel vm0, v15, v4  }
0x499: {  	vm0 =	vmmov vm1;
	v13 =	vadd.f32 v20, v13;
	v14 =	vmul.f32 v25, v17;
	v15 =	vld [tilespmem:s6+$0xB0]  }
0x49a: {  	s7 =	sadd.s32 $0x40, s7;
	v31 =	vadd.f32 v21, v22;
	v20 =	vmul.f32 v23, v17;
	v33 =	vld [tilespmem:s6+$0xF0]  }
0x49b: {  	v22 =	vld [tilespmem:s7+$0x10];
	v34 =	vadd.f32 v14, v19;
	v14 =	vmul.f32 v28, v17;
	(xrf2) =	vadd.scan.msk.f32 $0xffff, v13  }
0x49c: {  	v23 =	vld [tilespmem:s7+$0x0];
	v21 =	vadd.f32 v20, v12;
	v12 =	vmul.f32 v27, v17  }
0x49d: {  	v24 =	vld [tilespmem:s7+$0xFFFFFFE0];
	v20 =	vadd.f32 v14, v32;
	v13 =	vmul.f32 v29, v17  }
.Ltmp10:
0x49e: {  	s8 =	sadd.s32 $0x40, s8;
	v25 =	vld [tilespmem:s7+$0xFFFFFFF0];
	v19 =	vadd.f32 v12, v16;
	v12 =	vmul.f32 v15, v17;
	(xrf2) =	vadd.scan.msk.f32 $0xffff, v31;
	(pc) =	sbr.rel @p0 .LBB2_23-.Ltmp10, $4  }
0x49f: {  	v14 =	vld [tilespmem:s8+$0xFFFFFFE0];
	v16 =	vadd.f32 v13, v30;
	v17 =	vmul.f32 v33, v17  }
0x4a0: {  	s6 =	sadd.s32 $0x280, s6;
	v15 =	vld [tilespmem:s8+$0xFFFFFFF0];
	v13 =	vadd.f32 v12, v26  }
0x4a1: {  	v26 =	vld [tilespmem:s6+$0x100];
	v12 =	vadd.f32 v17, v18;
	(xrf2) =	vadd.scan.msk.f32 $0xffff, v34  }
0x4a2: {  	s9 =	sadd.s32 $0x1, s9;
	v27 =	vld [tilespmem:s6+$0x110]  }
0x4a3: {  	v18 =	vld [tilespmem:s8+$0x0]  }
0x4a4: {  	v28 =	vld [tilespmem:s6+$0x120]  }
0x4a5: {  	v17 =	vld [tilespmem:s8+$0x10]  }
0x4a6: {  	v29 =	vld [tilespmem:s6+$0x130]  }
0x4a7: {  	v30 =	vld [tilespmem:s6+$0xFFFFFEC0]  }
0x4a8: {  	v31 =	vld [tilespmem:s6+$0xFFFFFED0]  }
0x4a9: {  	v32 =	vld [tilespmem:s6+$0xFFFFFF00]  }
0x4aa: {  	v33 =	vld [tilespmem:s6+$0xFFFFFF10]  }
0x4ab: {  	v34 =	vld [tilespmem:s6+$0xFFFFFF40]  }
0x4ac: {  	v35 =	vld [tilespmem:s6+$0xFFFFFF50]  }
0x4ad: {  	v36 =	vld [tilespmem:s6+$0xFFFFFF80]  }
0x4ae: {  	v37 =	vld [tilespmem:s6+$0xFFFFFF90]  }
0x4af: {  	v38 =	vld [tilespmem:s6+$0xFFFFFFC0]  }
0x4b0: {  	v39 =	vld [tilespmem:s6+$0xFFFFFFD0]  }
0x4b1: {  	v40 =	vld [tilespmem:s6+$0x0]  }
0x4b2: {  	v41 =	vld [tilespmem:s6+$0x10]  }
0x4b3: {  	v42 =	vld [tilespmem:s6+$0x40]  }
0x4b4: {  	v43 =	vld [tilespmem:s6+$0x50];
	v24 =	vmul.f32 v24, v14;
	v25 =	vmul.f32 v25, v15  }
0x4b5: {  	v44 =	vld [tilespmem:s6+$0x80];
	v26 =	vmul.f32 v26, v14;
	v27 =	vmul.f32 v27, v15  }
0x4b6: {  	v45 =	vld [tilespmem:s6+$0x90];
	v23 =	vmul.f32 v23, v18;
	v54 =	vmul.f32 v28, v18  }
0x4b7: {  	v48 =	vld [tilespmem:s6+$0x60];
	v22 =	vmul.f32 v22, v17;
	v55 =	vmul.f32 v29, v17  }
0x4b8: {  	v24 =	vadd.f32 v25, v24;
	v25 =	vld [tilespmem:s6+$0xC0];
	v56 =	vmul.f32 v30, v14;
	v57 =	vmul.f32 v31, v15  }
0x4b9: {  	v28 =	vld [tilespmem:s6+$0xD0];
	v58 =	vmul.f32 v32, v14;
	v59 =	vmul.f32 v33, v15  }
0x4ba: {  	v29 =	vld [tilespmem:s6+$0xFFFFFF20];
	v60 =	vmul.f32 v34, v14;
	v61 =	vmul.f32 v35, v15  }
0x4bb: {  	v31 =	vld [tilespmem:s6+$0xFFFFFF60];
	v62 =	vmul.f32 v36, v14;
	v63 =	vmul.f32 v37, v15  }
0x4bc: {  	v33 =	vld [tilespmem:s6+$0xFFFFFFA0];
	v46 =	vmul.f32 v38, v14;
	v47 =	vmul.f32 v39, v15  }
0x4bd: {  	v35 =	vld [tilespmem:s6+$0xFFFFFFE0];
	v49 =	vmul.f32 v40, v14;
	v50 =	vmul.f32 v41, v15  }
0x4be: {  	v37 =	vld [tilespmem:s6+$0x20];
	v51 =	vmul.f32 v42, v14;
	v26 =	vadd.f32 v27, v26;
	v23 =	vadd.f32 v23, v24  }
0x4bf: {  	v41 =	vld [tilespmem:s6+$0xA0];
	v52 =	vmul.f32 v43, v15;
	v27 =	vadd.f32 v59, v58;
	v30 =	vadd.f32 v61, v60  }
0x4c0: {  	v53 =	vmul.f32 v44, v14;
	v24 =	vld [tilespmem:s6+$0xFFFFFEE0];
	v32 =	vadd.f32 v63, v62;
	v26 =	vadd.f32 v54, v26  }
0x4c1: {  	v43 =	vld [tilespmem:s6+$0xE0];
	v48 =	vmul.f32 v48, v18;
	v34 =	vadd.f32 v47, v46;
	v36 =	vadd.f32 v50, v49  }
0x4c2: {  	v54 =	vmul.f32 v45, v15;
	v22 =	vadd.f32 v22, v23;
	v26 =	vadd.f32 v55, v26;
	v55 =	vld [tilespmem:s6+$0xFFFFFEF0]  }
0x4c3: {  	(xrf2) =	vadd.scan.msk.f32 $0xffff, v21;
	v58 =	vld [tilespmem:s6+$0xFFFFFF30];
	v23 =	vadd.f32 v57, v56;
	v56 =	vmul.f32 v25, v14;
	v57 =	vmul.f32 v28, v15  }
0x4c4: {  	(xrf2) =	vadd.scan.msk.f32 $0xffff, v20;
	v21 =	vadd.f32 v52, v51;
	v60 =	vld [tilespmem:s6+$0xFFFFFF70];
	v59 =	vmul.f32 v29, v18;
	v61 =	vmul.f32 v31, v18  }
0x4c5: {  	(xrf2) =	vadd.scan.msk.f32 $0xffff, v19;
	v63 =	vld [tilespmem:s6+$0xFFFFFFB0];
	v20 =	vadd.f32 v54, v53;
	v62 =	vmul.f32 v33, v18;
	v24 =	vmul.f32 v24, v18  }
0x4c6: {  	v42 =	vld [tilespmem:s6+$0xFFFFFFF0];
	v40 =	vmul.f32 v35, v18;
	v46 =	vmul.f32 v37, v18;
	v14 =	vadd.f32 v57, v56;
	(xrf2) =	vadd.scan.msk.f32 $0xffff, v26  }
0x4c7: {  	v45 =	vld [tilespmem:s6+$0x30];
	v38 =	vadd.f32 v59, v27;
	(xrf2) =	vadd.scan.msk.f32 $0xffff, v22;
	v23 =	vadd.f32 v24, v23;
	v44 =	vmul.f32 v55, v17  }
0x4c8: {  	v47 =	vld [tilespmem:s6+$0x70];
	v15 =	vadd.f32 v61, v30;
	v19 =	vadd.f32 v62, v32;
	v25 =	vmul.f32 v58, v17;
	(xrf2) =	vadd.scan.msk.f32 $0xffff, v16  }
0x4c9: {  	v50 =	vld [tilespmem:s6+$0xB0];
	v26 =	vadd.f32 v40, v34;
	v49 =	vmul.f32 v60, v17;
	(xrf2) =	vadd.scan.msk.f32 $0xffff, v13;
	v22 =	vadd.f32 v44, v23  }
0x4ca: {  	v51, _, _ =	vpop (xrf2);
	v52 =	vadd.f32 v46, v36;
	v54 =	vmul.f32 v63, v17;
	v53 =	vadd.f32 v25, v38;
	v55 =	vld [tilespmem:s6+$0xF0];
	(xrf2) =	vadd.scan.msk.f32 $0xffff, v12  }
0x4cb: {  	v57 =	vmul.f32 v42, v17;
	v59 =	vmul.f32 v41, v18;
	v56, _, _ =	vpop (xrf2);
	v15 =	vadd.f32 v49, v15;
	(xrf2) =	vadd.scan.msk.f32 $0xffff, v22  }
0x4cc: {  	v18 =	vmul.f32 v43, v18;
	v60 =	vmul.f32 v45, v17;
	v58, _, _ =	vpop (xrf2);
	v19 =	vadd.f32 v54, v19;
	(xrf2) =	vadd.scan.msk.f32 $0xffff, v53  }
0x4cd: {  	v62 =	vmul.f32 v47, v17;
	v13 =	vadd.f32 v48, v21;
	v61, _, _ =	vpop (xrf2);
	v23 =	vadd.f32 v57, v26;
	(xrf2) =	vadd.scan.msk.f32 $0xffff, v15  }
0x4ce: {  	v28 =	vmul.f32 v50, v17;
	v20 =	vadd.f32 v59, v20;
	v63, _, _ =	vpop (xrf2);
	v12 =	vadd.f32 v60, v52;
	(xrf2) =	vadd.scan.msk.f32 $0xffff, v19  }
0x4cf: {  	v14 =	vadd.f32 v18, v14;
	v29, _, _ =	vpop (xrf2);
	v13 =	vadd.f32 v62, v13;
	v17 =	vmul.f32 v55, v17;
	(xrf2) =	vadd.scan.msk.f32 $0xffff, v23  }
0x4d0: {  	v31 =	vbroadcast v51, $0xF;
	v20 =	vadd.f32 v28, v20;
	v30, _, _ =	vpop (xrf2);
	(xrf2) =	vadd.scan.msk.f32 $0xffff, v12  }
0x4d1: {  	v14 =	vadd.f32 v17, v14;
	v32, _, _ =	vpop (xrf2);
	(xrf2) =	vadd.scan.msk.f32 $0xffff, v13  }
0x4d2: {  	v2 =	vsel vm0, v31, v2;
	v41 =	vmov s5;
	v33 =	vbroadcast v56, $0xF;
	v35, _, _ =	vpop (xrf2);
	(xrf2) =	vadd.scan.msk.f32 $0xffff, v20  }
0x4d3: {  	vm1 =	veq.s32 v41, v0;
	v34 =	vbroadcast v58, $0xF;
	v39 =	vbroadcast v63, $0xF;
	v37, _, _ =	vpop (xrf2);
	(xrf2) =	vadd.scan.msk.f32 $0xffff, v14  }
0x4d4: {  	vm2 =	vmmov vm1;
	v63 =	vbroadcast v30, $0xF;
	v42 =	vbroadcast v32, $0xF;
	v38, _, _ =	vpop (xrf2)  }
0x4d5: {  	v36 =	vbroadcast v61, $0xF;
	v9 =	vsel vm0, v33, v9;
	v10 =	vsel vm0, v34, v10;
	v40, _, _ =	vpop (xrf2)  }
0x4d6: {  	v1 =	vsel vm1, v63, v1;
	v3 =	vsel vm1, v42, v3;
	v43, _, _ =	vpop (xrf2);
	v44 =	vbroadcast v40, $0xF  }
0x4d7: {  	v11 =	vsel vm0, v36, v11;
	v8 =	vsel vm0, v39, v8;
	[tilespmem:s4+$0x18B00] =	vst v1;
	v45, _, _ =	vpop (xrf2);
	v46 =	vbroadcast v43, $0xF  }
0x4d8: {  	v19 =	vbroadcast v29, $0xF;
	[tilespmem:s4+$0x18600] =	vst v3;
	v47, _, _ =	vpop (xrf2);
	v2 =	vsel vm2, v44, v2;
	v48 =	vbroadcast v45, $0xF  }
0x4d9: {  	v49 =	vbroadcast v35, $0xF;
	v3, _, _ =	vpop (xrf2);
	v9 =	vsel vm2, v46, v9;
	v50 =	vbroadcast v47, $0xF;
	[tilespmem:s4+$0x18680] =	vst v2  }
0x4da: {  	v55 =	vbroadcast v37, $0xF;
	v51 =	vsel vm2, v48, v10;
	v3 =	vbroadcast v3, $0xF;
	v52, _, _ =	vpop (xrf2);
	[tilespmem:s4+$0x18700] =	vst v9  }
0x4db: {  	s3 =	sadd.s32 $0x1, s3;
	v7 =	vsel vm0, v49, v7;
	v53 =	vsel vm2, v50, v11;
	v10 =	vbroadcast v52, $0xF;
	v54, _, _ =	vpop (xrf2);
	[tilespmem:s4+$0x18780] =	vst v51  }
0x4dc: {  	p0 =	sne.s32 s3, $0x8;
	v2 =	vsel vm0, v19, v6;
	v3 =	vsel vm2, v3, v8;
	v56 =	vbroadcast v54, $0xF;
	v57, _, _ =	vpop (xrf2);
	[tilespmem:s4+$0x18800] =	vst v53  }
.Ltmp11:
0x4dd: {  	v58 =	vbroadcast v38, $0xF;
	v2 =	vsel vm2, v10, v2;
	v59 =	vbroadcast v57, $0xF;
	v60, _, _ =	vpop (xrf2);
	[tilespmem:s4+$0x18880] =	vst v3;
	(pc) =	sbr.rel @p0 .LBB2_22-.Ltmp11, $4  }
0x4de: {  	v3 =	vsel vm0, v55, v5;
	v61 =	vsel vm2, v56, v7;
	v62 =	vbroadcast v60, $0xF;
	[tilespmem:s4+$0x18900] =	vst v2  }
0x4df: {  	v2 =	vsel vm0, v58, v4;
	v3 =	vsel vm2, v59, v3;
	[tilespmem:s4+$0x18980] =	vst v61  }
0x4e0: {  	v2 =	vsel vm2, v62, v2;
	[tilespmem:s4+$0x18A00] =	vst v3  }
0x4e1: {  	s31 =	sadd.s32 $0x2800, s31;
	s0 =	sadd.s32 $0x400, s0;
	s2 =	sadd.s32 $0x400, s2;
	[tilespmem:s4+$0x18A80] =	vst v2  }
0x4e2: {  	s0 =	rddreg [dreg:$0x13]  }
0x4e3: {  	[hbm4b:s0+s1] =	stream.linear.scatter [tilespmem:s21], [sflag:$0x2], $0x80, $0x38;
	[tilespmem:$0x18B80] =	vst v63  }
0x4e4: {  	_ =	swait.ge [sflag:s26], $0x80  }
0x4e5: {  	[sflag:s26] =	ssyncset.done $0x0  }
0x4e6: {  	s30 =	rddreg [dreg:$0x17];
	[sflag:s26] =	ssyncadd.s32 $0xFFFFFF80  }
0x4e7: {  	[hbm4b:s30+s1] =	stream.linear.scatter [tilespmem:s22], [sflag:$0x2], $0x500, $0x38;
	[tilespmem:$0x18B80] =	vst v63  }
0x4e8: {  	_ =	swait.ge [sflag:s26], $0x500  }
0x4e9: {  	s25 =	sadd.s32 $0x1, s25;
	s31 =	rddreg [dreg:$0x18]  }
0x4ea: {  	p0 =	sne.s32 s25, s31  }
.Ltmp12:
0x4eb: {  	_ = 	snop;
	(pc) =	sbr.rel @p0 .LBB2_1-.Ltmp12, $3  }
0x4ec: {  	_ =	sdelay $0x1  }
0x4ed: {  	[sflag:s26] =	ssyncset.done $0x0  }
0x4ee: {  	[sflag:s26] =	ssyncadd.s32 $0xFFFFFB00  }
0x4ef: {  	_ =	sfence.sel $0x180000  }
0x4f0: {  	[bflag:$0x0] =	sbarrier.arrive $0xFFFF  }
0x4f1: {  	_ =	strace $0x90000047  }
0x4f2: {  	s0 =	stileid.u32;
	[bflag:$0x2] =	sbarrier.arrive $0xFFFF  }
0x4f3: {  	p0 =	sne.s32 s0, $0x0;
	s0 =	rddreg [dreg:$0x3]  }
0x4f4: {  	s0 =	sadd.s32 @!p0 $0x100000, s0  }
0x4f5: {  	[sflag:s0] =	ssyncadd.tile.s32 @!p0 $0x1;
	_ =	shalt  }
.Lfunc_end2:
_tile_overlayer_lowered:
.L_overlay_start_2:
0x4f6: {  	(tag) =	ssettag $0x2  }
0x4f7: {  	s0 =	rddreg [dreg:$0x0];
	s2 =	stileid.u32  }
0x4f8: {  	s1 =	rddreg [dreg:$0x1];
	p0 =	sne.s32 s2, $0x0  }
0x4f9: {  	s3 =	rddreg [dreg:$0x2];
	[bflag:$0x3] =	sbarrier.arrive $0xFFFF;
	s2 =	simm.s32 @!p0 $0x1C02  }
0x4fa: {  	[timem:s3], [sflag:s2] =	dma.local @!p0 [hbm:s0], s1  }
0x4fb: {  	s0 =	simm.s32 @!p0 $0x2  }
0x4fc: {  	_ =	swait.ge @!p0 [sflag:s0], s1  }
0x4fd: {  	s1 =	ssub.s32 @!p0 $0x0, s1;
	[sflag:s0] =	ssyncset.done @!p0 $0x0  }
0x4fe: {  	[sflag:s0] =	ssyncadd.s32 @!p0 s1  }
0x4ff: {  	[bflag:$0x3] =	sbarrier.arrive $0xFFFF  }
0x500: {  	_ =	shalt  }

</sc_bundles>
